<compile_context>
chip_gen: v7x
topology: tpu7x:2x2x1
jax: 0.10.2.dev20260603
libtpu: 0.0.44.dev20260713+nightly
codegen_flags: <defaults>
</compile_context>

<pallas_src>
import jax
import jax.numpy as jnp
from jax import lax
from jax.experimental import pallas as pl
from jax.experimental.pallas import tpu as pltpu
from jax.experimental.pallas import tpu_sc as plsc

N_NODES = 10000
D_FEAT = 128
N_EDGES = 320000

NC = 2
NS = 16
LANES = 128

N_PAD = 10240
ROWS_PER_TILE = N_PAD // NS
G_PER_TILE = 80
CHUNK = 40
G_TOTAL = NC * NS * G_PER_TILE
E_PAD = G_TOTAL * LANES


def _sc_segment_sum(with_cnt: bool):
    out_type = [jax.ShapeDtypeStruct((NC, N_PAD, D_FEAT), jnp.float32)]
    scratch = [
        pltpu.VMEM_SHARED((N_PAD, D_FEAT), jnp.float32),
        pltpu.VMEM((CHUNK, LANES), jnp.int32),
        pltpu.VMEM((CHUNK, LANES), jnp.int32),
        pltpu.VMEM((LANES, D_FEAT), jnp.float32),
        pltpu.VMEM((LANES, D_FEAT), jnp.float32),
        pltpu.SemaphoreType.DMA,
        pltpu.SemaphoreType.DMA,
    ]
    if with_cnt:
        out_type.append(jax.ShapeDtypeStruct((NC, N_PAD), jnp.float32))
        scratch.append(pltpu.VMEM_SHARED((N_PAD,), jnp.float32))
        scratch.append(pltpu.VMEM((LANES,), jnp.float32))
        scratch.append(pltpu.VMEM((LANES,), jnp.float32))

    mesh = plsc.VectorSubcoreMesh(core_axis_name="c", subcore_axis_name="s")

    def body(table_hbm, srcg_hbm, dstg_hbm, *refs):
        if with_cnt:
            (feat_out, cnt_out, agg_sh, src_v, dst_v, rows0_v, rows1_v,
             sem0, sem1, cnt_sh, ones_v, zflat_v) = refs
        else:
            (feat_out, agg_sh, src_v, dst_v, rows0_v, rows1_v,
             sem0, sem1) = refs
        c = lax.axis_index("c")
        s = lax.axis_index("s")
        wid = s * NC + c

        def fill_z(t, _):
            rows0_v[t // 8, pl.ds((t % 8) * 16, 16)] = jnp.zeros((16,), jnp.float32)
            return _
        lax.fori_loop(0, LANES * 8, fill_z, None)
        if with_cnt:
            def fill_o(t, _):
                ones_v[pl.ds(t * 16, 16)] = jnp.ones((16,), jnp.float32)
                zflat_v[pl.ds(t * 16, 16)] = jnp.zeros((16,), jnp.float32)
                return _
            lax.fori_loop(0, LANES // 16, fill_o, None)

        row0 = s * ROWS_PER_TILE
        def zero_blk(k, _):
            pltpu.sync_copy(rows0_v, agg_sh.at[pl.ds(row0 + k * LANES, LANES), :])
            return _
        lax.fori_loop(0, ROWS_PER_TILE // LANES, zero_blk, None)
        if with_cnt:
            def zero_cnt(k, _):
                pltpu.sync_copy(zflat_v, cnt_sh.at[pl.ds(row0 + k * LANES, LANES)])
                return _
            lax.fori_loop(0, ROWS_PER_TILE // LANES, zero_cnt, None)
        plsc.subcore_barrier()

        g0 = wid * G_PER_TILE

        def do_chunk(ci, _):
            pltpu.sync_copy(srcg_hbm.at[pl.ds(g0 + ci * CHUNK, CHUNK), :], src_v)
            pltpu.sync_copy(dstg_hbm.at[pl.ds(g0 + ci * CHUNK, CHUNK), :], dst_v)
            pltpu.async_copy(table_hbm.at[src_v.at[0]], rows0_v, sem0)
            pltpu.async_copy(table_hbm.at[src_v.at[1]], rows1_v, sem1)

            def pair(j2, _):
                e = 2 * j2
                pltpu.make_async_copy(table_hbm.at[src_v.at[e]],
                                      rows0_v, sem0).wait()
                pltpu.sync_copy(rows0_v, agg_sh.at[dst_v.at[e]], add=True)
                if with_cnt:
                    pltpu.sync_copy(ones_v, cnt_sh.at[dst_v.at[e]], add=True)

                @pl.when(e + 2 < CHUNK)
                def _start0():
                    pltpu.async_copy(table_hbm.at[src_v.at[e + 2]],
                                     rows0_v, sem0)

                pltpu.make_async_copy(table_hbm.at[src_v.at[e + 1]],
                                      rows1_v, sem1).wait()
                pltpu.sync_copy(rows1_v, agg_sh.at[dst_v.at[e + 1]], add=True)
                if with_cnt:
                    pltpu.sync_copy(ones_v, cnt_sh.at[dst_v.at[e + 1]], add=True)

                @pl.when(e + 3 < CHUNK)
                def _start1():
                    pltpu.async_copy(table_hbm.at[src_v.at[e + 3]],
                                     rows1_v, sem1)
                return _

            lax.fori_loop(0, CHUNK // 2, pair, None)
            return _

        lax.fori_loop(0, G_PER_TILE // CHUNK, do_chunk, None)
        plsc.subcore_barrier()

        pltpu.sync_copy(agg_sh.at[pl.ds(row0, ROWS_PER_TILE), :],
                        feat_out.at[c, pl.ds(row0, ROWS_PER_TILE), :])
        if with_cnt:
            pltpu.sync_copy(cnt_sh.at[pl.ds(row0, ROWS_PER_TILE)],
                            cnt_out.at[c, pl.ds(row0, ROWS_PER_TILE)])

    return pl.kernel(body, out_type=tuple(out_type), mesh=mesh,
                     scratch_types=tuple(scratch))


BLK = 5120


def _tc_mm(x, W, b):
    grid = (pl.cdiv(N_NODES, BLK),)

    def body(x_ref, w_ref, b_ref, o_ref):
        o_ref[...] = jnp.dot(x_ref[...], w_ref[...],
                             preferred_element_type=jnp.float32) + b_ref[...]

    return pl.pallas_call(
        body,
        grid=grid,
        in_specs=[
            pl.BlockSpec((BLK, D_FEAT), lambda i: (i, 0)),
            pl.BlockSpec((D_FEAT, D_FEAT), lambda i: (0, 0)),
            pl.BlockSpec((1, D_FEAT), lambda i: (0, 0)),
        ],
        out_specs=pl.BlockSpec((BLK, D_FEAT), lambda i: (i, 0)),
        out_shape=jax.ShapeDtypeStruct((N_NODES, D_FEAT), jnp.float32),
    )(x, W, b.reshape(1, D_FEAT))


def _tc_combine(feat_p, cnt_r, xr, Wl, relu: bool):
    grid = (pl.cdiv(N_NODES, BLK),)
    sub = BLK // LANES

    def body(feat_ref, cnt_ref, xr_ref, wl_ref, o_ref):
        i = pl.program_id(0)
        ssum = feat_ref[0] + feat_ref[1]
        ii = lax.broadcasted_iota(jnp.int32, (LANES, LANES), 0)
        jj = lax.broadcasted_iota(jnp.int32, (LANES, LANES), 1)
        eye = ii == jj
        parts = []
        for k in range(sub):
            cnt = cnt_ref[0, i * sub + k, :] + cnt_ref[1, i * sub + k, :]
            inv = (1.0 / jnp.maximum(cnt, 1.0))[None, :]
            dmat = jnp.where(eye, inv, 0.0)
            parts.append(jnp.dot(dmat, ssum[k * LANES:(k + 1) * LANES],
                                 preferred_element_type=jnp.float32))
        mean = jnp.concatenate(parts, axis=0)
        acc = jnp.dot(mean, wl_ref[...], preferred_element_type=jnp.float32)
        acc += xr_ref[...]
        o_ref[...] = jnp.maximum(acc, 0.0) if relu else acc

    return pl.pallas_call(
        body,
        grid=grid,
        in_specs=[
            pl.BlockSpec((NC, BLK, D_FEAT), lambda i: (0, i, 0)),
            pl.BlockSpec((NC, N_PAD // LANES, LANES), lambda i: (0, 0, 0)),
            pl.BlockSpec((BLK, D_FEAT), lambda i: (i, 0)),
            pl.BlockSpec((D_FEAT, D_FEAT), lambda i: (0, 0)),
        ],
        out_specs=pl.BlockSpec((BLK, D_FEAT), lambda i: (i, 0)),
        out_shape=jax.ShapeDtypeStruct((N_NODES, D_FEAT), jnp.float32),
    )(feat_p, cnt_r, xr, Wl)


def kernel(x, edge_index, W1l, b1, W1r, W2l, b2, W2r):
    src = edge_index[0].astype(jnp.int32)
    dst = edge_index[1].astype(jnp.int32)

    pad = E_PAD - N_EDGES
    ar = jnp.arange(pad, dtype=jnp.int32)
    src_p = jnp.concatenate([src, ar % N_NODES])
    dst_p = jnp.concatenate([dst, N_NODES + ar % (N_PAD - N_NODES)])
    srcg = src_p.reshape(G_TOTAL, LANES)
    dstg = dst_p.reshape(G_TOTAL, LANES)

    xr1 = _tc_mm(x, W1r, b1)
    feat1_p, cnt_p = _sc_segment_sum(True)(x, srcg, dstg)
    cnt_r = cnt_p.reshape(NC, N_PAD // LANES, LANES)
    h = _tc_combine(feat1_p, cnt_r, xr1, W1l, relu=True)
    xr2 = _tc_mm(h, W2r, b2)
    (feat2_p,) = _sc_segment_sum(False)(h, srcg, dstg)
    out = _tc_combine(feat2_p, cnt_r, xr2, W2l, relu=False)
    return out

# --- scband reference (transcript-rebuilt; emitter-appended) ---
"""Pipeline reference for scband-gnn-21337397527225 (READ-ONLY COPY).

The authoritative reference and input builder live on the scoring server;
editing this copy changes nothing except your own understanding.
"""

import jax, jax.numpy as jnp
import numpy as np

D_FEAT = 128
HIDDEN = 128
N_NODES = 10000
N_EDGES = 320000

def setup_inputs(seed: int = 0) -> dict:
    key = jax.random.key(seed)
    ks = jax.random.split(key, 8)
    x = jax.random.normal(ks[0], (N_NODES, D_FEAT), dtype=jnp.float32)
    edge_index = jax.random.randint(ks[1], (2, N_EDGES), 0, N_NODES, dtype=jnp.int64)
    s1 = 1.0 / np.sqrt(D_FEAT)
    s2 = 1.0 / np.sqrt(HIDDEN)
    W1l = jax.random.uniform(ks[2], (D_FEAT, HIDDEN), jnp.float32, -s1, s1)
    b1 = jnp.zeros((HIDDEN,), jnp.float32)
    W1r = jax.random.uniform(ks[3], (D_FEAT, HIDDEN), jnp.float32, -s1, s1)
    W2l = jax.random.uniform(ks[4], (HIDDEN, HIDDEN), jnp.float32, -s2, s2)
    b2 = jnp.zeros((HIDDEN,), jnp.float32)
    W2r = jax.random.uniform(ks[5], (HIDDEN, HIDDEN), jnp.float32, -s2, s2)
    return {"x": x, "edge_index": edge_index, "W1l": W1l, "b1": b1, "W1r": W1r, "W2l": W2l, "b2": b2, "W2r": W2r}

def _sage_conv(x, edge_index, Wl, bl, Wr):
    # PyG SAGEConv (mean aggr): out = lin_l(mean_{j in N(i)} x_j) + lin_r(x_i)
    src = edge_index[0]
    dst = edge_index[1]
    n = x.shape[0]
    msg = jnp.take(x, src, axis=0)
    agg = jax.ops.segment_sum(msg, dst, num_segments=n)
    cnt = jax.ops.segment_sum(jnp.ones((src.shape[0], 1), x.dtype), dst, num_segments=n)
    mean = agg / jnp.clip(cnt, 1.0, None)
    return mean @ Wl + bl + x @ Wr

def reference(x, edge_index, W1l, b1, W1r, W2l, b2, W2r):
    h = jax.nn.relu(_sage_conv(x, edge_index, W1l, b1, W1r))
    out = _sage_conv(h, edge_index, W2l, b2, W2r)
    return out

if __name__ == "__main__":
    import jax
    _d = setup_inputs()
    print(jax.jit(kernel)(*tuple(_d.values())))

</pallas_src>

<mosaic_0001>
#map = affine_map<(d0, d1) -> (0, 0)>
#map1 = affine_map<(d0, d1) -> (0, 0, 0)>
module attributes {stable_mosaic.version = 14 : i64} {
  func.func @body(%arg0: i32, %arg1: i32, %arg2: memref<10000x128xf32, #tpu.memory_space<hbm>>, %arg3: memref<2560x128xi32, #tpu.memory_space<hbm>>, %arg4: memref<2560x128xi32, #tpu.memory_space<hbm>>, %arg5: memref<2x10240x128xf32, #tpu.memory_space<hbm>>, %arg6: memref<10240x128xf32, #tpu.memory_space<vmem_shared>>, %arg7: memref<40x128xi32, #tpu.memory_space<vmem>>, %arg8: memref<40x128xi32, #tpu.memory_space<vmem>>, %arg9: memref<128x128xf32, #tpu.memory_space<vmem>>, %arg10: memref<128x128xf32, #tpu.memory_space<vmem>>, %arg11: memref<!tpu.dma_semaphore, #tpu.memory_space<semaphore_mem>>, %arg12: memref<!tpu.dma_semaphore, #tpu.memory_space<semaphore_mem>>) attributes {dimension_semantics = [#tpu.dimension_semantics<core_parallel>, #tpu.dimension_semantics<subcore_parallel>], iteration_bounds = array<i64: 2, 16>, scalar_prefetch = 0 : i64, scratch_operands = 7 : i64, tpu.core_type = #tpu.core_type<sc_vector_subcore>, window_params = [{transform_indices = #map}, {transform_indices = #map}, {transform_indices = #map}, {transform_indices = #map1}]} {
    %mul3A = arith.constant 2 : i32
    %mul3A_0 = arith.muli %arg1, %mul3A : i32
    %add3A = arith.addi %mul3A_0, %arg0 : i32
    %scan3A = arith.constant 0 : i32
    %scan3A_1 = arith.constant 1024 : i32
    %scan3A_2 = arith.addi %scan3A, %scan3A_1 : i32
    %scan3A_3 = arith.constant 1 : i32
    scf.for %scan3A_20 = %scan3A to %scan3A_2 step %scan3A_3  : i32 {
      %broadcast_in_dim3A = arith.constant 0.000000e+00 : f32
      %broadcast_in_dim3A_21 = vector.broadcast %broadcast_in_dim3A : f32 to vector<16xf32>
      %jit3A = arith.constant 8 : i32
      %div3A = arith.divsi %scan3A_20, %jit3A : i32
      %sign3A = arith.constant 0 : i32
      %sign3A_22 = arith.cmpi sgt, %scan3A_20, %sign3A : i32
      %sign3A_23 = arith.extui %sign3A_22 : i1 to i32
      %sign3A_24 = arith.constant 0 : i32
      %sign3A_25 = arith.cmpi slt, %scan3A_20, %sign3A_24 : i32
      %sign3A_26 = arith.extui %sign3A_25 : i1 to i32
      %sign3A_27 = arith.subi %sign3A_23, %sign3A_26 : i32
      %sign3A_28 = arith.constant 0 : i32
      %sign3A_29 = arith.cmpi sgt, %jit3A, %sign3A_28 : i32
      %sign3A_30 = arith.extui %sign3A_29 : i1 to i32
      %sign3A_31 = arith.constant 0 : i32
      %sign3A_32 = arith.cmpi slt, %jit3A, %sign3A_31 : i32
      %sign3A_33 = arith.extui %sign3A_32 : i1 to i32
      %sign3A_34 = arith.subi %sign3A_30, %sign3A_33 : i32
      %ne3A = arith.cmpi ne, %sign3A_27, %sign3A_34 : i32
      %rem3A = arith.remsi %scan3A_20, %jit3A : i32
      %ne3A_35 = arith.constant 0 : i32
      %ne3A_36 = arith.cmpi ne, %rem3A, %ne3A_35 : i32
      %and3A = arith.andi %ne3A, %ne3A_36 : i1
      %sub3A = arith.constant 1 : i32
      %sub3A_37 = arith.subi %div3A, %sub3A : i32
      %select_n3A = arith.select %and3A, %sub3A_37, %div3A : i32
      %jit3A_38 = arith.constant 8 : i32
      %eq3A = arith.constant 0 : i32
      %eq3A_39 = arith.cmpi eq, %jit3A_38, %eq3A : i32
      %jit3A_40 = arith.constant 1 : i32
      %select_n3A_41 = arith.select %eq3A_39, %jit3A_40, %jit3A_38 : i32
      %rem3A_42 = arith.remsi %scan3A_20, %select_n3A_41 : i32
      %ne3A_43 = arith.constant 0 : i32
      %ne3A_44 = arith.cmpi ne, %rem3A_42, %ne3A_43 : i32
      %lt3A = arith.constant 0 : i32
      %lt3A_45 = arith.cmpi slt, %rem3A_42, %lt3A : i32
      %lt3A_46 = arith.constant 0 : i32
      %lt3A_47 = arith.cmpi slt, %select_n3A_41, %lt3A_46 : i32
      %ne3A_48 = arith.xori %lt3A_45, %lt3A_47 : i1
      %and3A_49 = arith.andi %ne3A_48, %ne3A_44 : i1
      %add3A_50 = arith.addi %rem3A_42, %select_n3A_41 : i32
      %select_n3A_51 = arith.select %and3A_49, %add3A_50, %rem3A_42 : i32
      %mul3A_52 = arith.constant 16 : i32
      %mul3A_53 = arith.muli %select_n3A_51, %mul3A_52 : i32
      %swap3A = arith.index_cast %select_n3A : i32 to index
      %swap3A_54 = arith.index_cast %mul3A_53 : i32 to index
      %swap3A_55 = tpu.vector_load %arg9[%swap3A, %swap3A_54] {strides = array<i32>} : memref<128x128xf32, #tpu.memory_space<vmem>>, vector<1x16xf32>,
      %swap3A_56 = vector.shape_cast %swap3A_55 : vector<1x16xf32> to vector<16xf32>
      %swap3A_57 = vector.shape_cast %broadcast_in_dim3A_21 : vector<16xf32> to vector<1x16xf32>
      tpu.vector_store %arg9[%swap3A, %swap3A_54], %swap3A_57 {strides = array<i32>} : memref<128x128xf32, #tpu.memory_space<vmem>>, vector<1x16xf32>,
    }
    %scan3A_4 = arith.constant 1024 : i32
    %mul3A_5 = arith.constant 640 : i32
    %mul3A_6 = arith.muli %arg1, %mul3A_5 : i32
    %scan3A_7 = arith.constant 0 : i32
    %scan3A_8 = arith.constant 5 : i32
    %scan3A_9 = arith.addi %scan3A_7, %scan3A_8 : i32
    %scan3A_10 = arith.constant 1 : i32
    scf.for %scan3A_20 = %scan3A_7 to %scan3A_9 step %scan3A_10  : i32 {
      %mul3A_21 = arith.constant 128 : i32
      %mul3A_22 = arith.muli %scan3A_20, %mul3A_21 : i32
      %add3A_23 = arith.addi %mul3A_6, %mul3A_22 : i32
      "tpu.region"() ({
        %run_scoped3A = tpu.sem_alloc : memref<!tpu.dma_semaphore, #tpu.memory_space<semaphore_mem>>
        %dma_start3A = arith.constant 0 : i32
        %dma_start3A_24 = tpu.memref_slice %arg6[%add3A_23, %dma_start3A] : memref<10240x128xf32, #tpu.memory_space<vmem_shared>> -> memref<128x128xf32, #tpu.memory_space<vmem_shared>>
        %dma_start3A_25 = arith.constant 0 : i32
        %dma_start3A_26 = tpu.memref_slice %arg6[%add3A_23, %dma_start3A_25] : memref<10240x128xf32, #tpu.memory_space<vmem_shared>> -> memref<128x128xf32, #tpu.memory_space<vmem_shared>>
        tpu.enqueue_dma source(%arg9 : memref<128x128xf32, #tpu.memory_space<vmem>>) target(%dma_start3A_26 : memref<128x128xf32, #tpu.memory_space<vmem_shared>>) target_semaphore(%run_scoped3A : memref<!tpu.dma_semaphore, #tpu.memory_space<semaphore_mem>>)
        %dma_wait3A = arith.constant 0 : i32
        %dma_wait3A_27 = tpu.memref_slice %arg6[%add3A_23, %dma_wait3A] : memref<10240x128xf32, #tpu.memory_space<vmem_shared>> -> memref<128x128xf32, #tpu.memory_space<vmem_shared>>
        %dma_wait3A_28 = arith.constant 0 : i32
        %dma_wait3A_29 = tpu.memref_slice %arg6[%add3A_23, %dma_wait3A_28] : memref<10240x128xf32, #tpu.memory_space<vmem_shared>> -> memref<128x128xf32, #tpu.memory_space<vmem_shared>>
        tpu.wait_dma2 semaphore(%run_scoped3A : memref<!tpu.dma_semaphore, #tpu.memory_space<semaphore_mem>>) src(%arg9 : memref<128x128xf32, #tpu.memory_space<vmem>>) dst(%dma_wait3A_29 : memref<128x128xf32, #tpu.memory_space<vmem_shared>>)
        tpu.yield
      }) : () -> ()
    }
    %scan3A_11 = arith.constant 5 : i32
    %barrier3A = arith.constant 0 : index
    tpu.barrier barrier_id(%barrier3A)
    %mul3A_12 = arith.constant 80 : i32
    %mul3A_13 = arith.muli %add3A, %mul3A_12 : i32
    %scan3A_14 = arith.constant 0 : i32
    %scan3A_15 = arith.constant 2 : i32
    %scan3A_16 = arith.addi %scan3A_14, %scan3A_15 : i32
    %scan3A_17 = arith.constant 1 : i32
    scf.for %scan3A_20 = %scan3A_14 to %scan3A_16 step %scan3A_17  : i32 {
      %mul3A_21 = arith.constant 40 : i32
      %mul3A_22 = arith.muli %scan3A_20, %mul3A_21 : i32
      %add3A_23 = arith.addi %mul3A_13, %mul3A_22 : i32
      "tpu.region"() ({
        %run_scoped3A = tpu.sem_alloc : memref<!tpu.dma_semaphore, #tpu.memory_space<semaphore_mem>>
        %dma_start3A_45 = arith.constant 0 : i32
        %dma_start3A_46 = tpu.memref_slice %arg3[%add3A_23, %dma_start3A_45] : memref<2560x128xi32, #tpu.memory_space<hbm>> -> memref<40x128xi32, #tpu.memory_space<hbm>>
        %dma_start3A_47 = arith.constant 0 : i32
        %dma_start3A_48 = tpu.memref_slice %arg3[%add3A_23, %dma_start3A_47] : memref<2560x128xi32, #tpu.memory_space<hbm>> -> memref<40x128xi32, #tpu.memory_space<hbm>>
        tpu.enqueue_dma source(%dma_start3A_48 : memref<40x128xi32, #tpu.memory_space<hbm>>) target(%arg7 : memref<40x128xi32, #tpu.memory_space<vmem>>) target_semaphore(%run_scoped3A : memref<!tpu.dma_semaphore, #tpu.memory_space<semaphore_mem>>)
        %dma_wait3A = arith.constant 0 : i32
        %dma_wait3A_49 = tpu.memref_slice %arg3[%add3A_23, %dma_wait3A] : memref<2560x128xi32, #tpu.memory_space<hbm>> -> memref<40x128xi32, #tpu.memory_space<hbm>>
        %dma_wait3A_50 = arith.constant 0 : i32
        %dma_wait3A_51 = tpu.memref_slice %arg3[%add3A_23, %dma_wait3A_50] : memref<2560x128xi32, #tpu.memory_space<hbm>> -> memref<40x128xi32, #tpu.memory_space<hbm>>
        tpu.wait_dma2 semaphore(%run_scoped3A : memref<!tpu.dma_semaphore, #tpu.memory_space<semaphore_mem>>) src(%dma_wait3A_51 : memref<40x128xi32, #tpu.memory_space<hbm>>) dst(%arg7 : memref<40x128xi32, #tpu.memory_space<vmem>>)
        tpu.yield
      }) : () -> ()
      %mul3A_24 = arith.constant 40 : i32
      %mul3A_25 = arith.muli %scan3A_20, %mul3A_24 : i32
      %add3A_26 = arith.addi %mul3A_13, %mul3A_25 : i32
      "tpu.region"() ({
        %run_scoped3A = tpu.sem_alloc : memref<!tpu.dma_semaphore, #tpu.memory_space<semaphore_mem>>
        %dma_start3A_45 = arith.constant 0 : i32
        %dma_start3A_46 = tpu.memref_slice %arg4[%add3A_26, %dma_start3A_45] : memref<2560x128xi32, #tpu.memory_space<hbm>> -> memref<40x128xi32, #tpu.memory_space<hbm>>
        %dma_start3A_47 = arith.constant 0 : i32
        %dma_start3A_48 = tpu.memref_slice %arg4[%add3A_26, %dma_start3A_47] : memref<2560x128xi32, #tpu.memory_space<hbm>> -> memref<40x128xi32, #tpu.memory_space<hbm>>
        tpu.enqueue_dma source(%dma_start3A_48 : memref<40x128xi32, #tpu.memory_space<hbm>>) target(%arg8 : memref<40x128xi32, #tpu.memory_space<vmem>>) target_semaphore(%run_scoped3A : memref<!tpu.dma_semaphore, #tpu.memory_space<semaphore_mem>>)
        %dma_wait3A = arith.constant 0 : i32
        %dma_wait3A_49 = tpu.memref_slice %arg4[%add3A_26, %dma_wait3A] : memref<2560x128xi32, #tpu.memory_space<hbm>> -> memref<40x128xi32, #tpu.memory_space<hbm>>
        %dma_wait3A_50 = arith.constant 0 : i32
        %dma_wait3A_51 = tpu.memref_slice %arg4[%add3A_26, %dma_wait3A_50] : memref<2560x128xi32, #tpu.memory_space<hbm>> -> memref<40x128xi32, #tpu.memory_space<hbm>>
        tpu.wait_dma2 semaphore(%run_scoped3A : memref<!tpu.dma_semaphore, #tpu.memory_space<semaphore_mem>>) src(%dma_wait3A_51 : memref<40x128xi32, #tpu.memory_space<hbm>>) dst(%arg8 : memref<40x128xi32, #tpu.memory_space<vmem>>)
        tpu.yield
      }) : () -> ()
      %dma_start3A = arith.constant 0 : i32
      %dma_start3A_27 = arith.constant 0 : i32
      %dma_start3A_28 = tpu.memref_slice %arg7[%dma_start3A, %dma_start3A_27] : memref<40x128xi32, #tpu.memory_space<vmem>> -> memref<1x128xi32, #tpu.memory_space<vmem>>
      %dma_start3A_29 = tpu.memref_squeeze %dma_start3A_28 : memref<1x128xi32, #tpu.memory_space<vmem>> -> memref<128xi32, #tpu.memory_space<vmem>>
      %dma_start3A_30 = arith.constant 0 : i32
      %dma_start3A_31 = arith.constant 0 : i32
      %dma_start3A_32 = tpu.memref_slice %arg2[%dma_start3A_30, %dma_start3A_31] : memref<10000x128xf32, #tpu.memory_space<hbm>> -> memref<10000x128xf32, #tpu.memory_space<hbm>>
      tpu.enqueue_indirect_dma source(%dma_start3A_32 : memref<10000x128xf32, #tpu.memory_space<hbm>>) target(%arg9 : memref<128x128xf32, #tpu.memory_space<vmem>>) offsets(%dma_start3A_29 : memref<128xi32, #tpu.memory_space<vmem>>) semaphore(%arg11 : memref<!tpu.dma_semaphore, #tpu.memory_space<semaphore_mem>>)
      %dma_start3A_33 = arith.constant 1 : i32
      %dma_start3A_34 = arith.constant 0 : i32
      %dma_start3A_35 = tpu.memref_slice %arg7[%dma_start3A_33, %dma_start3A_34] : memref<40x128xi32, #tpu.memory_space<vmem>> -> memref<1x128xi32, #tpu.memory_space<vmem>>
      %dma_start3A_36 = tpu.memref_squeeze %dma_start3A_35 : memref<1x128xi32, #tpu.memory_space<vmem>> -> memref<128xi32, #tpu.memory_space<vmem>>
      %dma_start3A_37 = arith.constant 0 : i32
      %dma_start3A_38 = arith.constant 0 : i32
      %dma_start3A_39 = tpu.memref_slice %arg2[%dma_start3A_37, %dma_start3A_38] : memref<10000x128xf32, #tpu.memory_space<hbm>> -> memref<10000x128xf32, #tpu.memory_space<hbm>>
      tpu.enqueue_indirect_dma source(%dma_start3A_39 : memref<10000x128xf32, #tpu.memory_space<hbm>>) target(%arg10 : memref<128x128xf32, #tpu.memory_space<vmem>>) offsets(%dma_start3A_36 : memref<128xi32, #tpu.memory_space<vmem>>) semaphore(%arg12 : memref<!tpu.dma_semaphore, #tpu.memory_space<semaphore_mem>>)
      %scan3A_40 = arith.constant 0 : i32
      %scan3A_41 = arith.constant 20 : i32
      %scan3A_42 = arith.addi %scan3A_40, %scan3A_41 : i32
      %scan3A_43 = arith.constant 1 : i32
      scf.for %scan3A_45 = %scan3A_40 to %scan3A_42 step %scan3A_43  : i32 {
        %mul3A_46 = arith.constant 2 : i32
        %mul3A_47 = arith.muli %mul3A_46, %scan3A_45 : i32
        %dma_wait3A = arith.constant 0 : i32
        %dma_wait3A_48 = tpu.memref_slice %arg7[%mul3A_47, %dma_wait3A] : memref<40x128xi32, #tpu.memory_space<vmem>> -> memref<1x128xi32, #tpu.memory_space<vmem>>
        %dma_wait3A_49 = tpu.memref_squeeze %dma_wait3A_48 : memref<1x128xi32, #tpu.memory_space<vmem>> -> memref<128xi32, #tpu.memory_space<vmem>>
        %dma_wait3A_50 = arith.constant 0 : i32
        %dma_wait3A_51 = arith.constant 0 : i32
        %dma_wait3A_52 = tpu.memref_slice %arg2[%dma_wait3A_50, %dma_wait3A_51] : memref<10000x128xf32, #tpu.memory_space<hbm>> -> memref<10000x128xf32, #tpu.memory_space<hbm>>
        tpu.wait_indirect_dma semaphore(%arg11 : memref<!tpu.dma_semaphore, #tpu.memory_space<semaphore_mem>>) src(%dma_wait3A_52 : memref<10000x128xf32, #tpu.memory_space<hbm>>) dst(%arg9 : memref<128x128xf32, #tpu.memory_space<vmem>>)
        "tpu.region"() ({
          %run_scoped3A = tpu.sem_alloc : memref<!tpu.dma_semaphore, #tpu.memory_space<semaphore_mem>>
          %dma_start3A_74 = arith.constant 0 : i32
          %dma_start3A_75 = tpu.memref_slice %arg8[%mul3A_47, %dma_start3A_74] : memref<40x128xi32, #tpu.memory_space<vmem>> -> memref<1x128xi32, #tpu.memory_space<vmem>>
          %dma_start3A_76 = tpu.memref_squeeze %dma_start3A_75 : memref<1x128xi32, #tpu.memory_space<vmem>> -> memref<128xi32, #tpu.memory_space<vmem>>
          %dma_start3A_77 = arith.constant 0 : i32
          %dma_start3A_78 = arith.constant 0 : i32
          %dma_start3A_79 = tpu.memref_slice %arg6[%dma_start3A_77, %dma_start3A_78] : memref<10240x128xf32, #tpu.memory_space<vmem_shared>> -> memref<10240x128xf32, #tpu.memory_space<vmem_shared>>
          tpu.enqueue_indirect_dma source(%arg9 : memref<128x128xf32, #tpu.memory_space<vmem>>) target(%dma_start3A_79 : memref<10240x128xf32, #tpu.memory_space<vmem_shared>>) offsets(%dma_start3A_76 : memref<128xi32, #tpu.memory_space<vmem>>) semaphore(%run_scoped3A : memref<!tpu.dma_semaphore, #tpu.memory_space<semaphore_mem>>) {add = true}
          %dma_wait3A_80 = arith.constant 0 : i32
          %dma_wait3A_81 = tpu.memref_slice %arg8[%mul3A_47, %dma_wait3A_80] : memref<40x128xi32, #tpu.memory_space<vmem>> -> memref<1x128xi32, #tpu.memory_space<vmem>>
          %dma_wait3A_82 = tpu.memref_squeeze %dma_wait3A_81 : memref<1x128xi32, #tpu.memory_space<vmem>> -> memref<128xi32, #tpu.memory_space<vmem>>
          %dma_wait3A_83 = arith.constant 0 : i32
          %dma_wait3A_84 = arith.constant 0 : i32
          %dma_wait3A_85 = tpu.memref_slice %arg6[%dma_wait3A_83, %dma_wait3A_84] : memref<10240x128xf32, #tpu.memory_space<vmem_shared>> -> memref<10240x128xf32, #tpu.memory_space<vmem_shared>>
          tpu.wait_indirect_dma semaphore(%run_scoped3A : memref<!tpu.dma_semaphore, #tpu.memory_space<semaphore_mem>>) src(%arg9 : memref<128x128xf32, #tpu.memory_space<vmem>>) dst(%dma_wait3A_85 : memref<10240x128xf32, #tpu.memory_space<vmem_shared>>)
          tpu.yield
        }) : () -> ()
        %add3A_53 = arith.constant 2 : i32
        %add3A_54 = arith.addi %mul3A_47, %add3A_53 : i32
        %lt3A = arith.constant 40 : i32
        %lt3A_55 = arith.cmpi slt, %add3A_54, %lt3A : i32
        %convert_element_type3A = arith.extui %lt3A_55 : i1 to i32
        %cond3A = arith.constant 0 : i32
        %cond3A_56 = arith.cmpi ne, %convert_element_type3A, %cond3A : i32
        scf.if %cond3A_56 {
          %add3A_74 = arith.constant 2 : i32
          %add3A_75 = arith.addi %mul3A_47, %add3A_74 : i32
          %dma_start3A_76 = arith.constant 0 : i32
          %dma_start3A_77 = tpu.memref_slice %arg7[%add3A_75, %dma_start3A_76] : memref<40x128xi32, #tpu.memory_space<vmem>> -> memref<1x128xi32, #tpu.memory_space<vmem>>
          %dma_start3A_78 = tpu.memref_squeeze %dma_start3A_77 : memref<1x128xi32, #tpu.memory_space<vmem>> -> memref<128xi32, #tpu.memory_space<vmem>>
          %dma_start3A_79 = arith.constant 0 : i32
          %dma_start3A_80 = arith.constant 0 : i32
          %dma_start3A_81 = tpu.memref_slice %arg2[%dma_start3A_79, %dma_start3A_80] : memref<10000x128xf32, #tpu.memory_space<hbm>> -> memref<10000x128xf32, #tpu.memory_space<hbm>>
          tpu.enqueue_indirect_dma source(%dma_start3A_81 : memref<10000x128xf32, #tpu.memory_space<hbm>>) target(%arg9 : memref<128x128xf32, #tpu.memory_space<vmem>>) offsets(%dma_start3A_78 : memref<128xi32, #tpu.memory_space<vmem>>) semaphore(%arg11 : memref<!tpu.dma_semaphore, #tpu.memory_space<semaphore_mem>>)
        } else {
        }
        %add3A_57 = arith.constant 1 : i32
        %add3A_58 = arith.addi %mul3A_47, %add3A_57 : i32
        %dma_wait3A_59 = arith.constant 0 : i32
        %dma_wait3A_60 = tpu.memref_slice %arg7[%add3A_58, %dma_wait3A_59] : memref<40x128xi32, #tpu.memory_space<vmem>> -> memref<1x128xi32, #tpu.memory_space<vmem>>
        %dma_wait3A_61 = tpu.memref_squeeze %dma_wait3A_60 : memref<1x128xi32, #tpu.memory_space<vmem>> -> memref<128xi32, #tpu.memory_space<vmem>>
        %dma_wait3A_62 = arith.constant 0 : i32
        %dma_wait3A_63 = arith.constant 0 : i32
        %dma_wait3A_64 = tpu.memref_slice %arg2[%dma_wait3A_62, %dma_wait3A_63] : memref<10000x128xf32, #tpu.memory_space<hbm>> -> memref<10000x128xf32, #tpu.memory_space<hbm>>
        tpu.wait_indirect_dma semaphore(%arg12 : memref<!tpu.dma_semaphore, #tpu.memory_space<semaphore_mem>>) src(%dma_wait3A_64 : memref<10000x128xf32, #tpu.memory_space<hbm>>) dst(%arg10 : memref<128x128xf32, #tpu.memory_space<vmem>>)
        %add3A_65 = arith.constant 1 : i32
        %add3A_66 = arith.addi %mul3A_47, %add3A_65 : i32
        "tpu.region"() ({
          %run_scoped3A = tpu.sem_alloc : memref<!tpu.dma_semaphore, #tpu.memory_space<semaphore_mem>>
          %dma_start3A_74 = arith.constant 0 : i32
          %dma_start3A_75 = tpu.memref_slice %arg8[%add3A_66, %dma_start3A_74] : memref<40x128xi32, #tpu.memory_space<vmem>> -> memref<1x128xi32, #tpu.memory_space<vmem>>
          %dma_start3A_76 = tpu.memref_squeeze %dma_start3A_75 : memref<1x128xi32, #tpu.memory_space<vmem>> -> memref<128xi32, #tpu.memory_space<vmem>>
          %dma_start3A_77 = arith.constant 0 : i32
          %dma_start3A_78 = arith.constant 0 : i32
          %dma_start3A_79 = tpu.memref_slice %arg6[%dma_start3A_77, %dma_start3A_78] : memref<10240x128xf32, #tpu.memory_space<vmem_shared>> -> memref<10240x128xf32, #tpu.memory_space<vmem_shared>>
          tpu.enqueue_indirect_dma source(%arg10 : memref<128x128xf32, #tpu.memory_space<vmem>>) target(%dma_start3A_79 : memref<10240x128xf32, #tpu.memory_space<vmem_shared>>) offsets(%dma_start3A_76 : memref<128xi32, #tpu.memory_space<vmem>>) semaphore(%run_scoped3A : memref<!tpu.dma_semaphore, #tpu.memory_space<semaphore_mem>>) {add = true}
          %dma_wait3A_80 = arith.constant 0 : i32
          %dma_wait3A_81 = tpu.memref_slice %arg8[%add3A_66, %dma_wait3A_80] : memref<40x128xi32, #tpu.memory_space<vmem>> -> memref<1x128xi32, #tpu.memory_space<vmem>>
          %dma_wait3A_82 = tpu.memref_squeeze %dma_wait3A_81 : memref<1x128xi32, #tpu.memory_space<vmem>> -> memref<128xi32, #tpu.memory_space<vmem>>
          %dma_wait3A_83 = arith.constant 0 : i32
          %dma_wait3A_84 = arith.constant 0 : i32
          %dma_wait3A_85 = tpu.memref_slice %arg6[%dma_wait3A_83, %dma_wait3A_84] : memref<10240x128xf32, #tpu.memory_space<vmem_shared>> -> memref<10240x128xf32, #tpu.memory_space<vmem_shared>>
          tpu.wait_indirect_dma semaphore(%run_scoped3A : memref<!tpu.dma_semaphore, #tpu.memory_space<semaphore_mem>>) src(%arg10 : memref<128x128xf32, #tpu.memory_space<vmem>>) dst(%dma_wait3A_85 : memref<10240x128xf32, #tpu.memory_space<vmem_shared>>)
          tpu.yield
        }) : () -> ()
        %add3A_67 = arith.constant 3 : i32
        %add3A_68 = arith.addi %mul3A_47, %add3A_67 : i32
        %lt3A_69 = arith.constant 40 : i32
        %lt3A_70 = arith.cmpi slt, %add3A_68, %lt3A_69 : i32
        %convert_element_type3A_71 = arith.extui %lt3A_70 : i1 to i32
        %cond3A_72 = arith.constant 0 : i32
        %cond3A_73 = arith.cmpi ne, %convert_element_type3A_71, %cond3A_72 : i32
        scf.if %cond3A_73 {
          %add3A_74 = arith.constant 3 : i32
          %add3A_75 = arith.addi %mul3A_47, %add3A_74 : i32
          %dma_start3A_76 = arith.constant 0 : i32
          %dma_start3A_77 = tpu.memref_slice %arg7[%add3A_75, %dma_start3A_76] : memref<40x128xi32, #tpu.memory_space<vmem>> -> memref<1x128xi32, #tpu.memory_space<vmem>>
          %dma_start3A_78 = tpu.memref_squeeze %dma_start3A_77 : memref<1x128xi32, #tpu.memory_space<vmem>> -> memref<128xi32, #tpu.memory_space<vmem>>
          %dma_start3A_79 = arith.constant 0 : i32
          %dma_start3A_80 = arith.constant 0 : i32
          %dma_start3A_81 = tpu.memref_slice %arg2[%dma_start3A_79, %dma_start3A_80] : memref<10000x128xf32, #tpu.memory_space<hbm>> -> memref<10000x128xf32, #tpu.memory_space<hbm>>
          tpu.enqueue_indirect_dma source(%dma_start3A_81 : memref<10000x128xf32, #tpu.memory_space<hbm>>) target(%arg10 : memref<128x128xf32, #tpu.memory_space<vmem>>) offsets(%dma_start3A_78 : memref<128xi32, #tpu.memory_space<vmem>>) semaphore(%arg12 : memref<!tpu.dma_semaphore, #tpu.memory_space<semaphore_mem>>)
        } else {
        }
      }
      %scan3A_44 = arith.constant 20 : i32
    }
    %scan3A_18 = arith.constant 2 : i32
    %barrier3A_19 = arith.constant 0 : index
    tpu.barrier barrier_id(%barrier3A_19)
    "tpu.region"() ({
      %run_scoped3A = tpu.sem_alloc : memref<!tpu.dma_semaphore, #tpu.memory_space<semaphore_mem>>
      %dma_start3A = arith.constant 0 : i32
      %dma_start3A_20 = tpu.memref_slice %arg5[%arg0, %mul3A_6, %dma_start3A] : memref<2x10240x128xf32, #tpu.memory_space<hbm>> -> memref<1x640x128xf32, #tpu.memory_space<hbm>>
      %dma_start3A_21 = tpu.memref_squeeze %dma_start3A_20 : memref<1x640x128xf32, #tpu.memory_space<hbm>> -> memref<640x128xf32, #tpu.memory_space<hbm>>
      %dma_start3A_22 = arith.constant 0 : i32
      %dma_start3A_23 = tpu.memref_slice %arg6[%mul3A_6, %dma_start3A_22] : memref<10240x128xf32, #tpu.memory_space<vmem_shared>> -> memref<640x128xf32, #tpu.memory_space<vmem_shared>>
      tpu.enqueue_dma source(%dma_start3A_23 : memref<640x128xf32, #tpu.memory_space<vmem_shared>>) target(%dma_start3A_21 : memref<640x128xf32, #tpu.memory_space<hbm>>) target_semaphore(%run_scoped3A : memref<!tpu.dma_semaphore, #tpu.memory_space<semaphore_mem>>)
      %dma_wait3A = arith.constant 0 : i32
      %dma_wait3A_24 = tpu.memref_slice %arg5[%arg0, %mul3A_6, %dma_wait3A] : memref<2x10240x128xf32, #tpu.memory_space<hbm>> -> memref<1x640x128xf32, #tpu.memory_space<hbm>>
      %dma_wait3A_25 = tpu.memref_squeeze %dma_wait3A_24 : memref<1x640x128xf32, #tpu.memory_space<hbm>> -> memref<640x128xf32, #tpu.memory_space<hbm>>
      %dma_wait3A_26 = arith.constant 0 : i32
      %dma_wait3A_27 = tpu.memref_slice %arg6[%mul3A_6, %dma_wait3A_26] : memref<10240x128xf32, #tpu.memory_space<vmem_shared>> -> memref<640x128xf32, #tpu.memory_space<vmem_shared>>
      tpu.wait_dma2 semaphore(%run_scoped3A : memref<!tpu.dma_semaphore, #tpu.memory_space<semaphore_mem>>) src(%dma_wait3A_27 : memref<640x128xf32, #tpu.memory_space<vmem_shared>>) dst(%dma_wait3A_25 : memref<640x128xf32, #tpu.memory_space<hbm>>)
      tpu.yield
    }) : () -> ()
    return
  }
}

#map = affine_map<(d0, d1) -> (0, 0)>
#map1 = affine_map<(d0, d1) -> (0, 0, 0)>
module attributes {stable_mosaic.version = 14 : i64} {
  func.func @body(%arg0: i32, %arg1: i32, %arg2: memref<10000x128xf32, #tpu.memory_space<hbm>>, %arg3: memref<2560x128xi32, #tpu.memory_space<hbm>>, %arg4: memref<2560x128xi32, #tpu.memory_space<hbm>>, %arg5: memref<2x10240x128xf32, #tpu.memory_space<hbm>>, %arg6: memref<2x10240xf32, #tpu.memory_space<hbm>>, %arg7: memref<10240x128xf32, #tpu.memory_space<vmem_shared>>, %arg8: memref<40x128xi32, #tpu.memory_space<vmem>>, %arg9: memref<40x128xi32, #tpu.memory_space<vmem>>, %arg10: memref<128x128xf32, #tpu.memory_space<vmem>>, %arg11: memref<128x128xf32, #tpu.memory_space<vmem>>, %arg12: memref<!tpu.dma_semaphore, #tpu.memory_space<semaphore_mem>>, %arg13: memref<!tpu.dma_semaphore, #tpu.memory_space<semaphore_mem>>, %arg14: memref<10240xf32, #tpu.memory_space<vmem_shared>>, %arg15: memref<128xf32, #tpu.memory_space<vmem>>, %arg16: memref<128xf32, #tpu.memory_space<vmem>>) attributes {dimension_semantics = [#tpu.dimension_semantics<core_parallel>, #tpu.dimension_semantics<subcore_parallel>], iteration_bounds = array<i64: 2, 16>, scalar_prefetch = 0 : i64, scratch_operands = 10 : i64, tpu.core_type = #tpu.core_type<sc_vector_subcore>, window_params = [{transform_indices = #map}, {transform_indices = #map}, {transform_indices = #map}, {transform_indices = #map1}, {transform_indices = #map}]} {
    %mul3A = arith.constant 2 : i32
    %mul3A_0 = arith.muli %arg1, %mul3A : i32
    %add3A = arith.addi %mul3A_0, %arg0 : i32
    %scan3A = arith.constant 0 : i32
    %scan3A_1 = arith.constant 1024 : i32
    %scan3A_2 = arith.addi %scan3A, %scan3A_1 : i32
    %scan3A_3 = arith.constant 1 : i32
    scf.for %scan3A_30 = %scan3A to %scan3A_2 step %scan3A_3  : i32 {
      %broadcast_in_dim3A = arith.constant 0.000000e+00 : f32
      %broadcast_in_dim3A_31 = vector.broadcast %broadcast_in_dim3A : f32 to vector<16xf32>
      %jit3A = arith.constant 8 : i32
      %div3A = arith.divsi %scan3A_30, %jit3A : i32
      %sign3A = arith.constant 0 : i32
      %sign3A_32 = arith.cmpi sgt, %scan3A_30, %sign3A : i32
      %sign3A_33 = arith.extui %sign3A_32 : i1 to i32
      %sign3A_34 = arith.constant 0 : i32
      %sign3A_35 = arith.cmpi slt, %scan3A_30, %sign3A_34 : i32
      %sign3A_36 = arith.extui %sign3A_35 : i1 to i32
      %sign3A_37 = arith.subi %sign3A_33, %sign3A_36 : i32
      %sign3A_38 = arith.constant 0 : i32
      %sign3A_39 = arith.cmpi sgt, %jit3A, %sign3A_38 : i32
      %sign3A_40 = arith.extui %sign3A_39 : i1 to i32
      %sign3A_41 = arith.constant 0 : i32
      %sign3A_42 = arith.cmpi slt, %jit3A, %sign3A_41 : i32
      %sign3A_43 = arith.extui %sign3A_42 : i1 to i32
      %sign3A_44 = arith.subi %sign3A_40, %sign3A_43 : i32
      %ne3A = arith.cmpi ne, %sign3A_37, %sign3A_44 : i32
      %rem3A = arith.remsi %scan3A_30, %jit3A : i32
      %ne3A_45 = arith.constant 0 : i32
      %ne3A_46 = arith.cmpi ne, %rem3A, %ne3A_45 : i32
      %and3A = arith.andi %ne3A, %ne3A_46 : i1
      %sub3A = arith.constant 1 : i32
      %sub3A_47 = arith.subi %div3A, %sub3A : i32
      %select_n3A = arith.select %and3A, %sub3A_47, %div3A : i32
      %jit3A_48 = arith.constant 8 : i32
      %eq3A = arith.constant 0 : i32
      %eq3A_49 = arith.cmpi eq, %jit3A_48, %eq3A : i32
      %jit3A_50 = arith.constant 1 : i32
      %select_n3A_51 = arith.select %eq3A_49, %jit3A_50, %jit3A_48 : i32
      %rem3A_52 = arith.remsi %scan3A_30, %select_n3A_51 : i32
      %ne3A_53 = arith.constant 0 : i32
      %ne3A_54 = arith.cmpi ne, %rem3A_52, %ne3A_53 : i32
      %lt3A = arith.constant 0 : i32
      %lt3A_55 = arith.cmpi slt, %rem3A_52, %lt3A : i32
      %lt3A_56 = arith.constant 0 : i32
      %lt3A_57 = arith.cmpi slt, %select_n3A_51, %lt3A_56 : i32
      %ne3A_58 = arith.xori %lt3A_55, %lt3A_57 : i1
      %and3A_59 = arith.andi %ne3A_58, %ne3A_54 : i1
      %add3A_60 = arith.addi %rem3A_52, %select_n3A_51 : i32
      %select_n3A_61 = arith.select %and3A_59, %add3A_60, %rem3A_52 : i32
      %mul3A_62 = arith.constant 16 : i32
      %mul3A_63 = arith.muli %select_n3A_61, %mul3A_62 : i32
      %swap3A = arith.index_cast %select_n3A : i32 to index
      %swap3A_64 = arith.index_cast %mul3A_63 : i32 to index
      %swap3A_65 = tpu.vector_load %arg10[%swap3A, %swap3A_64] {strides = array<i32>} : memref<128x128xf32, #tpu.memory_space<vmem>>, vector<1x16xf32>,
      %swap3A_66 = vector.shape_cast %swap3A_65 : vector<1x16xf32> to vector<16xf32>
      %swap3A_67 = vector.shape_cast %broadcast_in_dim3A_31 : vector<16xf32> to vector<1x16xf32>
      tpu.vector_store %arg10[%swap3A, %swap3A_64], %swap3A_67 {strides = array<i32>} : memref<128x128xf32, #tpu.memory_space<vmem>>, vector<1x16xf32>,
    }
    %scan3A_4 = arith.constant 1024 : i32
    %scan3A_5 = arith.constant 0 : i32
    %scan3A_6 = arith.constant 8 : i32
    %scan3A_7 = arith.addi %scan3A_5, %scan3A_6 : i32
    %scan3A_8 = arith.constant 1 : i32
    scf.for %scan3A_30 = %scan3A_5 to %scan3A_7 step %scan3A_8  : i32 {
      %broadcast_in_dim3A = arith.constant 1.000000e+00 : f32
      %broadcast_in_dim3A_31 = vector.broadcast %broadcast_in_dim3A : f32 to vector<16xf32>
      %mul3A_32 = arith.constant 16 : i32
      %mul3A_33 = arith.muli %scan3A_30, %mul3A_32 : i32
      %swap3A = arith.index_cast %mul3A_33 : i32 to index
      %swap3A_34 = tpu.vector_load %arg15[%swap3A] {strides = array<i32>} : memref<128xf32, #tpu.memory_space<vmem>>, vector<16xf32>,
      %swap3A_35 = vector.shape_cast %swap3A_34 : vector<16xf32> to vector<16xf32>
      %swap3A_36 = vector.shape_cast %broadcast_in_dim3A_31 : vector<16xf32> to vector<16xf32>
      tpu.vector_store %arg15[%swap3A], %swap3A_36 {strides = array<i32>} : memref<128xf32, #tpu.memory_space<vmem>>, vector<16xf32>,
      %broadcast_in_dim3A_37 = arith.constant 0.000000e+00 : f32
      %broadcast_in_dim3A_38 = vector.broadcast %broadcast_in_dim3A_37 : f32 to vector<16xf32>
      %mul3A_39 = arith.constant 16 : i32
      %mul3A_40 = arith.muli %scan3A_30, %mul3A_39 : i32
      %swap3A_41 = arith.index_cast %mul3A_40 : i32 to index
      %swap3A_42 = tpu.vector_load %arg16[%swap3A_41] {strides = array<i32>} : memref<128xf32, #tpu.memory_space<vmem>>, vector<16xf32>,
      %swap3A_43 = vector.shape_cast %swap3A_42 : vector<16xf32> to vector<16xf32>
      %swap3A_44 = vector.shape_cast %broadcast_in_dim3A_38 : vector<16xf32> to vector<16xf32>
      tpu.vector_store %arg16[%swap3A_41], %swap3A_44 {strides = array<i32>} : memref<128xf32, #tpu.memory_space<vmem>>, vector<16xf32>,
    }
    %scan3A_9 = arith.constant 8 : i32
    %mul3A_10 = arith.constant 640 : i32
    %mul3A_11 = arith.muli %arg1, %mul3A_10 : i32
    %scan3A_12 = arith.constant 0 : i32
    %scan3A_13 = arith.constant 5 : i32
    %scan3A_14 = arith.addi %scan3A_12, %scan3A_13 : i32
    %scan3A_15 = arith.constant 1 : i32
    scf.for %scan3A_30 = %scan3A_12 to %scan3A_14 step %scan3A_15  : i32 {
      %mul3A_31 = arith.constant 128 : i32
      %mul3A_32 = arith.muli %scan3A_30, %mul3A_31 : i32
      %add3A_33 = arith.addi %mul3A_11, %mul3A_32 : i32
      "tpu.region"() ({
        %run_scoped3A = tpu.sem_alloc : memref<!tpu.dma_semaphore, #tpu.memory_space<semaphore_mem>>
        %dma_start3A = arith.constant 0 : i32
        %dma_start3A_34 = tpu.memref_slice %arg7[%add3A_33, %dma_start3A] : memref<10240x128xf32, #tpu.memory_space<vmem_shared>> -> memref<128x128xf32, #tpu.memory_space<vmem_shared>>
        %dma_start3A_35 = arith.constant 0 : i32
        %dma_start3A_36 = tpu.memref_slice %arg7[%add3A_33, %dma_start3A_35] : memref<10240x128xf32, #tpu.memory_space<vmem_shared>> -> memref<128x128xf32, #tpu.memory_space<vmem_shared>>
        tpu.enqueue_dma source(%arg10 : memref<128x128xf32, #tpu.memory_space<vmem>>) target(%dma_start3A_36 : memref<128x128xf32, #tpu.memory_space<vmem_shared>>) target_semaphore(%run_scoped3A : memref<!tpu.dma_semaphore, #tpu.memory_space<semaphore_mem>>)
        %dma_wait3A = arith.constant 0 : i32
        %dma_wait3A_37 = tpu.memref_slice %arg7[%add3A_33, %dma_wait3A] : memref<10240x128xf32, #tpu.memory_space<vmem_shared>> -> memref<128x128xf32, #tpu.memory_space<vmem_shared>>
        %dma_wait3A_38 = arith.constant 0 : i32
        %dma_wait3A_39 = tpu.memref_slice %arg7[%add3A_33, %dma_wait3A_38] : memref<10240x128xf32, #tpu.memory_space<vmem_shared>> -> memref<128x128xf32, #tpu.memory_space<vmem_shared>>
        tpu.wait_dma2 semaphore(%run_scoped3A : memref<!tpu.dma_semaphore, #tpu.memory_space<semaphore_mem>>) src(%arg10 : memref<128x128xf32, #tpu.memory_space<vmem>>) dst(%dma_wait3A_39 : memref<128x128xf32, #tpu.memory_space<vmem_shared>>)
        tpu.yield
      }) : () -> ()
    }
    %scan3A_16 = arith.constant 5 : i32
    %scan3A_17 = arith.constant 0 : i32
    %scan3A_18 = arith.constant 5 : i32
    %scan3A_19 = arith.addi %scan3A_17, %scan3A_18 : i32
    %scan3A_20 = arith.constant 1 : i32
    scf.for %scan3A_30 = %scan3A_17 to %scan3A_19 step %scan3A_20  : i32 {
      %mul3A_31 = arith.constant 128 : i32
      %mul3A_32 = arith.muli %scan3A_30, %mul3A_31 : i32
      %add3A_33 = arith.addi %mul3A_11, %mul3A_32 : i32
      "tpu.region"() ({
        %run_scoped3A = tpu.sem_alloc : memref<!tpu.dma_semaphore, #tpu.memory_space<semaphore_mem>>
        %dma_start3A = tpu.memref_slice %arg14[%add3A_33] : memref<10240xf32, #tpu.memory_space<vmem_shared>> -> memref<128xf32, #tpu.memory_space<vmem_shared>>
        %dma_start3A_34 = tpu.memref_slice %arg14[%add3A_33] : memref<10240xf32, #tpu.memory_space<vmem_shared>> -> memref<128xf32, #tpu.memory_space<vmem_shared>>
        tpu.enqueue_dma source(%arg16 : memref<128xf32, #tpu.memory_space<vmem>>) target(%dma_start3A_34 : memref<128xf32, #tpu.memory_space<vmem_shared>>) target_semaphore(%run_scoped3A : memref<!tpu.dma_semaphore, #tpu.memory_space<semaphore_mem>>)
        %dma_wait3A = tpu.memref_slice %arg14[%add3A_33] : memref<10240xf32, #tpu.memory_space<vmem_shared>> -> memref<128xf32, #tpu.memory_space<vmem_shared>>
        %dma_wait3A_35 = tpu.memref_slice %arg14[%add3A_33] : memref<10240xf32, #tpu.memory_space<vmem_shared>> -> memref<128xf32, #tpu.memory_space<vmem_shared>>
        tpu.wait_dma2 semaphore(%run_scoped3A : memref<!tpu.dma_semaphore, #tpu.memory_space<semaphore_mem>>) src(%arg16 : memref<128xf32, #tpu.memory_space<vmem>>) dst(%dma_wait3A_35 : memref<128xf32, #tpu.memory_space<vmem_shared>>)
        tpu.yield
      }) : () -> ()
    }
    %scan3A_21 = arith.constant 5 : i32
    %barrier3A = arith.constant 0 : index
    tpu.barrier barrier_id(%barrier3A)
    %mul3A_22 = arith.constant 80 : i32
    %mul3A_23 = arith.muli %add3A, %mul3A_22 : i32
    %scan3A_24 = arith.constant 0 : i32
    %scan3A_25 = arith.constant 2 : i32
    %scan3A_26 = arith.addi %scan3A_24, %scan3A_25 : i32
    %scan3A_27 = arith.constant 1 : i32
    scf.for %scan3A_30 = %scan3A_24 to %scan3A_26 step %scan3A_27  : i32 {
      %mul3A_31 = arith.constant 40 : i32
      %mul3A_32 = arith.muli %scan3A_30, %mul3A_31 : i32
      %add3A_33 = arith.addi %mul3A_23, %mul3A_32 : i32
      "tpu.region"() ({
        %run_scoped3A = tpu.sem_alloc : memref<!tpu.dma_semaphore, #tpu.memory_space<semaphore_mem>>
        %dma_start3A_55 = arith.constant 0 : i32
        %dma_start3A_56 = tpu.memref_slice %arg3[%add3A_33, %dma_start3A_55] : memref<2560x128xi32, #tpu.memory_space<hbm>> -> memref<40x128xi32, #tpu.memory_space<hbm>>
        %dma_start3A_57 = arith.constant 0 : i32
        %dma_start3A_58 = tpu.memref_slice %arg3[%add3A_33, %dma_start3A_57] : memref<2560x128xi32, #tpu.memory_space<hbm>> -> memref<40x128xi32, #tpu.memory_space<hbm>>
        tpu.enqueue_dma source(%dma_start3A_58 : memref<40x128xi32, #tpu.memory_space<hbm>>) target(%arg8 : memref<40x128xi32, #tpu.memory_space<vmem>>) target_semaphore(%run_scoped3A : memref<!tpu.dma_semaphore, #tpu.memory_space<semaphore_mem>>)
        %dma_wait3A = arith.constant 0 : i32
        %dma_wait3A_59 = tpu.memref_slice %arg3[%add3A_33, %dma_wait3A] : memref<2560x128xi32, #tpu.memory_space<hbm>> -> memref<40x128xi32, #tpu.memory_space<hbm>>
        %dma_wait3A_60 = arith.constant 0 : i32
        %dma_wait3A_61 = tpu.memref_slice %arg3[%add3A_33, %dma_wait3A_60] : memref<2560x128xi32, #tpu.memory_space<hbm>> -> memref<40x128xi32, #tpu.memory_space<hbm>>
        tpu.wait_dma2 semaphore(%run_scoped3A : memref<!tpu.dma_semaphore, #tpu.memory_space<semaphore_mem>>) src(%dma_wait3A_61 : memref<40x128xi32, #tpu.memory_space<hbm>>) dst(%arg8 : memref<40x128xi32, #tpu.memory_space<vmem>>)
        tpu.yield
      }) : () -> ()
      %mul3A_34 = arith.constant 40 : i32
      %mul3A_35 = arith.muli %scan3A_30, %mul3A_34 : i32
      %add3A_36 = arith.addi %mul3A_23, %mul3A_35 : i32
      "tpu.region"() ({
        %run_scoped3A = tpu.sem_alloc : memref<!tpu.dma_semaphore, #tpu.memory_space<semaphore_mem>>
        %dma_start3A_55 = arith.constant 0 : i32
        %dma_start3A_56 = tpu.memref_slice %arg4[%add3A_36, %dma_start3A_55] : memref<2560x128xi32, #tpu.memory_space<hbm>> -> memref<40x128xi32, #tpu.memory_space<hbm>>
        %dma_start3A_57 = arith.constant 0 : i32
        %dma_start3A_58 = tpu.memref_slice %arg4[%add3A_36, %dma_start3A_57] : memref<2560x128xi32, #tpu.memory_space<hbm>> -> memref<40x128xi32, #tpu.memory_space<hbm>>
        tpu.enqueue_dma source(%dma_start3A_58 : memref<40x128xi32, #tpu.memory_space<hbm>>) target(%arg9 : memref<40x128xi32, #tpu.memory_space<vmem>>) target_semaphore(%run_scoped3A : memref<!tpu.dma_semaphore, #tpu.memory_space<semaphore_mem>>)
        %dma_wait3A = arith.constant 0 : i32
        %dma_wait3A_59 = tpu.memref_slice %arg4[%add3A_36, %dma_wait3A] : memref<2560x128xi32, #tpu.memory_space<hbm>> -> memref<40x128xi32, #tpu.memory_space<hbm>>
        %dma_wait3A_60 = arith.constant 0 : i32
        %dma_wait3A_61 = tpu.memref_slice %arg4[%add3A_36, %dma_wait3A_60] : memref<2560x128xi32, #tpu.memory_space<hbm>> -> memref<40x128xi32, #tpu.memory_space<hbm>>
        tpu.wait_dma2 semaphore(%run_scoped3A : memref<!tpu.dma_semaphore, #tpu.memory_space<semaphore_mem>>) src(%dma_wait3A_61 : memref<40x128xi32, #tpu.memory_space<hbm>>) dst(%arg9 : memref<40x128xi32, #tpu.memory_space<vmem>>)
        tpu.yield
      }) : () -> ()
      %dma_start3A = arith.constant 0 : i32
      %dma_start3A_37 = arith.constant 0 : i32
      %dma_start3A_38 = tpu.memref_slice %arg8[%dma_start3A, %dma_start3A_37] : memref<40x128xi32, #tpu.memory_space<vmem>> -> memref<1x128xi32, #tpu.memory_space<vmem>>
      %dma_start3A_39 = tpu.memref_squeeze %dma_start3A_38 : memref<1x128xi32, #tpu.memory_space<vmem>> -> memref<128xi32, #tpu.memory_space<vmem>>
      %dma_start3A_40 = arith.constant 0 : i32
      %dma_start3A_41 = arith.constant 0 : i32
      %dma_start3A_42 = tpu.memref_slice %arg2[%dma_start3A_40, %dma_start3A_41] : memref<10000x128xf32, #tpu.memory_space<hbm>> -> memref<10000x128xf32, #tpu.memory_space<hbm>>
      tpu.enqueue_indirect_dma source(%dma_start3A_42 : memref<10000x128xf32, #tpu.memory_space<hbm>>) target(%arg10 : memref<128x128xf32, #tpu.memory_space<vmem>>) offsets(%dma_start3A_39 : memref<128xi32, #tpu.memory_space<vmem>>) semaphore(%arg12 : memref<!tpu.dma_semaphore, #tpu.memory_space<semaphore_mem>>)
      %dma_start3A_43 = arith.constant 1 : i32
      %dma_start3A_44 = arith.constant 0 : i32
      %dma_start3A_45 = tpu.memref_slice %arg8[%dma_start3A_43, %dma_start3A_44] : memref<40x128xi32, #tpu.memory_space<vmem>> -> memref<1x128xi32, #tpu.memory_space<vmem>>
      %dma_start3A_46 = tpu.memref_squeeze %dma_start3A_45 : memref<1x128xi32, #tpu.memory_space<vmem>> -> memref<128xi32, #tpu.memory_space<vmem>>
      %dma_start3A_47 = arith.constant 0 : i32
      %dma_start3A_48 = arith.constant 0 : i32
      %dma_start3A_49 = tpu.memref_slice %arg2[%dma_start3A_47, %dma_start3A_48] : memref<10000x128xf32, #tpu.memory_space<hbm>> -> memref<10000x128xf32, #tpu.memory_space<hbm>>
      tpu.enqueue_indirect_dma source(%dma_start3A_49 : memref<10000x128xf32, #tpu.memory_space<hbm>>) target(%arg11 : memref<128x128xf32, #tpu.memory_space<vmem>>) offsets(%dma_start3A_46 : memref<128xi32, #tpu.memory_space<vmem>>) semaphore(%arg13 : memref<!tpu.dma_semaphore, #tpu.memory_space<semaphore_mem>>)
      %scan3A_50 = arith.constant 0 : i32
      %scan3A_51 = arith.constant 20 : i32
      %scan3A_52 = arith.addi %scan3A_50, %scan3A_51 : i32
      %scan3A_53 = arith.constant 1 : i32
      scf.for %scan3A_55 = %scan3A_50 to %scan3A_52 step %scan3A_53  : i32 {
        %mul3A_56 = arith.constant 2 : i32
        %mul3A_57 = arith.muli %mul3A_56, %scan3A_55 : i32
        %dma_wait3A = arith.constant 0 : i32
        %dma_wait3A_58 = tpu.memref_slice %arg8[%mul3A_57, %dma_wait3A] : memref<40x128xi32, #tpu.memory_space<vmem>> -> memref<1x128xi32, #tpu.memory_space<vmem>>
        %dma_wait3A_59 = tpu.memref_squeeze %dma_wait3A_58 : memref<1x128xi32, #tpu.memory_space<vmem>> -> memref<128xi32, #tpu.memory_space<vmem>>
        %dma_wait3A_60 = arith.constant 0 : i32
        %dma_wait3A_61 = arith.constant 0 : i32
        %dma_wait3A_62 = tpu.memref_slice %arg2[%dma_wait3A_60, %dma_wait3A_61] : memref<10000x128xf32, #tpu.memory_space<hbm>> -> memref<10000x128xf32, #tpu.memory_space<hbm>>
        tpu.wait_indirect_dma semaphore(%arg12 : memref<!tpu.dma_semaphore, #tpu.memory_space<semaphore_mem>>) src(%dma_wait3A_62 : memref<10000x128xf32, #tpu.memory_space<hbm>>) dst(%arg10 : memref<128x128xf32, #tpu.memory_space<vmem>>)
        "tpu.region"() ({
          %run_scoped3A = tpu.sem_alloc : memref<!tpu.dma_semaphore, #tpu.memory_space<semaphore_mem>>
          %dma_start3A_86 = arith.constant 0 : i32
          %dma_start3A_87 = tpu.memref_slice %arg9[%mul3A_57, %dma_start3A_86] : memref<40x128xi32, #tpu.memory_space<vmem>> -> memref<1x128xi32, #tpu.memory_space<vmem>>
          %dma_start3A_88 = tpu.memref_squeeze %dma_start3A_87 : memref<1x128xi32, #tpu.memory_space<vmem>> -> memref<128xi32, #tpu.memory_space<vmem>>
          %dma_start3A_89 = arith.constant 0 : i32
          %dma_start3A_90 = arith.constant 0 : i32
          %dma_start3A_91 = tpu.memref_slice %arg7[%dma_start3A_89, %dma_start3A_90] : memref<10240x128xf32, #tpu.memory_space<vmem_shared>> -> memref<10240x128xf32, #tpu.memory_space<vmem_shared>>
          tpu.enqueue_indirect_dma source(%arg10 : memref<128x128xf32, #tpu.memory_space<vmem>>) target(%dma_start3A_91 : memref<10240x128xf32, #tpu.memory_space<vmem_shared>>) offsets(%dma_start3A_88 : memref<128xi32, #tpu.memory_space<vmem>>) semaphore(%run_scoped3A : memref<!tpu.dma_semaphore, #tpu.memory_space<semaphore_mem>>) {add = true}
          %dma_wait3A_92 = arith.constant 0 : i32
          %dma_wait3A_93 = tpu.memref_slice %arg9[%mul3A_57, %dma_wait3A_92] : memref<40x128xi32, #tpu.memory_space<vmem>> -> memref<1x128xi32, #tpu.memory_space<vmem>>
          %dma_wait3A_94 = tpu.memref_squeeze %dma_wait3A_93 : memref<1x128xi32, #tpu.memory_space<vmem>> -> memref<128xi32, #tpu.memory_space<vmem>>
          %dma_wait3A_95 = arith.constant 0 : i32
          %dma_wait3A_96 = arith.constant 0 : i32
          %dma_wait3A_97 = tpu.memref_slice %arg7[%dma_wait3A_95, %dma_wait3A_96] : memref<10240x128xf32, #tpu.memory_space<vmem_shared>> -> memref<10240x128xf32, #tpu.memory_space<vmem_shared>>
          tpu.wait_indirect_dma semaphore(%run_scoped3A : memref<!tpu.dma_semaphore, #tpu.memory_space<semaphore_mem>>) src(%arg10 : memref<128x128xf32, #tpu.memory_space<vmem>>) dst(%dma_wait3A_97 : memref<10240x128xf32, #tpu.memory_space<vmem_shared>>)
          tpu.yield
        }) : () -> ()
        "tpu.region"() ({
          %run_scoped3A = tpu.sem_alloc : memref<!tpu.dma_semaphore, #tpu.memory_space<semaphore_mem>>
          %dma_start3A_86 = arith.constant 0 : i32
          %dma_start3A_87 = tpu.memref_slice %arg9[%mul3A_57, %dma_start3A_86] : memref<40x128xi32, #tpu.memory_space<vmem>> -> memref<1x128xi32, #tpu.memory_space<vmem>>
          %dma_start3A_88 = tpu.memref_squeeze %dma_start3A_87 : memref<1x128xi32, #tpu.memory_space<vmem>> -> memref<128xi32, #tpu.memory_space<vmem>>
          %dma_start3A_89 = arith.constant 0 : i32
          %dma_start3A_90 = tpu.memref_slice %arg14[%dma_start3A_89] : memref<10240xf32, #tpu.memory_space<vmem_shared>> -> memref<10240xf32, #tpu.memory_space<vmem_shared>>
          tpu.enqueue_indirect_dma source(%arg15 : memref<128xf32, #tpu.memory_space<vmem>>) target(%dma_start3A_90 : memref<10240xf32, #tpu.memory_space<vmem_shared>>) offsets(%dma_start3A_88 : memref<128xi32, #tpu.memory_space<vmem>>) semaphore(%run_scoped3A : memref<!tpu.dma_semaphore, #tpu.memory_space<semaphore_mem>>) {add = true}
          %dma_wait3A_91 = arith.constant 0 : i32
          %dma_wait3A_92 = tpu.memref_slice %arg9[%mul3A_57, %dma_wait3A_91] : memref<40x128xi32, #tpu.memory_space<vmem>> -> memref<1x128xi32, #tpu.memory_space<vmem>>
          %dma_wait3A_93 = tpu.memref_squeeze %dma_wait3A_92 : memref<1x128xi32, #tpu.memory_space<vmem>> -> memref<128xi32, #tpu.memory_space<vmem>>
          %dma_wait3A_94 = arith.constant 0 : i32
          %dma_wait3A_95 = tpu.memref_slice %arg14[%dma_wait3A_94] : memref<10240xf32, #tpu.memory_space<vmem_shared>> -> memref<10240xf32, #tpu.memory_space<vmem_shared>>
          tpu.wait_indirect_dma semaphore(%run_scoped3A : memref<!tpu.dma_semaphore, #tpu.memory_space<semaphore_mem>>) src(%arg15 : memref<128xf32, #tpu.memory_space<vmem>>) dst(%dma_wait3A_95 : memref<10240xf32, #tpu.memory_space<vmem_shared>>)
          tpu.yield
        }) : () -> ()
        %add3A_63 = arith.constant 2 : i32
        %add3A_64 = arith.addi %mul3A_57, %add3A_63 : i32
        %lt3A = arith.constant 40 : i32
        %lt3A_65 = arith.cmpi slt, %add3A_64, %lt3A : i32
        %convert_element_type3A = arith.extui %lt3A_65 : i1 to i32
        %cond3A = arith.constant 0 : i32
        %cond3A_66 = arith.cmpi ne, %convert_element_type3A, %cond3A : i32
        scf.if %cond3A_66 {
          %add3A_86 = arith.constant 2 : i32
          %add3A_87 = arith.addi %mul3A_57, %add3A_86 : i32
          %dma_start3A_88 = arith.constant 0 : i32
          %dma_start3A_89 = tpu.memref_slice %arg8[%add3A_87, %dma_start3A_88] : memref<40x128xi32, #tpu.memory_space<vmem>> -> memref<1x128xi32, #tpu.memory_space<vmem>>
          %dma_start3A_90 = tpu.memref_squeeze %dma_start3A_89 : memref<1x128xi32, #tpu.memory_space<vmem>> -> memref<128xi32, #tpu.memory_space<vmem>>
          %dma_start3A_91 = arith.constant 0 : i32
          %dma_start3A_92 = arith.constant 0 : i32
          %dma_start3A_93 = tpu.memref_slice %arg2[%dma_start3A_91, %dma_start3A_92] : memref<10000x128xf32, #tpu.memory_space<hbm>> -> memref<10000x128xf32, #tpu.memory_space<hbm>>
          tpu.enqueue_indirect_dma source(%dma_start3A_93 : memref<10000x128xf32, #tpu.memory_space<hbm>>) target(%arg10 : memref<128x128xf32, #tpu.memory_space<vmem>>) offsets(%dma_start3A_90 : memref<128xi32, #tpu.memory_space<vmem>>) semaphore(%arg12 : memref<!tpu.dma_semaphore, #tpu.memory_space<semaphore_mem>>)
        } else {
        }
        %add3A_67 = arith.constant 1 : i32
        %add3A_68 = arith.addi %mul3A_57, %add3A_67 : i32
        %dma_wait3A_69 = arith.constant 0 : i32
        %dma_wait3A_70 = tpu.memref_slice %arg8[%add3A_68, %dma_wait3A_69] : memref<40x128xi32, #tpu.memory_space<vmem>> -> memref<1x128xi32, #tpu.memory_space<vmem>>
        %dma_wait3A_71 = tpu.memref_squeeze %dma_wait3A_70 : memref<1x128xi32, #tpu.memory_space<vmem>> -> memref<128xi32, #tpu.memory_space<vmem>>
        %dma_wait3A_72 = arith.constant 0 : i32
        %dma_wait3A_73 = arith.constant 0 : i32
        %dma_wait3A_74 = tpu.memref_slice %arg2[%dma_wait3A_72, %dma_wait3A_73] : memref<10000x128xf32, #tpu.memory_space<hbm>> -> memref<10000x128xf32, #tpu.memory_space<hbm>>
        tpu.wait_indirect_dma semaphore(%arg13 : memref<!tpu.dma_semaphore, #tpu.memory_space<semaphore_mem>>) src(%dma_wait3A_74 : memref<10000x128xf32, #tpu.memory_space<hbm>>) dst(%arg11 : memref<128x128xf32, #tpu.memory_space<vmem>>)
        %add3A_75 = arith.constant 1 : i32
        %add3A_76 = arith.addi %mul3A_57, %add3A_75 : i32
        "tpu.region"() ({
          %run_scoped3A = tpu.sem_alloc : memref<!tpu.dma_semaphore, #tpu.memory_space<semaphore_mem>>
          %dma_start3A_86 = arith.constant 0 : i32
          %dma_start3A_87 = tpu.memref_slice %arg9[%add3A_76, %dma_start3A_86] : memref<40x128xi32, #tpu.memory_space<vmem>> -> memref<1x128xi32, #tpu.memory_space<vmem>>
          %dma_start3A_88 = tpu.memref_squeeze %dma_start3A_87 : memref<1x128xi32, #tpu.memory_space<vmem>> -> memref<128xi32, #tpu.memory_space<vmem>>
          %dma_start3A_89 = arith.constant 0 : i32
          %dma_start3A_90 = arith.constant 0 : i32
          %dma_start3A_91 = tpu.memref_slice %arg7[%dma_start3A_89, %dma_start3A_90] : memref<10240x128xf32, #tpu.memory_space<vmem_shared>> -> memref<10240x128xf32, #tpu.memory_space<vmem_shared>>
          tpu.enqueue_indirect_dma source(%arg11 : memref<128x128xf32, #tpu.memory_space<vmem>>) target(%dma_start3A_91 : memref<10240x128xf32, #tpu.memory_space<vmem_shared>>) offsets(%dma_start3A_88 : memref<128xi32, #tpu.memory_space<vmem>>) semaphore(%run_scoped3A : memref<!tpu.dma_semaphore, #tpu.memory_space<semaphore_mem>>) {add = true}
          %dma_wait3A_92 = arith.constant 0 : i32
          %dma_wait3A_93 = tpu.memref_slice %arg9[%add3A_76, %dma_wait3A_92] : memref<40x128xi32, #tpu.memory_space<vmem>> -> memref<1x128xi32, #tpu.memory_space<vmem>>
          %dma_wait3A_94 = tpu.memref_squeeze %dma_wait3A_93 : memref<1x128xi32, #tpu.memory_space<vmem>> -> memref<128xi32, #tpu.memory_space<vmem>>
          %dma_wait3A_95 = arith.constant 0 : i32
          %dma_wait3A_96 = arith.constant 0 : i32
          %dma_wait3A_97 = tpu.memref_slice %arg7[%dma_wait3A_95, %dma_wait3A_96] : memref<10240x128xf32, #tpu.memory_space<vmem_shared>> -> memref<10240x128xf32, #tpu.memory_space<vmem_shared>>
          tpu.wait_indirect_dma semaphore(%run_scoped3A : memref<!tpu.dma_semaphore, #tpu.memory_space<semaphore_mem>>) src(%arg11 : memref<128x128xf32, #tpu.memory_space<vmem>>) dst(%dma_wait3A_97 : memref<10240x128xf32, #tpu.memory_space<vmem_shared>>)
          tpu.yield
        }) : () -> ()
        %add3A_77 = arith.constant 1 : i32
        %add3A_78 = arith.addi %mul3A_57, %add3A_77 : i32
        "tpu.region"() ({
          %run_scoped3A = tpu.sem_alloc : memref<!tpu.dma_semaphore, #tpu.memory_space<semaphore_mem>>
          %dma_start3A_86 = arith.constant 0 : i32
          %dma_start3A_87 = tpu.memref_slice %arg9[%add3A_78, %dma_start3A_86] : memref<40x128xi32, #tpu.memory_space<vmem>> -> memref<1x128xi32, #tpu.memory_space<vmem>>
          %dma_start3A_88 = tpu.memref_squeeze %dma_start3A_87 : memref<1x128xi32, #tpu.memory_space<vmem>> -> memref<128xi32, #tpu.memory_space<vmem>>
          %dma_start3A_89 = arith.constant 0 : i32
          %dma_start3A_90 = tpu.memref_slice %arg14[%dma_start3A_89] : memref<10240xf32, #tpu.memory_space<vmem_shared>> -> memref<10240xf32, #tpu.memory_space<vmem_shared>>
          tpu.enqueue_indirect_dma source(%arg15 : memref<128xf32, #tpu.memory_space<vmem>>) target(%dma_start3A_90 : memref<10240xf32, #tpu.memory_space<vmem_shared>>) offsets(%dma_start3A_88 : memref<128xi32, #tpu.memory_space<vmem>>) semaphore(%run_scoped3A : memref<!tpu.dma_semaphore, #tpu.memory_space<semaphore_mem>>) {add = true}
          %dma_wait3A_91 = arith.constant 0 : i32
          %dma_wait3A_92 = tpu.memref_slice %arg9[%add3A_78, %dma_wait3A_91] : memref<40x128xi32, #tpu.memory_space<vmem>> -> memref<1x128xi32, #tpu.memory_space<vmem>>
          %dma_wait3A_93 = tpu.memref_squeeze %dma_wait3A_92 : memref<1x128xi32, #tpu.memory_space<vmem>> -> memref<128xi32, #tpu.memory_space<vmem>>
          %dma_wait3A_94 = arith.constant 0 : i32
          %dma_wait3A_95 = tpu.memref_slice %arg14[%dma_wait3A_94] : memref<10240xf32, #tpu.memory_space<vmem_shared>> -> memref<10240xf32, #tpu.memory_space<vmem_shared>>
          tpu.wait_indirect_dma semaphore(%run_scoped3A : memref<!tpu.dma_semaphore, #tpu.memory_space<semaphore_mem>>) src(%arg15 : memref<128xf32, #tpu.memory_space<vmem>>) dst(%dma_wait3A_95 : memref<10240xf32, #tpu.memory_space<vmem_shared>>)
          tpu.yield
        }) : () -> ()
        %add3A_79 = arith.constant 3 : i32
        %add3A_80 = arith.addi %mul3A_57, %add3A_79 : i32
        %lt3A_81 = arith.constant 40 : i32
        %lt3A_82 = arith.cmpi slt, %add3A_80, %lt3A_81 : i32
        %convert_element_type3A_83 = arith.extui %lt3A_82 : i1 to i32
        %cond3A_84 = arith.constant 0 : i32
        %cond3A_85 = arith.cmpi ne, %convert_element_type3A_83, %cond3A_84 : i32
        scf.if %cond3A_85 {
          %add3A_86 = arith.constant 3 : i32
          %add3A_87 = arith.addi %mul3A_57, %add3A_86 : i32
          %dma_start3A_88 = arith.constant 0 : i32
          %dma_start3A_89 = tpu.memref_slice %arg8[%add3A_87, %dma_start3A_88] : memref<40x128xi32, #tpu.memory_space<vmem>> -> memref<1x128xi32, #tpu.memory_space<vmem>>
          %dma_start3A_90 = tpu.memref_squeeze %dma_start3A_89 : memref<1x128xi32, #tpu.memory_space<vmem>> -> memref<128xi32, #tpu.memory_space<vmem>>
          %dma_start3A_91 = arith.constant 0 : i32
          %dma_start3A_92 = arith.constant 0 : i32
          %dma_start3A_93 = tpu.memref_slice %arg2[%dma_start3A_91, %dma_start3A_92] : memref<10000x128xf32, #tpu.memory_space<hbm>> -> memref<10000x128xf32, #tpu.memory_space<hbm>>
          tpu.enqueue_indirect_dma source(%dma_start3A_93 : memref<10000x128xf32, #tpu.memory_space<hbm>>) target(%arg11 : memref<128x128xf32, #tpu.memory_space<vmem>>) offsets(%dma_start3A_90 : memref<128xi32, #tpu.memory_space<vmem>>) semaphore(%arg13 : memref<!tpu.dma_semaphore, #tpu.memory_space<semaphore_mem>>)
        } else {
        }
      }
      %scan3A_54 = arith.constant 20 : i32
    }
    %scan3A_28 = arith.constant 2 : i32
    %barrier3A_29 = arith.constant 0 : index
    tpu.barrier barrier_id(%barrier3A_29)
    "tpu.region"() ({
      %run_scoped3A = tpu.sem_alloc : memref<!tpu.dma_semaphore, #tpu.memory_space<semaphore_mem>>
      %dma_start3A = arith.constant 0 : i32
      %dma_start3A_30 = tpu.memref_slice %arg5[%arg0, %mul3A_11, %dma_start3A] : memref<2x10240x128xf32, #tpu.memory_space<hbm>> -> memref<1x640x128xf32, #tpu.memory_space<hbm>>
      %dma_start3A_31 = tpu.memref_squeeze %dma_start3A_30 : memref<1x640x128xf32, #tpu.memory_space<hbm>> -> memref<640x128xf32, #tpu.memory_space<hbm>>
      %dma_start3A_32 = arith.constant 0 : i32
      %dma_start3A_33 = tpu.memref_slice %arg7[%mul3A_11, %dma_start3A_32] : memref<10240x128xf32, #tpu.memory_space<vmem_shared>> -> memref<640x128xf32, #tpu.memory_space<vmem_shared>>
      tpu.enqueue_dma source(%dma_start3A_33 : memref<640x128xf32, #tpu.memory_space<vmem_shared>>) target(%dma_start3A_31 : memref<640x128xf32, #tpu.memory_space<hbm>>) target_semaphore(%run_scoped3A : memref<!tpu.dma_semaphore, #tpu.memory_space<semaphore_mem>>)
      %dma_wait3A = arith.constant 0 : i32
      %dma_wait3A_34 = tpu.memref_slice %arg5[%arg0, %mul3A_11, %dma_wait3A] : memref<2x10240x128xf32, #tpu.memory_space<hbm>> -> memref<1x640x128xf32, #tpu.memory_space<hbm>>
      %dma_wait3A_35 = tpu.memref_squeeze %dma_wait3A_34 : memref<1x640x128xf32, #tpu.memory_space<hbm>> -> memref<640x128xf32, #tpu.memory_space<hbm>>
      %dma_wait3A_36 = arith.constant 0 : i32
      %dma_wait3A_37 = tpu.memref_slice %arg7[%mul3A_11, %dma_wait3A_36] : memref<10240x128xf32, #tpu.memory_space<vmem_shared>> -> memref<640x128xf32, #tpu.memory_space<vmem_shared>>
      tpu.wait_dma2 semaphore(%run_scoped3A : memref<!tpu.dma_semaphore, #tpu.memory_space<semaphore_mem>>) src(%dma_wait3A_37 : memref<640x128xf32, #tpu.memory_space<vmem_shared>>) dst(%dma_wait3A_35 : memref<640x128xf32, #tpu.memory_space<hbm>>)
      tpu.yield
    }) : () -> ()
    "tpu.region"() ({
      %run_scoped3A = tpu.sem_alloc : memref<!tpu.dma_semaphore, #tpu.memory_space<semaphore_mem>>
      %dma_start3A = tpu.memref_slice %arg6[%arg0, %mul3A_11] : memref<2x10240xf32, #tpu.memory_space<hbm>> -> memref<1x640xf32, #tpu.memory_space<hbm>>
      %dma_start3A_30 = tpu.memref_squeeze %dma_start3A : memref<1x640xf32, #tpu.memory_space<hbm>> -> memref<640xf32, #tpu.memory_space<hbm>>
      %dma_start3A_31 = tpu.memref_slice %arg14[%mul3A_11] : memref<10240xf32, #tpu.memory_space<vmem_shared>> -> memref<640xf32, #tpu.memory_space<vmem_shared>>
      tpu.enqueue_dma source(%dma_start3A_31 : memref<640xf32, #tpu.memory_space<vmem_shared>>) target(%dma_start3A_30 : memref<640xf32, #tpu.memory_space<hbm>>) target_semaphore(%run_scoped3A : memref<!tpu.dma_semaphore, #tpu.memory_space<semaphore_mem>>)
      %dma_wait3A = tpu.memref_slice %arg6[%arg0, %mul3A_11] : memref<2x10240xf32, #tpu.memory_space<hbm>> -> memref<1x640xf32, #tpu.memory_space<hbm>>
      %dma_wait3A_32 = tpu.memref_squeeze %dma_wait3A : memref<1x640xf32, #tpu.memory_space<hbm>> -> memref<640xf32, #tpu.memory_space<hbm>>
      %dma_wait3A_33 = tpu.memref_slice %arg14[%mul3A_11] : memref<10240xf32, #tpu.memory_space<vmem_shared>> -> memref<640xf32, #tpu.memory_space<vmem_shared>>
      tpu.wait_dma2 semaphore(%run_scoped3A : memref<!tpu.dma_semaphore, #tpu.memory_space<semaphore_mem>>) src(%dma_wait3A_33 : memref<640xf32, #tpu.memory_space<vmem_shared>>) dst(%dma_wait3A_32 : memref<640xf32, #tpu.memory_space<hbm>>)
      tpu.yield
    }) : () -> ()
    return
  }
}

module attributes {stable_mosaic.version = 14 : i64} {
  func.func @body(%arg0: i32, %arg1: memref<5120x128xf32, #tpu.memory_space<vmem>>, %arg2: memref<128x128xf32, #tpu.memory_space<vmem>>, %arg3: memref<1x128xf32, #tpu.memory_space<vmem>>, %arg4: memref<5120x128xf32, #tpu.memory_space<vmem>>) attributes {dimension_semantics = [#tpu.dimension_semantics<arbitrary>], iteration_bounds = array<i64: 2>, scalar_prefetch = 0 : i64, scratch_operands = 0 : i64, tpu.core_type = #tpu.core_type<tc>, window_params = [{transform_indices = @transform_0, window_bounds = array<i64: 5120, 128>}, {pipeline_mode = #tpu.pipeline_mode<synchronous>, transform_indices = @transform_1, window_bounds = array<i64: 128, 128>}, {pipeline_mode = #tpu.pipeline_mode<synchronous>, transform_indices = @transform_2, window_bounds = array<i64: 1, 128>}, {transform_indices = @transform_3, window_bounds = array<i64: 5120, 128>}]} {
    %get3A = arith.constant 0 : index
    %get3A_0 = arith.constant 0 : index
    %get3A_1 = vector.load %arg1[%get3A, %get3A_0] : memref<5120x128xf32, #tpu.memory_space<vmem>>, vector<5120x128xf32>
    %get3A_2 = arith.constant 0 : index
    %get3A_3 = arith.constant 0 : index
    %get3A_4 = vector.load %arg2[%get3A_2, %get3A_3] : memref<128x128xf32, #tpu.memory_space<vmem>>, vector<128x128xf32>
    %dot_general3A = arith.constant dense<0.000000e+00> : vector<5120x128xf32>
    %dot_general3A_5 = tpu.matmul %get3A_1, %get3A_4, %dot_general3A {dimension_numbers = #tpu.dot_dimension_numbers<[1], [0], [0], [1], [0, 0, 1, 1], [], []>, transpose_lhs_hint = false} : vector<5120x128xf32>, vector<128x128xf32>, vector<5120x128xf32> -> vector<5120x128xf32>
    %get3A_6 = arith.constant 0 : index
    %get3A_7 = arith.constant 0 : index
    %get3A_8 = vector.load %arg3[%get3A_6, %get3A_7] : memref<1x128xf32, #tpu.memory_space<vmem>>, vector<1x128xf32>
    %add3A = vector.broadcast %get3A_8 : vector<1x128xf32> to vector<5120x128xf32>
    %add3A_9 = arith.addf %dot_general3A_5, %add3A : vector<5120x128xf32>
    %swap3A = arith.constant 0 : index
    %swap3A_10 = arith.constant 0 : index
    %swap3A_11 = vector.load %arg4[%swap3A, %swap3A_10] : memref<5120x128xf32, #tpu.memory_space<vmem>>, vector<5120x128xf32>
    tpu.vector_store %arg4[%swap3A, %swap3A_10], %add3A_9 {strides = array<i32>} : memref<5120x128xf32, #tpu.memory_space<vmem>>, vector<5120x128xf32>,
    return
  }
  func.func @transform_0(%arg0: i32) -> (i32, i32) {
    %c0_i32 = arith.constant 0 : i32
    %c0_i32_0 = arith.constant 0 : i32
    return %arg0, %c0_i32 : i32, i32
  }
  func.func @transform_1(%arg0: i32) -> (i32, i32) {
    %c0_i32 = arith.constant 0 : i32
    %c0_i32_0 = arith.constant 0 : i32
    %c0_i32_1 = arith.constant 0 : i32
    return %c0_i32, %c0_i32_0 : i32, i32
  }
  func.func @transform_2(%arg0: i32) -> (i32, i32) {
    %c0_i32 = arith.constant 0 : i32
    %c0_i32_0 = arith.constant 0 : i32
    %c0_i32_1 = arith.constant 0 : i32
    return %c0_i32, %c0_i32_0 : i32, i32
  }
  func.func @transform_3(%arg0: i32) -> (i32, i32) {
    %c0_i32 = arith.constant 0 : i32
    %c0_i32_0 = arith.constant 0 : i32
    return %arg0, %c0_i32 : i32, i32
  }
}

module attributes {stable_mosaic.version = 14 : i64} {
  func.func @body(%arg0: i32, %arg1: memref<2x5120x128xf32, #tpu.memory_space<vmem>>, %arg2: memref<2x80x128xf32, #tpu.memory_space<vmem>>, %arg3: memref<5120x128xf32, #tpu.memory_space<vmem>>, %arg4: memref<128x128xf32, #tpu.memory_space<vmem>>, %arg5: memref<5120x128xf32, #tpu.memory_space<vmem>>) attributes {dimension_semantics = [#tpu.dimension_semantics<arbitrary>], iteration_bounds = array<i64: 2>, scalar_prefetch = 0 : i64, scratch_operands = 0 : i64, tpu.core_type = #tpu.core_type<tc>, window_params = [{transform_indices = @transform_0, window_bounds = array<i64: 2, 5120, 128>}, {pipeline_mode = #tpu.pipeline_mode<synchronous>, transform_indices = @transform_1, window_bounds = array<i64: 2, 80, 128>}, {transform_indices = @transform_2, window_bounds = array<i64: 5120, 128>}, {pipeline_mode = #tpu.pipeline_mode<synchronous>, transform_indices = @transform_3, window_bounds = array<i64: 128, 128>}, {transform_indices = @transform_4, window_bounds = array<i64: 5120, 128>}]} {
    %get3A = arith.constant 0 : index
    %get3A_0 = arith.constant 0 : index
    %get3A_1 = arith.constant 0 : index
    %get3A_2 = vector.load %arg1[%get3A, %get3A_0, %get3A_1] : memref<2x5120x128xf32, #tpu.memory_space<vmem>>, vector<1x5120x128xf32>
    %get3A_3 = vector.shape_cast %get3A_2 : vector<1x5120x128xf32> to vector<5120x128xf32>
    %get3A_4 = arith.constant 1 : index
    %get3A_5 = arith.constant 0 : index
    %get3A_6 = arith.constant 0 : index
    %get3A_7 = vector.load %arg1[%get3A_4, %get3A_5, %get3A_6] : memref<2x5120x128xf32, #tpu.memory_space<vmem>>, vector<1x5120x128xf32>
    %get3A_8 = vector.shape_cast %get3A_7 : vector<1x5120x128xf32> to vector<5120x128xf32>
    %add3A = arith.addf %get3A_3, %get3A_8 : vector<5120x128xf32>
    %iota3A = tpu.iota {dimensions = array<i32: 0>} : vector<128x128xi32>
    %iota3A_9 = tpu.iota {dimensions = array<i32: 1>} : vector<128x128xi32>
    %eq3A = arith.cmpi eq, %iota3A, %iota3A_9 : vector<128x128xi32>
    %mul3A = arith.constant 40 : i32
    %mul3A_10 = arith.muli %arg0, %mul3A : i32
    %add3A_11 = arith.constant 0 : i32
    %add3A_12 = arith.addi %mul3A_10, %add3A_11 : i32
    %get3A_13 = arith.constant 0 : index
    %get3A_14 = arith.index_cast %add3A_12 : i32 to index
    %get3A_15 = arith.constant 0 : index
    %get3A_16 = vector.load %arg2[%get3A_13, %get3A_14, %get3A_15] : memref<2x80x128xf32, #tpu.memory_space<vmem>>, vector<1x1x128xf32>
    %get3A_17 = vector.shape_cast %get3A_16 : vector<1x1x128xf32> to vector<128xf32>
    %mul3A_18 = arith.constant 40 : i32
    %mul3A_19 = arith.muli %arg0, %mul3A_18 : i32
    %add3A_20 = arith.constant 0 : i32
    %add3A_21 = arith.addi %mul3A_19, %add3A_20 : i32
    %get3A_22 = arith.constant 1 : index
    %get3A_23 = arith.index_cast %add3A_21 : i32 to index
    %get3A_24 = arith.constant 0 : index
    %get3A_25 = vector.load %arg2[%get3A_22, %get3A_23, %get3A_24] : memref<2x80x128xf32, #tpu.memory_space<vmem>>, vector<1x1x128xf32>
    %get3A_26 = vector.shape_cast %get3A_25 : vector<1x1x128xf32> to vector<128xf32>
    %add3A_27 = arith.addf %get3A_17, %get3A_26 : vector<128xf32>
    %max3A = arith.constant 1.000000e+00 : f32
    %max3A_28 = vector.broadcast %max3A : f32 to vector<128xf32>
    %max3A_29 = arith.maximumf %add3A_27, %max3A_28 : vector<128xf32>
    %div3A = arith.constant 1.000000e+00 : f32
    %div3A_30 = vector.broadcast %div3A : f32 to vector<128xf32>
    %div3A_31 = arith.divf %div3A_30, %max3A_29 : vector<128xf32>
    %broadcast_in_dim3A = vector.shape_cast %div3A_31 : vector<128xf32> to vector<1x128xf32>
    %jit3A = arith.constant 0.000000e+00 : f32
    %broadcast_in_dim3A_32 = vector.shape_cast %broadcast_in_dim3A : vector<1x128xf32> to vector<1x128xf32>
    %broadcast_in_dim3A_33 = vector.broadcast %broadcast_in_dim3A_32 : vector<1x128xf32> to vector<128x128xf32>
    %broadcast_in_dim3A_34 = vector.broadcast %jit3A : f32 to vector<128x128xf32>
    %select_n3A = arith.select %eq3A, %broadcast_in_dim3A_33, %broadcast_in_dim3A_34 : vector<128x128xi1>, vector<128x128xf32>
    %slice3A = vector.extract_strided_slice %add3A {offsets = [0, 0], sizes = [128, 128], strides = [1, 1]} : vector<5120x128xf32> to vector<128x128xf32>
    %dot_general3A = arith.constant dense<0.000000e+00> : vector<128x128xf32>
    %dot_general3A_35 = tpu.matmul %select_n3A, %slice3A, %dot_general3A {dimension_numbers = #tpu.dot_dimension_numbers<[1], [0], [0], [1], [0, 0, 1, 1], [], []>, transpose_lhs_hint = false} : vector<128x128xf32>, vector<128x128xf32>, vector<128x128xf32> -> vector<128x128xf32>
    %mul3A_36 = arith.constant 40 : i32
    %mul3A_37 = arith.muli %arg0, %mul3A_36 : i32
    %add3A_38 = arith.constant 1 : i32
    %add3A_39 = arith.addi %mul3A_37, %add3A_38 : i32
    %get3A_40 = arith.constant 0 : index
    %get3A_41 = arith.index_cast %add3A_39 : i32 to index
    %get3A_42 = arith.constant 0 : index
    %get3A_43 = vector.load %arg2[%get3A_40, %get3A_41, %get3A_42] : memref<2x80x128xf32, #tpu.memory_space<vmem>>, vector<1x1x128xf32>
    %get3A_44 = vector.shape_cast %get3A_43 : vector<1x1x128xf32> to vector<128xf32>
    %mul3A_45 = arith.constant 40 : i32
    %mul3A_46 = arith.muli %arg0, %mul3A_45 : i32
    %add3A_47 = arith.constant 1 : i32
    %add3A_48 = arith.addi %mul3A_46, %add3A_47 : i32
    %get3A_49 = arith.constant 1 : index
    %get3A_50 = arith.index_cast %add3A_48 : i32 to index
    %get3A_51 = arith.constant 0 : index
    %get3A_52 = vector.load %arg2[%get3A_49, %get3A_50, %get3A_51] : memref<2x80x128xf32, #tpu.memory_space<vmem>>, vector<1x1x128xf32>
    %get3A_53 = vector.shape_cast %get3A_52 : vector<1x1x128xf32> to vector<128xf32>
    %add3A_54 = arith.addf %get3A_44, %get3A_53 : vector<128xf32>
    %max3A_55 = arith.constant 1.000000e+00 : f32
    %max3A_56 = vector.broadcast %max3A_55 : f32 to vector<128xf32>
    %max3A_57 = arith.maximumf %add3A_54, %max3A_56 : vector<128xf32>
    %div3A_58 = arith.constant 1.000000e+00 : f32
    %div3A_59 = vector.broadcast %div3A_58 : f32 to vector<128xf32>
    %div3A_60 = arith.divf %div3A_59, %max3A_57 : vector<128xf32>
    %broadcast_in_dim3A_61 = vector.shape_cast %div3A_60 : vector<128xf32> to vector<1x128xf32>
    %jit3A_62 = arith.constant 0.000000e+00 : f32
    %broadcast_in_dim3A_63 = vector.shape_cast %broadcast_in_dim3A_61 : vector<1x128xf32> to vector<1x128xf32>
    %broadcast_in_dim3A_64 = vector.broadcast %broadcast_in_dim3A_63 : vector<1x128xf32> to vector<128x128xf32>
    %broadcast_in_dim3A_65 = vector.broadcast %jit3A_62 : f32 to vector<128x128xf32>
    %select_n3A_66 = arith.select %eq3A, %broadcast_in_dim3A_64, %broadcast_in_dim3A_65 : vector<128x128xi1>, vector<128x128xf32>
    %slice3A_67 = vector.extract_strided_slice %add3A {offsets = [128, 0], sizes = [128, 128], strides = [1, 1]} : vector<5120x128xf32> to vector<128x128xf32>
    %dot_general3A_68 = arith.constant dense<0.000000e+00> : vector<128x128xf32>
    %dot_general3A_69 = tpu.matmul %select_n3A_66, %slice3A_67, %dot_general3A_68 {dimension_numbers = #tpu.dot_dimension_numbers<[1], [0], [0], [1], [0, 0, 1, 1], [], []>, transpose_lhs_hint = false} : vector<128x128xf32>, vector<128x128xf32>, vector<128x128xf32> -> vector<128x128xf32>
    %mul3A_70 = arith.constant 40 : i32
    %mul3A_71 = arith.muli %arg0, %mul3A_70 : i32
    %add3A_72 = arith.constant 2 : i32
    %add3A_73 = arith.addi %mul3A_71, %add3A_72 : i32
    %get3A_74 = arith.constant 0 : index
    %get3A_75 = arith.index_cast %add3A_73 : i32 to index
    %get3A_76 = arith.constant 0 : index
    %get3A_77 = vector.load %arg2[%get3A_74, %get3A_75, %get3A_76] : memref<2x80x128xf32, #tpu.memory_space<vmem>>, vector<1x1x128xf32>
    %get3A_78 = vector.shape_cast %get3A_77 : vector<1x1x128xf32> to vector<128xf32>
    %mul3A_79 = arith.constant 40 : i32
    %mul3A_80 = arith.muli %arg0, %mul3A_79 : i32
    %add3A_81 = arith.constant 2 : i32
    %add3A_82 = arith.addi %mul3A_80, %add3A_81 : i32
    %get3A_83 = arith.constant 1 : index
    %get3A_84 = arith.index_cast %add3A_82 : i32 to index
    %get3A_85 = arith.constant 0 : index
    %get3A_86 = vector.load %arg2[%get3A_83, %get3A_84, %get3A_85] : memref<2x80x128xf32, #tpu.memory_space<vmem>>, vector<1x1x128xf32>
    %get3A_87 = vector.shape_cast %get3A_86 : vector<1x1x128xf32> to vector<128xf32>
    %add3A_88 = arith.addf %get3A_78, %get3A_87 : vector<128xf32>
    %max3A_89 = arith.constant 1.000000e+00 : f32
    %max3A_90 = vector.broadcast %max3A_89 : f32 to vector<128xf32>
    %max3A_91 = arith.maximumf %add3A_88, %max3A_90 : vector<128xf32>
    %div3A_92 = arith.constant 1.000000e+00 : f32
    %div3A_93 = vector.broadcast %div3A_92 : f32 to vector<128xf32>
    %div3A_94 = arith.divf %div3A_93, %max3A_91 : vector<128xf32>
    %broadcast_in_dim3A_95 = vector.shape_cast %div3A_94 : vector<128xf32> to vector<1x128xf32>
    %jit3A_96 = arith.constant 0.000000e+00 : f32
    %broadcast_in_dim3A_97 = vector.shape_cast %broadcast_in_dim3A_95 : vector<1x128xf32> to vector<1x128xf32>
    %broadcast_in_dim3A_98 = vector.broadcast %broadcast_in_dim3A_97 : vector<1x128xf32> to vector<128x128xf32>
    %broadcast_in_dim3A_99 = vector.broadcast %jit3A_96 : f32 to vector<128x128xf32>
    %select_n3A_100 = arith.select %eq3A, %broadcast_in_dim3A_98, %broadcast_in_dim3A_99 : vector<128x128xi1>, vector<128x128xf32>
    %slice3A_101 = vector.extract_strided_slice %add3A {offsets = [256, 0], sizes = [128, 128], strides = [1, 1]} : vector<5120x128xf32> to vector<128x128xf32>
    %dot_general3A_102 = arith.constant dense<0.000000e+00> : vector<128x128xf32>
    %dot_general3A_103 = tpu.matmul %select_n3A_100, %slice3A_101, %dot_general3A_102 {dimension_numbers = #tpu.dot_dimension_numbers<[1], [0], [0], [1], [0, 0, 1, 1], [], []>, transpose_lhs_hint = false} : vector<128x128xf32>, vector<128x128xf32>, vector<128x128xf32> -> vector<128x128xf32>
    %mul3A_104 = arith.constant 40 : i32
    %mul3A_105 = arith.muli %arg0, %mul3A_104 : i32
    %add3A_106 = arith.constant 3 : i32
    %add3A_107 = arith.addi %mul3A_105, %add3A_106 : i32
    %get3A_108 = arith.constant 0 : index
    %get3A_109 = arith.index_cast %add3A_107 : i32 to index
    %get3A_110 = arith.constant 0 : index
    %get3A_111 = vector.load %arg2[%get3A_108, %get3A_109, %get3A_110] : memref<2x80x128xf32, #tpu.memory_space<vmem>>, vector<1x1x128xf32>
    %get3A_112 = vector.shape_cast %get3A_111 : vector<1x1x128xf32> to vector<128xf32>
    %mul3A_113 = arith.constant 40 : i32
    %mul3A_114 = arith.muli %arg0, %mul3A_113 : i32
    %add3A_115 = arith.constant 3 : i32
    %add3A_116 = arith.addi %mul3A_114, %add3A_115 : i32
    %get3A_117 = arith.constant 1 : index
    %get3A_118 = arith.index_cast %add3A_116 : i32 to index
    %get3A_119 = arith.constant 0 : index
    %get3A_120 = vector.load %arg2[%get3A_117, %get3A_118, %get3A_119] : memref<2x80x128xf32, #tpu.memory_space<vmem>>, vector<1x1x128xf32>
    %get3A_121 = vector.shape_cast %get3A_120 : vector<1x1x128xf32> to vector<128xf32>
    %add3A_122 = arith.addf %get3A_112, %get3A_121 : vector<128xf32>
    %max3A_123 = arith.constant 1.000000e+00 : f32
    %max3A_124 = vector.broadcast %max3A_123 : f32 to vector<128xf32>
    %max3A_125 = arith.maximumf %add3A_122, %max3A_124 : vector<128xf32>
    %div3A_126 = arith.constant 1.000000e+00 : f32
    %div3A_127 = vector.broadcast %div3A_126 : f32 to vector<128xf32>
    %div3A_128 = arith.divf %div3A_127, %max3A_125 : vector<128xf32>
    %broadcast_in_dim3A_129 = vector.shape_cast %div3A_128 : vector<128xf32> to vector<1x128xf32>
    %jit3A_130 = arith.constant 0.000000e+00 : f32
    %broadcast_in_dim3A_131 = vector.shape_cast %broadcast_in_dim3A_129 : vector<1x128xf32> to vector<1x128xf32>
    %broadcast_in_dim3A_132 = vector.broadcast %broadcast_in_dim3A_131 : vector<1x128xf32> to vector<128x128xf32>
    %broadcast_in_dim3A_133 = vector.broadcast %jit3A_130 : f32 to vector<128x128xf32>
    %select_n3A_134 = arith.select %eq3A, %broadcast_in_dim3A_132, %broadcast_in_dim3A_133 : vector<128x128xi1>, vector<128x128xf32>
    %slice3A_135 = vector.extract_strided_slice %add3A {offsets = [384, 0], sizes = [128, 128], strides = [1, 1]} : vector<5120x128xf32> to vector<128x128xf32>
    %dot_general3A_136 = arith.constant dense<0.000000e+00> : vector<128x128xf32>
    %dot_general3A_137 = tpu.matmul %select_n3A_134, %slice3A_135, %dot_general3A_136 {dimension_numbers = #tpu.dot_dimension_numbers<[1], [0], [0], [1], [0, 0, 1, 1], [], []>, transpose_lhs_hint = false} : vector<128x128xf32>, vector<128x128xf32>, vector<128x128xf32> -> vector<128x128xf32>
    %mul3A_138 = arith.constant 40 : i32
    %mul3A_139 = arith.muli %arg0, %mul3A_138 : i32
    %add3A_140 = arith.constant 4 : i32
    %add3A_141 = arith.addi %mul3A_139, %add3A_140 : i32
    %get3A_142 = arith.constant 0 : index
    %get3A_143 = arith.index_cast %add3A_141 : i32 to index
    %get3A_144 = arith.constant 0 : index
    %get3A_145 = vector.load %arg2[%get3A_142, %get3A_143, %get3A_144] : memref<2x80x128xf32, #tpu.memory_space<vmem>>, vector<1x1x128xf32>
    %get3A_146 = vector.shape_cast %get3A_145 : vector<1x1x128xf32> to vector<128xf32>
    %mul3A_147 = arith.constant 40 : i32
    %mul3A_148 = arith.muli %arg0, %mul3A_147 : i32
    %add3A_149 = arith.constant 4 : i32
    %add3A_150 = arith.addi %mul3A_148, %add3A_149 : i32
    %get3A_151 = arith.constant 1 : index
    %get3A_152 = arith.index_cast %add3A_150 : i32 to index
    %get3A_153 = arith.constant 0 : index
    %get3A_154 = vector.load %arg2[%get3A_151, %get3A_152, %get3A_153] : memref<2x80x128xf32, #tpu.memory_space<vmem>>, vector<1x1x128xf32>
    %get3A_155 = vector.shape_cast %get3A_154 : vector<1x1x128xf32> to vector<128xf32>
    %add3A_156 = arith.addf %get3A_146, %get3A_155 : vector<128xf32>
    %max3A_157 = arith.constant 1.000000e+00 : f32
    %max3A_158 = vector.broadcast %max3A_157 : f32 to vector<128xf32>
    %max3A_159 = arith.maximumf %add3A_156, %max3A_158 : vector<128xf32>
    %div3A_160 = arith.constant 1.000000e+00 : f32
    %div3A_161 = vector.broadcast %div3A_160 : f32 to vector<128xf32>
    %div3A_162 = arith.divf %div3A_161, %max3A_159 : vector<128xf32>
    %broadcast_in_dim3A_163 = vector.shape_cast %div3A_162 : vector<128xf32> to vector<1x128xf32>
    %jit3A_164 = arith.constant 0.000000e+00 : f32
    %broadcast_in_dim3A_165 = vector.shape_cast %broadcast_in_dim3A_163 : vector<1x128xf32> to vector<1x128xf32>
    %broadcast_in_dim3A_166 = vector.broadcast %broadcast_in_dim3A_165 : vector<1x128xf32> to vector<128x128xf32>
    %broadcast_in_dim3A_167 = vector.broadcast %jit3A_164 : f32 to vector<128x128xf32>
    %select_n3A_168 = arith.select %eq3A, %broadcast_in_dim3A_166, %broadcast_in_dim3A_167 : vector<128x128xi1>, vector<128x128xf32>
    %slice3A_169 = vector.extract_strided_slice %add3A {offsets = [512, 0], sizes = [128, 128], strides = [1, 1]} : vector<5120x128xf32> to vector<128x128xf32>
    %dot_general3A_170 = arith.constant dense<0.000000e+00> : vector<128x128xf32>
    %dot_general3A_171 = tpu.matmul %select_n3A_168, %slice3A_169, %dot_general3A_170 {dimension_numbers = #tpu.dot_dimension_numbers<[1], [0], [0], [1], [0, 0, 1, 1], [], []>, transpose_lhs_hint = false} : vector<128x128xf32>, vector<128x128xf32>, vector<128x128xf32> -> vector<128x128xf32>
    %mul3A_172 = arith.constant 40 : i32
    %mul3A_173 = arith.muli %arg0, %mul3A_172 : i32
    %add3A_174 = arith.constant 5 : i32
    %add3A_175 = arith.addi %mul3A_173, %add3A_174 : i32
    %get3A_176 = arith.constant 0 : index
    %get3A_177 = arith.index_cast %add3A_175 : i32 to index
    %get3A_178 = arith.constant 0 : index
    %get3A_179 = vector.load %arg2[%get3A_176, %get3A_177, %get3A_178] : memref<2x80x128xf32, #tpu.memory_space<vmem>>, vector<1x1x128xf32>
    %get3A_180 = vector.shape_cast %get3A_179 : vector<1x1x128xf32> to vector<128xf32>
    %mul3A_181 = arith.constant 40 : i32
    %mul3A_182 = arith.muli %arg0, %mul3A_181 : i32
    %add3A_183 = arith.constant 5 : i32
    %add3A_184 = arith.addi %mul3A_182, %add3A_183 : i32
    %get3A_185 = arith.constant 1 : index
    %get3A_186 = arith.index_cast %add3A_184 : i32 to index
    %get3A_187 = arith.constant 0 : index
    %get3A_188 = vector.load %arg2[%get3A_185, %get3A_186, %get3A_187] : memref<2x80x128xf32, #tpu.memory_space<vmem>>, vector<1x1x128xf32>
    %get3A_189 = vector.shape_cast %get3A_188 : vector<1x1x128xf32> to vector<128xf32>
    %add3A_190 = arith.addf %get3A_180, %get3A_189 : vector<128xf32>
    %max3A_191 = arith.constant 1.000000e+00 : f32
    %max3A_192 = vector.broadcast %max3A_191 : f32 to vector<128xf32>
    %max3A_193 = arith.maximumf %add3A_190, %max3A_192 : vector<128xf32>
    %div3A_194 = arith.constant 1.000000e+00 : f32
    %div3A_195 = vector.broadcast %div3A_194 : f32 to vector<128xf32>
    %div3A_196 = arith.divf %div3A_195, %max3A_193 : vector<128xf32>
    %broadcast_in_dim3A_197 = vector.shape_cast %div3A_196 : vector<128xf32> to vector<1x128xf32>
    %jit3A_198 = arith.constant 0.000000e+00 : f32
    %broadcast_in_dim3A_199 = vector.shape_cast %broadcast_in_dim3A_197 : vector<1x128xf32> to vector<1x128xf32>
    %broadcast_in_dim3A_200 = vector.broadcast %broadcast_in_dim3A_199 : vector<1x128xf32> to vector<128x128xf32>
    %broadcast_in_dim3A_201 = vector.broadcast %jit3A_198 : f32 to vector<128x128xf32>
    %select_n3A_202 = arith.select %eq3A, %broadcast_in_dim3A_200, %broadcast_in_dim3A_201 : vector<128x128xi1>, vector<128x128xf32>
    %slice3A_203 = vector.extract_strided_slice %add3A {offsets = [640, 0], sizes = [128, 128], strides = [1, 1]} : vector<5120x128xf32> to vector<128x128xf32>
    %dot_general3A_204 = arith.constant dense<0.000000e+00> : vector<128x128xf32>
    %dot_general3A_205 = tpu.matmul %select_n3A_202, %slice3A_203, %dot_general3A_204 {dimension_numbers = #tpu.dot_dimension_numbers<[1], [0], [0], [1], [0, 0, 1, 1], [], []>, transpose_lhs_hint = false} : vector<128x128xf32>, vector<128x128xf32>, vector<128x128xf32> -> vector<128x128xf32>
    %mul3A_206 = arith.constant 40 : i32
    %mul3A_207 = arith.muli %arg0, %mul3A_206 : i32
    %add3A_208 = arith.constant 6 : i32
    %add3A_209 = arith.addi %mul3A_207, %add3A_208 : i32
    %get3A_210 = arith.constant 0 : index
    %get3A_211 = arith.index_cast %add3A_209 : i32 to index
    %get3A_212 = arith.constant 0 : index
    %get3A_213 = vector.load %arg2[%get3A_210, %get3A_211, %get3A_212] : memref<2x80x128xf32, #tpu.memory_space<vmem>>, vector<1x1x128xf32>
    %get3A_214 = vector.shape_cast %get3A_213 : vector<1x1x128xf32> to vector<128xf32>
    %mul3A_215 = arith.constant 40 : i32
    %mul3A_216 = arith.muli %arg0, %mul3A_215 : i32
    %add3A_217 = arith.constant 6 : i32
    %add3A_218 = arith.addi %mul3A_216, %add3A_217 : i32
    %get3A_219 = arith.constant 1 : index
    %get3A_220 = arith.index_cast %add3A_218 : i32 to index
    %get3A_221 = arith.constant 0 : index
    %get3A_222 = vector.load %arg2[%get3A_219, %get3A_220, %get3A_221] : memref<2x80x128xf32, #tpu.memory_space<vmem>>, vector<1x1x128xf32>
    %get3A_223 = vector.shape_cast %get3A_222 : vector<1x1x128xf32> to vector<128xf32>
    %add3A_224 = arith.addf %get3A_214, %get3A_223 : vector<128xf32>
    %max3A_225 = arith.constant 1.000000e+00 : f32
    %max3A_226 = vector.broadcast %max3A_225 : f32 to vector<128xf32>
    %max3A_227 = arith.maximumf %add3A_224, %max3A_226 : vector<128xf32>
    %div3A_228 = arith.constant 1.000000e+00 : f32
    %div3A_229 = vector.broadcast %div3A_228 : f32 to vector<128xf32>
    %div3A_230 = arith.divf %div3A_229, %max3A_227 : vector<128xf32>
    %broadcast_in_dim3A_231 = vector.shape_cast %div3A_230 : vector<128xf32> to vector<1x128xf32>
    %jit3A_232 = arith.constant 0.000000e+00 : f32
    %broadcast_in_dim3A_233 = vector.shape_cast %broadcast_in_dim3A_231 : vector<1x128xf32> to vector<1x128xf32>
    %broadcast_in_dim3A_234 = vector.broadcast %broadcast_in_dim3A_233 : vector<1x128xf32> to vector<128x128xf32>
    %broadcast_in_dim3A_235 = vector.broadcast %jit3A_232 : f32 to vector<128x128xf32>
    %select_n3A_236 = arith.select %eq3A, %broadcast_in_dim3A_234, %broadcast_in_dim3A_235 : vector<128x128xi1>, vector<128x128xf32>
    %slice3A_237 = vector.extract_strided_slice %add3A {offsets = [768, 0], sizes = [128, 128], strides = [1, 1]} : vector<5120x128xf32> to vector<128x128xf32>
    %dot_general3A_238 = arith.constant dense<0.000000e+00> : vector<128x128xf32>
    %dot_general3A_239 = tpu.matmul %select_n3A_236, %slice3A_237, %dot_general3A_238 {dimension_numbers = #tpu.dot_dimension_numbers<[1], [0], [0], [1], [0, 0, 1, 1], [], []>, transpose_lhs_hint = false} : vector<128x128xf32>, vector<128x128xf32>, vector<128x128xf32> -> vector<128x128xf32>
    %mul3A_240 = arith.constant 40 : i32
    %mul3A_241 = arith.muli %arg0, %mul3A_240 : i32
    %add3A_242 = arith.constant 7 : i32
    %add3A_243 = arith.addi %mul3A_241, %add3A_242 : i32
    %get3A_244 = arith.constant 0 : index
    %get3A_245 = arith.index_cast %add3A_243 : i32 to index
    %get3A_246 = arith.constant 0 : index
    %get3A_247 = vector.load %arg2[%get3A_244, %get3A_245, %get3A_246] : memref<2x80x128xf32, #tpu.memory_space<vmem>>, vector<1x1x128xf32>
    %get3A_248 = vector.shape_cast %get3A_247 : vector<1x1x128xf32> to vector<128xf32>
    %mul3A_249 = arith.constant 40 : i32
    %mul3A_250 = arith.muli %arg0, %mul3A_249 : i32
    %add3A_251 = arith.constant 7 : i32
    %add3A_252 = arith.addi %mul3A_250, %add3A_251 : i32
    %get3A_253 = arith.constant 1 : index
    %get3A_254 = arith.index_cast %add3A_252 : i32 to index
    %get3A_255 = arith.constant 0 : index
    %get3A_256 = vector.load %arg2[%get3A_253, %get3A_254, %get3A_255] : memref<2x80x128xf32, #tpu.memory_space<vmem>>, vector<1x1x128xf32>
    %get3A_257 = vector.shape_cast %get3A_256 : vector<1x1x128xf32> to vector<128xf32>
    %add3A_258 = arith.addf %get3A_248, %get3A_257 : vector<128xf32>
    %max3A_259 = arith.constant 1.000000e+00 : f32
    %max3A_260 = vector.broadcast %max3A_259 : f32 to vector<128xf32>
    %max3A_261 = arith.maximumf %add3A_258, %max3A_260 : vector<128xf32>
    %div3A_262 = arith.constant 1.000000e+00 : f32
    %div3A_263 = vector.broadcast %div3A_262 : f32 to vector<128xf32>
    %div3A_264 = arith.divf %div3A_263, %max3A_261 : vector<128xf32>
    %broadcast_in_dim3A_265 = vector.shape_cast %div3A_264 : vector<128xf32> to vector<1x128xf32>
    %jit3A_266 = arith.constant 0.000000e+00 : f32
    %broadcast_in_dim3A_267 = vector.shape_cast %broadcast_in_dim3A_265 : vector<1x128xf32> to vector<1x128xf32>
    %broadcast_in_dim3A_268 = vector.broadcast %broadcast_in_dim3A_267 : vector<1x128xf32> to vector<128x128xf32>
    %broadcast_in_dim3A_269 = vector.broadcast %jit3A_266 : f32 to vector<128x128xf32>
    %select_n3A_270 = arith.select %eq3A, %broadcast_in_dim3A_268, %broadcast_in_dim3A_269 : vector<128x128xi1>, vector<128x128xf32>
    %slice3A_271 = vector.extract_strided_slice %add3A {offsets = [896, 0], sizes = [128, 128], strides = [1, 1]} : vector<5120x128xf32> to vector<128x128xf32>
    %dot_general3A_272 = arith.constant dense<0.000000e+00> : vector<128x128xf32>
    %dot_general3A_273 = tpu.matmul %select_n3A_270, %slice3A_271, %dot_general3A_272 {dimension_numbers = #tpu.dot_dimension_numbers<[1], [0], [0], [1], [0, 0, 1, 1], [], []>, transpose_lhs_hint = false} : vector<128x128xf32>, vector<128x128xf32>, vector<128x128xf32> -> vector<128x128xf32>
    %mul3A_274 = arith.constant 40 : i32
    %mul3A_275 = arith.muli %arg0, %mul3A_274 : i32
    %add3A_276 = arith.constant 8 : i32
    %add3A_277 = arith.addi %mul3A_275, %add3A_276 : i32
    %get3A_278 = arith.constant 0 : index
    %get3A_279 = arith.index_cast %add3A_277 : i32 to index
    %get3A_280 = arith.constant 0 : index
    %get3A_281 = vector.load %arg2[%get3A_278, %get3A_279, %get3A_280] : memref<2x80x128xf32, #tpu.memory_space<vmem>>, vector<1x1x128xf32>
    %get3A_282 = vector.shape_cast %get3A_281 : vector<1x1x128xf32> to vector<128xf32>
    %mul3A_283 = arith.constant 40 : i32
    %mul3A_284 = arith.muli %arg0, %mul3A_283 : i32
    %add3A_285 = arith.constant 8 : i32
    %add3A_286 = arith.addi %mul3A_284, %add3A_285 : i32
    %get3A_287 = arith.constant 1 : index
    %get3A_288 = arith.index_cast %add3A_286 : i32 to index
    %get3A_289 = arith.constant 0 : index
    %get3A_290 = vector.load %arg2[%get3A_287, %get3A_288, %get3A_289] : memref<2x80x128xf32, #tpu.memory_space<vmem>>, vector<1x1x128xf32>
    %get3A_291 = vector.shape_cast %get3A_290 : vector<1x1x128xf32> to vector<128xf32>
    %add3A_292 = arith.addf %get3A_282, %get3A_291 : vector<128xf32>
    %max3A_293 = arith.constant 1.000000e+00 : f32
    %max3A_294 = vector.broadcast %max3A_293 : f32 to vector<128xf32>
    %max3A_295 = arith.maximumf %add3A_292, %max3A_294 : vector<128xf32>
    %div3A_296 = arith.constant 1.000000e+00 : f32
    %div3A_297 = vector.broadcast %div3A_296 : f32 to vector<128xf32>
    %div3A_298 = arith.divf %div3A_297, %max3A_295 : vector<128xf32>
    %broadcast_in_dim3A_299 = vector.shape_cast %div3A_298 : vector<128xf32> to vector<1x128xf32>
    %jit3A_300 = arith.constant 0.000000e+00 : f32
    %broadcast_in_dim3A_301 = vector.shape_cast %broadcast_in_dim3A_299 : vector<1x128xf32> to vector<1x128xf32>
    %broadcast_in_dim3A_302 = vector.broadcast %broadcast_in_dim3A_301 : vector<1x128xf32> to vector<128x128xf32>
    %broadcast_in_dim3A_303 = vector.broadcast %jit3A_300 : f32 to vector<128x128xf32>
    %select_n3A_304 = arith.select %eq3A, %broadcast_in_dim3A_302, %broadcast_in_dim3A_303 : vector<128x128xi1>, vector<128x128xf32>
    %slice3A_305 = vector.extract_strided_slice %add3A {offsets = [1024, 0], sizes = [128, 128], strides = [1, 1]} : vector<5120x128xf32> to vector<128x128xf32>
    %dot_general3A_306 = arith.constant dense<0.000000e+00> : vector<128x128xf32>
    %dot_general3A_307 = tpu.matmul %select_n3A_304, %slice3A_305, %dot_general3A_306 {dimension_numbers = #tpu.dot_dimension_numbers<[1], [0], [0], [1], [0, 0, 1, 1], [], []>, transpose_lhs_hint = false} : vector<128x128xf32>, vector<128x128xf32>, vector<128x128xf32> -> vector<128x128xf32>
    %mul3A_308 = arith.constant 40 : i32
    %mul3A_309 = arith.muli %arg0, %mul3A_308 : i32
    %add3A_310 = arith.constant 9 : i32
    %add3A_311 = arith.addi %mul3A_309, %add3A_310 : i32
    %get3A_312 = arith.constant 0 : index
    %get3A_313 = arith.index_cast %add3A_311 : i32 to index
    %get3A_314 = arith.constant 0 : index
    %get3A_315 = vector.load %arg2[%get3A_312, %get3A_313, %get3A_314] : memref<2x80x128xf32, #tpu.memory_space<vmem>>, vector<1x1x128xf32>
    %get3A_316 = vector.shape_cast %get3A_315 : vector<1x1x128xf32> to vector<128xf32>
    %mul3A_317 = arith.constant 40 : i32
    %mul3A_318 = arith.muli %arg0, %mul3A_317 : i32
    %add3A_319 = arith.constant 9 : i32
    %add3A_320 = arith.addi %mul3A_318, %add3A_319 : i32
    %get3A_321 = arith.constant 1 : index
    %get3A_322 = arith.index_cast %add3A_320 : i32 to index
    %get3A_323 = arith.constant 0 : index
    %get3A_324 = vector.load %arg2[%get3A_321, %get3A_322, %get3A_323] : memref<2x80x128xf32, #tpu.memory_space<vmem>>, vector<1x1x128xf32>
    %get3A_325 = vector.shape_cast %get3A_324 : vector<1x1x128xf32> to vector<128xf32>
    %add3A_326 = arith.addf %get3A_316, %get3A_325 : vector<128xf32>
    %max3A_327 = arith.constant 1.000000e+00 : f32
    %max3A_328 = vector.broadcast %max3A_327 : f32 to vector<128xf32>
    %max3A_329 = arith.maximumf %add3A_326, %max3A_328 : vector<128xf32>
    %div3A_330 = arith.constant 1.000000e+00 : f32
    %div3A_331 = vector.broadcast %div3A_330 : f32 to vector<128xf32>
    %div3A_332 = arith.divf %div3A_331, %max3A_329 : vector<128xf32>
    %broadcast_in_dim3A_333 = vector.shape_cast %div3A_332 : vector<128xf32> to vector<1x128xf32>
    %jit3A_334 = arith.constant 0.000000e+00 : f32
    %broadcast_in_dim3A_335 = vector.shape_cast %broadcast_in_dim3A_333 : vector<1x128xf32> to vector<1x128xf32>
    %broadcast_in_dim3A_336 = vector.broadcast %broadcast_in_dim3A_335 : vector<1x128xf32> to vector<128x128xf32>
    %broadcast_in_dim3A_337 = vector.broadcast %jit3A_334 : f32 to vector<128x128xf32>
    %select_n3A_338 = arith.select %eq3A, %broadcast_in_dim3A_336, %broadcast_in_dim3A_337 : vector<128x128xi1>, vector<128x128xf32>
    %slice3A_339 = vector.extract_strided_slice %add3A {offsets = [1152, 0], sizes = [128, 128], strides = [1, 1]} : vector<5120x128xf32> to vector<128x128xf32>
    %dot_general3A_340 = arith.constant dense<0.000000e+00> : vector<128x128xf32>
    %dot_general3A_341 = tpu.matmul %select_n3A_338, %slice3A_339, %dot_general3A_340 {dimension_numbers = #tpu.dot_dimension_numbers<[1], [0], [0], [1], [0, 0, 1, 1], [], []>, transpose_lhs_hint = false} : vector<128x128xf32>, vector<128x128xf32>, vector<128x128xf32> -> vector<128x128xf32>
    %mul3A_342 = arith.constant 40 : i32
    %mul3A_343 = arith.muli %arg0, %mul3A_342 : i32
    %add3A_344 = arith.constant 10 : i32
    %add3A_345 = arith.addi %mul3A_343, %add3A_344 : i32
    %get3A_346 = arith.constant 0 : index
    %get3A_347 = arith.index_cast %add3A_345 : i32 to index
    %get3A_348 = arith.constant 0 : index
    %get3A_349 = vector.load %arg2[%get3A_346, %get3A_347, %get3A_348] : memref<2x80x128xf32, #tpu.memory_space<vmem>>, vector<1x1x128xf32>
    %get3A_350 = vector.shape_cast %get3A_349 : vector<1x1x128xf32> to vector<128xf32>
    %mul3A_351 = arith.constant 40 : i32
    %mul3A_352 = arith.muli %arg0, %mul3A_351 : i32
    %add3A_353 = arith.constant 10 : i32
    %add3A_354 = arith.addi %mul3A_352, %add3A_353 : i32
    %get3A_355 = arith.constant 1 : index
    %get3A_356 = arith.index_cast %add3A_354 : i32 to index
    %get3A_357 = arith.constant 0 : index
    %get3A_358 = vector.load %arg2[%get3A_355, %get3A_356, %get3A_357] : memref<2x80x128xf32, #tpu.memory_space<vmem>>, vector<1x1x128xf32>
    %get3A_359 = vector.shape_cast %get3A_358 : vector<1x1x128xf32> to vector<128xf32>
    %add3A_360 = arith.addf %get3A_350, %get3A_359 : vector<128xf32>
    %max3A_361 = arith.constant 1.000000e+00 : f32
    %max3A_362 = vector.broadcast %max3A_361 : f32 to vector<128xf32>
    %max3A_363 = arith.maximumf %add3A_360, %max3A_362 : vector<128xf32>
    %div3A_364 = arith.constant 1.000000e+00 : f32
    %div3A_365 = vector.broadcast %div3A_364 : f32 to vector<128xf32>
    %div3A_366 = arith.divf %div3A_365, %max3A_363 : vector<128xf32>
    %broadcast_in_dim3A_367 = vector.shape_cast %div3A_366 : vector<128xf32> to vector<1x128xf32>
    %jit3A_368 = arith.constant 0.000000e+00 : f32
    %broadcast_in_dim3A_369 = vector.shape_cast %broadcast_in_dim3A_367 : vector<1x128xf32> to vector<1x128xf32>
    %broadcast_in_dim3A_370 = vector.broadcast %broadcast_in_dim3A_369 : vector<1x128xf32> to vector<128x128xf32>
    %broadcast_in_dim3A_371 = vector.broadcast %jit3A_368 : f32 to vector<128x128xf32>
    %select_n3A_372 = arith.select %eq3A, %broadcast_in_dim3A_370, %broadcast_in_dim3A_371 : vector<128x128xi1>, vector<128x128xf32>
    %slice3A_373 = vector.extract_strided_slice %add3A {offsets = [1280, 0], sizes = [128, 128], strides = [1, 1]} : vector<5120x128xf32> to vector<128x128xf32>
    %dot_general3A_374 = arith.constant dense<0.000000e+00> : vector<128x128xf32>
    %dot_general3A_375 = tpu.matmul %select_n3A_372, %slice3A_373, %dot_general3A_374 {dimension_numbers = #tpu.dot_dimension_numbers<[1], [0], [0], [1], [0, 0, 1, 1], [], []>, transpose_lhs_hint = false} : vector<128x128xf32>, vector<128x128xf32>, vector<128x128xf32> -> vector<128x128xf32>
    %mul3A_376 = arith.constant 40 : i32
    %mul3A_377 = arith.muli %arg0, %mul3A_376 : i32
    %add3A_378 = arith.constant 11 : i32
    %add3A_379 = arith.addi %mul3A_377, %add3A_378 : i32
    %get3A_380 = arith.constant 0 : index
    %get3A_381 = arith.index_cast %add3A_379 : i32 to index
    %get3A_382 = arith.constant 0 : index
    %get3A_383 = vector.load %arg2[%get3A_380, %get3A_381, %get3A_382] : memref<2x80x128xf32, #tpu.memory_space<vmem>>, vector<1x1x128xf32>
    %get3A_384 = vector.shape_cast %get3A_383 : vector<1x1x128xf32> to vector<128xf32>
    %mul3A_385 = arith.constant 40 : i32
    %mul3A_386 = arith.muli %arg0, %mul3A_385 : i32
    %add3A_387 = arith.constant 11 : i32
    %add3A_388 = arith.addi %mul3A_386, %add3A_387 : i32
    %get3A_389 = arith.constant 1 : index
    %get3A_390 = arith.index_cast %add3A_388 : i32 to index
    %get3A_391 = arith.constant 0 : index
    %get3A_392 = vector.load %arg2[%get3A_389, %get3A_390, %get3A_391] : memref<2x80x128xf32, #tpu.memory_space<vmem>>, vector<1x1x128xf32>
    %get3A_393 = vector.shape_cast %get3A_392 : vector<1x1x128xf32> to vector<128xf32>
    %add3A_394 = arith.addf %get3A_384, %get3A_393 : vector<128xf32>
    %max3A_395 = arith.constant 1.000000e+00 : f32
    %max3A_396 = vector.broadcast %max3A_395 : f32 to vector<128xf32>
    %max3A_397 = arith.maximumf %add3A_394, %max3A_396 : vector<128xf32>
    %div3A_398 = arith.constant 1.000000e+00 : f32
    %div3A_399 = vector.broadcast %div3A_398 : f32 to vector<128xf32>
    %div3A_400 = arith.divf %div3A_399, %max3A_397 : vector<128xf32>
    %broadcast_in_dim3A_401 = vector.shape_cast %div3A_400 : vector<128xf32> to vector<1x128xf32>
    %jit3A_402 = arith.constant 0.000000e+00 : f32
    %broadcast_in_dim3A_403 = vector.shape_cast %broadcast_in_dim3A_401 : vector<1x128xf32> to vector<1x128xf32>
    %broadcast_in_dim3A_404 = vector.broadcast %broadcast_in_dim3A_403 : vector<1x128xf32> to vector<128x128xf32>
    %broadcast_in_dim3A_405 = vector.broadcast %jit3A_402 : f32 to vector<128x128xf32>
    %select_n3A_406 = arith.select %eq3A, %broadcast_in_dim3A_404, %broadcast_in_dim3A_405 : vector<128x128xi1>, vector<128x128xf32>
    %slice3A_407 = vector.extract_strided_slice %add3A {offsets = [1408, 0], sizes = [128, 128], strides = [1, 1]} : vector<5120x128xf32> to vector<128x128xf32>
    %dot_general3A_408 = arith.constant dense<0.000000e+00> : vector<128x128xf32>
    %dot_general3A_409 = tpu.matmul %select_n3A_406, %slice3A_407, %dot_general3A_408 {dimension_numbers = #tpu.dot_dimension_numbers<[1], [0], [0], [1], [0, 0, 1, 1], [], []>, transpose_lhs_hint = false} : vector<128x128xf32>, vector<128x128xf32>, vector<128x128xf32> -> vector<128x128xf32>
    %mul3A_410 = arith.constant 40 : i32
    %mul3A_411 = arith.muli %arg0, %mul3A_410 : i32
    %add3A_412 = arith.constant 12 : i32
    %add3A_413 = arith.addi %mul3A_411, %add3A_412 : i32
    %get3A_414 = arith.constant 0 : index
    %get3A_415 = arith.index_cast %add3A_413 : i32 to index
    %get3A_416 = arith.constant 0 : index
    %get3A_417 = vector.load %arg2[%get3A_414, %get3A_415, %get3A_416] : memref<2x80x128xf32, #tpu.memory_space<vmem>>, vector<1x1x128xf32>
    %get3A_418 = vector.shape_cast %get3A_417 : vector<1x1x128xf32> to vector<128xf32>
    %mul3A_419 = arith.constant 40 : i32
    %mul3A_420 = arith.muli %arg0, %mul3A_419 : i32
    %add3A_421 = arith.constant 12 : i32
    %add3A_422 = arith.addi %mul3A_420, %add3A_421 : i32
    %get3A_423 = arith.constant 1 : index
    %get3A_424 = arith.index_cast %add3A_422 : i32 to index
    %get3A_425 = arith.constant 0 : index
    %get3A_426 = vector.load %arg2[%get3A_423, %get3A_424, %get3A_425] : memref<2x80x128xf32, #tpu.memory_space<vmem>>, vector<1x1x128xf32>
    %get3A_427 = vector.shape_cast %get3A_426 : vector<1x1x128xf32> to vector<128xf32>
    %add3A_428 = arith.addf %get3A_418, %get3A_427 : vector<128xf32>
    %max3A_429 = arith.constant 1.000000e+00 : f32
    %max3A_430 = vector.broadcast %max3A_429 : f32 to vector<128xf32>
    %max3A_431 = arith.maximumf %add3A_428, %max3A_430 : vector<128xf32>
    %div3A_432 = arith.constant 1.000000e+00 : f32
    %div3A_433 = vector.broadcast %div3A_432 : f32 to vector<128xf32>
    %div3A_434 = arith.divf %div3A_433, %max3A_431 : vector<128xf32>
    %broadcast_in_dim3A_435 = vector.shape_cast %div3A_434 : vector<128xf32> to vector<1x128xf32>
    %jit3A_436 = arith.constant 0.000000e+00 : f32
    %broadcast_in_dim3A_437 = vector.shape_cast %broadcast_in_dim3A_435 : vector<1x128xf32> to vector<1x128xf32>
    %broadcast_in_dim3A_438 = vector.broadcast %broadcast_in_dim3A_437 : vector<1x128xf32> to vector<128x128xf32>
    %broadcast_in_dim3A_439 = vector.broadcast %jit3A_436 : f32 to vector<128x128xf32>
    %select_n3A_440 = arith.select %eq3A, %broadcast_in_dim3A_438, %broadcast_in_dim3A_439 : vector<128x128xi1>, vector<128x128xf32>
    %slice3A_441 = vector.extract_strided_slice %add3A {offsets = [1536, 0], sizes = [128, 128], strides = [1, 1]} : vector<5120x128xf32> to vector<128x128xf32>
    %dot_general3A_442 = arith.constant dense<0.000000e+00> : vector<128x128xf32>
    %dot_general3A_443 = tpu.matmul %select_n3A_440, %slice3A_441, %dot_general3A_442 {dimension_numbers = #tpu.dot_dimension_numbers<[1], [0], [0], [1], [0, 0, 1, 1], [], []>, transpose_lhs_hint = false} : vector<128x128xf32>, vector<128x128xf32>, vector<128x128xf32> -> vector<128x128xf32>
    %mul3A_444 = arith.constant 40 : i32
    %mul3A_445 = arith.muli %arg0, %mul3A_444 : i32
    %add3A_446 = arith.constant 13 : i32
    %add3A_447 = arith.addi %mul3A_445, %add3A_446 : i32
    %get3A_448 = arith.constant 0 : index
    %get3A_449 = arith.index_cast %add3A_447 : i32 to index
    %get3A_450 = arith.constant 0 : index
    %get3A_451 = vector.load %arg2[%get3A_448, %get3A_449, %get3A_450] : memref<2x80x128xf32, #tpu.memory_space<vmem>>, vector<1x1x128xf32>
    %get3A_452 = vector.shape_cast %get3A_451 : vector<1x1x128xf32> to vector<128xf32>
    %mul3A_453 = arith.constant 40 : i32
    %mul3A_454 = arith.muli %arg0, %mul3A_453 : i32
    %add3A_455 = arith.constant 13 : i32
    %add3A_456 = arith.addi %mul3A_454, %add3A_455 : i32
    %get3A_457 = arith.constant 1 : index
    %get3A_458 = arith.index_cast %add3A_456 : i32 to index
    %get3A_459 = arith.constant 0 : index
    %get3A_460 = vector.load %arg2[%get3A_457, %get3A_458, %get3A_459] : memref<2x80x128xf32, #tpu.memory_space<vmem>>, vector<1x1x128xf32>
    %get3A_461 = vector.shape_cast %get3A_460 : vector<1x1x128xf32> to vector<128xf32>
    %add3A_462 = arith.addf %get3A_452, %get3A_461 : vector<128xf32>
    %max3A_463 = arith.constant 1.000000e+00 : f32
    %max3A_464 = vector.broadcast %max3A_463 : f32 to vector<128xf32>
    %max3A_465 = arith.maximumf %add3A_462, %max3A_464 : vector<128xf32>
    %div3A_466 = arith.constant 1.000000e+00 : f32
    %div3A_467 = vector.broadcast %div3A_466 : f32 to vector<128xf32>
    %div3A_468 = arith.divf %div3A_467, %max3A_465 : vector<128xf32>
    %broadcast_in_dim3A_469 = vector.shape_cast %div3A_468 : vector<128xf32> to vector<1x128xf32>
    %jit3A_470 = arith.constant 0.000000e+00 : f32
    %broadcast_in_dim3A_471 = vector.shape_cast %broadcast_in_dim3A_469 : vector<1x128xf32> to vector<1x128xf32>
    %broadcast_in_dim3A_472 = vector.broadcast %broadcast_in_dim3A_471 : vector<1x128xf32> to vector<128x128xf32>
    %broadcast_in_dim3A_473 = vector.broadcast %jit3A_470 : f32 to vector<128x128xf32>
    %select_n3A_474 = arith.select %eq3A, %broadcast_in_dim3A_472, %broadcast_in_dim3A_473 : vector<128x128xi1>, vector<128x128xf32>
    %slice3A_475 = vector.extract_strided_slice %add3A {offsets = [1664, 0], sizes = [128, 128], strides = [1, 1]} : vector<5120x128xf32> to vector<128x128xf32>
    %dot_general3A_476 = arith.constant dense<0.000000e+00> : vector<128x128xf32>
    %dot_general3A_477 = tpu.matmul %select_n3A_474, %slice3A_475, %dot_general3A_476 {dimension_numbers = #tpu.dot_dimension_numbers<[1], [0], [0], [1], [0, 0, 1, 1], [], []>, transpose_lhs_hint = false} : vector<128x128xf32>, vector<128x128xf32>, vector<128x128xf32> -> vector<128x128xf32>
    %mul3A_478 = arith.constant 40 : i32
    %mul3A_479 = arith.muli %arg0, %mul3A_478 : i32
    %add3A_480 = arith.constant 14 : i32
    %add3A_481 = arith.addi %mul3A_479, %add3A_480 : i32
    %get3A_482 = arith.constant 0 : index
    %get3A_483 = arith.index_cast %add3A_481 : i32 to index
    %get3A_484 = arith.constant 0 : index
    %get3A_485 = vector.load %arg2[%get3A_482, %get3A_483, %get3A_484] : memref<2x80x128xf32, #tpu.memory_space<vmem>>, vector<1x1x128xf32>
    %get3A_486 = vector.shape_cast %get3A_485 : vector<1x1x128xf32> to vector<128xf32>
    %mul3A_487 = arith.constant 40 : i32
    %mul3A_488 = arith.muli %arg0, %mul3A_487 : i32
    %add3A_489 = arith.constant 14 : i32
    %add3A_490 = arith.addi %mul3A_488, %add3A_489 : i32
    %get3A_491 = arith.constant 1 : index
    %get3A_492 = arith.index_cast %add3A_490 : i32 to index
    %get3A_493 = arith.constant 0 : index
    %get3A_494 = vector.load %arg2[%get3A_491, %get3A_492, %get3A_493] : memref<2x80x128xf32, #tpu.memory_space<vmem>>, vector<1x1x128xf32>
    %get3A_495 = vector.shape_cast %get3A_494 : vector<1x1x128xf32> to vector<128xf32>
    %add3A_496 = arith.addf %get3A_486, %get3A_495 : vector<128xf32>
    %max3A_497 = arith.constant 1.000000e+00 : f32
    %max3A_498 = vector.broadcast %max3A_497 : f32 to vector<128xf32>
    %max3A_499 = arith.maximumf %add3A_496, %max3A_498 : vector<128xf32>
    %div3A_500 = arith.constant 1.000000e+00 : f32
    %div3A_501 = vector.broadcast %div3A_500 : f32 to vector<128xf32>
    %div3A_502 = arith.divf %div3A_501, %max3A_499 : vector<128xf32>
    %broadcast_in_dim3A_503 = vector.shape_cast %div3A_502 : vector<128xf32> to vector<1x128xf32>
    %jit3A_504 = arith.constant 0.000000e+00 : f32
    %broadcast_in_dim3A_505 = vector.shape_cast %broadcast_in_dim3A_503 : vector<1x128xf32> to vector<1x128xf32>
    %broadcast_in_dim3A_506 = vector.broadcast %broadcast_in_dim3A_505 : vector<1x128xf32> to vector<128x128xf32>
    %broadcast_in_dim3A_507 = vector.broadcast %jit3A_504 : f32 to vector<128x128xf32>
    %select_n3A_508 = arith.select %eq3A, %broadcast_in_dim3A_506, %broadcast_in_dim3A_507 : vector<128x128xi1>, vector<128x128xf32>
    %slice3A_509 = vector.extract_strided_slice %add3A {offsets = [1792, 0], sizes = [128, 128], strides = [1, 1]} : vector<5120x128xf32> to vector<128x128xf32>
    %dot_general3A_510 = arith.constant dense<0.000000e+00> : vector<128x128xf32>
    %dot_general3A_511 = tpu.matmul %select_n3A_508, %slice3A_509, %dot_general3A_510 {dimension_numbers = #tpu.dot_dimension_numbers<[1], [0], [0], [1], [0, 0, 1, 1], [], []>, transpose_lhs_hint = false} : vector<128x128xf32>, vector<128x128xf32>, vector<128x128xf32> -> vector<128x128xf32>
    %mul3A_512 = arith.constant 40 : i32
    %mul3A_513 = arith.muli %arg0, %mul3A_512 : i32
    %add3A_514 = arith.constant 15 : i32
    %add3A_515 = arith.addi %mul3A_513, %add3A_514 : i32
    %get3A_516 = arith.constant 0 : index
    %get3A_517 = arith.index_cast %add3A_515 : i32 to index
    %get3A_518 = arith.constant 0 : index
    %get3A_519 = vector.load %arg2[%get3A_516, %get3A_517, %get3A_518] : memref<2x80x128xf32, #tpu.memory_space<vmem>>, vector<1x1x128xf32>
    %get3A_520 = vector.shape_cast %get3A_519 : vector<1x1x128xf32> to vector<128xf32>
    %mul3A_521 = arith.constant 40 : i32
    %mul3A_522 = arith.muli %arg0, %mul3A_521 : i32
    %add3A_523 = arith.constant 15 : i32
    %add3A_524 = arith.addi %mul3A_522, %add3A_523 : i32
    %get3A_525 = arith.constant 1 : index
    %get3A_526 = arith.index_cast %add3A_524 : i32 to index
    %get3A_527 = arith.constant 0 : index
    %get3A_528 = vector.load %arg2[%get3A_525, %get3A_526, %get3A_527] : memref<2x80x128xf32, #tpu.memory_space<vmem>>, vector<1x1x128xf32>
    %get3A_529 = vector.shape_cast %get3A_528 : vector<1x1x128xf32> to vector<128xf32>
    %add3A_530 = arith.addf %get3A_520, %get3A_529 : vector<128xf32>
    %max3A_531 = arith.constant 1.000000e+00 : f32
    %max3A_532 = vector.broadcast %max3A_531 : f32 to vector<128xf32>
    %max3A_533 = arith.maximumf %add3A_530, %max3A_532 : vector<128xf32>
    %div3A_534 = arith.constant 1.000000e+00 : f32
    %div3A_535 = vector.broadcast %div3A_534 : f32 to vector<128xf32>
    %div3A_536 = arith.divf %div3A_535, %max3A_533 : vector<128xf32>
    %broadcast_in_dim3A_537 = vector.shape_cast %div3A_536 : vector<128xf32> to vector<1x128xf32>
    %jit3A_538 = arith.constant 0.000000e+00 : f32
    %broadcast_in_dim3A_539 = vector.shape_cast %broadcast_in_dim3A_537 : vector<1x128xf32> to vector<1x128xf32>
    %broadcast_in_dim3A_540 = vector.broadcast %broadcast_in_dim3A_539 : vector<1x128xf32> to vector<128x128xf32>
    %broadcast_in_dim3A_541 = vector.broadcast %jit3A_538 : f32 to vector<128x128xf32>
    %select_n3A_542 = arith.select %eq3A, %broadcast_in_dim3A_540, %broadcast_in_dim3A_541 : vector<128x128xi1>, vector<128x128xf32>
    %slice3A_543 = vector.extract_strided_slice %add3A {offsets = [1920, 0], sizes = [128, 128], strides = [1, 1]} : vector<5120x128xf32> to vector<128x128xf32>
    %dot_general3A_544 = arith.constant dense<0.000000e+00> : vector<128x128xf32>
    %dot_general3A_545 = tpu.matmul %select_n3A_542, %slice3A_543, %dot_general3A_544 {dimension_numbers = #tpu.dot_dimension_numbers<[1], [0], [0], [1], [0, 0, 1, 1], [], []>, transpose_lhs_hint = false} : vector<128x128xf32>, vector<128x128xf32>, vector<128x128xf32> -> vector<128x128xf32>
    %mul3A_546 = arith.constant 40 : i32
    %mul3A_547 = arith.muli %arg0, %mul3A_546 : i32
    %add3A_548 = arith.constant 16 : i32
    %add3A_549 = arith.addi %mul3A_547, %add3A_548 : i32
    %get3A_550 = arith.constant 0 : index
    %get3A_551 = arith.index_cast %add3A_549 : i32 to index
    %get3A_552 = arith.constant 0 : index
    %get3A_553 = vector.load %arg2[%get3A_550, %get3A_551, %get3A_552] : memref<2x80x128xf32, #tpu.memory_space<vmem>>, vector<1x1x128xf32>
    %get3A_554 = vector.shape_cast %get3A_553 : vector<1x1x128xf32> to vector<128xf32>
    %mul3A_555 = arith.constant 40 : i32
    %mul3A_556 = arith.muli %arg0, %mul3A_555 : i32
    %add3A_557 = arith.constant 16 : i32
    %add3A_558 = arith.addi %mul3A_556, %add3A_557 : i32
    %get3A_559 = arith.constant 1 : index
    %get3A_560 = arith.index_cast %add3A_558 : i32 to index
    %get3A_561 = arith.constant 0 : index
    %get3A_562 = vector.load %arg2[%get3A_559, %get3A_560, %get3A_561] : memref<2x80x128xf32, #tpu.memory_space<vmem>>, vector<1x1x128xf32>
    %get3A_563 = vector.shape_cast %get3A_562 : vector<1x1x128xf32> to vector<128xf32>
    %add3A_564 = arith.addf %get3A_554, %get3A_563 : vector<128xf32>
    %max3A_565 = arith.constant 1.000000e+00 : f32
    %max3A_566 = vector.broadcast %max3A_565 : f32 to vector<128xf32>
    %max3A_567 = arith.maximumf %add3A_564, %max3A_566 : vector<128xf32>
    %div3A_568 = arith.constant 1.000000e+00 : f32
    %div3A_569 = vector.broadcast %div3A_568 : f32 to vector<128xf32>
    %div3A_570 = arith.divf %div3A_569, %max3A_567 : vector<128xf32>
    %broadcast_in_dim3A_571 = vector.shape_cast %div3A_570 : vector<128xf32> to vector<1x128xf32>
    %jit3A_572 = arith.constant 0.000000e+00 : f32
    %broadcast_in_dim3A_573 = vector.shape_cast %broadcast_in_dim3A_571 : vector<1x128xf32> to vector<1x128xf32>
    %broadcast_in_dim3A_574 = vector.broadcast %broadcast_in_dim3A_573 : vector<1x128xf32> to vector<128x128xf32>
    %broadcast_in_dim3A_575 = vector.broadcast %jit3A_572 : f32 to vector<128x128xf32>
    %select_n3A_576 = arith.select %eq3A, %broadcast_in_dim3A_574, %broadcast_in_dim3A_575 : vector<128x128xi1>, vector<128x128xf32>
    %slice3A_577 = vector.extract_strided_slice %add3A {offsets = [2048, 0], sizes = [128, 128], strides = [1, 1]} : vector<5120x128xf32> to vector<128x128xf32>
    %dot_general3A_578 = arith.constant dense<0.000000e+00> : vector<128x128xf32>
    %dot_general3A_579 = tpu.matmul %select_n3A_576, %slice3A_577, %dot_general3A_578 {dimension_numbers = #tpu.dot_dimension_numbers<[1], [0], [0], [1], [0, 0, 1, 1], [], []>, transpose_lhs_hint = false} : vector<128x128xf32>, vector<128x128xf32>, vector<128x128xf32> -> vector<128x128xf32>
    %mul3A_580 = arith.constant 40 : i32
    %mul3A_581 = arith.muli %arg0, %mul3A_580 : i32
    %add3A_582 = arith.constant 17 : i32
    %add3A_583 = arith.addi %mul3A_581, %add3A_582 : i32
    %get3A_584 = arith.constant 0 : index
    %get3A_585 = arith.index_cast %add3A_583 : i32 to index
    %get3A_586 = arith.constant 0 : index
    %get3A_587 = vector.load %arg2[%get3A_584, %get3A_585, %get3A_586] : memref<2x80x128xf32, #tpu.memory_space<vmem>>, vector<1x1x128xf32>
    %get3A_588 = vector.shape_cast %get3A_587 : vector<1x1x128xf32> to vector<128xf32>
    %mul3A_589 = arith.constant 40 : i32
    %mul3A_590 = arith.muli %arg0, %mul3A_589 : i32
    %add3A_591 = arith.constant 17 : i32
    %add3A_592 = arith.addi %mul3A_590, %add3A_591 : i32
    %get3A_593 = arith.constant 1 : index
    %get3A_594 = arith.index_cast %add3A_592 : i32 to index
    %get3A_595 = arith.constant 0 : index
    %get3A_596 = vector.load %arg2[%get3A_593, %get3A_594, %get3A_595] : memref<2x80x128xf32, #tpu.memory_space<vmem>>, vector<1x1x128xf32>
    %get3A_597 = vector.shape_cast %get3A_596 : vector<1x1x128xf32> to vector<128xf32>
    %add3A_598 = arith.addf %get3A_588, %get3A_597 : vector<128xf32>
    %max3A_599 = arith.constant 1.000000e+00 : f32
    %max3A_600 = vector.broadcast %max3A_599 : f32 to vector<128xf32>
    %max3A_601 = arith.maximumf %add3A_598, %max3A_600 : vector<128xf32>
    %div3A_602 = arith.constant 1.000000e+00 : f32
    %div3A_603 = vector.broadcast %div3A_602 : f32 to vector<128xf32>
    %div3A_604 = arith.divf %div3A_603, %max3A_601 : vector<128xf32>
    %broadcast_in_dim3A_605 = vector.shape_cast %div3A_604 : vector<128xf32> to vector<1x128xf32>
    %jit3A_606 = arith.constant 0.000000e+00 : f32
    %broadcast_in_dim3A_607 = vector.shape_cast %broadcast_in_dim3A_605 : vector<1x128xf32> to vector<1x128xf32>
    %broadcast_in_dim3A_608 = vector.broadcast %broadcast_in_dim3A_607 : vector<1x128xf32> to vector<128x128xf32>
    %broadcast_in_dim3A_609 = vector.broadcast %jit3A_606 : f32 to vector<128x128xf32>
    %select_n3A_610 = arith.select %eq3A, %broadcast_in_dim3A_608, %broadcast_in_dim3A_609 : vector<128x128xi1>, vector<128x128xf32>
    %slice3A_611 = vector.extract_strided_slice %add3A {offsets = [2176, 0], sizes = [128, 128], strides = [1, 1]} : vector<5120x128xf32> to vector<128x128xf32>
    %dot_general3A_612 = arith.constant dense<0.000000e+00> : vector<128x128xf32>
    %dot_general3A_613 = tpu.matmul %select_n3A_610, %slice3A_611, %dot_general3A_612 {dimension_numbers = #tpu.dot_dimension_numbers<[1], [0], [0], [1], [0, 0, 1, 1], [], []>, transpose_lhs_hint = false} : vector<128x128xf32>, vector<128x128xf32>, vector<128x128xf32> -> vector<128x128xf32>
    %mul3A_614 = arith.constant 40 : i32
    %mul3A_615 = arith.muli %arg0, %mul3A_614 : i32
    %add3A_616 = arith.constant 18 : i32
    %add3A_617 = arith.addi %mul3A_615, %add3A_616 : i32
    %get3A_618 = arith.constant 0 : index
    %get3A_619 = arith.index_cast %add3A_617 : i32 to index
    %get3A_620 = arith.constant 0 : index
    %get3A_621 = vector.load %arg2[%get3A_618, %get3A_619, %get3A_620] : memref<2x80x128xf32, #tpu.memory_space<vmem>>, vector<1x1x128xf32>
    %get3A_622 = vector.shape_cast %get3A_621 : vector<1x1x128xf32> to vector<128xf32>
    %mul3A_623 = arith.constant 40 : i32
    %mul3A_624 = arith.muli %arg0, %mul3A_623 : i32
    %add3A_625 = arith.constant 18 : i32
    %add3A_626 = arith.addi %mul3A_624, %add3A_625 : i32
    %get3A_627 = arith.constant 1 : index
    %get3A_628 = arith.index_cast %add3A_626 : i32 to index
    %get3A_629 = arith.constant 0 : index
    %get3A_630 = vector.load %arg2[%get3A_627, %get3A_628, %get3A_629] : memref<2x80x128xf32, #tpu.memory_space<vmem>>, vector<1x1x128xf32>
    %get3A_631 = vector.shape_cast %get3A_630 : vector<1x1x128xf32> to vector<128xf32>
    %add3A_632 = arith.addf %get3A_622, %get3A_631 : vector<128xf32>
    %max3A_633 = arith.constant 1.000000e+00 : f32
    %max3A_634 = vector.broadcast %max3A_633 : f32 to vector<128xf32>
    %max3A_635 = arith.maximumf %add3A_632, %max3A_634 : vector<128xf32>
    %div3A_636 = arith.constant 1.000000e+00 : f32
    %div3A_637 = vector.broadcast %div3A_636 : f32 to vector<128xf32>
    %div3A_638 = arith.divf %div3A_637, %max3A_635 : vector<128xf32>
    %broadcast_in_dim3A_639 = vector.shape_cast %div3A_638 : vector<128xf32> to vector<1x128xf32>
    %jit3A_640 = arith.constant 0.000000e+00 : f32
    %broadcast_in_dim3A_641 = vector.shape_cast %broadcast_in_dim3A_639 : vector<1x128xf32> to vector<1x128xf32>
    %broadcast_in_dim3A_642 = vector.broadcast %broadcast_in_dim3A_641 : vector<1x128xf32> to vector<128x128xf32>
    %broadcast_in_dim3A_643 = vector.broadcast %jit3A_640 : f32 to vector<128x128xf32>
    %select_n3A_644 = arith.select %eq3A, %broadcast_in_dim3A_642, %broadcast_in_dim3A_643 : vector<128x128xi1>, vector<128x128xf32>
    %slice3A_645 = vector.extract_strided_slice %add3A {offsets = [2304, 0], sizes = [128, 128], strides = [1, 1]} : vector<5120x128xf32> to vector<128x128xf32>
    %dot_general3A_646 = arith.constant dense<0.000000e+00> : vector<128x128xf32>
    %dot_general3A_647 = tpu.matmul %select_n3A_644, %slice3A_645, %dot_general3A_646 {dimension_numbers = #tpu.dot_dimension_numbers<[1], [0], [0], [1], [0, 0, 1, 1], [], []>, transpose_lhs_hint = false} : vector<128x128xf32>, vector<128x128xf32>, vector<128x128xf32> -> vector<128x128xf32>
    %mul3A_648 = arith.constant 40 : i32
    %mul3A_649 = arith.muli %arg0, %mul3A_648 : i32
    %add3A_650 = arith.constant 19 : i32
    %add3A_651 = arith.addi %mul3A_649, %add3A_650 : i32
    %get3A_652 = arith.constant 0 : index
    %get3A_653 = arith.index_cast %add3A_651 : i32 to index
    %get3A_654 = arith.constant 0 : index
    %get3A_655 = vector.load %arg2[%get3A_652, %get3A_653, %get3A_654] : memref<2x80x128xf32, #tpu.memory_space<vmem>>, vector<1x1x128xf32>
    %get3A_656 = vector.shape_cast %get3A_655 : vector<1x1x128xf32> to vector<128xf32>
    %mul3A_657 = arith.constant 40 : i32
    %mul3A_658 = arith.muli %arg0, %mul3A_657 : i32
    %add3A_659 = arith.constant 19 : i32
    %add3A_660 = arith.addi %mul3A_658, %add3A_659 : i32
    %get3A_661 = arith.constant 1 : index
    %get3A_662 = arith.index_cast %add3A_660 : i32 to index
    %get3A_663 = arith.constant 0 : index
    %get3A_664 = vector.load %arg2[%get3A_661, %get3A_662, %get3A_663] : memref<2x80x128xf32, #tpu.memory_space<vmem>>, vector<1x1x128xf32>
    %get3A_665 = vector.shape_cast %get3A_664 : vector<1x1x128xf32> to vector<128xf32>
    %add3A_666 = arith.addf %get3A_656, %get3A_665 : vector<128xf32>
    %max3A_667 = arith.constant 1.000000e+00 : f32
    %max3A_668 = vector.broadcast %max3A_667 : f32 to vector<128xf32>
    %max3A_669 = arith.maximumf %add3A_666, %max3A_668 : vector<128xf32>
    %div3A_670 = arith.constant 1.000000e+00 : f32
    %div3A_671 = vector.broadcast %div3A_670 : f32 to vector<128xf32>
    %div3A_672 = arith.divf %div3A_671, %max3A_669 : vector<128xf32>
    %broadcast_in_dim3A_673 = vector.shape_cast %div3A_672 : vector<128xf32> to vector<1x128xf32>
    %jit3A_674 = arith.constant 0.000000e+00 : f32
    %broadcast_in_dim3A_675 = vector.shape_cast %broadcast_in_dim3A_673 : vector<1x128xf32> to vector<1x128xf32>
    %broadcast_in_dim3A_676 = vector.broadcast %broadcast_in_dim3A_675 : vector<1x128xf32> to vector<128x128xf32>
    %broadcast_in_dim3A_677 = vector.broadcast %jit3A_674 : f32 to vector<128x128xf32>
    %select_n3A_678 = arith.select %eq3A, %broadcast_in_dim3A_676, %broadcast_in_dim3A_677 : vector<128x128xi1>, vector<128x128xf32>
    %slice3A_679 = vector.extract_strided_slice %add3A {offsets = [2432, 0], sizes = [128, 128], strides = [1, 1]} : vector<5120x128xf32> to vector<128x128xf32>
    %dot_general3A_680 = arith.constant dense<0.000000e+00> : vector<128x128xf32>
    %dot_general3A_681 = tpu.matmul %select_n3A_678, %slice3A_679, %dot_general3A_680 {dimension_numbers = #tpu.dot_dimension_numbers<[1], [0], [0], [1], [0, 0, 1, 1], [], []>, transpose_lhs_hint = false} : vector<128x128xf32>, vector<128x128xf32>, vector<128x128xf32> -> vector<128x128xf32>
    %mul3A_682 = arith.constant 40 : i32
    %mul3A_683 = arith.muli %arg0, %mul3A_682 : i32
    %add3A_684 = arith.constant 20 : i32
    %add3A_685 = arith.addi %mul3A_683, %add3A_684 : i32
    %get3A_686 = arith.constant 0 : index
    %get3A_687 = arith.index_cast %add3A_685 : i32 to index
    %get3A_688 = arith.constant 0 : index
    %get3A_689 = vector.load %arg2[%get3A_686, %get3A_687, %get3A_688] : memref<2x80x128xf32, #tpu.memory_space<vmem>>, vector<1x1x128xf32>
    %get3A_690 = vector.shape_cast %get3A_689 : vector<1x1x128xf32> to vector<128xf32>
    %mul3A_691 = arith.constant 40 : i32
    %mul3A_692 = arith.muli %arg0, %mul3A_691 : i32
    %add3A_693 = arith.constant 20 : i32
    %add3A_694 = arith.addi %mul3A_692, %add3A_693 : i32
    %get3A_695 = arith.constant 1 : index
    %get3A_696 = arith.index_cast %add3A_694 : i32 to index
    %get3A_697 = arith.constant 0 : index
    %get3A_698 = vector.load %arg2[%get3A_695, %get3A_696, %get3A_697] : memref<2x80x128xf32, #tpu.memory_space<vmem>>, vector<1x1x128xf32>
    %get3A_699 = vector.shape_cast %get3A_698 : vector<1x1x128xf32> to vector<128xf32>
    %add3A_700 = arith.addf %get3A_690, %get3A_699 : vector<128xf32>
    %max3A_701 = arith.constant 1.000000e+00 : f32
    %max3A_702 = vector.broadcast %max3A_701 : f32 to vector<128xf32>
    %max3A_703 = arith.maximumf %add3A_700, %max3A_702 : vector<128xf32>
    %div3A_704 = arith.constant 1.000000e+00 : f32
    %div3A_705 = vector.broadcast %div3A_704 : f32 to vector<128xf32>
    %div3A_706 = arith.divf %div3A_705, %max3A_703 : vector<128xf32>
    %broadcast_in_dim3A_707 = vector.shape_cast %div3A_706 : vector<128xf32> to vector<1x128xf32>
    %jit3A_708 = arith.constant 0.000000e+00 : f32
    %broadcast_in_dim3A_709 = vector.shape_cast %broadcast_in_dim3A_707 : vector<1x128xf32> to vector<1x128xf32>
    %broadcast_in_dim3A_710 = vector.broadcast %broadcast_in_dim3A_709 : vector<1x128xf32> to vector<128x128xf32>
    %broadcast_in_dim3A_711 = vector.broadcast %jit3A_708 : f32 to vector<128x128xf32>
    %select_n3A_712 = arith.select %eq3A, %broadcast_in_dim3A_710, %broadcast_in_dim3A_711 : vector<128x128xi1>, vector<128x128xf32>
    %slice3A_713 = vector.extract_strided_slice %add3A {offsets = [2560, 0], sizes = [128, 128], strides = [1, 1]} : vector<5120x128xf32> to vector<128x128xf32>
    %dot_general3A_714 = arith.constant dense<0.000000e+00> : vector<128x128xf32>
    %dot_general3A_715 = tpu.matmul %select_n3A_712, %slice3A_713, %dot_general3A_714 {dimension_numbers = #tpu.dot_dimension_numbers<[1], [0], [0], [1], [0, 0, 1, 1], [], []>, transpose_lhs_hint = false} : vector<128x128xf32>, vector<128x128xf32>, vector<128x128xf32> -> vector<128x128xf32>
    %mul3A_716 = arith.constant 40 : i32
    %mul3A_717 = arith.muli %arg0, %mul3A_716 : i32
    %add3A_718 = arith.constant 21 : i32
    %add3A_719 = arith.addi %mul3A_717, %add3A_718 : i32
    %get3A_720 = arith.constant 0 : index
    %get3A_721 = arith.index_cast %add3A_719 : i32 to index
    %get3A_722 = arith.constant 0 : index
    %get3A_723 = vector.load %arg2[%get3A_720, %get3A_721, %get3A_722] : memref<2x80x128xf32, #tpu.memory_space<vmem>>, vector<1x1x128xf32>
    %get3A_724 = vector.shape_cast %get3A_723 : vector<1x1x128xf32> to vector<128xf32>
    %mul3A_725 = arith.constant 40 : i32
    %mul3A_726 = arith.muli %arg0, %mul3A_725 : i32
    %add3A_727 = arith.constant 21 : i32
    %add3A_728 = arith.addi %mul3A_726, %add3A_727 : i32
    %get3A_729 = arith.constant 1 : index
    %get3A_730 = arith.index_cast %add3A_728 : i32 to index
    %get3A_731 = arith.constant 0 : index
    %get3A_732 = vector.load %arg2[%get3A_729, %get3A_730, %get3A_731] : memref<2x80x128xf32, #tpu.memory_space<vmem>>, vector<1x1x128xf32>
    %get3A_733 = vector.shape_cast %get3A_732 : vector<1x1x128xf32> to vector<128xf32>
    %add3A_734 = arith.addf %get3A_724, %get3A_733 : vector<128xf32>
    %max3A_735 = arith.constant 1.000000e+00 : f32
    %max3A_736 = vector.broadcast %max3A_735 : f32 to vector<128xf32>
    %max3A_737 = arith.maximumf %add3A_734, %max3A_736 : vector<128xf32>
    %div3A_738 = arith.constant 1.000000e+00 : f32
    %div3A_739 = vector.broadcast %div3A_738 : f32 to vector<128xf32>
    %div3A_740 = arith.divf %div3A_739, %max3A_737 : vector<128xf32>
    %broadcast_in_dim3A_741 = vector.shape_cast %div3A_740 : vector<128xf32> to vector<1x128xf32>
    %jit3A_742 = arith.constant 0.000000e+00 : f32
    %broadcast_in_dim3A_743 = vector.shape_cast %broadcast_in_dim3A_741 : vector<1x128xf32> to vector<1x128xf32>
    %broadcast_in_dim3A_744 = vector.broadcast %broadcast_in_dim3A_743 : vector<1x128xf32> to vector<128x128xf32>
    %broadcast_in_dim3A_745 = vector.broadcast %jit3A_742 : f32 to vector<128x128xf32>
    %select_n3A_746 = arith.select %eq3A, %broadcast_in_dim3A_744, %broadcast_in_dim3A_745 : vector<128x128xi1>, vector<128x128xf32>
    %slice3A_747 = vector.extract_strided_slice %add3A {offsets = [2688, 0], sizes = [128, 128], strides = [1, 1]} : vector<5120x128xf32> to vector<128x128xf32>
    %dot_general3A_748 = arith.constant dense<0.000000e+00> : vector<128x128xf32>
    %dot_general3A_749 = tpu.matmul %select_n3A_746, %slice3A_747, %dot_general3A_748 {dimension_numbers = #tpu.dot_dimension_numbers<[1], [0], [0], [1], [0, 0, 1, 1], [], []>, transpose_lhs_hint = false} : vector<128x128xf32>, vector<128x128xf32>, vector<128x128xf32> -> vector<128x128xf32>
    %mul3A_750 = arith.constant 40 : i32
    %mul3A_751 = arith.muli %arg0, %mul3A_750 : i32
    %add3A_752 = arith.constant 22 : i32
    %add3A_753 = arith.addi %mul3A_751, %add3A_752 : i32
    %get3A_754 = arith.constant 0 : index
    %get3A_755 = arith.index_cast %add3A_753 : i32 to index
    %get3A_756 = arith.constant 0 : index
    %get3A_757 = vector.load %arg2[%get3A_754, %get3A_755, %get3A_756] : memref<2x80x128xf32, #tpu.memory_space<vmem>>, vector<1x1x128xf32>
    %get3A_758 = vector.shape_cast %get3A_757 : vector<1x1x128xf32> to vector<128xf32>
    %mul3A_759 = arith.constant 40 : i32
    %mul3A_760 = arith.muli %arg0, %mul3A_759 : i32
    %add3A_761 = arith.constant 22 : i32
    %add3A_762 = arith.addi %mul3A_760, %add3A_761 : i32
    %get3A_763 = arith.constant 1 : index
    %get3A_764 = arith.index_cast %add3A_762 : i32 to index
    %get3A_765 = arith.constant 0 : index
    %get3A_766 = vector.load %arg2[%get3A_763, %get3A_764, %get3A_765] : memref<2x80x128xf32, #tpu.memory_space<vmem>>, vector<1x1x128xf32>
    %get3A_767 = vector.shape_cast %get3A_766 : vector<1x1x128xf32> to vector<128xf32>
    %add3A_768 = arith.addf %get3A_758, %get3A_767 : vector<128xf32>
    %max3A_769 = arith.constant 1.000000e+00 : f32
    %max3A_770 = vector.broadcast %max3A_769 : f32 to vector<128xf32>
    %max3A_771 = arith.maximumf %add3A_768, %max3A_770 : vector<128xf32>
    %div3A_772 = arith.constant 1.000000e+00 : f32
    %div3A_773 = vector.broadcast %div3A_772 : f32 to vector<128xf32>
    %div3A_774 = arith.divf %div3A_773, %max3A_771 : vector<128xf32>
    %broadcast_in_dim3A_775 = vector.shape_cast %div3A_774 : vector<128xf32> to vector<1x128xf32>
    %jit3A_776 = arith.constant 0.000000e+00 : f32
    %broadcast_in_dim3A_777 = vector.shape_cast %broadcast_in_dim3A_775 : vector<1x128xf32> to vector<1x128xf32>
    %broadcast_in_dim3A_778 = vector.broadcast %broadcast_in_dim3A_777 : vector<1x128xf32> to vector<128x128xf32>
    %broadcast_in_dim3A_779 = vector.broadcast %jit3A_776 : f32 to vector<128x128xf32>
    %select_n3A_780 = arith.select %eq3A, %broadcast_in_dim3A_778, %broadcast_in_dim3A_779 : vector<128x128xi1>, vector<128x128xf32>
    %slice3A_781 = vector.extract_strided_slice %add3A {offsets = [2816, 0], sizes = [128, 128], strides = [1, 1]} : vector<5120x128xf32> to vector<128x128xf32>
    %dot_general3A_782 = arith.constant dense<0.000000e+00> : vector<128x128xf32>
    %dot_general3A_783 = tpu.matmul %select_n3A_780, %slice3A_781, %dot_general3A_782 {dimension_numbers = #tpu.dot_dimension_numbers<[1], [0], [0], [1], [0, 0, 1, 1], [], []>, transpose_lhs_hint = false} : vector<128x128xf32>, vector<128x128xf32>, vector<128x128xf32> -> vector<128x128xf32>
    %mul3A_784 = arith.constant 40 : i32
    %mul3A_785 = arith.muli %arg0, %mul3A_784 : i32
    %add3A_786 = arith.constant 23 : i32
    %add3A_787 = arith.addi %mul3A_785, %add3A_786 : i32
    %get3A_788 = arith.constant 0 : index
    %get3A_789 = arith.index_cast %add3A_787 : i32 to index
    %get3A_790 = arith.constant 0 : index
    %get3A_791 = vector.load %arg2[%get3A_788, %get3A_789, %get3A_790] : memref<2x80x128xf32, #tpu.memory_space<vmem>>, vector<1x1x128xf32>
    %get3A_792 = vector.shape_cast %get3A_791 : vector<1x1x128xf32> to vector<128xf32>
    %mul3A_793 = arith.constant 40 : i32
    %mul3A_794 = arith.muli %arg0, %mul3A_793 : i32
    %add3A_795 = arith.constant 23 : i32
    %add3A_796 = arith.addi %mul3A_794, %add3A_795 : i32
    %get3A_797 = arith.constant 1 : index
    %get3A_798 = arith.index_cast %add3A_796 : i32 to index
    %get3A_799 = arith.constant 0 : index
    %get3A_800 = vector.load %arg2[%get3A_797, %get3A_798, %get3A_799] : memref<2x80x128xf32, #tpu.memory_space<vmem>>, vector<1x1x128xf32>
    %get3A_801 = vector.shape_cast %get3A_800 : vector<1x1x128xf32> to vector<128xf32>
    %add3A_802 = arith.addf %get3A_792, %get3A_801 : vector<128xf32>
    %max3A_803 = arith.constant 1.000000e+00 : f32
    %max3A_804 = vector.broadcast %max3A_803 : f32 to vector<128xf32>
    %max3A_805 = arith.maximumf %add3A_802, %max3A_804 : vector<128xf32>
    %div3A_806 = arith.constant 1.000000e+00 : f32
    %div3A_807 = vector.broadcast %div3A_806 : f32 to vector<128xf32>
    %div3A_808 = arith.divf %div3A_807, %max3A_805 : vector<128xf32>
    %broadcast_in_dim3A_809 = vector.shape_cast %div3A_808 : vector<128xf32> to vector<1x128xf32>
    %jit3A_810 = arith.constant 0.000000e+00 : f32
    %broadcast_in_dim3A_811 = vector.shape_cast %broadcast_in_dim3A_809 : vector<1x128xf32> to vector<1x128xf32>
    %broadcast_in_dim3A_812 = vector.broadcast %broadcast_in_dim3A_811 : vector<1x128xf32> to vector<128x128xf32>
    %broadcast_in_dim3A_813 = vector.broadcast %jit3A_810 : f32 to vector<128x128xf32>
    %select_n3A_814 = arith.select %eq3A, %broadcast_in_dim3A_812, %broadcast_in_dim3A_813 : vector<128x128xi1>, vector<128x128xf32>
    %slice3A_815 = vector.extract_strided_slice %add3A {offsets = [2944, 0], sizes = [128, 128], strides = [1, 1]} : vector<5120x128xf32> to vector<128x128xf32>
    %dot_general3A_816 = arith.constant dense<0.000000e+00> : vector<128x128xf32>
    %dot_general3A_817 = tpu.matmul %select_n3A_814, %slice3A_815, %dot_general3A_816 {dimension_numbers = #tpu.dot_dimension_numbers<[1], [0], [0], [1], [0, 0, 1, 1], [], []>, transpose_lhs_hint = false} : vector<128x128xf32>, vector<128x128xf32>, vector<128x128xf32> -> vector<128x128xf32>
    %mul3A_818 = arith.constant 40 : i32
    %mul3A_819 = arith.muli %arg0, %mul3A_818 : i32
    %add3A_820 = arith.constant 24 : i32
    %add3A_821 = arith.addi %mul3A_819, %add3A_820 : i32
    %get3A_822 = arith.constant 0 : index
    %get3A_823 = arith.index_cast %add3A_821 : i32 to index
    %get3A_824 = arith.constant 0 : index
    %get3A_825 = vector.load %arg2[%get3A_822, %get3A_823, %get3A_824] : memref<2x80x128xf32, #tpu.memory_space<vmem>>, vector<1x1x128xf32>
    %get3A_826 = vector.shape_cast %get3A_825 : vector<1x1x128xf32> to vector<128xf32>
    %mul3A_827 = arith.constant 40 : i32
    %mul3A_828 = arith.muli %arg0, %mul3A_827 : i32
    %add3A_829 = arith.constant 24 : i32
    %add3A_830 = arith.addi %mul3A_828, %add3A_829 : i32
    %get3A_831 = arith.constant 1 : index
    %get3A_832 = arith.index_cast %add3A_830 : i32 to index
    %get3A_833 = arith.constant 0 : index
    %get3A_834 = vector.load %arg2[%get3A_831, %get3A_832, %get3A_833] : memref<2x80x128xf32, #tpu.memory_space<vmem>>, vector<1x1x128xf32>
    %get3A_835 = vector.shape_cast %get3A_834 : vector<1x1x128xf32> to vector<128xf32>
    %add3A_836 = arith.addf %get3A_826, %get3A_835 : vector<128xf32>
    %max3A_837 = arith.constant 1.000000e+00 : f32
    %max3A_838 = vector.broadcast %max3A_837 : f32 to vector<128xf32>
    %max3A_839 = arith.maximumf %add3A_836, %max3A_838 : vector<128xf32>
    %div3A_840 = arith.constant 1.000000e+00 : f32
    %div3A_841 = vector.broadcast %div3A_840 : f32 to vector<128xf32>
    %div3A_842 = arith.divf %div3A_841, %max3A_839 : vector<128xf32>
    %broadcast_in_dim3A_843 = vector.shape_cast %div3A_842 : vector<128xf32> to vector<1x128xf32>
    %jit3A_844 = arith.constant 0.000000e+00 : f32
    %broadcast_in_dim3A_845 = vector.shape_cast %broadcast_in_dim3A_843 : vector<1x128xf32> to vector<1x128xf32>
    %broadcast_in_dim3A_846 = vector.broadcast %broadcast_in_dim3A_845 : vector<1x128xf32> to vector<128x128xf32>
    %broadcast_in_dim3A_847 = vector.broadcast %jit3A_844 : f32 to vector<128x128xf32>
    %select_n3A_848 = arith.select %eq3A, %broadcast_in_dim3A_846, %broadcast_in_dim3A_847 : vector<128x128xi1>, vector<128x128xf32>
    %slice3A_849 = vector.extract_strided_slice %add3A {offsets = [3072, 0], sizes = [128, 128], strides = [1, 1]} : vector<5120x128xf32> to vector<128x128xf32>
    %dot_general3A_850 = arith.constant dense<0.000000e+00> : vector<128x128xf32>
    %dot_general3A_851 = tpu.matmul %select_n3A_848, %slice3A_849, %dot_general3A_850 {dimension_numbers = #tpu.dot_dimension_numbers<[1], [0], [0], [1], [0, 0, 1, 1], [], []>, transpose_lhs_hint = false} : vector<128x128xf32>, vector<128x128xf32>, vector<128x128xf32> -> vector<128x128xf32>
    %mul3A_852 = arith.constant 40 : i32
    %mul3A_853 = arith.muli %arg0, %mul3A_852 : i32
    %add3A_854 = arith.constant 25 : i32
    %add3A_855 = arith.addi %mul3A_853, %add3A_854 : i32
    %get3A_856 = arith.constant 0 : index
    %get3A_857 = arith.index_cast %add3A_855 : i32 to index
    %get3A_858 = arith.constant 0 : index
    %get3A_859 = vector.load %arg2[%get3A_856, %get3A_857, %get3A_858] : memref<2x80x128xf32, #tpu.memory_space<vmem>>, vector<1x1x128xf32>
    %get3A_860 = vector.shape_cast %get3A_859 : vector<1x1x128xf32> to vector<128xf32>
    %mul3A_861 = arith.constant 40 : i32
    %mul3A_862 = arith.muli %arg0, %mul3A_861 : i32
    %add3A_863 = arith.constant 25 : i32
    %add3A_864 = arith.addi %mul3A_862, %add3A_863 : i32
    %get3A_865 = arith.constant 1 : index
    %get3A_866 = arith.index_cast %add3A_864 : i32 to index
    %get3A_867 = arith.constant 0 : index
    %get3A_868 = vector.load %arg2[%get3A_865, %get3A_866, %get3A_867] : memref<2x80x128xf32, #tpu.memory_space<vmem>>, vector<1x1x128xf32>
    %get3A_869 = vector.shape_cast %get3A_868 : vector<1x1x128xf32> to vector<128xf32>
    %add3A_870 = arith.addf %get3A_860, %get3A_869 : vector<128xf32>
    %max3A_871 = arith.constant 1.000000e+00 : f32
    %max3A_872 = vector.broadcast %max3A_871 : f32 to vector<128xf32>
    %max3A_873 = arith.maximumf %add3A_870, %max3A_872 : vector<128xf32>
    %div3A_874 = arith.constant 1.000000e+00 : f32
    %div3A_875 = vector.broadcast %div3A_874 : f32 to vector<128xf32>
    %div3A_876 = arith.divf %div3A_875, %max3A_873 : vector<128xf32>
    %broadcast_in_dim3A_877 = vector.shape_cast %div3A_876 : vector<128xf32> to vector<1x128xf32>
    %jit3A_878 = arith.constant 0.000000e+00 : f32
    %broadcast_in_dim3A_879 = vector.shape_cast %broadcast_in_dim3A_877 : vector<1x128xf32> to vector<1x128xf32>
    %broadcast_in_dim3A_880 = vector.broadcast %broadcast_in_dim3A_879 : vector<1x128xf32> to vector<128x128xf32>
    %broadcast_in_dim3A_881 = vector.broadcast %jit3A_878 : f32 to vector<128x128xf32>
    %select_n3A_882 = arith.select %eq3A, %broadcast_in_dim3A_880, %broadcast_in_dim3A_881 : vector<128x128xi1>, vector<128x128xf32>
    %slice3A_883 = vector.extract_strided_slice %add3A {offsets = [3200, 0], sizes = [128, 128], strides = [1, 1]} : vector<5120x128xf32> to vector<128x128xf32>
    %dot_general3A_884 = arith.constant dense<0.000000e+00> : vector<128x128xf32>
    %dot_general3A_885 = tpu.matmul %select_n3A_882, %slice3A_883, %dot_general3A_884 {dimension_numbers = #tpu.dot_dimension_numbers<[1], [0], [0], [1], [0, 0, 1, 1], [], []>, transpose_lhs_hint = false} : vector<128x128xf32>, vector<128x128xf32>, vector<128x128xf32> -> vector<128x128xf32>
    %mul3A_886 = arith.constant 40 : i32
    %mul3A_887 = arith.muli %arg0, %mul3A_886 : i32
    %add3A_888 = arith.constant 26 : i32
    %add3A_889 = arith.addi %mul3A_887, %add3A_888 : i32
    %get3A_890 = arith.constant 0 : index
    %get3A_891 = arith.index_cast %add3A_889 : i32 to index
    %get3A_892 = arith.constant 0 : index
    %get3A_893 = vector.load %arg2[%get3A_890, %get3A_891, %get3A_892] : memref<2x80x128xf32, #tpu.memory_space<vmem>>, vector<1x1x128xf32>
    %get3A_894 = vector.shape_cast %get3A_893 : vector<1x1x128xf32> to vector<128xf32>
    %mul3A_895 = arith.constant 40 : i32
    %mul3A_896 = arith.muli %arg0, %mul3A_895 : i32
    %add3A_897 = arith.constant 26 : i32
    %add3A_898 = arith.addi %mul3A_896, %add3A_897 : i32
    %get3A_899 = arith.constant 1 : index
    %get3A_900 = arith.index_cast %add3A_898 : i32 to index
    %get3A_901 = arith.constant 0 : index
    %get3A_902 = vector.load %arg2[%get3A_899, %get3A_900, %get3A_901] : memref<2x80x128xf32, #tpu.memory_space<vmem>>, vector<1x1x128xf32>
    %get3A_903 = vector.shape_cast %get3A_902 : vector<1x1x128xf32> to vector<128xf32>
    %add3A_904 = arith.addf %get3A_894, %get3A_903 : vector<128xf32>
    %max3A_905 = arith.constant 1.000000e+00 : f32
    %max3A_906 = vector.broadcast %max3A_905 : f32 to vector<128xf32>
    %max3A_907 = arith.maximumf %add3A_904, %max3A_906 : vector<128xf32>
    %div3A_908 = arith.constant 1.000000e+00 : f32
    %div3A_909 = vector.broadcast %div3A_908 : f32 to vector<128xf32>
    %div3A_910 = arith.divf %div3A_909, %max3A_907 : vector<128xf32>
    %broadcast_in_dim3A_911 = vector.shape_cast %div3A_910 : vector<128xf32> to vector<1x128xf32>
    %jit3A_912 = arith.constant 0.000000e+00 : f32
    %broadcast_in_dim3A_913 = vector.shape_cast %broadcast_in_dim3A_911 : vector<1x128xf32> to vector<1x128xf32>
    %broadcast_in_dim3A_914 = vector.broadcast %broadcast_in_dim3A_913 : vector<1x128xf32> to vector<128x128xf32>
    %broadcast_in_dim3A_915 = vector.broadcast %jit3A_912 : f32 to vector<128x128xf32>
    %select_n3A_916 = arith.select %eq3A, %broadcast_in_dim3A_914, %broadcast_in_dim3A_915 : vector<128x128xi1>, vector<128x128xf32>
    %slice3A_917 = vector.extract_strided_slice %add3A {offsets = [3328, 0], sizes = [128, 128], strides = [1, 1]} : vector<5120x128xf32> to vector<128x128xf32>
    %dot_general3A_918 = arith.constant dense<0.000000e+00> : vector<128x128xf32>
    %dot_general3A_919 = tpu.matmul %select_n3A_916, %slice3A_917, %dot_general3A_918 {dimension_numbers = #tpu.dot_dimension_numbers<[1], [0], [0], [1], [0, 0, 1, 1], [], []>, transpose_lhs_hint = false} : vector<128x128xf32>, vector<128x128xf32>, vector<128x128xf32> -> vector<128x128xf32>
    %mul3A_920 = arith.constant 40 : i32
    %mul3A_921 = arith.muli %arg0, %mul3A_920 : i32
    %add3A_922 = arith.constant 27 : i32
    %add3A_923 = arith.addi %mul3A_921, %add3A_922 : i32
    %get3A_924 = arith.constant 0 : index
    %get3A_925 = arith.index_cast %add3A_923 : i32 to index
    %get3A_926 = arith.constant 0 : index
    %get3A_927 = vector.load %arg2[%get3A_924, %get3A_925, %get3A_926] : memref<2x80x128xf32, #tpu.memory_space<vmem>>, vector<1x1x128xf32>
    %get3A_928 = vector.shape_cast %get3A_927 : vector<1x1x128xf32> to vector<128xf32>
    %mul3A_929 = arith.constant 40 : i32
    %mul3A_930 = arith.muli %arg0, %mul3A_929 : i32
    %add3A_931 = arith.constant 27 : i32
    %add3A_932 = arith.addi %mul3A_930, %add3A_931 : i32
    %get3A_933 = arith.constant 1 : index
    %get3A_934 = arith.index_cast %add3A_932 : i32 to index
    %get3A_935 = arith.constant 0 : index
    %get3A_936 = vector.load %arg2[%get3A_933, %get3A_934, %get3A_935] : memref<2x80x128xf32, #tpu.memory_space<vmem>>, vector<1x1x128xf32>
    %get3A_937 = vector.shape_cast %get3A_936 : vector<1x1x128xf32> to vector<128xf32>
    %add3A_938 = arith.addf %get3A_928, %get3A_937 : vector<128xf32>
    %max3A_939 = arith.constant 1.000000e+00 : f32
    %max3A_940 = vector.broadcast %max3A_939 : f32 to vector<128xf32>
    %max3A_941 = arith.maximumf %add3A_938, %max3A_940 : vector<128xf32>
    %div3A_942 = arith.constant 1.000000e+00 : f32
    %div3A_943 = vector.broadcast %div3A_942 : f32 to vector<128xf32>
    %div3A_944 = arith.divf %div3A_943, %max3A_941 : vector<128xf32>
    %broadcast_in_dim3A_945 = vector.shape_cast %div3A_944 : vector<128xf32> to vector<1x128xf32>
    %jit3A_946 = arith.constant 0.000000e+00 : f32
    %broadcast_in_dim3A_947 = vector.shape_cast %broadcast_in_dim3A_945 : vector<1x128xf32> to vector<1x128xf32>
    %broadcast_in_dim3A_948 = vector.broadcast %broadcast_in_dim3A_947 : vector<1x128xf32> to vector<128x128xf32>
    %broadcast_in_dim3A_949 = vector.broadcast %jit3A_946 : f32 to vector<128x128xf32>
    %select_n3A_950 = arith.select %eq3A, %broadcast_in_dim3A_948, %broadcast_in_dim3A_949 : vector<128x128xi1>, vector<128x128xf32>
    %slice3A_951 = vector.extract_strided_slice %add3A {offsets = [3456, 0], sizes = [128, 128], strides = [1, 1]} : vector<5120x128xf32> to vector<128x128xf32>
    %dot_general3A_952 = arith.constant dense<0.000000e+00> : vector<128x128xf32>
    %dot_general3A_953 = tpu.matmul %select_n3A_950, %slice3A_951, %dot_general3A_952 {dimension_numbers = #tpu.dot_dimension_numbers<[1], [0], [0], [1], [0, 0, 1, 1], [], []>, transpose_lhs_hint = false} : vector<128x128xf32>, vector<128x128xf32>, vector<128x128xf32> -> vector<128x128xf32>
    %mul3A_954 = arith.constant 40 : i32
    %mul3A_955 = arith.muli %arg0, %mul3A_954 : i32
    %add3A_956 = arith.constant 28 : i32
    %add3A_957 = arith.addi %mul3A_955, %add3A_956 : i32
    %get3A_958 = arith.constant 0 : index
    %get3A_959 = arith.index_cast %add3A_957 : i32 to index
    %get3A_960 = arith.constant 0 : index
    %get3A_961 = vector.load %arg2[%get3A_958, %get3A_959, %get3A_960] : memref<2x80x128xf32, #tpu.memory_space<vmem>>, vector<1x1x128xf32>
    %get3A_962 = vector.shape_cast %get3A_961 : vector<1x1x128xf32> to vector<128xf32>
    %mul3A_963 = arith.constant 40 : i32
    %mul3A_964 = arith.muli %arg0, %mul3A_963 : i32
    %add3A_965 = arith.constant 28 : i32
    %add3A_966 = arith.addi %mul3A_964, %add3A_965 : i32
    %get3A_967 = arith.constant 1 : index
    %get3A_968 = arith.index_cast %add3A_966 : i32 to index
    %get3A_969 = arith.constant 0 : index
    %get3A_970 = vector.load %arg2[%get3A_967, %get3A_968, %get3A_969] : memref<2x80x128xf32, #tpu.memory_space<vmem>>, vector<1x1x128xf32>
    %get3A_971 = vector.shape_cast %get3A_970 : vector<1x1x128xf32> to vector<128xf32>
    %add3A_972 = arith.addf %get3A_962, %get3A_971 : vector<128xf32>
    %max3A_973 = arith.constant 1.000000e+00 : f32
    %max3A_974 = vector.broadcast %max3A_973 : f32 to vector<128xf32>
    %max3A_975 = arith.maximumf %add3A_972, %max3A_974 : vector<128xf32>
    %div3A_976 = arith.constant 1.000000e+00 : f32
    %div3A_977 = vector.broadcast %div3A_976 : f32 to vector<128xf32>
    %div3A_978 = arith.divf %div3A_977, %max3A_975 : vector<128xf32>
    %broadcast_in_dim3A_979 = vector.shape_cast %div3A_978 : vector<128xf32> to vector<1x128xf32>
    %jit3A_980 = arith.constant 0.000000e+00 : f32
    %broadcast_in_dim3A_981 = vector.shape_cast %broadcast_in_dim3A_979 : vector<1x128xf32> to vector<1x128xf32>
    %broadcast_in_dim3A_982 = vector.broadcast %broadcast_in_dim3A_981 : vector<1x128xf32> to vector<128x128xf32>
    %broadcast_in_dim3A_983 = vector.broadcast %jit3A_980 : f32 to vector<128x128xf32>
    %select_n3A_984 = arith.select %eq3A, %broadcast_in_dim3A_982, %broadcast_in_dim3A_983 : vector<128x128xi1>, vector<128x128xf32>
    %slice3A_985 = vector.extract_strided_slice %add3A {offsets = [3584, 0], sizes = [128, 128], strides = [1, 1]} : vector<5120x128xf32> to vector<128x128xf32>
    %dot_general3A_986 = arith.constant dense<0.000000e+00> : vector<128x128xf32>
    %dot_general3A_987 = tpu.matmul %select_n3A_984, %slice3A_985, %dot_general3A_986 {dimension_numbers = #tpu.dot_dimension_numbers<[1], [0], [0], [1], [0, 0, 1, 1], [], []>, transpose_lhs_hint = false} : vector<128x128xf32>, vector<128x128xf32>, vector<128x128xf32> -> vector<128x128xf32>
    %mul3A_988 = arith.constant 40 : i32
    %mul3A_989 = arith.muli %arg0, %mul3A_988 : i32
    %add3A_990 = arith.constant 29 : i32
    %add3A_991 = arith.addi %mul3A_989, %add3A_990 : i32
    %get3A_992 = arith.constant 0 : index
    %get3A_993 = arith.index_cast %add3A_991 : i32 to index
    %get3A_994 = arith.constant 0 : index
    %get3A_995 = vector.load %arg2[%get3A_992, %get3A_993, %get3A_994] : memref<2x80x128xf32, #tpu.memory_space<vmem>>, vector<1x1x128xf32>
    %get3A_996 = vector.shape_cast %get3A_995 : vector<1x1x128xf32> to vector<128xf32>
    %mul3A_997 = arith.constant 40 : i32
    %mul3A_998 = arith.muli %arg0, %mul3A_997 : i32
    %add3A_999 = arith.constant 29 : i32
    %add3A_1000 = arith.addi %mul3A_998, %add3A_999 : i32
    %get3A_1001 = arith.constant 1 : index
    %get3A_1002 = arith.index_cast %add3A_1000 : i32 to index
    %get3A_1003 = arith.constant 0 : index
    %get3A_1004 = vector.load %arg2[%get3A_1001, %get3A_1002, %get3A_1003] : memref<2x80x128xf32, #tpu.memory_space<vmem>>, vector<1x1x128xf32>
    %get3A_1005 = vector.shape_cast %get3A_1004 : vector<1x1x128xf32> to vector<128xf32>
    %add3A_1006 = arith.addf %get3A_996, %get3A_1005 : vector<128xf32>
    %max3A_1007 = arith.constant 1.000000e+00 : f32
    %max3A_1008 = vector.broadcast %max3A_1007 : f32 to vector<128xf32>
    %max3A_1009 = arith.maximumf %add3A_1006, %max3A_1008 : vector<128xf32>
    %div3A_1010 = arith.constant 1.000000e+00 : f32
    %div3A_1011 = vector.broadcast %div3A_1010 : f32 to vector<128xf32>
    %div3A_1012 = arith.divf %div3A_1011, %max3A_1009 : vector<128xf32>
    %broadcast_in_dim3A_1013 = vector.shape_cast %div3A_1012 : vector<128xf32> to vector<1x128xf32>
    %jit3A_1014 = arith.constant 0.000000e+00 : f32
    %broadcast_in_dim3A_1015 = vector.shape_cast %broadcast_in_dim3A_1013 : vector<1x128xf32> to vector<1x128xf32>
    %broadcast_in_dim3A_1016 = vector.broadcast %broadcast_in_dim3A_1015 : vector<1x128xf32> to vector<128x128xf32>
    %broadcast_in_dim3A_1017 = vector.broadcast %jit3A_1014 : f32 to vector<128x128xf32>
    %select_n3A_1018 = arith.select %eq3A, %broadcast_in_dim3A_1016, %broadcast_in_dim3A_1017 : vector<128x128xi1>, vector<128x128xf32>
    %slice3A_1019 = vector.extract_strided_slice %add3A {offsets = [3712, 0], sizes = [128, 128], strides = [1, 1]} : vector<5120x128xf32> to vector<128x128xf32>
    %dot_general3A_1020 = arith.constant dense<0.000000e+00> : vector<128x128xf32>
    %dot_general3A_1021 = tpu.matmul %select_n3A_1018, %slice3A_1019, %dot_general3A_1020 {dimension_numbers = #tpu.dot_dimension_numbers<[1], [0], [0], [1], [0, 0, 1, 1], [], []>, transpose_lhs_hint = false} : vector<128x128xf32>, vector<128x128xf32>, vector<128x128xf32> -> vector<128x128xf32>
    %mul3A_1022 = arith.constant 40 : i32
    %mul3A_1023 = arith.muli %arg0, %mul3A_1022 : i32
    %add3A_1024 = arith.constant 30 : i32
    %add3A_1025 = arith.addi %mul3A_1023, %add3A_1024 : i32
    %get3A_1026 = arith.constant 0 : index
    %get3A_1027 = arith.index_cast %add3A_1025 : i32 to index
    %get3A_1028 = arith.constant 0 : index
    %get3A_1029 = vector.load %arg2[%get3A_1026, %get3A_1027, %get3A_1028] : memref<2x80x128xf32, #tpu.memory_space<vmem>>, vector<1x1x128xf32>
    %get3A_1030 = vector.shape_cast %get3A_1029 : vector<1x1x128xf32> to vector<128xf32>
    %mul3A_1031 = arith.constant 40 : i32
    %mul3A_1032 = arith.muli %arg0, %mul3A_1031 : i32
    %add3A_1033 = arith.constant 30 : i32
    %add3A_1034 = arith.addi %mul3A_1032, %add3A_1033 : i32
    %get3A_1035 = arith.constant 1 : index
    %get3A_1036 = arith.index_cast %add3A_1034 : i32 to index
    %get3A_1037 = arith.constant 0 : index
    %get3A_1038 = vector.load %arg2[%get3A_1035, %get3A_1036, %get3A_1037] : memref<2x80x128xf32, #tpu.memory_space<vmem>>, vector<1x1x128xf32>
    %get3A_1039 = vector.shape_cast %get3A_1038 : vector<1x1x128xf32> to vector<128xf32>
    %add3A_1040 = arith.addf %get3A_1030, %get3A_1039 : vector<128xf32>
    %max3A_1041 = arith.constant 1.000000e+00 : f32
    %max3A_1042 = vector.broadcast %max3A_1041 : f32 to vector<128xf32>
    %max3A_1043 = arith.maximumf %add3A_1040, %max3A_1042 : vector<128xf32>
    %div3A_1044 = arith.constant 1.000000e+00 : f32
    %div3A_1045 = vector.broadcast %div3A_1044 : f32 to vector<128xf32>
    %div3A_1046 = arith.divf %div3A_1045, %max3A_1043 : vector<128xf32>
    %broadcast_in_dim3A_1047 = vector.shape_cast %div3A_1046 : vector<128xf32> to vector<1x128xf32>
    %jit3A_1048 = arith.constant 0.000000e+00 : f32
    %broadcast_in_dim3A_1049 = vector.shape_cast %broadcast_in_dim3A_1047 : vector<1x128xf32> to vector<1x128xf32>
    %broadcast_in_dim3A_1050 = vector.broadcast %broadcast_in_dim3A_1049 : vector<1x128xf32> to vector<128x128xf32>
    %broadcast_in_dim3A_1051 = vector.broadcast %jit3A_1048 : f32 to vector<128x128xf32>
    %select_n3A_1052 = arith.select %eq3A, %broadcast_in_dim3A_1050, %broadcast_in_dim3A_1051 : vector<128x128xi1>, vector<128x128xf32>
    %slice3A_1053 = vector.extract_strided_slice %add3A {offsets = [3840, 0], sizes = [128, 128], strides = [1, 1]} : vector<5120x128xf32> to vector<128x128xf32>
    %dot_general3A_1054 = arith.constant dense<0.000000e+00> : vector<128x128xf32>
    %dot_general3A_1055 = tpu.matmul %select_n3A_1052, %slice3A_1053, %dot_general3A_1054 {dimension_numbers = #tpu.dot_dimension_numbers<[1], [0], [0], [1], [0, 0, 1, 1], [], []>, transpose_lhs_hint = false} : vector<128x128xf32>, vector<128x128xf32>, vector<128x128xf32> -> vector<128x128xf32>
    %mul3A_1056 = arith.constant 40 : i32
    %mul3A_1057 = arith.muli %arg0, %mul3A_1056 : i32
    %add3A_1058 = arith.constant 31 : i32
    %add3A_1059 = arith.addi %mul3A_1057, %add3A_1058 : i32
    %get3A_1060 = arith.constant 0 : index
    %get3A_1061 = arith.index_cast %add3A_1059 : i32 to index
    %get3A_1062 = arith.constant 0 : index
    %get3A_1063 = vector.load %arg2[%get3A_1060, %get3A_1061, %get3A_1062] : memref<2x80x128xf32, #tpu.memory_space<vmem>>, vector<1x1x128xf32>
    %get3A_1064 = vector.shape_cast %get3A_1063 : vector<1x1x128xf32> to vector<128xf32>
    %mul3A_1065 = arith.constant 40 : i32
    %mul3A_1066 = arith.muli %arg0, %mul3A_1065 : i32
    %add3A_1067 = arith.constant 31 : i32
    %add3A_1068 = arith.addi %mul3A_1066, %add3A_1067 : i32
    %get3A_1069 = arith.constant 1 : index
    %get3A_1070 = arith.index_cast %add3A_1068 : i32 to index
    %get3A_1071 = arith.constant 0 : index
    %get3A_1072 = vector.load %arg2[%get3A_1069, %get3A_1070, %get3A_1071] : memref<2x80x128xf32, #tpu.memory_space<vmem>>, vector<1x1x128xf32>
    %get3A_1073 = vector.shape_cast %get3A_1072 : vector<1x1x128xf32> to vector<128xf32>
    %add3A_1074 = arith.addf %get3A_1064, %get3A_1073 : vector<128xf32>
    %max3A_1075 = arith.constant 1.000000e+00 : f32
    %max3A_1076 = vector.broadcast %max3A_1075 : f32 to vector<128xf32>
    %max3A_1077 = arith.maximumf %add3A_1074, %max3A_1076 : vector<128xf32>
    %div3A_1078 = arith.constant 1.000000e+00 : f32
    %div3A_1079 = vector.broadcast %div3A_1078 : f32 to vector<128xf32>
    %div3A_1080 = arith.divf %div3A_1079, %max3A_1077 : vector<128xf32>
    %broadcast_in_dim3A_1081 = vector.shape_cast %div3A_1080 : vector<128xf32> to vector<1x128xf32>
    %jit3A_1082 = arith.constant 0.000000e+00 : f32
    %broadcast_in_dim3A_1083 = vector.shape_cast %broadcast_in_dim3A_1081 : vector<1x128xf32> to vector<1x128xf32>
    %broadcast_in_dim3A_1084 = vector.broadcast %broadcast_in_dim3A_1083 : vector<1x128xf32> to vector<128x128xf32>
    %broadcast_in_dim3A_1085 = vector.broadcast %jit3A_1082 : f32 to vector<128x128xf32>
    %select_n3A_1086 = arith.select %eq3A, %broadcast_in_dim3A_1084, %broadcast_in_dim3A_1085 : vector<128x128xi1>, vector<128x128xf32>
    %slice3A_1087 = vector.extract_strided_slice %add3A {offsets = [3968, 0], sizes = [128, 128], strides = [1, 1]} : vector<5120x128xf32> to vector<128x128xf32>
    %dot_general3A_1088 = arith.constant dense<0.000000e+00> : vector<128x128xf32>
    %dot_general3A_1089 = tpu.matmul %select_n3A_1086, %slice3A_1087, %dot_general3A_1088 {dimension_numbers = #tpu.dot_dimension_numbers<[1], [0], [0], [1], [0, 0, 1, 1], [], []>, transpose_lhs_hint = false} : vector<128x128xf32>, vector<128x128xf32>, vector<128x128xf32> -> vector<128x128xf32>
    %mul3A_1090 = arith.constant 40 : i32
    %mul3A_1091 = arith.muli %arg0, %mul3A_1090 : i32
    %add3A_1092 = arith.constant 32 : i32
    %add3A_1093 = arith.addi %mul3A_1091, %add3A_1092 : i32
    %get3A_1094 = arith.constant 0 : index
    %get3A_1095 = arith.index_cast %add3A_1093 : i32 to index
    %get3A_1096 = arith.constant 0 : index
    %get3A_1097 = vector.load %arg2[%get3A_1094, %get3A_1095, %get3A_1096] : memref<2x80x128xf32, #tpu.memory_space<vmem>>, vector<1x1x128xf32>
    %get3A_1098 = vector.shape_cast %get3A_1097 : vector<1x1x128xf32> to vector<128xf32>
    %mul3A_1099 = arith.constant 40 : i32
    %mul3A_1100 = arith.muli %arg0, %mul3A_1099 : i32
    %add3A_1101 = arith.constant 32 : i32
    %add3A_1102 = arith.addi %mul3A_1100, %add3A_1101 : i32
    %get3A_1103 = arith.constant 1 : index
    %get3A_1104 = arith.index_cast %add3A_1102 : i32 to index
    %get3A_1105 = arith.constant 0 : index
    %get3A_1106 = vector.load %arg2[%get3A_1103, %get3A_1104, %get3A_1105] : memref<2x80x128xf32, #tpu.memory_space<vmem>>, vector<1x1x128xf32>
    %get3A_1107 = vector.shape_cast %get3A_1106 : vector<1x1x128xf32> to vector<128xf32>
    %add3A_1108 = arith.addf %get3A_1098, %get3A_1107 : vector<128xf32>
    %max3A_1109 = arith.constant 1.000000e+00 : f32
    %max3A_1110 = vector.broadcast %max3A_1109 : f32 to vector<128xf32>
    %max3A_1111 = arith.maximumf %add3A_1108, %max3A_1110 : vector<128xf32>
    %div3A_1112 = arith.constant 1.000000e+00 : f32
    %div3A_1113 = vector.broadcast %div3A_1112 : f32 to vector<128xf32>
    %div3A_1114 = arith.divf %div3A_1113, %max3A_1111 : vector<128xf32>
    %broadcast_in_dim3A_1115 = vector.shape_cast %div3A_1114 : vector<128xf32> to vector<1x128xf32>
    %jit3A_1116 = arith.constant 0.000000e+00 : f32
    %broadcast_in_dim3A_1117 = vector.shape_cast %broadcast_in_dim3A_1115 : vector<1x128xf32> to vector<1x128xf32>
    %broadcast_in_dim3A_1118 = vector.broadcast %broadcast_in_dim3A_1117 : vector<1x128xf32> to vector<128x128xf32>
    %broadcast_in_dim3A_1119 = vector.broadcast %jit3A_1116 : f32 to vector<128x128xf32>
    %select_n3A_1120 = arith.select %eq3A, %broadcast_in_dim3A_1118, %broadcast_in_dim3A_1119 : vector<128x128xi1>, vector<128x128xf32>
    %slice3A_1121 = vector.extract_strided_slice %add3A {offsets = [4096, 0], sizes = [128, 128], strides = [1, 1]} : vector<5120x128xf32> to vector<128x128xf32>
    %dot_general3A_1122 = arith.constant dense<0.000000e+00> : vector<128x128xf32>
    %dot_general3A_1123 = tpu.matmul %select_n3A_1120, %slice3A_1121, %dot_general3A_1122 {dimension_numbers = #tpu.dot_dimension_numbers<[1], [0], [0], [1], [0, 0, 1, 1], [], []>, transpose_lhs_hint = false} : vector<128x128xf32>, vector<128x128xf32>, vector<128x128xf32> -> vector<128x128xf32>
    %mul3A_1124 = arith.constant 40 : i32
    %mul3A_1125 = arith.muli %arg0, %mul3A_1124 : i32
    %add3A_1126 = arith.constant 33 : i32
    %add3A_1127 = arith.addi %mul3A_1125, %add3A_1126 : i32
    %get3A_1128 = arith.constant 0 : index
    %get3A_1129 = arith.index_cast %add3A_1127 : i32 to index
    %get3A_1130 = arith.constant 0 : index
    %get3A_1131 = vector.load %arg2[%get3A_1128, %get3A_1129, %get3A_1130] : memref<2x80x128xf32, #tpu.memory_space<vmem>>, vector<1x1x128xf32>
    %get3A_1132 = vector.shape_cast %get3A_1131 : vector<1x1x128xf32> to vector<128xf32>
    %mul3A_1133 = arith.constant 40 : i32
    %mul3A_1134 = arith.muli %arg0, %mul3A_1133 : i32
    %add3A_1135 = arith.constant 33 : i32
    %add3A_1136 = arith.addi %mul3A_1134, %add3A_1135 : i32
    %get3A_1137 = arith.constant 1 : index
    %get3A_1138 = arith.index_cast %add3A_1136 : i32 to index
    %get3A_1139 = arith.constant 0 : index
    %get3A_1140 = vector.load %arg2[%get3A_1137, %get3A_1138, %get3A_1139] : memref<2x80x128xf32, #tpu.memory_space<vmem>>, vector<1x1x128xf32>
    %get3A_1141 = vector.shape_cast %get3A_1140 : vector<1x1x128xf32> to vector<128xf32>
    %add3A_1142 = arith.addf %get3A_1132, %get3A_1141 : vector<128xf32>
    %max3A_1143 = arith.constant 1.000000e+00 : f32
    %max3A_1144 = vector.broadcast %max3A_1143 : f32 to vector<128xf32>
    %max3A_1145 = arith.maximumf %add3A_1142, %max3A_1144 : vector<128xf32>
    %div3A_1146 = arith.constant 1.000000e+00 : f32
    %div3A_1147 = vector.broadcast %div3A_1146 : f32 to vector<128xf32>
    %div3A_1148 = arith.divf %div3A_1147, %max3A_1145 : vector<128xf32>
    %broadcast_in_dim3A_1149 = vector.shape_cast %div3A_1148 : vector<128xf32> to vector<1x128xf32>
    %jit3A_1150 = arith.constant 0.000000e+00 : f32
    %broadcast_in_dim3A_1151 = vector.shape_cast %broadcast_in_dim3A_1149 : vector<1x128xf32> to vector<1x128xf32>
    %broadcast_in_dim3A_1152 = vector.broadcast %broadcast_in_dim3A_1151 : vector<1x128xf32> to vector<128x128xf32>
    %broadcast_in_dim3A_1153 = vector.broadcast %jit3A_1150 : f32 to vector<128x128xf32>
    %select_n3A_1154 = arith.select %eq3A, %broadcast_in_dim3A_1152, %broadcast_in_dim3A_1153 : vector<128x128xi1>, vector<128x128xf32>
    %slice3A_1155 = vector.extract_strided_slice %add3A {offsets = [4224, 0], sizes = [128, 128], strides = [1, 1]} : vector<5120x128xf32> to vector<128x128xf32>
    %dot_general3A_1156 = arith.constant dense<0.000000e+00> : vector<128x128xf32>
    %dot_general3A_1157 = tpu.matmul %select_n3A_1154, %slice3A_1155, %dot_general3A_1156 {dimension_numbers = #tpu.dot_dimension_numbers<[1], [0], [0], [1], [0, 0, 1, 1], [], []>, transpose_lhs_hint = false} : vector<128x128xf32>, vector<128x128xf32>, vector<128x128xf32> -> vector<128x128xf32>
    %mul3A_1158 = arith.constant 40 : i32
    %mul3A_1159 = arith.muli %arg0, %mul3A_1158 : i32
    %add3A_1160 = arith.constant 34 : i32
    %add3A_1161 = arith.addi %mul3A_1159, %add3A_1160 : i32
    %get3A_1162 = arith.constant 0 : index
    %get3A_1163 = arith.index_cast %add3A_1161 : i32 to index
    %get3A_1164 = arith.constant 0 : index
    %get3A_1165 = vector.load %arg2[%get3A_1162, %get3A_1163, %get3A_1164] : memref<2x80x128xf32, #tpu.memory_space<vmem>>, vector<1x1x128xf32>
    %get3A_1166 = vector.shape_cast %get3A_1165 : vector<1x1x128xf32> to vector<128xf32>
    %mul3A_1167 = arith.constant 40 : i32
    %mul3A_1168 = arith.muli %arg0, %mul3A_1167 : i32
    %add3A_1169 = arith.constant 34 : i32
    %add3A_1170 = arith.addi %mul3A_1168, %add3A_1169 : i32
    %get3A_1171 = arith.constant 1 : index
    %get3A_1172 = arith.index_cast %add3A_1170 : i32 to index
    %get3A_1173 = arith.constant 0 : index
    %get3A_1174 = vector.load %arg2[%get3A_1171, %get3A_1172, %get3A_1173] : memref<2x80x128xf32, #tpu.memory_space<vmem>>, vector<1x1x128xf32>
    %get3A_1175 = vector.shape_cast %get3A_1174 : vector<1x1x128xf32> to vector<128xf32>
    %add3A_1176 = arith.addf %get3A_1166, %get3A_1175 : vector<128xf32>
    %max3A_1177 = arith.constant 1.000000e+00 : f32
    %max3A_1178 = vector.broadcast %max3A_1177 : f32 to vector<128xf32>
    %max3A_1179 = arith.maximumf %add3A_1176, %max3A_1178 : vector<128xf32>
    %div3A_1180 = arith.constant 1.000000e+00 : f32
    %div3A_1181 = vector.broadcast %div3A_1180 : f32 to vector<128xf32>
    %div3A_1182 = arith.divf %div3A_1181, %max3A_1179 : vector<128xf32>
    %broadcast_in_dim3A_1183 = vector.shape_cast %div3A_1182 : vector<128xf32> to vector<1x128xf32>
    %jit3A_1184 = arith.constant 0.000000e+00 : f32
    %broadcast_in_dim3A_1185 = vector.shape_cast %broadcast_in_dim3A_1183 : vector<1x128xf32> to vector<1x128xf32>
    %broadcast_in_dim3A_1186 = vector.broadcast %broadcast_in_dim3A_1185 : vector<1x128xf32> to vector<128x128xf32>
    %broadcast_in_dim3A_1187 = vector.broadcast %jit3A_1184 : f32 to vector<128x128xf32>
    %select_n3A_1188 = arith.select %eq3A, %broadcast_in_dim3A_1186, %broadcast_in_dim3A_1187 : vector<128x128xi1>, vector<128x128xf32>
    %slice3A_1189 = vector.extract_strided_slice %add3A {offsets = [4352, 0], sizes = [128, 128], strides = [1, 1]} : vector<5120x128xf32> to vector<128x128xf32>
    %dot_general3A_1190 = arith.constant dense<0.000000e+00> : vector<128x128xf32>
    %dot_general3A_1191 = tpu.matmul %select_n3A_1188, %slice3A_1189, %dot_general3A_1190 {dimension_numbers = #tpu.dot_dimension_numbers<[1], [0], [0], [1], [0, 0, 1, 1], [], []>, transpose_lhs_hint = false} : vector<128x128xf32>, vector<128x128xf32>, vector<128x128xf32> -> vector<128x128xf32>
    %mul3A_1192 = arith.constant 40 : i32
    %mul3A_1193 = arith.muli %arg0, %mul3A_1192 : i32
    %add3A_1194 = arith.constant 35 : i32
    %add3A_1195 = arith.addi %mul3A_1193, %add3A_1194 : i32
    %get3A_1196 = arith.constant 0 : index
    %get3A_1197 = arith.index_cast %add3A_1195 : i32 to index
    %get3A_1198 = arith.constant 0 : index
    %get3A_1199 = vector.load %arg2[%get3A_1196, %get3A_1197, %get3A_1198] : memref<2x80x128xf32, #tpu.memory_space<vmem>>, vector<1x1x128xf32>
    %get3A_1200 = vector.shape_cast %get3A_1199 : vector<1x1x128xf32> to vector<128xf32>
    %mul3A_1201 = arith.constant 40 : i32
    %mul3A_1202 = arith.muli %arg0, %mul3A_1201 : i32
    %add3A_1203 = arith.constant 35 : i32
    %add3A_1204 = arith.addi %mul3A_1202, %add3A_1203 : i32
    %get3A_1205 = arith.constant 1 : index
    %get3A_1206 = arith.index_cast %add3A_1204 : i32 to index
    %get3A_1207 = arith.constant 0 : index
    %get3A_1208 = vector.load %arg2[%get3A_1205, %get3A_1206, %get3A_1207] : memref<2x80x128xf32, #tpu.memory_space<vmem>>, vector<1x1x128xf32>
    %get3A_1209 = vector.shape_cast %get3A_1208 : vector<1x1x128xf32> to vector<128xf32>
    %add3A_1210 = arith.addf %get3A_1200, %get3A_1209 : vector<128xf32>
    %max3A_1211 = arith.constant 1.000000e+00 : f32
    %max3A_1212 = vector.broadcast %max3A_1211 : f32 to vector<128xf32>
    %max3A_1213 = arith.maximumf %add3A_1210, %max3A_1212 : vector<128xf32>
    %div3A_1214 = arith.constant 1.000000e+00 : f32
    %div3A_1215 = vector.broadcast %div3A_1214 : f32 to vector<128xf32>
    %div3A_1216 = arith.divf %div3A_1215, %max3A_1213 : vector<128xf32>
    %broadcast_in_dim3A_1217 = vector.shape_cast %div3A_1216 : vector<128xf32> to vector<1x128xf32>
    %jit3A_1218 = arith.constant 0.000000e+00 : f32
    %broadcast_in_dim3A_1219 = vector.shape_cast %broadcast_in_dim3A_1217 : vector<1x128xf32> to vector<1x128xf32>
    %broadcast_in_dim3A_1220 = vector.broadcast %broadcast_in_dim3A_1219 : vector<1x128xf32> to vector<128x128xf32>
    %broadcast_in_dim3A_1221 = vector.broadcast %jit3A_1218 : f32 to vector<128x128xf32>
    %select_n3A_1222 = arith.select %eq3A, %broadcast_in_dim3A_1220, %broadcast_in_dim3A_1221 : vector<128x128xi1>, vector<128x128xf32>
    %slice3A_1223 = vector.extract_strided_slice %add3A {offsets = [4480, 0], sizes = [128, 128], strides = [1, 1]} : vector<5120x128xf32> to vector<128x128xf32>
    %dot_general3A_1224 = arith.constant dense<0.000000e+00> : vector<128x128xf32>
    %dot_general3A_1225 = tpu.matmul %select_n3A_1222, %slice3A_1223, %dot_general3A_1224 {dimension_numbers = #tpu.dot_dimension_numbers<[1], [0], [0], [1], [0, 0, 1, 1], [], []>, transpose_lhs_hint = false} : vector<128x128xf32>, vector<128x128xf32>, vector<128x128xf32> -> vector<128x128xf32>
    %mul3A_1226 = arith.constant 40 : i32
    %mul3A_1227 = arith.muli %arg0, %mul3A_1226 : i32
    %add3A_1228 = arith.constant 36 : i32
    %add3A_1229 = arith.addi %mul3A_1227, %add3A_1228 : i32
    %get3A_1230 = arith.constant 0 : index
    %get3A_1231 = arith.index_cast %add3A_1229 : i32 to index
    %get3A_1232 = arith.constant 0 : index
    %get3A_1233 = vector.load %arg2[%get3A_1230, %get3A_1231, %get3A_1232] : memref<2x80x128xf32, #tpu.memory_space<vmem>>, vector<1x1x128xf32>
    %get3A_1234 = vector.shape_cast %get3A_1233 : vector<1x1x128xf32> to vector<128xf32>
    %mul3A_1235 = arith.constant 40 : i32
    %mul3A_1236 = arith.muli %arg0, %mul3A_1235 : i32
    %add3A_1237 = arith.constant 36 : i32
    %add3A_1238 = arith.addi %mul3A_1236, %add3A_1237 : i32
    %get3A_1239 = arith.constant 1 : index
    %get3A_1240 = arith.index_cast %add3A_1238 : i32 to index
    %get3A_1241 = arith.constant 0 : index
    %get3A_1242 = vector.load %arg2[%get3A_1239, %get3A_1240, %get3A_1241] : memref<2x80x128xf32, #tpu.memory_space<vmem>>, vector<1x1x128xf32>
    %get3A_1243 = vector.shape_cast %get3A_1242 : vector<1x1x128xf32> to vector<128xf32>
    %add3A_1244 = arith.addf %get3A_1234, %get3A_1243 : vector<128xf32>
    %max3A_1245 = arith.constant 1.000000e+00 : f32
    %max3A_1246 = vector.broadcast %max3A_1245 : f32 to vector<128xf32>
    %max3A_1247 = arith.maximumf %add3A_1244, %max3A_1246 : vector<128xf32>
    %div3A_1248 = arith.constant 1.000000e+00 : f32
    %div3A_1249 = vector.broadcast %div3A_1248 : f32 to vector<128xf32>
    %div3A_1250 = arith.divf %div3A_1249, %max3A_1247 : vector<128xf32>
    %broadcast_in_dim3A_1251 = vector.shape_cast %div3A_1250 : vector<128xf32> to vector<1x128xf32>
    %jit3A_1252 = arith.constant 0.000000e+00 : f32
    %broadcast_in_dim3A_1253 = vector.shape_cast %broadcast_in_dim3A_1251 : vector<1x128xf32> to vector<1x128xf32>
    %broadcast_in_dim3A_1254 = vector.broadcast %broadcast_in_dim3A_1253 : vector<1x128xf32> to vector<128x128xf32>
    %broadcast_in_dim3A_1255 = vector.broadcast %jit3A_1252 : f32 to vector<128x128xf32>
    %select_n3A_1256 = arith.select %eq3A, %broadcast_in_dim3A_1254, %broadcast_in_dim3A_1255 : vector<128x128xi1>, vector<128x128xf32>
    %slice3A_1257 = vector.extract_strided_slice %add3A {offsets = [4608, 0], sizes = [128, 128], strides = [1, 1]} : vector<5120x128xf32> to vector<128x128xf32>
    %dot_general3A_1258 = arith.constant dense<0.000000e+00> : vector<128x128xf32>
    %dot_general3A_1259 = tpu.matmul %select_n3A_1256, %slice3A_1257, %dot_general3A_1258 {dimension_numbers = #tpu.dot_dimension_numbers<[1], [0], [0], [1], [0, 0, 1, 1], [], []>, transpose_lhs_hint = false} : vector<128x128xf32>, vector<128x128xf32>, vector<128x128xf32> -> vector<128x128xf32>
    %mul3A_1260 = arith.constant 40 : i32
    %mul3A_1261 = arith.muli %arg0, %mul3A_1260 : i32
    %add3A_1262 = arith.constant 37 : i32
    %add3A_1263 = arith.addi %mul3A_1261, %add3A_1262 : i32
    %get3A_1264 = arith.constant 0 : index
    %get3A_1265 = arith.index_cast %add3A_1263 : i32 to index
    %get3A_1266 = arith.constant 0 : index
    %get3A_1267 = vector.load %arg2[%get3A_1264, %get3A_1265, %get3A_1266] : memref<2x80x128xf32, #tpu.memory_space<vmem>>, vector<1x1x128xf32>
    %get3A_1268 = vector.shape_cast %get3A_1267 : vector<1x1x128xf32> to vector<128xf32>
    %mul3A_1269 = arith.constant 40 : i32
    %mul3A_1270 = arith.muli %arg0, %mul3A_1269 : i32
    %add3A_1271 = arith.constant 37 : i32
    %add3A_1272 = arith.addi %mul3A_1270, %add3A_1271 : i32
    %get3A_1273 = arith.constant 1 : index
    %get3A_1274 = arith.index_cast %add3A_1272 : i32 to index
    %get3A_1275 = arith.constant 0 : index
    %get3A_1276 = vector.load %arg2[%get3A_1273, %get3A_1274, %get3A_1275] : memref<2x80x128xf32, #tpu.memory_space<vmem>>, vector<1x1x128xf32>
    %get3A_1277 = vector.shape_cast %get3A_1276 : vector<1x1x128xf32> to vector<128xf32>
    %add3A_1278 = arith.addf %get3A_1268, %get3A_1277 : vector<128xf32>
    %max3A_1279 = arith.constant 1.000000e+00 : f32
    %max3A_1280 = vector.broadcast %max3A_1279 : f32 to vector<128xf32>
    %max3A_1281 = arith.maximumf %add3A_1278, %max3A_1280 : vector<128xf32>
    %div3A_1282 = arith.constant 1.000000e+00 : f32
    %div3A_1283 = vector.broadcast %div3A_1282 : f32 to vector<128xf32>
    %div3A_1284 = arith.divf %div3A_1283, %max3A_1281 : vector<128xf32>
    %broadcast_in_dim3A_1285 = vector.shape_cast %div3A_1284 : vector<128xf32> to vector<1x128xf32>
    %jit3A_1286 = arith.constant 0.000000e+00 : f32
    %broadcast_in_dim3A_1287 = vector.shape_cast %broadcast_in_dim3A_1285 : vector<1x128xf32> to vector<1x128xf32>
    %broadcast_in_dim3A_1288 = vector.broadcast %broadcast_in_dim3A_1287 : vector<1x128xf32> to vector<128x128xf32>
    %broadcast_in_dim3A_1289 = vector.broadcast %jit3A_1286 : f32 to vector<128x128xf32>
    %select_n3A_1290 = arith.select %eq3A, %broadcast_in_dim3A_1288, %broadcast_in_dim3A_1289 : vector<128x128xi1>, vector<128x128xf32>
    %slice3A_1291 = vector.extract_strided_slice %add3A {offsets = [4736, 0], sizes = [128, 128], strides = [1, 1]} : vector<5120x128xf32> to vector<128x128xf32>
    %dot_general3A_1292 = arith.constant dense<0.000000e+00> : vector<128x128xf32>
    %dot_general3A_1293 = tpu.matmul %select_n3A_1290, %slice3A_1291, %dot_general3A_1292 {dimension_numbers = #tpu.dot_dimension_numbers<[1], [0], [0], [1], [0, 0, 1, 1], [], []>, transpose_lhs_hint = false} : vector<128x128xf32>, vector<128x128xf32>, vector<128x128xf32> -> vector<128x128xf32>
    %mul3A_1294 = arith.constant 40 : i32
    %mul3A_1295 = arith.muli %arg0, %mul3A_1294 : i32
    %add3A_1296 = arith.constant 38 : i32
    %add3A_1297 = arith.addi %mul3A_1295, %add3A_1296 : i32
    %get3A_1298 = arith.constant 0 : index
    %get3A_1299 = arith.index_cast %add3A_1297 : i32 to index
    %get3A_1300 = arith.constant 0 : index
    %get3A_1301 = vector.load %arg2[%get3A_1298, %get3A_1299, %get3A_1300] : memref<2x80x128xf32, #tpu.memory_space<vmem>>, vector<1x1x128xf32>
    %get3A_1302 = vector.shape_cast %get3A_1301 : vector<1x1x128xf32> to vector<128xf32>
    %mul3A_1303 = arith.constant 40 : i32
    %mul3A_1304 = arith.muli %arg0, %mul3A_1303 : i32
    %add3A_1305 = arith.constant 38 : i32
    %add3A_1306 = arith.addi %mul3A_1304, %add3A_1305 : i32
    %get3A_1307 = arith.constant 1 : index
    %get3A_1308 = arith.index_cast %add3A_1306 : i32 to index
    %get3A_1309 = arith.constant 0 : index
    %get3A_1310 = vector.load %arg2[%get3A_1307, %get3A_1308, %get3A_1309] : memref<2x80x128xf32, #tpu.memory_space<vmem>>, vector<1x1x128xf32>
    %get3A_1311 = vector.shape_cast %get3A_1310 : vector<1x1x128xf32> to vector<128xf32>
    %add3A_1312 = arith.addf %get3A_1302, %get3A_1311 : vector<128xf32>
    %max3A_1313 = arith.constant 1.000000e+00 : f32
    %max3A_1314 = vector.broadcast %max3A_1313 : f32 to vector<128xf32>
    %max3A_1315 = arith.maximumf %add3A_1312, %max3A_1314 : vector<128xf32>
    %div3A_1316 = arith.constant 1.000000e+00 : f32
    %div3A_1317 = vector.broadcast %div3A_1316 : f32 to vector<128xf32>
    %div3A_1318 = arith.divf %div3A_1317, %max3A_1315 : vector<128xf32>
    %broadcast_in_dim3A_1319 = vector.shape_cast %div3A_1318 : vector<128xf32> to vector<1x128xf32>
    %jit3A_1320 = arith.constant 0.000000e+00 : f32
    %broadcast_in_dim3A_1321 = vector.shape_cast %broadcast_in_dim3A_1319 : vector<1x128xf32> to vector<1x128xf32>
    %broadcast_in_dim3A_1322 = vector.broadcast %broadcast_in_dim3A_1321 : vector<1x128xf32> to vector<128x128xf32>
    %broadcast_in_dim3A_1323 = vector.broadcast %jit3A_1320 : f32 to vector<128x128xf32>
    %select_n3A_1324 = arith.select %eq3A, %broadcast_in_dim3A_1322, %broadcast_in_dim3A_1323 : vector<128x128xi1>, vector<128x128xf32>
    %slice3A_1325 = vector.extract_strided_slice %add3A {offsets = [4864, 0], sizes = [128, 128], strides = [1, 1]} : vector<5120x128xf32> to vector<128x128xf32>
    %dot_general3A_1326 = arith.constant dense<0.000000e+00> : vector<128x128xf32>
    %dot_general3A_1327 = tpu.matmul %select_n3A_1324, %slice3A_1325, %dot_general3A_1326 {dimension_numbers = #tpu.dot_dimension_numbers<[1], [0], [0], [1], [0, 0, 1, 1], [], []>, transpose_lhs_hint = false} : vector<128x128xf32>, vector<128x128xf32>, vector<128x128xf32> -> vector<128x128xf32>
    %mul3A_1328 = arith.constant 40 : i32
    %mul3A_1329 = arith.muli %arg0, %mul3A_1328 : i32
    %add3A_1330 = arith.constant 39 : i32
    %add3A_1331 = arith.addi %mul3A_1329, %add3A_1330 : i32
    %get3A_1332 = arith.constant 0 : index
    %get3A_1333 = arith.index_cast %add3A_1331 : i32 to index
    %get3A_1334 = arith.constant 0 : index
    %get3A_1335 = vector.load %arg2[%get3A_1332, %get3A_1333, %get3A_1334] : memref<2x80x128xf32, #tpu.memory_space<vmem>>, vector<1x1x128xf32>
    %get3A_1336 = vector.shape_cast %get3A_1335 : vector<1x1x128xf32> to vector<128xf32>
    %mul3A_1337 = arith.constant 40 : i32
    %mul3A_1338 = arith.muli %arg0, %mul3A_1337 : i32
    %add3A_1339 = arith.constant 39 : i32
    %add3A_1340 = arith.addi %mul3A_1338, %add3A_1339 : i32
    %get3A_1341 = arith.constant 1 : index
    %get3A_1342 = arith.index_cast %add3A_1340 : i32 to index
    %get3A_1343 = arith.constant 0 : index
    %get3A_1344 = vector.load %arg2[%get3A_1341, %get3A_1342, %get3A_1343] : memref<2x80x128xf32, #tpu.memory_space<vmem>>, vector<1x1x128xf32>
    %get3A_1345 = vector.shape_cast %get3A_1344 : vector<1x1x128xf32> to vector<128xf32>
    %add3A_1346 = arith.addf %get3A_1336, %get3A_1345 : vector<128xf32>
    %max3A_1347 = arith.constant 1.000000e+00 : f32
    %max3A_1348 = vector.broadcast %max3A_1347 : f32 to vector<128xf32>
    %max3A_1349 = arith.maximumf %add3A_1346, %max3A_1348 : vector<128xf32>
    %div3A_1350 = arith.constant 1.000000e+00 : f32
    %div3A_1351 = vector.broadcast %div3A_1350 : f32 to vector<128xf32>
    %div3A_1352 = arith.divf %div3A_1351, %max3A_1349 : vector<128xf32>
    %broadcast_in_dim3A_1353 = vector.shape_cast %div3A_1352 : vector<128xf32> to vector<1x128xf32>
    %jit3A_1354 = arith.constant 0.000000e+00 : f32
    %broadcast_in_dim3A_1355 = vector.shape_cast %broadcast_in_dim3A_1353 : vector<1x128xf32> to vector<1x128xf32>
    %broadcast_in_dim3A_1356 = vector.broadcast %broadcast_in_dim3A_1355 : vector<1x128xf32> to vector<128x128xf32>
    %broadcast_in_dim3A_1357 = vector.broadcast %jit3A_1354 : f32 to vector<128x128xf32>
    %select_n3A_1358 = arith.select %eq3A, %broadcast_in_dim3A_1356, %broadcast_in_dim3A_1357 : vector<128x128xi1>, vector<128x128xf32>
    %slice3A_1359 = vector.extract_strided_slice %add3A {offsets = [4992, 0], sizes = [128, 128], strides = [1, 1]} : vector<5120x128xf32> to vector<128x128xf32>
    %dot_general3A_1360 = arith.constant dense<0.000000e+00> : vector<128x128xf32>
    %dot_general3A_1361 = tpu.matmul %select_n3A_1358, %slice3A_1359, %dot_general3A_1360 {dimension_numbers = #tpu.dot_dimension_numbers<[1], [0], [0], [1], [0, 0, 1, 1], [], []>, transpose_lhs_hint = false} : vector<128x128xf32>, vector<128x128xf32>, vector<128x128xf32> -> vector<128x128xf32>
    %concatenate3A = tpu.concatenate %dot_general3A_35, %dot_general3A_69, %dot_general3A_103, %dot_general3A_137, %dot_general3A_171, %dot_general3A_205, %dot_general3A_239, %dot_general3A_273, %dot_general3A_307, %dot_general3A_341, %dot_general3A_375, %dot_general3A_409, %dot_general3A_443, %dot_general3A_477, %dot_general3A_511, %dot_general3A_545, %dot_general3A_579, %dot_general3A_613, %dot_general3A_647, %dot_general3A_681, %dot_general3A_715, %dot_general3A_749, %dot_general3A_783, %dot_general3A_817, %dot_general3A_851, %dot_general3A_885, %dot_general3A_919, %dot_general3A_953, %dot_general3A_987, %dot_general3A_1021, %dot_general3A_1055, %dot_general3A_1089, %dot_general3A_1123, %dot_general3A_1157, %dot_general3A_1191, %dot_general3A_1225, %dot_general3A_1259, %dot_general3A_1293, %dot_general3A_1327, %dot_general3A_1361 in 0 : vector<128x128xf32>, vector<128x128xf32>, vector<128x128xf32>, vector<128x128xf32>, vector<128x128xf32>, vector<128x128xf32>, vector<128x128xf32>, vector<128x128xf32>, vector<128x128xf32>, vector<128x128xf32>, vector<128x128xf32>, vector<128x128xf32>, vector<128x128xf32>, vector<128x128xf32>, vector<128x128xf32>, vector<128x128xf32>, vector<128x128xf32>, vector<128x128xf32>, vector<128x128xf32>, vector<128x128xf32>, vector<128x128xf32>, vector<128x128xf32>, vector<128x128xf32>, vector<128x128xf32>, vector<128x128xf32>, vector<128x128xf32>, vector<128x128xf32>, vector<128x128xf32>, vector<128x128xf32>, vector<128x128xf32>, vector<128x128xf32>, vector<128x128xf32>, vector<128x128xf32>, vector<128x128xf32>, vector<128x128xf32>, vector<128x128xf32>, vector<128x128xf32>, vector<128x128xf32>, vector<128x128xf32>, vector<128x128xf32> -> vector<5120x128xf32>
    %get3A_1362 = arith.constant 0 : index
    %get3A_1363 = arith.constant 0 : index
    %get3A_1364 = vector.load %arg4[%get3A_1362, %get3A_1363] : memref<128x128xf32, #tpu.memory_space<vmem>>, vector<128x128xf32>
    %dot_general3A_1365 = arith.constant dense<0.000000e+00> : vector<5120x128xf32>
    %dot_general3A_1366 = tpu.matmul %concatenate3A, %get3A_1364, %dot_general3A_1365 {dimension_numbers = #tpu.dot_dimension_numbers<[1], [0], [0], [1], [0, 0, 1, 1], [], []>, transpose_lhs_hint = false} : vector<5120x128xf32>, vector<128x128xf32>, vector<5120x128xf32> -> vector<5120x128xf32>
    %get3A_1367 = arith.constant 0 : index
    %get3A_1368 = arith.constant 0 : index
    %get3A_1369 = vector.load %arg3[%get3A_1367, %get3A_1368] : memref<5120x128xf32, #tpu.memory_space<vmem>>, vector<5120x128xf32>
    %add3A_1370 = arith.addf %dot_general3A_1366, %get3A_1369 : vector<5120x128xf32>
    %max3A_1371 = arith.constant 0.000000e+00 : f32
    %max3A_1372 = vector.broadcast %max3A_1371 : f32 to vector<5120x128xf32>
    %max3A_1373 = arith.maximumf %add3A_1370, %max3A_1372 : vector<5120x128xf32>
    %swap3A = arith.constant 0 : index
    %swap3A_1374 = arith.constant 0 : index
    %swap3A_1375 = vector.load %arg5[%swap3A, %swap3A_1374] : memref<5120x128xf32, #tpu.memory_space<vmem>>, vector<5120x128xf32>
    tpu.vector_store %arg5[%swap3A, %swap3A_1374], %max3A_1373 {strides = array<i32>} : memref<5120x128xf32, #tpu.memory_space<vmem>>, vector<5120x128xf32>,
    return
  }
  func.func @transform_0(%arg0: i32) -> (i32, i32, i32) {
    %c0_i32 = arith.constant 0 : i32
    %c0_i32_0 = arith.constant 0 : i32
    %c0_i32_1 = arith.constant 0 : i32
    return %c0_i32, %arg0, %c0_i32_0 : i32, i32, i32
  }
  func.func @transform_1(%arg0: i32) -> (i32, i32, i32) {
    %c0_i32 = arith.constant 0 : i32
    %c0_i32_0 = arith.constant 0 : i32
    %c0_i32_1 = arith.constant 0 : i32
    %c0_i32_2 = arith.constant 0 : i32
    return %c0_i32, %c0_i32_0, %c0_i32_1 : i32, i32, i32
  }
  func.func @transform_2(%arg0: i32) -> (i32, i32) {
    %c0_i32 = arith.constant 0 : i32
    %c0_i32_0 = arith.constant 0 : i32
    return %arg0, %c0_i32 : i32, i32
  }
  func.func @transform_3(%arg0: i32) -> (i32, i32) {
    %c0_i32 = arith.constant 0 : i32
    %c0_i32_0 = arith.constant 0 : i32
    %c0_i32_1 = arith.constant 0 : i32
    return %c0_i32, %c0_i32_0 : i32, i32
  }
  func.func @transform_4(%arg0: i32) -> (i32, i32) {
    %c0_i32 = arith.constant 0 : i32
    %c0_i32_0 = arith.constant 0 : i32
    return %arg0, %c0_i32 : i32, i32
  }
}

module attributes {stable_mosaic.version = 14 : i64} {
  func.func @body(%arg0: i32, %arg1: memref<2x5120x128xf32, #tpu.memory_space<vmem>>, %arg2: memref<2x80x128xf32, #tpu.memory_space<vmem>>, %arg3: memref<5120x128xf32, #tpu.memory_space<vmem>>, %arg4: memref<128x128xf32, #tpu.memory_space<vmem>>, %arg5: memref<5120x128xf32, #tpu.memory_space<vmem>>) attributes {dimension_semantics = [#tpu.dimension_semantics<arbitrary>], iteration_bounds = array<i64: 2>, scalar_prefetch = 0 : i64, scratch_operands = 0 : i64, tpu.core_type = #tpu.core_type<tc>, window_params = [{transform_indices = @transform_0, window_bounds = array<i64: 2, 5120, 128>}, {pipeline_mode = #tpu.pipeline_mode<synchronous>, transform_indices = @transform_1, window_bounds = array<i64: 2, 80, 128>}, {transform_indices = @transform_2, window_bounds = array<i64: 5120, 128>}, {pipeline_mode = #tpu.pipeline_mode<synchronous>, transform_indices = @transform_3, window_bounds = array<i64: 128, 128>}, {transform_indices = @transform_4, window_bounds = array<i64: 5120, 128>}]} {
    %get3A = arith.constant 0 : index
    %get3A_0 = arith.constant 0 : index
    %get3A_1 = arith.constant 0 : index
    %get3A_2 = vector.load %arg1[%get3A, %get3A_0, %get3A_1] : memref<2x5120x128xf32, #tpu.memory_space<vmem>>, vector<1x5120x128xf32>
    %get3A_3 = vector.shape_cast %get3A_2 : vector<1x5120x128xf32> to vector<5120x128xf32>
    %get3A_4 = arith.constant 1 : index
    %get3A_5 = arith.constant 0 : index
    %get3A_6 = arith.constant 0 : index
    %get3A_7 = vector.load %arg1[%get3A_4, %get3A_5, %get3A_6] : memref<2x5120x128xf32, #tpu.memory_space<vmem>>, vector<1x5120x128xf32>
    %get3A_8 = vector.shape_cast %get3A_7 : vector<1x5120x128xf32> to vector<5120x128xf32>
    %add3A = arith.addf %get3A_3, %get3A_8 : vector<5120x128xf32>
    %iota3A = tpu.iota {dimensions = array<i32: 0>} : vector<128x128xi32>
    %iota3A_9 = tpu.iota {dimensions = array<i32: 1>} : vector<128x128xi32>
    %eq3A = arith.cmpi eq, %iota3A, %iota3A_9 : vector<128x128xi32>
    %mul3A = arith.constant 40 : i32
    %mul3A_10 = arith.muli %arg0, %mul3A : i32
    %add3A_11 = arith.constant 0 : i32
    %add3A_12 = arith.addi %mul3A_10, %add3A_11 : i32
    %get3A_13 = arith.constant 0 : index
    %get3A_14 = arith.index_cast %add3A_12 : i32 to index
    %get3A_15 = arith.constant 0 : index
    %get3A_16 = vector.load %arg2[%get3A_13, %get3A_14, %get3A_15] : memref<2x80x128xf32, #tpu.memory_space<vmem>>, vector<1x1x128xf32>
    %get3A_17 = vector.shape_cast %get3A_16 : vector<1x1x128xf32> to vector<128xf32>
    %mul3A_18 = arith.constant 40 : i32
    %mul3A_19 = arith.muli %arg0, %mul3A_18 : i32
    %add3A_20 = arith.constant 0 : i32
    %add3A_21 = arith.addi %mul3A_19, %add3A_20 : i32
    %get3A_22 = arith.constant 1 : index
    %get3A_23 = arith.index_cast %add3A_21 : i32 to index
    %get3A_24 = arith.constant 0 : index
    %get3A_25 = vector.load %arg2[%get3A_22, %get3A_23, %get3A_24] : memref<2x80x128xf32, #tpu.memory_space<vmem>>, vector<1x1x128xf32>
    %get3A_26 = vector.shape_cast %get3A_25 : vector<1x1x128xf32> to vector<128xf32>
    %add3A_27 = arith.addf %get3A_17, %get3A_26 : vector<128xf32>
    %max3A = arith.constant 1.000000e+00 : f32
    %max3A_28 = vector.broadcast %max3A : f32 to vector<128xf32>
    %max3A_29 = arith.maximumf %add3A_27, %max3A_28 : vector<128xf32>
    %div3A = arith.constant 1.000000e+00 : f32
    %div3A_30 = vector.broadcast %div3A : f32 to vector<128xf32>
    %div3A_31 = arith.divf %div3A_30, %max3A_29 : vector<128xf32>
    %broadcast_in_dim3A = vector.shape_cast %div3A_31 : vector<128xf32> to vector<1x128xf32>
    %jit3A = arith.constant 0.000000e+00 : f32
    %broadcast_in_dim3A_32 = vector.shape_cast %broadcast_in_dim3A : vector<1x128xf32> to vector<1x128xf32>
    %broadcast_in_dim3A_33 = vector.broadcast %broadcast_in_dim3A_32 : vector<1x128xf32> to vector<128x128xf32>
    %broadcast_in_dim3A_34 = vector.broadcast %jit3A : f32 to vector<128x128xf32>
    %select_n3A = arith.select %eq3A, %broadcast_in_dim3A_33, %broadcast_in_dim3A_34 : vector<128x128xi1>, vector<128x128xf32>
    %slice3A = vector.extract_strided_slice %add3A {offsets = [0, 0], sizes = [128, 128], strides = [1, 1]} : vector<5120x128xf32> to vector<128x128xf32>
    %dot_general3A = arith.constant dense<0.000000e+00> : vector<128x128xf32>
    %dot_general3A_35 = tpu.matmul %select_n3A, %slice3A, %dot_general3A {dimension_numbers = #tpu.dot_dimension_numbers<[1], [0], [0], [1], [0, 0, 1, 1], [], []>, transpose_lhs_hint = false} : vector<128x128xf32>, vector<128x128xf32>, vector<128x128xf32> -> vector<128x128xf32>
    %mul3A_36 = arith.constant 40 : i32
    %mul3A_37 = arith.muli %arg0, %mul3A_36 : i32
    %add3A_38 = arith.constant 1 : i32
    %add3A_39 = arith.addi %mul3A_37, %add3A_38 : i32
    %get3A_40 = arith.constant 0 : index
    %get3A_41 = arith.index_cast %add3A_39 : i32 to index
    %get3A_42 = arith.constant 0 : index
    %get3A_43 = vector.load %arg2[%get3A_40, %get3A_41, %get3A_42] : memref<2x80x128xf32, #tpu.memory_space<vmem>>, vector<1x1x128xf32>
    %get3A_44 = vector.shape_cast %get3A_43 : vector<1x1x128xf32> to vector<128xf32>
    %mul3A_45 = arith.constant 40 : i32
    %mul3A_46 = arith.muli %arg0, %mul3A_45 : i32
    %add3A_47 = arith.constant 1 : i32
    %add3A_48 = arith.addi %mul3A_46, %add3A_47 : i32
    %get3A_49 = arith.constant 1 : index
    %get3A_50 = arith.index_cast %add3A_48 : i32 to index
    %get3A_51 = arith.constant 0 : index
    %get3A_52 = vector.load %arg2[%get3A_49, %get3A_50, %get3A_51] : memref<2x80x128xf32, #tpu.memory_space<vmem>>, vector<1x1x128xf32>
    %get3A_53 = vector.shape_cast %get3A_52 : vector<1x1x128xf32> to vector<128xf32>
    %add3A_54 = arith.addf %get3A_44, %get3A_53 : vector<128xf32>
    %max3A_55 = arith.constant 1.000000e+00 : f32
    %max3A_56 = vector.broadcast %max3A_55 : f32 to vector<128xf32>
    %max3A_57 = arith.maximumf %add3A_54, %max3A_56 : vector<128xf32>
    %div3A_58 = arith.constant 1.000000e+00 : f32
    %div3A_59 = vector.broadcast %div3A_58 : f32 to vector<128xf32>
    %div3A_60 = arith.divf %div3A_59, %max3A_57 : vector<128xf32>
    %broadcast_in_dim3A_61 = vector.shape_cast %div3A_60 : vector<128xf32> to vector<1x128xf32>
    %jit3A_62 = arith.constant 0.000000e+00 : f32
    %broadcast_in_dim3A_63 = vector.shape_cast %broadcast_in_dim3A_61 : vector<1x128xf32> to vector<1x128xf32>
    %broadcast_in_dim3A_64 = vector.broadcast %broadcast_in_dim3A_63 : vector<1x128xf32> to vector<128x128xf32>
    %broadcast_in_dim3A_65 = vector.broadcast %jit3A_62 : f32 to vector<128x128xf32>
    %select_n3A_66 = arith.select %eq3A, %broadcast_in_dim3A_64, %broadcast_in_dim3A_65 : vector<128x128xi1>, vector<128x128xf32>
    %slice3A_67 = vector.extract_strided_slice %add3A {offsets = [128, 0], sizes = [128, 128], strides = [1, 1]} : vector<5120x128xf32> to vector<128x128xf32>
    %dot_general3A_68 = arith.constant dense<0.000000e+00> : vector<128x128xf32>
    %dot_general3A_69 = tpu.matmul %select_n3A_66, %slice3A_67, %dot_general3A_68 {dimension_numbers = #tpu.dot_dimension_numbers<[1], [0], [0], [1], [0, 0, 1, 1], [], []>, transpose_lhs_hint = false} : vector<128x128xf32>, vector<128x128xf32>, vector<128x128xf32> -> vector<128x128xf32>
    %mul3A_70 = arith.constant 40 : i32
    %mul3A_71 = arith.muli %arg0, %mul3A_70 : i32
    %add3A_72 = arith.constant 2 : i32
    %add3A_73 = arith.addi %mul3A_71, %add3A_72 : i32
    %get3A_74 = arith.constant 0 : index
    %get3A_75 = arith.index_cast %add3A_73 : i32 to index
    %get3A_76 = arith.constant 0 : index
    %get3A_77 = vector.load %arg2[%get3A_74, %get3A_75, %get3A_76] : memref<2x80x128xf32, #tpu.memory_space<vmem>>, vector<1x1x128xf32>
    %get3A_78 = vector.shape_cast %get3A_77 : vector<1x1x128xf32> to vector<128xf32>
    %mul3A_79 = arith.constant 40 : i32
    %mul3A_80 = arith.muli %arg0, %mul3A_79 : i32
    %add3A_81 = arith.constant 2 : i32
    %add3A_82 = arith.addi %mul3A_80, %add3A_81 : i32
    %get3A_83 = arith.constant 1 : index
    %get3A_84 = arith.index_cast %add3A_82 : i32 to index
    %get3A_85 = arith.constant 0 : index
    %get3A_86 = vector.load %arg2[%get3A_83, %get3A_84, %get3A_85] : memref<2x80x128xf32, #tpu.memory_space<vmem>>, vector<1x1x128xf32>
    %get3A_87 = vector.shape_cast %get3A_86 : vector<1x1x128xf32> to vector<128xf32>
    %add3A_88 = arith.addf %get3A_78, %get3A_87 : vector<128xf32>
    %max3A_89 = arith.constant 1.000000e+00 : f32
    %max3A_90 = vector.broadcast %max3A_89 : f32 to vector<128xf32>
    %max3A_91 = arith.maximumf %add3A_88, %max3A_90 : vector<128xf32>
    %div3A_92 = arith.constant 1.000000e+00 : f32
    %div3A_93 = vector.broadcast %div3A_92 : f32 to vector<128xf32>
    %div3A_94 = arith.divf %div3A_93, %max3A_91 : vector<128xf32>
    %broadcast_in_dim3A_95 = vector.shape_cast %div3A_94 : vector<128xf32> to vector<1x128xf32>
    %jit3A_96 = arith.constant 0.000000e+00 : f32
    %broadcast_in_dim3A_97 = vector.shape_cast %broadcast_in_dim3A_95 : vector<1x128xf32> to vector<1x128xf32>
    %broadcast_in_dim3A_98 = vector.broadcast %broadcast_in_dim3A_97 : vector<1x128xf32> to vector<128x128xf32>
    %broadcast_in_dim3A_99 = vector.broadcast %jit3A_96 : f32 to vector<128x128xf32>
    %select_n3A_100 = arith.select %eq3A, %broadcast_in_dim3A_98, %broadcast_in_dim3A_99 : vector<128x128xi1>, vector<128x128xf32>
    %slice3A_101 = vector.extract_strided_slice %add3A {offsets = [256, 0], sizes = [128, 128], strides = [1, 1]} : vector<5120x128xf32> to vector<128x128xf32>
    %dot_general3A_102 = arith.constant dense<0.000000e+00> : vector<128x128xf32>
    %dot_general3A_103 = tpu.matmul %select_n3A_100, %slice3A_101, %dot_general3A_102 {dimension_numbers = #tpu.dot_dimension_numbers<[1], [0], [0], [1], [0, 0, 1, 1], [], []>, transpose_lhs_hint = false} : vector<128x128xf32>, vector<128x128xf32>, vector<128x128xf32> -> vector<128x128xf32>
    %mul3A_104 = arith.constant 40 : i32
    %mul3A_105 = arith.muli %arg0, %mul3A_104 : i32
    %add3A_106 = arith.constant 3 : i32
    %add3A_107 = arith.addi %mul3A_105, %add3A_106 : i32
    %get3A_108 = arith.constant 0 : index
    %get3A_109 = arith.index_cast %add3A_107 : i32 to index
    %get3A_110 = arith.constant 0 : index
    %get3A_111 = vector.load %arg2[%get3A_108, %get3A_109, %get3A_110] : memref<2x80x128xf32, #tpu.memory_space<vmem>>, vector<1x1x128xf32>
    %get3A_112 = vector.shape_cast %get3A_111 : vector<1x1x128xf32> to vector<128xf32>
    %mul3A_113 = arith.constant 40 : i32
    %mul3A_114 = arith.muli %arg0, %mul3A_113 : i32
    %add3A_115 = arith.constant 3 : i32
    %add3A_116 = arith.addi %mul3A_114, %add3A_115 : i32
    %get3A_117 = arith.constant 1 : index
    %get3A_118 = arith.index_cast %add3A_116 : i32 to index
    %get3A_119 = arith.constant 0 : index
    %get3A_120 = vector.load %arg2[%get3A_117, %get3A_118, %get3A_119] : memref<2x80x128xf32, #tpu.memory_space<vmem>>, vector<1x1x128xf32>
    %get3A_121 = vector.shape_cast %get3A_120 : vector<1x1x128xf32> to vector<128xf32>
    %add3A_122 = arith.addf %get3A_112, %get3A_121 : vector<128xf32>
    %max3A_123 = arith.constant 1.000000e+00 : f32
    %max3A_124 = vector.broadcast %max3A_123 : f32 to vector<128xf32>
    %max3A_125 = arith.maximumf %add3A_122, %max3A_124 : vector<128xf32>
    %div3A_126 = arith.constant 1.000000e+00 : f32
    %div3A_127 = vector.broadcast %div3A_126 : f32 to vector<128xf32>
    %div3A_128 = arith.divf %div3A_127, %max3A_125 : vector<128xf32>
    %broadcast_in_dim3A_129 = vector.shape_cast %div3A_128 : vector<128xf32> to vector<1x128xf32>
    %jit3A_130 = arith.constant 0.000000e+00 : f32
    %broadcast_in_dim3A_131 = vector.shape_cast %broadcast_in_dim3A_129 : vector<1x128xf32> to vector<1x128xf32>
    %broadcast_in_dim3A_132 = vector.broadcast %broadcast_in_dim3A_131 : vector<1x128xf32> to vector<128x128xf32>
    %broadcast_in_dim3A_133 = vector.broadcast %jit3A_130 : f32 to vector<128x128xf32>
    %select_n3A_134 = arith.select %eq3A, %broadcast_in_dim3A_132, %broadcast_in_dim3A_133 : vector<128x128xi1>, vector<128x128xf32>
    %slice3A_135 = vector.extract_strided_slice %add3A {offsets = [384, 0], sizes = [128, 128], strides = [1, 1]} : vector<5120x128xf32> to vector<128x128xf32>
    %dot_general3A_136 = arith.constant dense<0.000000e+00> : vector<128x128xf32>
    %dot_general3A_137 = tpu.matmul %select_n3A_134, %slice3A_135, %dot_general3A_136 {dimension_numbers = #tpu.dot_dimension_numbers<[1], [0], [0], [1], [0, 0, 1, 1], [], []>, transpose_lhs_hint = false} : vector<128x128xf32>, vector<128x128xf32>, vector<128x128xf32> -> vector<128x128xf32>
    %mul3A_138 = arith.constant 40 : i32
    %mul3A_139 = arith.muli %arg0, %mul3A_138 : i32
    %add3A_140 = arith.constant 4 : i32
    %add3A_141 = arith.addi %mul3A_139, %add3A_140 : i32
    %get3A_142 = arith.constant 0 : index
    %get3A_143 = arith.index_cast %add3A_141 : i32 to index
    %get3A_144 = arith.constant 0 : index
    %get3A_145 = vector.load %arg2[%get3A_142, %get3A_143, %get3A_144] : memref<2x80x128xf32, #tpu.memory_space<vmem>>, vector<1x1x128xf32>
    %get3A_146 = vector.shape_cast %get3A_145 : vector<1x1x128xf32> to vector<128xf32>
    %mul3A_147 = arith.constant 40 : i32
    %mul3A_148 = arith.muli %arg0, %mul3A_147 : i32
    %add3A_149 = arith.constant 4 : i32
    %add3A_150 = arith.addi %mul3A_148, %add3A_149 : i32
    %get3A_151 = arith.constant 1 : index
    %get3A_152 = arith.index_cast %add3A_150 : i32 to index
    %get3A_153 = arith.constant 0 : index
    %get3A_154 = vector.load %arg2[%get3A_151, %get3A_152, %get3A_153] : memref<2x80x128xf32, #tpu.memory_space<vmem>>, vector<1x1x128xf32>
    %get3A_155 = vector.shape_cast %get3A_154 : vector<1x1x128xf32> to vector<128xf32>
    %add3A_156 = arith.addf %get3A_146, %get3A_155 : vector<128xf32>
    %max3A_157 = arith.constant 1.000000e+00 : f32
    %max3A_158 = vector.broadcast %max3A_157 : f32 to vector<128xf32>
    %max3A_159 = arith.maximumf %add3A_156, %max3A_158 : vector<128xf32>
    %div3A_160 = arith.constant 1.000000e+00 : f32
    %div3A_161 = vector.broadcast %div3A_160 : f32 to vector<128xf32>
    %div3A_162 = arith.divf %div3A_161, %max3A_159 : vector<128xf32>
    %broadcast_in_dim3A_163 = vector.shape_cast %div3A_162 : vector<128xf32> to vector<1x128xf32>
    %jit3A_164 = arith.constant 0.000000e+00 : f32
    %broadcast_in_dim3A_165 = vector.shape_cast %broadcast_in_dim3A_163 : vector<1x128xf32> to vector<1x128xf32>
    %broadcast_in_dim3A_166 = vector.broadcast %broadcast_in_dim3A_165 : vector<1x128xf32> to vector<128x128xf32>
    %broadcast_in_dim3A_167 = vector.broadcast %jit3A_164 : f32 to vector<128x128xf32>
    %select_n3A_168 = arith.select %eq3A, %broadcast_in_dim3A_166, %broadcast_in_dim3A_167 : vector<128x128xi1>, vector<128x128xf32>
    %slice3A_169 = vector.extract_strided_slice %add3A {offsets = [512, 0], sizes = [128, 128], strides = [1, 1]} : vector<5120x128xf32> to vector<128x128xf32>
    %dot_general3A_170 = arith.constant dense<0.000000e+00> : vector<128x128xf32>
    %dot_general3A_171 = tpu.matmul %select_n3A_168, %slice3A_169, %dot_general3A_170 {dimension_numbers = #tpu.dot_dimension_numbers<[1], [0], [0], [1], [0, 0, 1, 1], [], []>, transpose_lhs_hint = false} : vector<128x128xf32>, vector<128x128xf32>, vector<128x128xf32> -> vector<128x128xf32>
    %mul3A_172 = arith.constant 40 : i32
    %mul3A_173 = arith.muli %arg0, %mul3A_172 : i32
    %add3A_174 = arith.constant 5 : i32
    %add3A_175 = arith.addi %mul3A_173, %add3A_174 : i32
    %get3A_176 = arith.constant 0 : index
    %get3A_177 = arith.index_cast %add3A_175 : i32 to index
    %get3A_178 = arith.constant 0 : index
    %get3A_179 = vector.load %arg2[%get3A_176, %get3A_177, %get3A_178] : memref<2x80x128xf32, #tpu.memory_space<vmem>>, vector<1x1x128xf32>
    %get3A_180 = vector.shape_cast %get3A_179 : vector<1x1x128xf32> to vector<128xf32>
    %mul3A_181 = arith.constant 40 : i32
    %mul3A_182 = arith.muli %arg0, %mul3A_181 : i32
    %add3A_183 = arith.constant 5 : i32
    %add3A_184 = arith.addi %mul3A_182, %add3A_183 : i32
    %get3A_185 = arith.constant 1 : index
    %get3A_186 = arith.index_cast %add3A_184 : i32 to index
    %get3A_187 = arith.constant 0 : index
    %get3A_188 = vector.load %arg2[%get3A_185, %get3A_186, %get3A_187] : memref<2x80x128xf32, #tpu.memory_space<vmem>>, vector<1x1x128xf32>
    %get3A_189 = vector.shape_cast %get3A_188 : vector<1x1x128xf32> to vector<128xf32>
    %add3A_190 = arith.addf %get3A_180, %get3A_189 : vector<128xf32>
    %max3A_191 = arith.constant 1.000000e+00 : f32
    %max3A_192 = vector.broadcast %max3A_191 : f32 to vector<128xf32>
    %max3A_193 = arith.maximumf %add3A_190, %max3A_192 : vector<128xf32>
    %div3A_194 = arith.constant 1.000000e+00 : f32
    %div3A_195 = vector.broadcast %div3A_194 : f32 to vector<128xf32>
    %div3A_196 = arith.divf %div3A_195, %max3A_193 : vector<128xf32>
    %broadcast_in_dim3A_197 = vector.shape_cast %div3A_196 : vector<128xf32> to vector<1x128xf32>
    %jit3A_198 = arith.constant 0.000000e+00 : f32
    %broadcast_in_dim3A_199 = vector.shape_cast %broadcast_in_dim3A_197 : vector<1x128xf32> to vector<1x128xf32>
    %broadcast_in_dim3A_200 = vector.broadcast %broadcast_in_dim3A_199 : vector<1x128xf32> to vector<128x128xf32>
    %broadcast_in_dim3A_201 = vector.broadcast %jit3A_198 : f32 to vector<128x128xf32>
    %select_n3A_202 = arith.select %eq3A, %broadcast_in_dim3A_200, %broadcast_in_dim3A_201 : vector<128x128xi1>, vector<128x128xf32>
    %slice3A_203 = vector.extract_strided_slice %add3A {offsets = [640, 0], sizes = [128, 128], strides = [1, 1]} : vector<5120x128xf32> to vector<128x128xf32>
    %dot_general3A_204 = arith.constant dense<0.000000e+00> : vector<128x128xf32>
    %dot_general3A_205 = tpu.matmul %select_n3A_202, %slice3A_203, %dot_general3A_204 {dimension_numbers = #tpu.dot_dimension_numbers<[1], [0], [0], [1], [0, 0, 1, 1], [], []>, transpose_lhs_hint = false} : vector<128x128xf32>, vector<128x128xf32>, vector<128x128xf32> -> vector<128x128xf32>
    %mul3A_206 = arith.constant 40 : i32
    %mul3A_207 = arith.muli %arg0, %mul3A_206 : i32
    %add3A_208 = arith.constant 6 : i32
    %add3A_209 = arith.addi %mul3A_207, %add3A_208 : i32
    %get3A_210 = arith.constant 0 : index
    %get3A_211 = arith.index_cast %add3A_209 : i32 to index
    %get3A_212 = arith.constant 0 : index
    %get3A_213 = vector.load %arg2[%get3A_210, %get3A_211, %get3A_212] : memref<2x80x128xf32, #tpu.memory_space<vmem>>, vector<1x1x128xf32>
    %get3A_214 = vector.shape_cast %get3A_213 : vector<1x1x128xf32> to vector<128xf32>
    %mul3A_215 = arith.constant 40 : i32
    %mul3A_216 = arith.muli %arg0, %mul3A_215 : i32
    %add3A_217 = arith.constant 6 : i32
    %add3A_218 = arith.addi %mul3A_216, %add3A_217 : i32
    %get3A_219 = arith.constant 1 : index
    %get3A_220 = arith.index_cast %add3A_218 : i32 to index
    %get3A_221 = arith.constant 0 : index
    %get3A_222 = vector.load %arg2[%get3A_219, %get3A_220, %get3A_221] : memref<2x80x128xf32, #tpu.memory_space<vmem>>, vector<1x1x128xf32>
    %get3A_223 = vector.shape_cast %get3A_222 : vector<1x1x128xf32> to vector<128xf32>
    %add3A_224 = arith.addf %get3A_214, %get3A_223 : vector<128xf32>
    %max3A_225 = arith.constant 1.000000e+00 : f32
    %max3A_226 = vector.broadcast %max3A_225 : f32 to vector<128xf32>
    %max3A_227 = arith.maximumf %add3A_224, %max3A_226 : vector<128xf32>
    %div3A_228 = arith.constant 1.000000e+00 : f32
    %div3A_229 = vector.broadcast %div3A_228 : f32 to vector<128xf32>
    %div3A_230 = arith.divf %div3A_229, %max3A_227 : vector<128xf32>
    %broadcast_in_dim3A_231 = vector.shape_cast %div3A_230 : vector<128xf32> to vector<1x128xf32>
    %jit3A_232 = arith.constant 0.000000e+00 : f32
    %broadcast_in_dim3A_233 = vector.shape_cast %broadcast_in_dim3A_231 : vector<1x128xf32> to vector<1x128xf32>
    %broadcast_in_dim3A_234 = vector.broadcast %broadcast_in_dim3A_233 : vector<1x128xf32> to vector<128x128xf32>
    %broadcast_in_dim3A_235 = vector.broadcast %jit3A_232 : f32 to vector<128x128xf32>
    %select_n3A_236 = arith.select %eq3A, %broadcast_in_dim3A_234, %broadcast_in_dim3A_235 : vector<128x128xi1>, vector<128x128xf32>
    %slice3A_237 = vector.extract_strided_slice %add3A {offsets = [768, 0], sizes = [128, 128], strides = [1, 1]} : vector<5120x128xf32> to vector<128x128xf32>
    %dot_general3A_238 = arith.constant dense<0.000000e+00> : vector<128x128xf32>
    %dot_general3A_239 = tpu.matmul %select_n3A_236, %slice3A_237, %dot_general3A_238 {dimension_numbers = #tpu.dot_dimension_numbers<[1], [0], [0], [1], [0, 0, 1, 1], [], []>, transpose_lhs_hint = false} : vector<128x128xf32>, vector<128x128xf32>, vector<128x128xf32> -> vector<128x128xf32>
    %mul3A_240 = arith.constant 40 : i32
    %mul3A_241 = arith.muli %arg0, %mul3A_240 : i32
    %add3A_242 = arith.constant 7 : i32
    %add3A_243 = arith.addi %mul3A_241, %add3A_242 : i32
    %get3A_244 = arith.constant 0 : index
    %get3A_245 = arith.index_cast %add3A_243 : i32 to index
    %get3A_246 = arith.constant 0 : index
    %get3A_247 = vector.load %arg2[%get3A_244, %get3A_245, %get3A_246] : memref<2x80x128xf32, #tpu.memory_space<vmem>>, vector<1x1x128xf32>
    %get3A_248 = vector.shape_cast %get3A_247 : vector<1x1x128xf32> to vector<128xf32>
    %mul3A_249 = arith.constant 40 : i32
    %mul3A_250 = arith.muli %arg0, %mul3A_249 : i32
    %add3A_251 = arith.constant 7 : i32
    %add3A_252 = arith.addi %mul3A_250, %add3A_251 : i32
    %get3A_253 = arith.constant 1 : index
    %get3A_254 = arith.index_cast %add3A_252 : i32 to index
    %get3A_255 = arith.constant 0 : index
    %get3A_256 = vector.load %arg2[%get3A_253, %get3A_254, %get3A_255] : memref<2x80x128xf32, #tpu.memory_space<vmem>>, vector<1x1x128xf32>
    %get3A_257 = vector.shape_cast %get3A_256 : vector<1x1x128xf32> to vector<128xf32>
    %add3A_258 = arith.addf %get3A_248, %get3A_257 : vector<128xf32>
    %max3A_259 = arith.constant 1.000000e+00 : f32
    %max3A_260 = vector.broadcast %max3A_259 : f32 to vector<128xf32>
    %max3A_261 = arith.maximumf %add3A_258, %max3A_260 : vector<128xf32>
    %div3A_262 = arith.constant 1.000000e+00 : f32
    %div3A_263 = vector.broadcast %div3A_262 : f32 to vector<128xf32>
    %div3A_264 = arith.divf %div3A_263, %max3A_261 : vector<128xf32>
    %broadcast_in_dim3A_265 = vector.shape_cast %div3A_264 : vector<128xf32> to vector<1x128xf32>
    %jit3A_266 = arith.constant 0.000000e+00 : f32
    %broadcast_in_dim3A_267 = vector.shape_cast %broadcast_in_dim3A_265 : vector<1x128xf32> to vector<1x128xf32>
    %broadcast_in_dim3A_268 = vector.broadcast %broadcast_in_dim3A_267 : vector<1x128xf32> to vector<128x128xf32>
    %broadcast_in_dim3A_269 = vector.broadcast %jit3A_266 : f32 to vector<128x128xf32>
    %select_n3A_270 = arith.select %eq3A, %broadcast_in_dim3A_268, %broadcast_in_dim3A_269 : vector<128x128xi1>, vector<128x128xf32>
    %slice3A_271 = vector.extract_strided_slice %add3A {offsets = [896, 0], sizes = [128, 128], strides = [1, 1]} : vector<5120x128xf32> to vector<128x128xf32>
    %dot_general3A_272 = arith.constant dense<0.000000e+00> : vector<128x128xf32>
    %dot_general3A_273 = tpu.matmul %select_n3A_270, %slice3A_271, %dot_general3A_272 {dimension_numbers = #tpu.dot_dimension_numbers<[1], [0], [0], [1], [0, 0, 1, 1], [], []>, transpose_lhs_hint = false} : vector<128x128xf32>, vector<128x128xf32>, vector<128x128xf32> -> vector<128x128xf32>
    %mul3A_274 = arith.constant 40 : i32
    %mul3A_275 = arith.muli %arg0, %mul3A_274 : i32
    %add3A_276 = arith.constant 8 : i32
    %add3A_277 = arith.addi %mul3A_275, %add3A_276 : i32
    %get3A_278 = arith.constant 0 : index
    %get3A_279 = arith.index_cast %add3A_277 : i32 to index
    %get3A_280 = arith.constant 0 : index
    %get3A_281 = vector.load %arg2[%get3A_278, %get3A_279, %get3A_280] : memref<2x80x128xf32, #tpu.memory_space<vmem>>, vector<1x1x128xf32>
    %get3A_282 = vector.shape_cast %get3A_281 : vector<1x1x128xf32> to vector<128xf32>
    %mul3A_283 = arith.constant 40 : i32
    %mul3A_284 = arith.muli %arg0, %mul3A_283 : i32
    %add3A_285 = arith.constant 8 : i32
    %add3A_286 = arith.addi %mul3A_284, %add3A_285 : i32
    %get3A_287 = arith.constant 1 : index
    %get3A_288 = arith.index_cast %add3A_286 : i32 to index
    %get3A_289 = arith.constant 0 : index
    %get3A_290 = vector.load %arg2[%get3A_287, %get3A_288, %get3A_289] : memref<2x80x128xf32, #tpu.memory_space<vmem>>, vector<1x1x128xf32>
    %get3A_291 = vector.shape_cast %get3A_290 : vector<1x1x128xf32> to vector<128xf32>
    %add3A_292 = arith.addf %get3A_282, %get3A_291 : vector<128xf32>
    %max3A_293 = arith.constant 1.000000e+00 : f32
    %max3A_294 = vector.broadcast %max3A_293 : f32 to vector<128xf32>
    %max3A_295 = arith.maximumf %add3A_292, %max3A_294 : vector<128xf32>
    %div3A_296 = arith.constant 1.000000e+00 : f32
    %div3A_297 = vector.broadcast %div3A_296 : f32 to vector<128xf32>
    %div3A_298 = arith.divf %div3A_297, %max3A_295 : vector<128xf32>
    %broadcast_in_dim3A_299 = vector.shape_cast %div3A_298 : vector<128xf32> to vector<1x128xf32>
    %jit3A_300 = arith.constant 0.000000e+00 : f32
    %broadcast_in_dim3A_301 = vector.shape_cast %broadcast_in_dim3A_299 : vector<1x128xf32> to vector<1x128xf32>
    %broadcast_in_dim3A_302 = vector.broadcast %broadcast_in_dim3A_301 : vector<1x128xf32> to vector<128x128xf32>
    %broadcast_in_dim3A_303 = vector.broadcast %jit3A_300 : f32 to vector<128x128xf32>
    %select_n3A_304 = arith.select %eq3A, %broadcast_in_dim3A_302, %broadcast_in_dim3A_303 : vector<128x128xi1>, vector<128x128xf32>
    %slice3A_305 = vector.extract_strided_slice %add3A {offsets = [1024, 0], sizes = [128, 128], strides = [1, 1]} : vector<5120x128xf32> to vector<128x128xf32>
    %dot_general3A_306 = arith.constant dense<0.000000e+00> : vector<128x128xf32>
    %dot_general3A_307 = tpu.matmul %select_n3A_304, %slice3A_305, %dot_general3A_306 {dimension_numbers = #tpu.dot_dimension_numbers<[1], [0], [0], [1], [0, 0, 1, 1], [], []>, transpose_lhs_hint = false} : vector<128x128xf32>, vector<128x128xf32>, vector<128x128xf32> -> vector<128x128xf32>
    %mul3A_308 = arith.constant 40 : i32
    %mul3A_309 = arith.muli %arg0, %mul3A_308 : i32
    %add3A_310 = arith.constant 9 : i32
    %add3A_311 = arith.addi %mul3A_309, %add3A_310 : i32
    %get3A_312 = arith.constant 0 : index
    %get3A_313 = arith.index_cast %add3A_311 : i32 to index
    %get3A_314 = arith.constant 0 : index
    %get3A_315 = vector.load %arg2[%get3A_312, %get3A_313, %get3A_314] : memref<2x80x128xf32, #tpu.memory_space<vmem>>, vector<1x1x128xf32>
    %get3A_316 = vector.shape_cast %get3A_315 : vector<1x1x128xf32> to vector<128xf32>
    %mul3A_317 = arith.constant 40 : i32
    %mul3A_318 = arith.muli %arg0, %mul3A_317 : i32
    %add3A_319 = arith.constant 9 : i32
    %add3A_320 = arith.addi %mul3A_318, %add3A_319 : i32
    %get3A_321 = arith.constant 1 : index
    %get3A_322 = arith.index_cast %add3A_320 : i32 to index
    %get3A_323 = arith.constant 0 : index
    %get3A_324 = vector.load %arg2[%get3A_321, %get3A_322, %get3A_323] : memref<2x80x128xf32, #tpu.memory_space<vmem>>, vector<1x1x128xf32>
    %get3A_325 = vector.shape_cast %get3A_324 : vector<1x1x128xf32> to vector<128xf32>
    %add3A_326 = arith.addf %get3A_316, %get3A_325 : vector<128xf32>
    %max3A_327 = arith.constant 1.000000e+00 : f32
    %max3A_328 = vector.broadcast %max3A_327 : f32 to vector<128xf32>
    %max3A_329 = arith.maximumf %add3A_326, %max3A_328 : vector<128xf32>
    %div3A_330 = arith.constant 1.000000e+00 : f32
    %div3A_331 = vector.broadcast %div3A_330 : f32 to vector<128xf32>
    %div3A_332 = arith.divf %div3A_331, %max3A_329 : vector<128xf32>
    %broadcast_in_dim3A_333 = vector.shape_cast %div3A_332 : vector<128xf32> to vector<1x128xf32>
    %jit3A_334 = arith.constant 0.000000e+00 : f32
    %broadcast_in_dim3A_335 = vector.shape_cast %broadcast_in_dim3A_333 : vector<1x128xf32> to vector<1x128xf32>
    %broadcast_in_dim3A_336 = vector.broadcast %broadcast_in_dim3A_335 : vector<1x128xf32> to vector<128x128xf32>
    %broadcast_in_dim3A_337 = vector.broadcast %jit3A_334 : f32 to vector<128x128xf32>
    %select_n3A_338 = arith.select %eq3A, %broadcast_in_dim3A_336, %broadcast_in_dim3A_337 : vector<128x128xi1>, vector<128x128xf32>
    %slice3A_339 = vector.extract_strided_slice %add3A {offsets = [1152, 0], sizes = [128, 128], strides = [1, 1]} : vector<5120x128xf32> to vector<128x128xf32>
    %dot_general3A_340 = arith.constant dense<0.000000e+00> : vector<128x128xf32>
    %dot_general3A_341 = tpu.matmul %select_n3A_338, %slice3A_339, %dot_general3A_340 {dimension_numbers = #tpu.dot_dimension_numbers<[1], [0], [0], [1], [0, 0, 1, 1], [], []>, transpose_lhs_hint = false} : vector<128x128xf32>, vector<128x128xf32>, vector<128x128xf32> -> vector<128x128xf32>
    %mul3A_342 = arith.constant 40 : i32
    %mul3A_343 = arith.muli %arg0, %mul3A_342 : i32
    %add3A_344 = arith.constant 10 : i32
    %add3A_345 = arith.addi %mul3A_343, %add3A_344 : i32
    %get3A_346 = arith.constant 0 : index
    %get3A_347 = arith.index_cast %add3A_345 : i32 to index
    %get3A_348 = arith.constant 0 : index
    %get3A_349 = vector.load %arg2[%get3A_346, %get3A_347, %get3A_348] : memref<2x80x128xf32, #tpu.memory_space<vmem>>, vector<1x1x128xf32>
    %get3A_350 = vector.shape_cast %get3A_349 : vector<1x1x128xf32> to vector<128xf32>
    %mul3A_351 = arith.constant 40 : i32
    %mul3A_352 = arith.muli %arg0, %mul3A_351 : i32
    %add3A_353 = arith.constant 10 : i32
    %add3A_354 = arith.addi %mul3A_352, %add3A_353 : i32
    %get3A_355 = arith.constant 1 : index
    %get3A_356 = arith.index_cast %add3A_354 : i32 to index
    %get3A_357 = arith.constant 0 : index
    %get3A_358 = vector.load %arg2[%get3A_355, %get3A_356, %get3A_357] : memref<2x80x128xf32, #tpu.memory_space<vmem>>, vector<1x1x128xf32>
    %get3A_359 = vector.shape_cast %get3A_358 : vector<1x1x128xf32> to vector<128xf32>
    %add3A_360 = arith.addf %get3A_350, %get3A_359 : vector<128xf32>
    %max3A_361 = arith.constant 1.000000e+00 : f32
    %max3A_362 = vector.broadcast %max3A_361 : f32 to vector<128xf32>
    %max3A_363 = arith.maximumf %add3A_360, %max3A_362 : vector<128xf32>
    %div3A_364 = arith.constant 1.000000e+00 : f32
    %div3A_365 = vector.broadcast %div3A_364 : f32 to vector<128xf32>
    %div3A_366 = arith.divf %div3A_365, %max3A_363 : vector<128xf32>
    %broadcast_in_dim3A_367 = vector.shape_cast %div3A_366 : vector<128xf32> to vector<1x128xf32>
    %jit3A_368 = arith.constant 0.000000e+00 : f32
    %broadcast_in_dim3A_369 = vector.shape_cast %broadcast_in_dim3A_367 : vector<1x128xf32> to vector<1x128xf32>
    %broadcast_in_dim3A_370 = vector.broadcast %broadcast_in_dim3A_369 : vector<1x128xf32> to vector<128x128xf32>
    %broadcast_in_dim3A_371 = vector.broadcast %jit3A_368 : f32 to vector<128x128xf32>
    %select_n3A_372 = arith.select %eq3A, %broadcast_in_dim3A_370, %broadcast_in_dim3A_371 : vector<128x128xi1>, vector<128x128xf32>
    %slice3A_373 = vector.extract_strided_slice %add3A {offsets = [1280, 0], sizes = [128, 128], strides = [1, 1]} : vector<5120x128xf32> to vector<128x128xf32>
    %dot_general3A_374 = arith.constant dense<0.000000e+00> : vector<128x128xf32>
    %dot_general3A_375 = tpu.matmul %select_n3A_372, %slice3A_373, %dot_general3A_374 {dimension_numbers = #tpu.dot_dimension_numbers<[1], [0], [0], [1], [0, 0, 1, 1], [], []>, transpose_lhs_hint = false} : vector<128x128xf32>, vector<128x128xf32>, vector<128x128xf32> -> vector<128x128xf32>
    %mul3A_376 = arith.constant 40 : i32
    %mul3A_377 = arith.muli %arg0, %mul3A_376 : i32
    %add3A_378 = arith.constant 11 : i32
    %add3A_379 = arith.addi %mul3A_377, %add3A_378 : i32
    %get3A_380 = arith.constant 0 : index
    %get3A_381 = arith.index_cast %add3A_379 : i32 to index
    %get3A_382 = arith.constant 0 : index
    %get3A_383 = vector.load %arg2[%get3A_380, %get3A_381, %get3A_382] : memref<2x80x128xf32, #tpu.memory_space<vmem>>, vector<1x1x128xf32>
    %get3A_384 = vector.shape_cast %get3A_383 : vector<1x1x128xf32> to vector<128xf32>
    %mul3A_385 = arith.constant 40 : i32
    %mul3A_386 = arith.muli %arg0, %mul3A_385 : i32
    %add3A_387 = arith.constant 11 : i32
    %add3A_388 = arith.addi %mul3A_386, %add3A_387 : i32
    %get3A_389 = arith.constant 1 : index
    %get3A_390 = arith.index_cast %add3A_388 : i32 to index
    %get3A_391 = arith.constant 0 : index
    %get3A_392 = vector.load %arg2[%get3A_389, %get3A_390, %get3A_391] : memref<2x80x128xf32, #tpu.memory_space<vmem>>, vector<1x1x128xf32>
    %get3A_393 = vector.shape_cast %get3A_392 : vector<1x1x128xf32> to vector<128xf32>
    %add3A_394 = arith.addf %get3A_384, %get3A_393 : vector<128xf32>
    %max3A_395 = arith.constant 1.000000e+00 : f32
    %max3A_396 = vector.broadcast %max3A_395 : f32 to vector<128xf32>
    %max3A_397 = arith.maximumf %add3A_394, %max3A_396 : vector<128xf32>
    %div3A_398 = arith.constant 1.000000e+00 : f32
    %div3A_399 = vector.broadcast %div3A_398 : f32 to vector<128xf32>
    %div3A_400 = arith.divf %div3A_399, %max3A_397 : vector<128xf32>
    %broadcast_in_dim3A_401 = vector.shape_cast %div3A_400 : vector<128xf32> to vector<1x128xf32>
    %jit3A_402 = arith.constant 0.000000e+00 : f32
    %broadcast_in_dim3A_403 = vector.shape_cast %broadcast_in_dim3A_401 : vector<1x128xf32> to vector<1x128xf32>
    %broadcast_in_dim3A_404 = vector.broadcast %broadcast_in_dim3A_403 : vector<1x128xf32> to vector<128x128xf32>
    %broadcast_in_dim3A_405 = vector.broadcast %jit3A_402 : f32 to vector<128x128xf32>
    %select_n3A_406 = arith.select %eq3A, %broadcast_in_dim3A_404, %broadcast_in_dim3A_405 : vector<128x128xi1>, vector<128x128xf32>
    %slice3A_407 = vector.extract_strided_slice %add3A {offsets = [1408, 0], sizes = [128, 128], strides = [1, 1]} : vector<5120x128xf32> to vector<128x128xf32>
    %dot_general3A_408 = arith.constant dense<0.000000e+00> : vector<128x128xf32>
    %dot_general3A_409 = tpu.matmul %select_n3A_406, %slice3A_407, %dot_general3A_408 {dimension_numbers = #tpu.dot_dimension_numbers<[1], [0], [0], [1], [0, 0, 1, 1], [], []>, transpose_lhs_hint = false} : vector<128x128xf32>, vector<128x128xf32>, vector<128x128xf32> -> vector<128x128xf32>
    %mul3A_410 = arith.constant 40 : i32
    %mul3A_411 = arith.muli %arg0, %mul3A_410 : i32
    %add3A_412 = arith.constant 12 : i32
    %add3A_413 = arith.addi %mul3A_411, %add3A_412 : i32
    %get3A_414 = arith.constant 0 : index
    %get3A_415 = arith.index_cast %add3A_413 : i32 to index
    %get3A_416 = arith.constant 0 : index
    %get3A_417 = vector.load %arg2[%get3A_414, %get3A_415, %get3A_416] : memref<2x80x128xf32, #tpu.memory_space<vmem>>, vector<1x1x128xf32>
    %get3A_418 = vector.shape_cast %get3A_417 : vector<1x1x128xf32> to vector<128xf32>
    %mul3A_419 = arith.constant 40 : i32
    %mul3A_420 = arith.muli %arg0, %mul3A_419 : i32
    %add3A_421 = arith.constant 12 : i32
    %add3A_422 = arith.addi %mul3A_420, %add3A_421 : i32
    %get3A_423 = arith.constant 1 : index
    %get3A_424 = arith.index_cast %add3A_422 : i32 to index
    %get3A_425 = arith.constant 0 : index
    %get3A_426 = vector.load %arg2[%get3A_423, %get3A_424, %get3A_425] : memref<2x80x128xf32, #tpu.memory_space<vmem>>, vector<1x1x128xf32>
    %get3A_427 = vector.shape_cast %get3A_426 : vector<1x1x128xf32> to vector<128xf32>
    %add3A_428 = arith.addf %get3A_418, %get3A_427 : vector<128xf32>
    %max3A_429 = arith.constant 1.000000e+00 : f32
    %max3A_430 = vector.broadcast %max3A_429 : f32 to vector<128xf32>
    %max3A_431 = arith.maximumf %add3A_428, %max3A_430 : vector<128xf32>
    %div3A_432 = arith.constant 1.000000e+00 : f32
    %div3A_433 = vector.broadcast %div3A_432 : f32 to vector<128xf32>
    %div3A_434 = arith.divf %div3A_433, %max3A_431 : vector<128xf32>
    %broadcast_in_dim3A_435 = vector.shape_cast %div3A_434 : vector<128xf32> to vector<1x128xf32>
    %jit3A_436 = arith.constant 0.000000e+00 : f32
    %broadcast_in_dim3A_437 = vector.shape_cast %broadcast_in_dim3A_435 : vector<1x128xf32> to vector<1x128xf32>
    %broadcast_in_dim3A_438 = vector.broadcast %broadcast_in_dim3A_437 : vector<1x128xf32> to vector<128x128xf32>
    %broadcast_in_dim3A_439 = vector.broadcast %jit3A_436 : f32 to vector<128x128xf32>
    %select_n3A_440 = arith.select %eq3A, %broadcast_in_dim3A_438, %broadcast_in_dim3A_439 : vector<128x128xi1>, vector<128x128xf32>
    %slice3A_441 = vector.extract_strided_slice %add3A {offsets = [1536, 0], sizes = [128, 128], strides = [1, 1]} : vector<5120x128xf32> to vector<128x128xf32>
    %dot_general3A_442 = arith.constant dense<0.000000e+00> : vector<128x128xf32>
    %dot_general3A_443 = tpu.matmul %select_n3A_440, %slice3A_441, %dot_general3A_442 {dimension_numbers = #tpu.dot_dimension_numbers<[1], [0], [0], [1], [0, 0, 1, 1], [], []>, transpose_lhs_hint = false} : vector<128x128xf32>, vector<128x128xf32>, vector<128x128xf32> -> vector<128x128xf32>
    %mul3A_444 = arith.constant 40 : i32
    %mul3A_445 = arith.muli %arg0, %mul3A_444 : i32
    %add3A_446 = arith.constant 13 : i32
    %add3A_447 = arith.addi %mul3A_445, %add3A_446 : i32
    %get3A_448 = arith.constant 0 : index
    %get3A_449 = arith.index_cast %add3A_447 : i32 to index
    %get3A_450 = arith.constant 0 : index
    %get3A_451 = vector.load %arg2[%get3A_448, %get3A_449, %get3A_450] : memref<2x80x128xf32, #tpu.memory_space<vmem>>, vector<1x1x128xf32>
    %get3A_452 = vector.shape_cast %get3A_451 : vector<1x1x128xf32> to vector<128xf32>
    %mul3A_453 = arith.constant 40 : i32
    %mul3A_454 = arith.muli %arg0, %mul3A_453 : i32
    %add3A_455 = arith.constant 13 : i32
    %add3A_456 = arith.addi %mul3A_454, %add3A_455 : i32
    %get3A_457 = arith.constant 1 : index
    %get3A_458 = arith.index_cast %add3A_456 : i32 to index
    %get3A_459 = arith.constant 0 : index
    %get3A_460 = vector.load %arg2[%get3A_457, %get3A_458, %get3A_459] : memref<2x80x128xf32, #tpu.memory_space<vmem>>, vector<1x1x128xf32>
    %get3A_461 = vector.shape_cast %get3A_460 : vector<1x1x128xf32> to vector<128xf32>
    %add3A_462 = arith.addf %get3A_452, %get3A_461 : vector<128xf32>
    %max3A_463 = arith.constant 1.000000e+00 : f32
    %max3A_464 = vector.broadcast %max3A_463 : f32 to vector<128xf32>
    %max3A_465 = arith.maximumf %add3A_462, %max3A_464 : vector<128xf32>
    %div3A_466 = arith.constant 1.000000e+00 : f32
    %div3A_467 = vector.broadcast %div3A_466 : f32 to vector<128xf32>
    %div3A_468 = arith.divf %div3A_467, %max3A_465 : vector<128xf32>
    %broadcast_in_dim3A_469 = vector.shape_cast %div3A_468 : vector<128xf32> to vector<1x128xf32>
    %jit3A_470 = arith.constant 0.000000e+00 : f32
    %broadcast_in_dim3A_471 = vector.shape_cast %broadcast_in_dim3A_469 : vector<1x128xf32> to vector<1x128xf32>
    %broadcast_in_dim3A_472 = vector.broadcast %broadcast_in_dim3A_471 : vector<1x128xf32> to vector<128x128xf32>
    %broadcast_in_dim3A_473 = vector.broadcast %jit3A_470 : f32 to vector<128x128xf32>
    %select_n3A_474 = arith.select %eq3A, %broadcast_in_dim3A_472, %broadcast_in_dim3A_473 : vector<128x128xi1>, vector<128x128xf32>
    %slice3A_475 = vector.extract_strided_slice %add3A {offsets = [1664, 0], sizes = [128, 128], strides = [1, 1]} : vector<5120x128xf32> to vector<128x128xf32>
    %dot_general3A_476 = arith.constant dense<0.000000e+00> : vector<128x128xf32>
    %dot_general3A_477 = tpu.matmul %select_n3A_474, %slice3A_475, %dot_general3A_476 {dimension_numbers = #tpu.dot_dimension_numbers<[1], [0], [0], [1], [0, 0, 1, 1], [], []>, transpose_lhs_hint = false} : vector<128x128xf32>, vector<128x128xf32>, vector<128x128xf32> -> vector<128x128xf32>
    %mul3A_478 = arith.constant 40 : i32
    %mul3A_479 = arith.muli %arg0, %mul3A_478 : i32
    %add3A_480 = arith.constant 14 : i32
    %add3A_481 = arith.addi %mul3A_479, %add3A_480 : i32
    %get3A_482 = arith.constant 0 : index
    %get3A_483 = arith.index_cast %add3A_481 : i32 to index
    %get3A_484 = arith.constant 0 : index
    %get3A_485 = vector.load %arg2[%get3A_482, %get3A_483, %get3A_484] : memref<2x80x128xf32, #tpu.memory_space<vmem>>, vector<1x1x128xf32>
    %get3A_486 = vector.shape_cast %get3A_485 : vector<1x1x128xf32> to vector<128xf32>
    %mul3A_487 = arith.constant 40 : i32
    %mul3A_488 = arith.muli %arg0, %mul3A_487 : i32
    %add3A_489 = arith.constant 14 : i32
    %add3A_490 = arith.addi %mul3A_488, %add3A_489 : i32
    %get3A_491 = arith.constant 1 : index
    %get3A_492 = arith.index_cast %add3A_490 : i32 to index
    %get3A_493 = arith.constant 0 : index
    %get3A_494 = vector.load %arg2[%get3A_491, %get3A_492, %get3A_493] : memref<2x80x128xf32, #tpu.memory_space<vmem>>, vector<1x1x128xf32>
    %get3A_495 = vector.shape_cast %get3A_494 : vector<1x1x128xf32> to vector<128xf32>
    %add3A_496 = arith.addf %get3A_486, %get3A_495 : vector<128xf32>
    %max3A_497 = arith.constant 1.000000e+00 : f32
    %max3A_498 = vector.broadcast %max3A_497 : f32 to vector<128xf32>
    %max3A_499 = arith.maximumf %add3A_496, %max3A_498 : vector<128xf32>
    %div3A_500 = arith.constant 1.000000e+00 : f32
    %div3A_501 = vector.broadcast %div3A_500 : f32 to vector<128xf32>
    %div3A_502 = arith.divf %div3A_501, %max3A_499 : vector<128xf32>
    %broadcast_in_dim3A_503 = vector.shape_cast %div3A_502 : vector<128xf32> to vector<1x128xf32>
    %jit3A_504 = arith.constant 0.000000e+00 : f32
    %broadcast_in_dim3A_505 = vector.shape_cast %broadcast_in_dim3A_503 : vector<1x128xf32> to vector<1x128xf32>
    %broadcast_in_dim3A_506 = vector.broadcast %broadcast_in_dim3A_505 : vector<1x128xf32> to vector<128x128xf32>
    %broadcast_in_dim3A_507 = vector.broadcast %jit3A_504 : f32 to vector<128x128xf32>
    %select_n3A_508 = arith.select %eq3A, %broadcast_in_dim3A_506, %broadcast_in_dim3A_507 : vector<128x128xi1>, vector<128x128xf32>
    %slice3A_509 = vector.extract_strided_slice %add3A {offsets = [1792, 0], sizes = [128, 128], strides = [1, 1]} : vector<5120x128xf32> to vector<128x128xf32>
    %dot_general3A_510 = arith.constant dense<0.000000e+00> : vector<128x128xf32>
    %dot_general3A_511 = tpu.matmul %select_n3A_508, %slice3A_509, %dot_general3A_510 {dimension_numbers = #tpu.dot_dimension_numbers<[1], [0], [0], [1], [0, 0, 1, 1], [], []>, transpose_lhs_hint = false} : vector<128x128xf32>, vector<128x128xf32>, vector<128x128xf32> -> vector<128x128xf32>
    %mul3A_512 = arith.constant 40 : i32
    %mul3A_513 = arith.muli %arg0, %mul3A_512 : i32
    %add3A_514 = arith.constant 15 : i32
    %add3A_515 = arith.addi %mul3A_513, %add3A_514 : i32
    %get3A_516 = arith.constant 0 : index
    %get3A_517 = arith.index_cast %add3A_515 : i32 to index
    %get3A_518 = arith.constant 0 : index
    %get3A_519 = vector.load %arg2[%get3A_516, %get3A_517, %get3A_518] : memref<2x80x128xf32, #tpu.memory_space<vmem>>, vector<1x1x128xf32>
    %get3A_520 = vector.shape_cast %get3A_519 : vector<1x1x128xf32> to vector<128xf32>
    %mul3A_521 = arith.constant 40 : i32
    %mul3A_522 = arith.muli %arg0, %mul3A_521 : i32
    %add3A_523 = arith.constant 15 : i32
    %add3A_524 = arith.addi %mul3A_522, %add3A_523 : i32
    %get3A_525 = arith.constant 1 : index
    %get3A_526 = arith.index_cast %add3A_524 : i32 to index
    %get3A_527 = arith.constant 0 : index
    %get3A_528 = vector.load %arg2[%get3A_525, %get3A_526, %get3A_527] : memref<2x80x128xf32, #tpu.memory_space<vmem>>, vector<1x1x128xf32>
    %get3A_529 = vector.shape_cast %get3A_528 : vector<1x1x128xf32> to vector<128xf32>
    %add3A_530 = arith.addf %get3A_520, %get3A_529 : vector<128xf32>
    %max3A_531 = arith.constant 1.000000e+00 : f32
    %max3A_532 = vector.broadcast %max3A_531 : f32 to vector<128xf32>
    %max3A_533 = arith.maximumf %add3A_530, %max3A_532 : vector<128xf32>
    %div3A_534 = arith.constant 1.000000e+00 : f32
    %div3A_535 = vector.broadcast %div3A_534 : f32 to vector<128xf32>
    %div3A_536 = arith.divf %div3A_535, %max3A_533 : vector<128xf32>
    %broadcast_in_dim3A_537 = vector.shape_cast %div3A_536 : vector<128xf32> to vector<1x128xf32>
    %jit3A_538 = arith.constant 0.000000e+00 : f32
    %broadcast_in_dim3A_539 = vector.shape_cast %broadcast_in_dim3A_537 : vector<1x128xf32> to vector<1x128xf32>
    %broadcast_in_dim3A_540 = vector.broadcast %broadcast_in_dim3A_539 : vector<1x128xf32> to vector<128x128xf32>
    %broadcast_in_dim3A_541 = vector.broadcast %jit3A_538 : f32 to vector<128x128xf32>
    %select_n3A_542 = arith.select %eq3A, %broadcast_in_dim3A_540, %broadcast_in_dim3A_541 : vector<128x128xi1>, vector<128x128xf32>
    %slice3A_543 = vector.extract_strided_slice %add3A {offsets = [1920, 0], sizes = [128, 128], strides = [1, 1]} : vector<5120x128xf32> to vector<128x128xf32>
    %dot_general3A_544 = arith.constant dense<0.000000e+00> : vector<128x128xf32>
    %dot_general3A_545 = tpu.matmul %select_n3A_542, %slice3A_543, %dot_general3A_544 {dimension_numbers = #tpu.dot_dimension_numbers<[1], [0], [0], [1], [0, 0, 1, 1], [], []>, transpose_lhs_hint = false} : vector<128x128xf32>, vector<128x128xf32>, vector<128x128xf32> -> vector<128x128xf32>
    %mul3A_546 = arith.constant 40 : i32
    %mul3A_547 = arith.muli %arg0, %mul3A_546 : i32
    %add3A_548 = arith.constant 16 : i32
    %add3A_549 = arith.addi %mul3A_547, %add3A_548 : i32
    %get3A_550 = arith.constant 0 : index
    %get3A_551 = arith.index_cast %add3A_549 : i32 to index
    %get3A_552 = arith.constant 0 : index
    %get3A_553 = vector.load %arg2[%get3A_550, %get3A_551, %get3A_552] : memref<2x80x128xf32, #tpu.memory_space<vmem>>, vector<1x1x128xf32>
    %get3A_554 = vector.shape_cast %get3A_553 : vector<1x1x128xf32> to vector<128xf32>
    %mul3A_555 = arith.constant 40 : i32
    %mul3A_556 = arith.muli %arg0, %mul3A_555 : i32
    %add3A_557 = arith.constant 16 : i32
    %add3A_558 = arith.addi %mul3A_556, %add3A_557 : i32
    %get3A_559 = arith.constant 1 : index
    %get3A_560 = arith.index_cast %add3A_558 : i32 to index
    %get3A_561 = arith.constant 0 : index
    %get3A_562 = vector.load %arg2[%get3A_559, %get3A_560, %get3A_561] : memref<2x80x128xf32, #tpu.memory_space<vmem>>, vector<1x1x128xf32>
    %get3A_563 = vector.shape_cast %get3A_562 : vector<1x1x128xf32> to vector<128xf32>
    %add3A_564 = arith.addf %get3A_554, %get3A_563 : vector<128xf32>
    %max3A_565 = arith.constant 1.000000e+00 : f32
    %max3A_566 = vector.broadcast %max3A_565 : f32 to vector<128xf32>
    %max3A_567 = arith.maximumf %add3A_564, %max3A_566 : vector<128xf32>
    %div3A_568 = arith.constant 1.000000e+00 : f32
    %div3A_569 = vector.broadcast %div3A_568 : f32 to vector<128xf32>
    %div3A_570 = arith.divf %div3A_569, %max3A_567 : vector<128xf32>
    %broadcast_in_dim3A_571 = vector.shape_cast %div3A_570 : vector<128xf32> to vector<1x128xf32>
    %jit3A_572 = arith.constant 0.000000e+00 : f32
    %broadcast_in_dim3A_573 = vector.shape_cast %broadcast_in_dim3A_571 : vector<1x128xf32> to vector<1x128xf32>
    %broadcast_in_dim3A_574 = vector.broadcast %broadcast_in_dim3A_573 : vector<1x128xf32> to vector<128x128xf32>
    %broadcast_in_dim3A_575 = vector.broadcast %jit3A_572 : f32 to vector<128x128xf32>
    %select_n3A_576 = arith.select %eq3A, %broadcast_in_dim3A_574, %broadcast_in_dim3A_575 : vector<128x128xi1>, vector<128x128xf32>
    %slice3A_577 = vector.extract_strided_slice %add3A {offsets = [2048, 0], sizes = [128, 128], strides = [1, 1]} : vector<5120x128xf32> to vector<128x128xf32>
    %dot_general3A_578 = arith.constant dense<0.000000e+00> : vector<128x128xf32>
    %dot_general3A_579 = tpu.matmul %select_n3A_576, %slice3A_577, %dot_general3A_578 {dimension_numbers = #tpu.dot_dimension_numbers<[1], [0], [0], [1], [0, 0, 1, 1], [], []>, transpose_lhs_hint = false} : vector<128x128xf32>, vector<128x128xf32>, vector<128x128xf32> -> vector<128x128xf32>
    %mul3A_580 = arith.constant 40 : i32
    %mul3A_581 = arith.muli %arg0, %mul3A_580 : i32
    %add3A_582 = arith.constant 17 : i32
    %add3A_583 = arith.addi %mul3A_581, %add3A_582 : i32
    %get3A_584 = arith.constant 0 : index
    %get3A_585 = arith.index_cast %add3A_583 : i32 to index
    %get3A_586 = arith.constant 0 : index
    %get3A_587 = vector.load %arg2[%get3A_584, %get3A_585, %get3A_586] : memref<2x80x128xf32, #tpu.memory_space<vmem>>, vector<1x1x128xf32>
    %get3A_588 = vector.shape_cast %get3A_587 : vector<1x1x128xf32> to vector<128xf32>
    %mul3A_589 = arith.constant 40 : i32
    %mul3A_590 = arith.muli %arg0, %mul3A_589 : i32
    %add3A_591 = arith.constant 17 : i32
    %add3A_592 = arith.addi %mul3A_590, %add3A_591 : i32
    %get3A_593 = arith.constant 1 : index
    %get3A_594 = arith.index_cast %add3A_592 : i32 to index
    %get3A_595 = arith.constant 0 : index
    %get3A_596 = vector.load %arg2[%get3A_593, %get3A_594, %get3A_595] : memref<2x80x128xf32, #tpu.memory_space<vmem>>, vector<1x1x128xf32>
    %get3A_597 = vector.shape_cast %get3A_596 : vector<1x1x128xf32> to vector<128xf32>
    %add3A_598 = arith.addf %get3A_588, %get3A_597 : vector<128xf32>
    %max3A_599 = arith.constant 1.000000e+00 : f32
    %max3A_600 = vector.broadcast %max3A_599 : f32 to vector<128xf32>
    %max3A_601 = arith.maximumf %add3A_598, %max3A_600 : vector<128xf32>
    %div3A_602 = arith.constant 1.000000e+00 : f32
    %div3A_603 = vector.broadcast %div3A_602 : f32 to vector<128xf32>
    %div3A_604 = arith.divf %div3A_603, %max3A_601 : vector<128xf32>
    %broadcast_in_dim3A_605 = vector.shape_cast %div3A_604 : vector<128xf32> to vector<1x128xf32>
    %jit3A_606 = arith.constant 0.000000e+00 : f32
    %broadcast_in_dim3A_607 = vector.shape_cast %broadcast_in_dim3A_605 : vector<1x128xf32> to vector<1x128xf32>
    %broadcast_in_dim3A_608 = vector.broadcast %broadcast_in_dim3A_607 : vector<1x128xf32> to vector<128x128xf32>
    %broadcast_in_dim3A_609 = vector.broadcast %jit3A_606 : f32 to vector<128x128xf32>
    %select_n3A_610 = arith.select %eq3A, %broadcast_in_dim3A_608, %broadcast_in_dim3A_609 : vector<128x128xi1>, vector<128x128xf32>
    %slice3A_611 = vector.extract_strided_slice %add3A {offsets = [2176, 0], sizes = [128, 128], strides = [1, 1]} : vector<5120x128xf32> to vector<128x128xf32>
    %dot_general3A_612 = arith.constant dense<0.000000e+00> : vector<128x128xf32>
    %dot_general3A_613 = tpu.matmul %select_n3A_610, %slice3A_611, %dot_general3A_612 {dimension_numbers = #tpu.dot_dimension_numbers<[1], [0], [0], [1], [0, 0, 1, 1], [], []>, transpose_lhs_hint = false} : vector<128x128xf32>, vector<128x128xf32>, vector<128x128xf32> -> vector<128x128xf32>
    %mul3A_614 = arith.constant 40 : i32
    %mul3A_615 = arith.muli %arg0, %mul3A_614 : i32
    %add3A_616 = arith.constant 18 : i32
    %add3A_617 = arith.addi %mul3A_615, %add3A_616 : i32
    %get3A_618 = arith.constant 0 : index
    %get3A_619 = arith.index_cast %add3A_617 : i32 to index
    %get3A_620 = arith.constant 0 : index
    %get3A_621 = vector.load %arg2[%get3A_618, %get3A_619, %get3A_620] : memref<2x80x128xf32, #tpu.memory_space<vmem>>, vector<1x1x128xf32>
    %get3A_622 = vector.shape_cast %get3A_621 : vector<1x1x128xf32> to vector<128xf32>
    %mul3A_623 = arith.constant 40 : i32
    %mul3A_624 = arith.muli %arg0, %mul3A_623 : i32
    %add3A_625 = arith.constant 18 : i32
    %add3A_626 = arith.addi %mul3A_624, %add3A_625 : i32
    %get3A_627 = arith.constant 1 : index
    %get3A_628 = arith.index_cast %add3A_626 : i32 to index
    %get3A_629 = arith.constant 0 : index
    %get3A_630 = vector.load %arg2[%get3A_627, %get3A_628, %get3A_629] : memref<2x80x128xf32, #tpu.memory_space<vmem>>, vector<1x1x128xf32>
    %get3A_631 = vector.shape_cast %get3A_630 : vector<1x1x128xf32> to vector<128xf32>
    %add3A_632 = arith.addf %get3A_622, %get3A_631 : vector<128xf32>
    %max3A_633 = arith.constant 1.000000e+00 : f32
    %max3A_634 = vector.broadcast %max3A_633 : f32 to vector<128xf32>
    %max3A_635 = arith.maximumf %add3A_632, %max3A_634 : vector<128xf32>
    %div3A_636 = arith.constant 1.000000e+00 : f32
    %div3A_637 = vector.broadcast %div3A_636 : f32 to vector<128xf32>
    %div3A_638 = arith.divf %div3A_637, %max3A_635 : vector<128xf32>
    %broadcast_in_dim3A_639 = vector.shape_cast %div3A_638 : vector<128xf32> to vector<1x128xf32>
    %jit3A_640 = arith.constant 0.000000e+00 : f32
    %broadcast_in_dim3A_641 = vector.shape_cast %broadcast_in_dim3A_639 : vector<1x128xf32> to vector<1x128xf32>
    %broadcast_in_dim3A_642 = vector.broadcast %broadcast_in_dim3A_641 : vector<1x128xf32> to vector<128x128xf32>
    %broadcast_in_dim3A_643 = vector.broadcast %jit3A_640 : f32 to vector<128x128xf32>
    %select_n3A_644 = arith.select %eq3A, %broadcast_in_dim3A_642, %broadcast_in_dim3A_643 : vector<128x128xi1>, vector<128x128xf32>
    %slice3A_645 = vector.extract_strided_slice %add3A {offsets = [2304, 0], sizes = [128, 128], strides = [1, 1]} : vector<5120x128xf32> to vector<128x128xf32>
    %dot_general3A_646 = arith.constant dense<0.000000e+00> : vector<128x128xf32>
    %dot_general3A_647 = tpu.matmul %select_n3A_644, %slice3A_645, %dot_general3A_646 {dimension_numbers = #tpu.dot_dimension_numbers<[1], [0], [0], [1], [0, 0, 1, 1], [], []>, transpose_lhs_hint = false} : vector<128x128xf32>, vector<128x128xf32>, vector<128x128xf32> -> vector<128x128xf32>
    %mul3A_648 = arith.constant 40 : i32
    %mul3A_649 = arith.muli %arg0, %mul3A_648 : i32
    %add3A_650 = arith.constant 19 : i32
    %add3A_651 = arith.addi %mul3A_649, %add3A_650 : i32
    %get3A_652 = arith.constant 0 : index
    %get3A_653 = arith.index_cast %add3A_651 : i32 to index
    %get3A_654 = arith.constant 0 : index
    %get3A_655 = vector.load %arg2[%get3A_652, %get3A_653, %get3A_654] : memref<2x80x128xf32, #tpu.memory_space<vmem>>, vector<1x1x128xf32>
    %get3A_656 = vector.shape_cast %get3A_655 : vector<1x1x128xf32> to vector<128xf32>
    %mul3A_657 = arith.constant 40 : i32
    %mul3A_658 = arith.muli %arg0, %mul3A_657 : i32
    %add3A_659 = arith.constant 19 : i32
    %add3A_660 = arith.addi %mul3A_658, %add3A_659 : i32
    %get3A_661 = arith.constant 1 : index
    %get3A_662 = arith.index_cast %add3A_660 : i32 to index
    %get3A_663 = arith.constant 0 : index
    %get3A_664 = vector.load %arg2[%get3A_661, %get3A_662, %get3A_663] : memref<2x80x128xf32, #tpu.memory_space<vmem>>, vector<1x1x128xf32>
    %get3A_665 = vector.shape_cast %get3A_664 : vector<1x1x128xf32> to vector<128xf32>
    %add3A_666 = arith.addf %get3A_656, %get3A_665 : vector<128xf32>
    %max3A_667 = arith.constant 1.000000e+00 : f32
    %max3A_668 = vector.broadcast %max3A_667 : f32 to vector<128xf32>
    %max3A_669 = arith.maximumf %add3A_666, %max3A_668 : vector<128xf32>
    %div3A_670 = arith.constant 1.000000e+00 : f32
    %div3A_671 = vector.broadcast %div3A_670 : f32 to vector<128xf32>
    %div3A_672 = arith.divf %div3A_671, %max3A_669 : vector<128xf32>
    %broadcast_in_dim3A_673 = vector.shape_cast %div3A_672 : vector<128xf32> to vector<1x128xf32>
    %jit3A_674 = arith.constant 0.000000e+00 : f32
    %broadcast_in_dim3A_675 = vector.shape_cast %broadcast_in_dim3A_673 : vector<1x128xf32> to vector<1x128xf32>
    %broadcast_in_dim3A_676 = vector.broadcast %broadcast_in_dim3A_675 : vector<1x128xf32> to vector<128x128xf32>
    %broadcast_in_dim3A_677 = vector.broadcast %jit3A_674 : f32 to vector<128x128xf32>
    %select_n3A_678 = arith.select %eq3A, %broadcast_in_dim3A_676, %broadcast_in_dim3A_677 : vector<128x128xi1>, vector<128x128xf32>
    %slice3A_679 = vector.extract_strided_slice %add3A {offsets = [2432, 0], sizes = [128, 128], strides = [1, 1]} : vector<5120x128xf32> to vector<128x128xf32>
    %dot_general3A_680 = arith.constant dense<0.000000e+00> : vector<128x128xf32>
    %dot_general3A_681 = tpu.matmul %select_n3A_678, %slice3A_679, %dot_general3A_680 {dimension_numbers = #tpu.dot_dimension_numbers<[1], [0], [0], [1], [0, 0, 1, 1], [], []>, transpose_lhs_hint = false} : vector<128x128xf32>, vector<128x128xf32>, vector<128x128xf32> -> vector<128x128xf32>
    %mul3A_682 = arith.constant 40 : i32
    %mul3A_683 = arith.muli %arg0, %mul3A_682 : i32
    %add3A_684 = arith.constant 20 : i32
    %add3A_685 = arith.addi %mul3A_683, %add3A_684 : i32
    %get3A_686 = arith.constant 0 : index
    %get3A_687 = arith.index_cast %add3A_685 : i32 to index
    %get3A_688 = arith.constant 0 : index
    %get3A_689 = vector.load %arg2[%get3A_686, %get3A_687, %get3A_688] : memref<2x80x128xf32, #tpu.memory_space<vmem>>, vector<1x1x128xf32>
    %get3A_690 = vector.shape_cast %get3A_689 : vector<1x1x128xf32> to vector<128xf32>
    %mul3A_691 = arith.constant 40 : i32
    %mul3A_692 = arith.muli %arg0, %mul3A_691 : i32
    %add3A_693 = arith.constant 20 : i32
    %add3A_694 = arith.addi %mul3A_692, %add3A_693 : i32
    %get3A_695 = arith.constant 1 : index
    %get3A_696 = arith.index_cast %add3A_694 : i32 to index
    %get3A_697 = arith.constant 0 : index
    %get3A_698 = vector.load %arg2[%get3A_695, %get3A_696, %get3A_697] : memref<2x80x128xf32, #tpu.memory_space<vmem>>, vector<1x1x128xf32>
    %get3A_699 = vector.shape_cast %get3A_698 : vector<1x1x128xf32> to vector<128xf32>
    %add3A_700 = arith.addf %get3A_690, %get3A_699 : vector<128xf32>
    %max3A_701 = arith.constant 1.000000e+00 : f32
    %max3A_702 = vector.broadcast %max3A_701 : f32 to vector<128xf32>
    %max3A_703 = arith.maximumf %add3A_700, %max3A_702 : vector<128xf32>
    %div3A_704 = arith.constant 1.000000e+00 : f32
    %div3A_705 = vector.broadcast %div3A_704 : f32 to vector<128xf32>
    %div3A_706 = arith.divf %div3A_705, %max3A_703 : vector<128xf32>
    %broadcast_in_dim3A_707 = vector.shape_cast %div3A_706 : vector<128xf32> to vector<1x128xf32>
    %jit3A_708 = arith.constant 0.000000e+00 : f32
    %broadcast_in_dim3A_709 = vector.shape_cast %broadcast_in_dim3A_707 : vector<1x128xf32> to vector<1x128xf32>
    %broadcast_in_dim3A_710 = vector.broadcast %broadcast_in_dim3A_709 : vector<1x128xf32> to vector<128x128xf32>
    %broadcast_in_dim3A_711 = vector.broadcast %jit3A_708 : f32 to vector<128x128xf32>
    %select_n3A_712 = arith.select %eq3A, %broadcast_in_dim3A_710, %broadcast_in_dim3A_711 : vector<128x128xi1>, vector<128x128xf32>
    %slice3A_713 = vector.extract_strided_slice %add3A {offsets = [2560, 0], sizes = [128, 128], strides = [1, 1]} : vector<5120x128xf32> to vector<128x128xf32>
    %dot_general3A_714 = arith.constant dense<0.000000e+00> : vector<128x128xf32>
    %dot_general3A_715 = tpu.matmul %select_n3A_712, %slice3A_713, %dot_general3A_714 {dimension_numbers = #tpu.dot_dimension_numbers<[1], [0], [0], [1], [0, 0, 1, 1], [], []>, transpose_lhs_hint = false} : vector<128x128xf32>, vector<128x128xf32>, vector<128x128xf32> -> vector<128x128xf32>
    %mul3A_716 = arith.constant 40 : i32
    %mul3A_717 = arith.muli %arg0, %mul3A_716 : i32
    %add3A_718 = arith.constant 21 : i32
    %add3A_719 = arith.addi %mul3A_717, %add3A_718 : i32
    %get3A_720 = arith.constant 0 : index
    %get3A_721 = arith.index_cast %add3A_719 : i32 to index
    %get3A_722 = arith.constant 0 : index
    %get3A_723 = vector.load %arg2[%get3A_720, %get3A_721, %get3A_722] : memref<2x80x128xf32, #tpu.memory_space<vmem>>, vector<1x1x128xf32>
    %get3A_724 = vector.shape_cast %get3A_723 : vector<1x1x128xf32> to vector<128xf32>
    %mul3A_725 = arith.constant 40 : i32
    %mul3A_726 = arith.muli %arg0, %mul3A_725 : i32
    %add3A_727 = arith.constant 21 : i32
    %add3A_728 = arith.addi %mul3A_726, %add3A_727 : i32
    %get3A_729 = arith.constant 1 : index
    %get3A_730 = arith.index_cast %add3A_728 : i32 to index
    %get3A_731 = arith.constant 0 : index
    %get3A_732 = vector.load %arg2[%get3A_729, %get3A_730, %get3A_731] : memref<2x80x128xf32, #tpu.memory_space<vmem>>, vector<1x1x128xf32>
    %get3A_733 = vector.shape_cast %get3A_732 : vector<1x1x128xf32> to vector<128xf32>
    %add3A_734 = arith.addf %get3A_724, %get3A_733 : vector<128xf32>
    %max3A_735 = arith.constant 1.000000e+00 : f32
    %max3A_736 = vector.broadcast %max3A_735 : f32 to vector<128xf32>
    %max3A_737 = arith.maximumf %add3A_734, %max3A_736 : vector<128xf32>
    %div3A_738 = arith.constant 1.000000e+00 : f32
    %div3A_739 = vector.broadcast %div3A_738 : f32 to vector<128xf32>
    %div3A_740 = arith.divf %div3A_739, %max3A_737 : vector<128xf32>
    %broadcast_in_dim3A_741 = vector.shape_cast %div3A_740 : vector<128xf32> to vector<1x128xf32>
    %jit3A_742 = arith.constant 0.000000e+00 : f32
    %broadcast_in_dim3A_743 = vector.shape_cast %broadcast_in_dim3A_741 : vector<1x128xf32> to vector<1x128xf32>
    %broadcast_in_dim3A_744 = vector.broadcast %broadcast_in_dim3A_743 : vector<1x128xf32> to vector<128x128xf32>
    %broadcast_in_dim3A_745 = vector.broadcast %jit3A_742 : f32 to vector<128x128xf32>
    %select_n3A_746 = arith.select %eq3A, %broadcast_in_dim3A_744, %broadcast_in_dim3A_745 : vector<128x128xi1>, vector<128x128xf32>
    %slice3A_747 = vector.extract_strided_slice %add3A {offsets = [2688, 0], sizes = [128, 128], strides = [1, 1]} : vector<5120x128xf32> to vector<128x128xf32>
    %dot_general3A_748 = arith.constant dense<0.000000e+00> : vector<128x128xf32>
    %dot_general3A_749 = tpu.matmul %select_n3A_746, %slice3A_747, %dot_general3A_748 {dimension_numbers = #tpu.dot_dimension_numbers<[1], [0], [0], [1], [0, 0, 1, 1], [], []>, transpose_lhs_hint = false} : vector<128x128xf32>, vector<128x128xf32>, vector<128x128xf32> -> vector<128x128xf32>
    %mul3A_750 = arith.constant 40 : i32
    %mul3A_751 = arith.muli %arg0, %mul3A_750 : i32
    %add3A_752 = arith.constant 22 : i32
    %add3A_753 = arith.addi %mul3A_751, %add3A_752 : i32
    %get3A_754 = arith.constant 0 : index
    %get3A_755 = arith.index_cast %add3A_753 : i32 to index
    %get3A_756 = arith.constant 0 : index
    %get3A_757 = vector.load %arg2[%get3A_754, %get3A_755, %get3A_756] : memref<2x80x128xf32, #tpu.memory_space<vmem>>, vector<1x1x128xf32>
    %get3A_758 = vector.shape_cast %get3A_757 : vector<1x1x128xf32> to vector<128xf32>
    %mul3A_759 = arith.constant 40 : i32
    %mul3A_760 = arith.muli %arg0, %mul3A_759 : i32
    %add3A_761 = arith.constant 22 : i32
    %add3A_762 = arith.addi %mul3A_760, %add3A_761 : i32
    %get3A_763 = arith.constant 1 : index
    %get3A_764 = arith.index_cast %add3A_762 : i32 to index
    %get3A_765 = arith.constant 0 : index
    %get3A_766 = vector.load %arg2[%get3A_763, %get3A_764, %get3A_765] : memref<2x80x128xf32, #tpu.memory_space<vmem>>, vector<1x1x128xf32>
    %get3A_767 = vector.shape_cast %get3A_766 : vector<1x1x128xf32> to vector<128xf32>
    %add3A_768 = arith.addf %get3A_758, %get3A_767 : vector<128xf32>
    %max3A_769 = arith.constant 1.000000e+00 : f32
    %max3A_770 = vector.broadcast %max3A_769 : f32 to vector<128xf32>
    %max3A_771 = arith.maximumf %add3A_768, %max3A_770 : vector<128xf32>
    %div3A_772 = arith.constant 1.000000e+00 : f32
    %div3A_773 = vector.broadcast %div3A_772 : f32 to vector<128xf32>
    %div3A_774 = arith.divf %div3A_773, %max3A_771 : vector<128xf32>
    %broadcast_in_dim3A_775 = vector.shape_cast %div3A_774 : vector<128xf32> to vector<1x128xf32>
    %jit3A_776 = arith.constant 0.000000e+00 : f32
    %broadcast_in_dim3A_777 = vector.shape_cast %broadcast_in_dim3A_775 : vector<1x128xf32> to vector<1x128xf32>
    %broadcast_in_dim3A_778 = vector.broadcast %broadcast_in_dim3A_777 : vector<1x128xf32> to vector<128x128xf32>
    %broadcast_in_dim3A_779 = vector.broadcast %jit3A_776 : f32 to vector<128x128xf32>
    %select_n3A_780 = arith.select %eq3A, %broadcast_in_dim3A_778, %broadcast_in_dim3A_779 : vector<128x128xi1>, vector<128x128xf32>
    %slice3A_781 = vector.extract_strided_slice %add3A {offsets = [2816, 0], sizes = [128, 128], strides = [1, 1]} : vector<5120x128xf32> to vector<128x128xf32>
    %dot_general3A_782 = arith.constant dense<0.000000e+00> : vector<128x128xf32>
    %dot_general3A_783 = tpu.matmul %select_n3A_780, %slice3A_781, %dot_general3A_782 {dimension_numbers = #tpu.dot_dimension_numbers<[1], [0], [0], [1], [0, 0, 1, 1], [], []>, transpose_lhs_hint = false} : vector<128x128xf32>, vector<128x128xf32>, vector<128x128xf32> -> vector<128x128xf32>
    %mul3A_784 = arith.constant 40 : i32
    %mul3A_785 = arith.muli %arg0, %mul3A_784 : i32
    %add3A_786 = arith.constant 23 : i32
    %add3A_787 = arith.addi %mul3A_785, %add3A_786 : i32
    %get3A_788 = arith.constant 0 : index
    %get3A_789 = arith.index_cast %add3A_787 : i32 to index
    %get3A_790 = arith.constant 0 : index
    %get3A_791 = vector.load %arg2[%get3A_788, %get3A_789, %get3A_790] : memref<2x80x128xf32, #tpu.memory_space<vmem>>, vector<1x1x128xf32>
    %get3A_792 = vector.shape_cast %get3A_791 : vector<1x1x128xf32> to vector<128xf32>
    %mul3A_793 = arith.constant 40 : i32
    %mul3A_794 = arith.muli %arg0, %mul3A_793 : i32
    %add3A_795 = arith.constant 23 : i32
    %add3A_796 = arith.addi %mul3A_794, %add3A_795 : i32
    %get3A_797 = arith.constant 1 : index
    %get3A_798 = arith.index_cast %add3A_796 : i32 to index
    %get3A_799 = arith.constant 0 : index
    %get3A_800 = vector.load %arg2[%get3A_797, %get3A_798, %get3A_799] : memref<2x80x128xf32, #tpu.memory_space<vmem>>, vector<1x1x128xf32>
    %get3A_801 = vector.shape_cast %get3A_800 : vector<1x1x128xf32> to vector<128xf32>
    %add3A_802 = arith.addf %get3A_792, %get3A_801 : vector<128xf32>
    %max3A_803 = arith.constant 1.000000e+00 : f32
    %max3A_804 = vector.broadcast %max3A_803 : f32 to vector<128xf32>
    %max3A_805 = arith.maximumf %add3A_802, %max3A_804 : vector<128xf32>
    %div3A_806 = arith.constant 1.000000e+00 : f32
    %div3A_807 = vector.broadcast %div3A_806 : f32 to vector<128xf32>
    %div3A_808 = arith.divf %div3A_807, %max3A_805 : vector<128xf32>
    %broadcast_in_dim3A_809 = vector.shape_cast %div3A_808 : vector<128xf32> to vector<1x128xf32>
    %jit3A_810 = arith.constant 0.000000e+00 : f32
    %broadcast_in_dim3A_811 = vector.shape_cast %broadcast_in_dim3A_809 : vector<1x128xf32> to vector<1x128xf32>
    %broadcast_in_dim3A_812 = vector.broadcast %broadcast_in_dim3A_811 : vector<1x128xf32> to vector<128x128xf32>
    %broadcast_in_dim3A_813 = vector.broadcast %jit3A_810 : f32 to vector<128x128xf32>
    %select_n3A_814 = arith.select %eq3A, %broadcast_in_dim3A_812, %broadcast_in_dim3A_813 : vector<128x128xi1>, vector<128x128xf32>
    %slice3A_815 = vector.extract_strided_slice %add3A {offsets = [2944, 0], sizes = [128, 128], strides = [1, 1]} : vector<5120x128xf32> to vector<128x128xf32>
    %dot_general3A_816 = arith.constant dense<0.000000e+00> : vector<128x128xf32>
    %dot_general3A_817 = tpu.matmul %select_n3A_814, %slice3A_815, %dot_general3A_816 {dimension_numbers = #tpu.dot_dimension_numbers<[1], [0], [0], [1], [0, 0, 1, 1], [], []>, transpose_lhs_hint = false} : vector<128x128xf32>, vector<128x128xf32>, vector<128x128xf32> -> vector<128x128xf32>
    %mul3A_818 = arith.constant 40 : i32
    %mul3A_819 = arith.muli %arg0, %mul3A_818 : i32
    %add3A_820 = arith.constant 24 : i32
    %add3A_821 = arith.addi %mul3A_819, %add3A_820 : i32
    %get3A_822 = arith.constant 0 : index
    %get3A_823 = arith.index_cast %add3A_821 : i32 to index
    %get3A_824 = arith.constant 0 : index
    %get3A_825 = vector.load %arg2[%get3A_822, %get3A_823, %get3A_824] : memref<2x80x128xf32, #tpu.memory_space<vmem>>, vector<1x1x128xf32>
    %get3A_826 = vector.shape_cast %get3A_825 : vector<1x1x128xf32> to vector<128xf32>
    %mul3A_827 = arith.constant 40 : i32
    %mul3A_828 = arith.muli %arg0, %mul3A_827 : i32
    %add3A_829 = arith.constant 24 : i32
    %add3A_830 = arith.addi %mul3A_828, %add3A_829 : i32
    %get3A_831 = arith.constant 1 : index
    %get3A_832 = arith.index_cast %add3A_830 : i32 to index
    %get3A_833 = arith.constant 0 : index
    %get3A_834 = vector.load %arg2[%get3A_831, %get3A_832, %get3A_833] : memref<2x80x128xf32, #tpu.memory_space<vmem>>, vector<1x1x128xf32>
    %get3A_835 = vector.shape_cast %get3A_834 : vector<1x1x128xf32> to vector<128xf32>
    %add3A_836 = arith.addf %get3A_826, %get3A_835 : vector<128xf32>
    %max3A_837 = arith.constant 1.000000e+00 : f32
    %max3A_838 = vector.broadcast %max3A_837 : f32 to vector<128xf32>
    %max3A_839 = arith.maximumf %add3A_836, %max3A_838 : vector<128xf32>
    %div3A_840 = arith.constant 1.000000e+00 : f32
    %div3A_841 = vector.broadcast %div3A_840 : f32 to vector<128xf32>
    %div3A_842 = arith.divf %div3A_841, %max3A_839 : vector<128xf32>
    %broadcast_in_dim3A_843 = vector.shape_cast %div3A_842 : vector<128xf32> to vector<1x128xf32>
    %jit3A_844 = arith.constant 0.000000e+00 : f32
    %broadcast_in_dim3A_845 = vector.shape_cast %broadcast_in_dim3A_843 : vector<1x128xf32> to vector<1x128xf32>
    %broadcast_in_dim3A_846 = vector.broadcast %broadcast_in_dim3A_845 : vector<1x128xf32> to vector<128x128xf32>
    %broadcast_in_dim3A_847 = vector.broadcast %jit3A_844 : f32 to vector<128x128xf32>
    %select_n3A_848 = arith.select %eq3A, %broadcast_in_dim3A_846, %broadcast_in_dim3A_847 : vector<128x128xi1>, vector<128x128xf32>
    %slice3A_849 = vector.extract_strided_slice %add3A {offsets = [3072, 0], sizes = [128, 128], strides = [1, 1]} : vector<5120x128xf32> to vector<128x128xf32>
    %dot_general3A_850 = arith.constant dense<0.000000e+00> : vector<128x128xf32>
    %dot_general3A_851 = tpu.matmul %select_n3A_848, %slice3A_849, %dot_general3A_850 {dimension_numbers = #tpu.dot_dimension_numbers<[1], [0], [0], [1], [0, 0, 1, 1], [], []>, transpose_lhs_hint = false} : vector<128x128xf32>, vector<128x128xf32>, vector<128x128xf32> -> vector<128x128xf32>
    %mul3A_852 = arith.constant 40 : i32
    %mul3A_853 = arith.muli %arg0, %mul3A_852 : i32
    %add3A_854 = arith.constant 25 : i32
    %add3A_855 = arith.addi %mul3A_853, %add3A_854 : i32
    %get3A_856 = arith.constant 0 : index
    %get3A_857 = arith.index_cast %add3A_855 : i32 to index
    %get3A_858 = arith.constant 0 : index
    %get3A_859 = vector.load %arg2[%get3A_856, %get3A_857, %get3A_858] : memref<2x80x128xf32, #tpu.memory_space<vmem>>, vector<1x1x128xf32>
    %get3A_860 = vector.shape_cast %get3A_859 : vector<1x1x128xf32> to vector<128xf32>
    %mul3A_861 = arith.constant 40 : i32
    %mul3A_862 = arith.muli %arg0, %mul3A_861 : i32
    %add3A_863 = arith.constant 25 : i32
    %add3A_864 = arith.addi %mul3A_862, %add3A_863 : i32
    %get3A_865 = arith.constant 1 : index
    %get3A_866 = arith.index_cast %add3A_864 : i32 to index
    %get3A_867 = arith.constant 0 : index
    %get3A_868 = vector.load %arg2[%get3A_865, %get3A_866, %get3A_867] : memref<2x80x128xf32, #tpu.memory_space<vmem>>, vector<1x1x128xf32>
    %get3A_869 = vector.shape_cast %get3A_868 : vector<1x1x128xf32> to vector<128xf32>
    %add3A_870 = arith.addf %get3A_860, %get3A_869 : vector<128xf32>
    %max3A_871 = arith.constant 1.000000e+00 : f32
    %max3A_872 = vector.broadcast %max3A_871 : f32 to vector<128xf32>
    %max3A_873 = arith.maximumf %add3A_870, %max3A_872 : vector<128xf32>
    %div3A_874 = arith.constant 1.000000e+00 : f32
    %div3A_875 = vector.broadcast %div3A_874 : f32 to vector<128xf32>
    %div3A_876 = arith.divf %div3A_875, %max3A_873 : vector<128xf32>
    %broadcast_in_dim3A_877 = vector.shape_cast %div3A_876 : vector<128xf32> to vector<1x128xf32>
    %jit3A_878 = arith.constant 0.000000e+00 : f32
    %broadcast_in_dim3A_879 = vector.shape_cast %broadcast_in_dim3A_877 : vector<1x128xf32> to vector<1x128xf32>
    %broadcast_in_dim3A_880 = vector.broadcast %broadcast_in_dim3A_879 : vector<1x128xf32> to vector<128x128xf32>
    %broadcast_in_dim3A_881 = vector.broadcast %jit3A_878 : f32 to vector<128x128xf32>
    %select_n3A_882 = arith.select %eq3A, %broadcast_in_dim3A_880, %broadcast_in_dim3A_881 : vector<128x128xi1>, vector<128x128xf32>
    %slice3A_883 = vector.extract_strided_slice %add3A {offsets = [3200, 0], sizes = [128, 128], strides = [1, 1]} : vector<5120x128xf32> to vector<128x128xf32>
    %dot_general3A_884 = arith.constant dense<0.000000e+00> : vector<128x128xf32>
    %dot_general3A_885 = tpu.matmul %select_n3A_882, %slice3A_883, %dot_general3A_884 {dimension_numbers = #tpu.dot_dimension_numbers<[1], [0], [0], [1], [0, 0, 1, 1], [], []>, transpose_lhs_hint = false} : vector<128x128xf32>, vector<128x128xf32>, vector<128x128xf32> -> vector<128x128xf32>
    %mul3A_886 = arith.constant 40 : i32
    %mul3A_887 = arith.muli %arg0, %mul3A_886 : i32
    %add3A_888 = arith.constant 26 : i32
    %add3A_889 = arith.addi %mul3A_887, %add3A_888 : i32
    %get3A_890 = arith.constant 0 : index
    %get3A_891 = arith.index_cast %add3A_889 : i32 to index
    %get3A_892 = arith.constant 0 : index
    %get3A_893 = vector.load %arg2[%get3A_890, %get3A_891, %get3A_892] : memref<2x80x128xf32, #tpu.memory_space<vmem>>, vector<1x1x128xf32>
    %get3A_894 = vector.shape_cast %get3A_893 : vector<1x1x128xf32> to vector<128xf32>
    %mul3A_895 = arith.constant 40 : i32
    %mul3A_896 = arith.muli %arg0, %mul3A_895 : i32
    %add3A_897 = arith.constant 26 : i32
    %add3A_898 = arith.addi %mul3A_896, %add3A_897 : i32
    %get3A_899 = arith.constant 1 : index
    %get3A_900 = arith.index_cast %add3A_898 : i32 to index
    %get3A_901 = arith.constant 0 : index
    %get3A_902 = vector.load %arg2[%get3A_899, %get3A_900, %get3A_901] : memref<2x80x128xf32, #tpu.memory_space<vmem>>, vector<1x1x128xf32>
    %get3A_903 = vector.shape_cast %get3A_902 : vector<1x1x128xf32> to vector<128xf32>
    %add3A_904 = arith.addf %get3A_894, %get3A_903 : vector<128xf32>
    %max3A_905 = arith.constant 1.000000e+00 : f32
    %max3A_906 = vector.broadcast %max3A_905 : f32 to vector<128xf32>
    %max3A_907 = arith.maximumf %add3A_904, %max3A_906 : vector<128xf32>
    %div3A_908 = arith.constant 1.000000e+00 : f32
    %div3A_909 = vector.broadcast %div3A_908 : f32 to vector<128xf32>
    %div3A_910 = arith.divf %div3A_909, %max3A_907 : vector<128xf32>
    %broadcast_in_dim3A_911 = vector.shape_cast %div3A_910 : vector<128xf32> to vector<1x128xf32>
    %jit3A_912 = arith.constant 0.000000e+00 : f32
    %broadcast_in_dim3A_913 = vector.shape_cast %broadcast_in_dim3A_911 : vector<1x128xf32> to vector<1x128xf32>
    %broadcast_in_dim3A_914 = vector.broadcast %broadcast_in_dim3A_913 : vector<1x128xf32> to vector<128x128xf32>
    %broadcast_in_dim3A_915 = vector.broadcast %jit3A_912 : f32 to vector<128x128xf32>
    %select_n3A_916 = arith.select %eq3A, %broadcast_in_dim3A_914, %broadcast_in_dim3A_915 : vector<128x128xi1>, vector<128x128xf32>
    %slice3A_917 = vector.extract_strided_slice %add3A {offsets = [3328, 0], sizes = [128, 128], strides = [1, 1]} : vector<5120x128xf32> to vector<128x128xf32>
    %dot_general3A_918 = arith.constant dense<0.000000e+00> : vector<128x128xf32>
    %dot_general3A_919 = tpu.matmul %select_n3A_916, %slice3A_917, %dot_general3A_918 {dimension_numbers = #tpu.dot_dimension_numbers<[1], [0], [0], [1], [0, 0, 1, 1], [], []>, transpose_lhs_hint = false} : vector<128x128xf32>, vector<128x128xf32>, vector<128x128xf32> -> vector<128x128xf32>
    %mul3A_920 = arith.constant 40 : i32
    %mul3A_921 = arith.muli %arg0, %mul3A_920 : i32
    %add3A_922 = arith.constant 27 : i32
    %add3A_923 = arith.addi %mul3A_921, %add3A_922 : i32
    %get3A_924 = arith.constant 0 : index
    %get3A_925 = arith.index_cast %add3A_923 : i32 to index
    %get3A_926 = arith.constant 0 : index
    %get3A_927 = vector.load %arg2[%get3A_924, %get3A_925, %get3A_926] : memref<2x80x128xf32, #tpu.memory_space<vmem>>, vector<1x1x128xf32>
    %get3A_928 = vector.shape_cast %get3A_927 : vector<1x1x128xf32> to vector<128xf32>
    %mul3A_929 = arith.constant 40 : i32
    %mul3A_930 = arith.muli %arg0, %mul3A_929 : i32
    %add3A_931 = arith.constant 27 : i32
    %add3A_932 = arith.addi %mul3A_930, %add3A_931 : i32
    %get3A_933 = arith.constant 1 : index
    %get3A_934 = arith.index_cast %add3A_932 : i32 to index
    %get3A_935 = arith.constant 0 : index
    %get3A_936 = vector.load %arg2[%get3A_933, %get3A_934, %get3A_935] : memref<2x80x128xf32, #tpu.memory_space<vmem>>, vector<1x1x128xf32>
    %get3A_937 = vector.shape_cast %get3A_936 : vector<1x1x128xf32> to vector<128xf32>
    %add3A_938 = arith.addf %get3A_928, %get3A_937 : vector<128xf32>
    %max3A_939 = arith.constant 1.000000e+00 : f32
    %max3A_940 = vector.broadcast %max3A_939 : f32 to vector<128xf32>
    %max3A_941 = arith.maximumf %add3A_938, %max3A_940 : vector<128xf32>
    %div3A_942 = arith.constant 1.000000e+00 : f32
    %div3A_943 = vector.broadcast %div3A_942 : f32 to vector<128xf32>
    %div3A_944 = arith.divf %div3A_943, %max3A_941 : vector<128xf32>
    %broadcast_in_dim3A_945 = vector.shape_cast %div3A_944 : vector<128xf32> to vector<1x128xf32>
    %jit3A_946 = arith.constant 0.000000e+00 : f32
    %broadcast_in_dim3A_947 = vector.shape_cast %broadcast_in_dim3A_945 : vector<1x128xf32> to vector<1x128xf32>
    %broadcast_in_dim3A_948 = vector.broadcast %broadcast_in_dim3A_947 : vector<1x128xf32> to vector<128x128xf32>
    %broadcast_in_dim3A_949 = vector.broadcast %jit3A_946 : f32 to vector<128x128xf32>
    %select_n3A_950 = arith.select %eq3A, %broadcast_in_dim3A_948, %broadcast_in_dim3A_949 : vector<128x128xi1>, vector<128x128xf32>
    %slice3A_951 = vector.extract_strided_slice %add3A {offsets = [3456, 0], sizes = [128, 128], strides = [1, 1]} : vector<5120x128xf32> to vector<128x128xf32>
    %dot_general3A_952 = arith.constant dense<0.000000e+00> : vector<128x128xf32>
    %dot_general3A_953 = tpu.matmul %select_n3A_950, %slice3A_951, %dot_general3A_952 {dimension_numbers = #tpu.dot_dimension_numbers<[1], [0], [0], [1], [0, 0, 1, 1], [], []>, transpose_lhs_hint = false} : vector<128x128xf32>, vector<128x128xf32>, vector<128x128xf32> -> vector<128x128xf32>
    %mul3A_954 = arith.constant 40 : i32
    %mul3A_955 = arith.muli %arg0, %mul3A_954 : i32
    %add3A_956 = arith.constant 28 : i32
    %add3A_957 = arith.addi %mul3A_955, %add3A_956 : i32
    %get3A_958 = arith.constant 0 : index
    %get3A_959 = arith.index_cast %add3A_957 : i32 to index
    %get3A_960 = arith.constant 0 : index
    %get3A_961 = vector.load %arg2[%get3A_958, %get3A_959, %get3A_960] : memref<2x80x128xf32, #tpu.memory_space<vmem>>, vector<1x1x128xf32>
    %get3A_962 = vector.shape_cast %get3A_961 : vector<1x1x128xf32> to vector<128xf32>
    %mul3A_963 = arith.constant 40 : i32
    %mul3A_964 = arith.muli %arg0, %mul3A_963 : i32
    %add3A_965 = arith.constant 28 : i32
    %add3A_966 = arith.addi %mul3A_964, %add3A_965 : i32
    %get3A_967 = arith.constant 1 : index
    %get3A_968 = arith.index_cast %add3A_966 : i32 to index
    %get3A_969 = arith.constant 0 : index
    %get3A_970 = vector.load %arg2[%get3A_967, %get3A_968, %get3A_969] : memref<2x80x128xf32, #tpu.memory_space<vmem>>, vector<1x1x128xf32>
    %get3A_971 = vector.shape_cast %get3A_970 : vector<1x1x128xf32> to vector<128xf32>
    %add3A_972 = arith.addf %get3A_962, %get3A_971 : vector<128xf32>
    %max3A_973 = arith.constant 1.000000e+00 : f32
    %max3A_974 = vector.broadcast %max3A_973 : f32 to vector<128xf32>
    %max3A_975 = arith.maximumf %add3A_972, %max3A_974 : vector<128xf32>
    %div3A_976 = arith.constant 1.000000e+00 : f32
    %div3A_977 = vector.broadcast %div3A_976 : f32 to vector<128xf32>
    %div3A_978 = arith.divf %div3A_977, %max3A_975 : vector<128xf32>
    %broadcast_in_dim3A_979 = vector.shape_cast %div3A_978 : vector<128xf32> to vector<1x128xf32>
    %jit3A_980 = arith.constant 0.000000e+00 : f32
    %broadcast_in_dim3A_981 = vector.shape_cast %broadcast_in_dim3A_979 : vector<1x128xf32> to vector<1x128xf32>
    %broadcast_in_dim3A_982 = vector.broadcast %broadcast_in_dim3A_981 : vector<1x128xf32> to vector<128x128xf32>
    %broadcast_in_dim3A_983 = vector.broadcast %jit3A_980 : f32 to vector<128x128xf32>
    %select_n3A_984 = arith.select %eq3A, %broadcast_in_dim3A_982, %broadcast_in_dim3A_983 : vector<128x128xi1>, vector<128x128xf32>
    %slice3A_985 = vector.extract_strided_slice %add3A {offsets = [3584, 0], sizes = [128, 128], strides = [1, 1]} : vector<5120x128xf32> to vector<128x128xf32>
    %dot_general3A_986 = arith.constant dense<0.000000e+00> : vector<128x128xf32>
    %dot_general3A_987 = tpu.matmul %select_n3A_984, %slice3A_985, %dot_general3A_986 {dimension_numbers = #tpu.dot_dimension_numbers<[1], [0], [0], [1], [0, 0, 1, 1], [], []>, transpose_lhs_hint = false} : vector<128x128xf32>, vector<128x128xf32>, vector<128x128xf32> -> vector<128x128xf32>
    %mul3A_988 = arith.constant 40 : i32
    %mul3A_989 = arith.muli %arg0, %mul3A_988 : i32
    %add3A_990 = arith.constant 29 : i32
    %add3A_991 = arith.addi %mul3A_989, %add3A_990 : i32
    %get3A_992 = arith.constant 0 : index
    %get3A_993 = arith.index_cast %add3A_991 : i32 to index
    %get3A_994 = arith.constant 0 : index
    %get3A_995 = vector.load %arg2[%get3A_992, %get3A_993, %get3A_994] : memref<2x80x128xf32, #tpu.memory_space<vmem>>, vector<1x1x128xf32>
    %get3A_996 = vector.shape_cast %get3A_995 : vector<1x1x128xf32> to vector<128xf32>
    %mul3A_997 = arith.constant 40 : i32
    %mul3A_998 = arith.muli %arg0, %mul3A_997 : i32
    %add3A_999 = arith.constant 29 : i32
    %add3A_1000 = arith.addi %mul3A_998, %add3A_999 : i32
    %get3A_1001 = arith.constant 1 : index
    %get3A_1002 = arith.index_cast %add3A_1000 : i32 to index
    %get3A_1003 = arith.constant 0 : index
    %get3A_1004 = vector.load %arg2[%get3A_1001, %get3A_1002, %get3A_1003] : memref<2x80x128xf32, #tpu.memory_space<vmem>>, vector<1x1x128xf32>
    %get3A_1005 = vector.shape_cast %get3A_1004 : vector<1x1x128xf32> to vector<128xf32>
    %add3A_1006 = arith.addf %get3A_996, %get3A_1005 : vector<128xf32>
    %max3A_1007 = arith.constant 1.000000e+00 : f32
    %max3A_1008 = vector.broadcast %max3A_1007 : f32 to vector<128xf32>
    %max3A_1009 = arith.maximumf %add3A_1006, %max3A_1008 : vector<128xf32>
    %div3A_1010 = arith.constant 1.000000e+00 : f32
    %div3A_1011 = vector.broadcast %div3A_1010 : f32 to vector<128xf32>
    %div3A_1012 = arith.divf %div3A_1011, %max3A_1009 : vector<128xf32>
    %broadcast_in_dim3A_1013 = vector.shape_cast %div3A_1012 : vector<128xf32> to vector<1x128xf32>
    %jit3A_1014 = arith.constant 0.000000e+00 : f32
    %broadcast_in_dim3A_1015 = vector.shape_cast %broadcast_in_dim3A_1013 : vector<1x128xf32> to vector<1x128xf32>
    %broadcast_in_dim3A_1016 = vector.broadcast %broadcast_in_dim3A_1015 : vector<1x128xf32> to vector<128x128xf32>
    %broadcast_in_dim3A_1017 = vector.broadcast %jit3A_1014 : f32 to vector<128x128xf32>
    %select_n3A_1018 = arith.select %eq3A, %broadcast_in_dim3A_1016, %broadcast_in_dim3A_1017 : vector<128x128xi1>, vector<128x128xf32>
    %slice3A_1019 = vector.extract_strided_slice %add3A {offsets = [3712, 0], sizes = [128, 128], strides = [1, 1]} : vector<5120x128xf32> to vector<128x128xf32>
    %dot_general3A_1020 = arith.constant dense<0.000000e+00> : vector<128x128xf32>
    %dot_general3A_1021 = tpu.matmul %select_n3A_1018, %slice3A_1019, %dot_general3A_1020 {dimension_numbers = #tpu.dot_dimension_numbers<[1], [0], [0], [1], [0, 0, 1, 1], [], []>, transpose_lhs_hint = false} : vector<128x128xf32>, vector<128x128xf32>, vector<128x128xf32> -> vector<128x128xf32>
    %mul3A_1022 = arith.constant 40 : i32
    %mul3A_1023 = arith.muli %arg0, %mul3A_1022 : i32
    %add3A_1024 = arith.constant 30 : i32
    %add3A_1025 = arith.addi %mul3A_1023, %add3A_1024 : i32
    %get3A_1026 = arith.constant 0 : index
    %get3A_1027 = arith.index_cast %add3A_1025 : i32 to index
    %get3A_1028 = arith.constant 0 : index
    %get3A_1029 = vector.load %arg2[%get3A_1026, %get3A_1027, %get3A_1028] : memref<2x80x128xf32, #tpu.memory_space<vmem>>, vector<1x1x128xf32>
    %get3A_1030 = vector.shape_cast %get3A_1029 : vector<1x1x128xf32> to vector<128xf32>
    %mul3A_1031 = arith.constant 40 : i32
    %mul3A_1032 = arith.muli %arg0, %mul3A_1031 : i32
    %add3A_1033 = arith.constant 30 : i32
    %add3A_1034 = arith.addi %mul3A_1032, %add3A_1033 : i32
    %get3A_1035 = arith.constant 1 : index
    %get3A_1036 = arith.index_cast %add3A_1034 : i32 to index
    %get3A_1037 = arith.constant 0 : index
    %get3A_1038 = vector.load %arg2[%get3A_1035, %get3A_1036, %get3A_1037] : memref<2x80x128xf32, #tpu.memory_space<vmem>>, vector<1x1x128xf32>
    %get3A_1039 = vector.shape_cast %get3A_1038 : vector<1x1x128xf32> to vector<128xf32>
    %add3A_1040 = arith.addf %get3A_1030, %get3A_1039 : vector<128xf32>
    %max3A_1041 = arith.constant 1.000000e+00 : f32
    %max3A_1042 = vector.broadcast %max3A_1041 : f32 to vector<128xf32>
    %max3A_1043 = arith.maximumf %add3A_1040, %max3A_1042 : vector<128xf32>
    %div3A_1044 = arith.constant 1.000000e+00 : f32
    %div3A_1045 = vector.broadcast %div3A_1044 : f32 to vector<128xf32>
    %div3A_1046 = arith.divf %div3A_1045, %max3A_1043 : vector<128xf32>
    %broadcast_in_dim3A_1047 = vector.shape_cast %div3A_1046 : vector<128xf32> to vector<1x128xf32>
    %jit3A_1048 = arith.constant 0.000000e+00 : f32
    %broadcast_in_dim3A_1049 = vector.shape_cast %broadcast_in_dim3A_1047 : vector<1x128xf32> to vector<1x128xf32>
    %broadcast_in_dim3A_1050 = vector.broadcast %broadcast_in_dim3A_1049 : vector<1x128xf32> to vector<128x128xf32>
    %broadcast_in_dim3A_1051 = vector.broadcast %jit3A_1048 : f32 to vector<128x128xf32>
    %select_n3A_1052 = arith.select %eq3A, %broadcast_in_dim3A_1050, %broadcast_in_dim3A_1051 : vector<128x128xi1>, vector<128x128xf32>
    %slice3A_1053 = vector.extract_strided_slice %add3A {offsets = [3840, 0], sizes = [128, 128], strides = [1, 1]} : vector<5120x128xf32> to vector<128x128xf32>
    %dot_general3A_1054 = arith.constant dense<0.000000e+00> : vector<128x128xf32>
    %dot_general3A_1055 = tpu.matmul %select_n3A_1052, %slice3A_1053, %dot_general3A_1054 {dimension_numbers = #tpu.dot_dimension_numbers<[1], [0], [0], [1], [0, 0, 1, 1], [], []>, transpose_lhs_hint = false} : vector<128x128xf32>, vector<128x128xf32>, vector<128x128xf32> -> vector<128x128xf32>
    %mul3A_1056 = arith.constant 40 : i32
    %mul3A_1057 = arith.muli %arg0, %mul3A_1056 : i32
    %add3A_1058 = arith.constant 31 : i32
    %add3A_1059 = arith.addi %mul3A_1057, %add3A_1058 : i32
    %get3A_1060 = arith.constant 0 : index
    %get3A_1061 = arith.index_cast %add3A_1059 : i32 to index
    %get3A_1062 = arith.constant 0 : index
    %get3A_1063 = vector.load %arg2[%get3A_1060, %get3A_1061, %get3A_1062] : memref<2x80x128xf32, #tpu.memory_space<vmem>>, vector<1x1x128xf32>
    %get3A_1064 = vector.shape_cast %get3A_1063 : vector<1x1x128xf32> to vector<128xf32>
    %mul3A_1065 = arith.constant 40 : i32
    %mul3A_1066 = arith.muli %arg0, %mul3A_1065 : i32
    %add3A_1067 = arith.constant 31 : i32
    %add3A_1068 = arith.addi %mul3A_1066, %add3A_1067 : i32
    %get3A_1069 = arith.constant 1 : index
    %get3A_1070 = arith.index_cast %add3A_1068 : i32 to index
    %get3A_1071 = arith.constant 0 : index
    %get3A_1072 = vector.load %arg2[%get3A_1069, %get3A_1070, %get3A_1071] : memref<2x80x128xf32, #tpu.memory_space<vmem>>, vector<1x1x128xf32>
    %get3A_1073 = vector.shape_cast %get3A_1072 : vector<1x1x128xf32> to vector<128xf32>
    %add3A_1074 = arith.addf %get3A_1064, %get3A_1073 : vector<128xf32>
    %max3A_1075 = arith.constant 1.000000e+00 : f32
    %max3A_1076 = vector.broadcast %max3A_1075 : f32 to vector<128xf32>
    %max3A_1077 = arith.maximumf %add3A_1074, %max3A_1076 : vector<128xf32>
    %div3A_1078 = arith.constant 1.000000e+00 : f32
    %div3A_1079 = vector.broadcast %div3A_1078 : f32 to vector<128xf32>
    %div3A_1080 = arith.divf %div3A_1079, %max3A_1077 : vector<128xf32>
    %broadcast_in_dim3A_1081 = vector.shape_cast %div3A_1080 : vector<128xf32> to vector<1x128xf32>
    %jit3A_1082 = arith.constant 0.000000e+00 : f32
    %broadcast_in_dim3A_1083 = vector.shape_cast %broadcast_in_dim3A_1081 : vector<1x128xf32> to vector<1x128xf32>
    %broadcast_in_dim3A_1084 = vector.broadcast %broadcast_in_dim3A_1083 : vector<1x128xf32> to vector<128x128xf32>
    %broadcast_in_dim3A_1085 = vector.broadcast %jit3A_1082 : f32 to vector<128x128xf32>
    %select_n3A_1086 = arith.select %eq3A, %broadcast_in_dim3A_1084, %broadcast_in_dim3A_1085 : vector<128x128xi1>, vector<128x128xf32>
    %slice3A_1087 = vector.extract_strided_slice %add3A {offsets = [3968, 0], sizes = [128, 128], strides = [1, 1]} : vector<5120x128xf32> to vector<128x128xf32>
    %dot_general3A_1088 = arith.constant dense<0.000000e+00> : vector<128x128xf32>
    %dot_general3A_1089 = tpu.matmul %select_n3A_1086, %slice3A_1087, %dot_general3A_1088 {dimension_numbers = #tpu.dot_dimension_numbers<[1], [0], [0], [1], [0, 0, 1, 1], [], []>, transpose_lhs_hint = false} : vector<128x128xf32>, vector<128x128xf32>, vector<128x128xf32> -> vector<128x128xf32>
    %mul3A_1090 = arith.constant 40 : i32
    %mul3A_1091 = arith.muli %arg0, %mul3A_1090 : i32
    %add3A_1092 = arith.constant 32 : i32
    %add3A_1093 = arith.addi %mul3A_1091, %add3A_1092 : i32
    %get3A_1094 = arith.constant 0 : index
    %get3A_1095 = arith.index_cast %add3A_1093 : i32 to index
    %get3A_1096 = arith.constant 0 : index
    %get3A_1097 = vector.load %arg2[%get3A_1094, %get3A_1095, %get3A_1096] : memref<2x80x128xf32, #tpu.memory_space<vmem>>, vector<1x1x128xf32>
    %get3A_1098 = vector.shape_cast %get3A_1097 : vector<1x1x128xf32> to vector<128xf32>
    %mul3A_1099 = arith.constant 40 : i32
    %mul3A_1100 = arith.muli %arg0, %mul3A_1099 : i32
    %add3A_1101 = arith.constant 32 : i32
    %add3A_1102 = arith.addi %mul3A_1100, %add3A_1101 : i32
    %get3A_1103 = arith.constant 1 : index
    %get3A_1104 = arith.index_cast %add3A_1102 : i32 to index
    %get3A_1105 = arith.constant 0 : index
    %get3A_1106 = vector.load %arg2[%get3A_1103, %get3A_1104, %get3A_1105] : memref<2x80x128xf32, #tpu.memory_space<vmem>>, vector<1x1x128xf32>
    %get3A_1107 = vector.shape_cast %get3A_1106 : vector<1x1x128xf32> to vector<128xf32>
    %add3A_1108 = arith.addf %get3A_1098, %get3A_1107 : vector<128xf32>
    %max3A_1109 = arith.constant 1.000000e+00 : f32
    %max3A_1110 = vector.broadcast %max3A_1109 : f32 to vector<128xf32>
    %max3A_1111 = arith.maximumf %add3A_1108, %max3A_1110 : vector<128xf32>
    %div3A_1112 = arith.constant 1.000000e+00 : f32
    %div3A_1113 = vector.broadcast %div3A_1112 : f32 to vector<128xf32>
    %div3A_1114 = arith.divf %div3A_1113, %max3A_1111 : vector<128xf32>
    %broadcast_in_dim3A_1115 = vector.shape_cast %div3A_1114 : vector<128xf32> to vector<1x128xf32>
    %jit3A_1116 = arith.constant 0.000000e+00 : f32
    %broadcast_in_dim3A_1117 = vector.shape_cast %broadcast_in_dim3A_1115 : vector<1x128xf32> to vector<1x128xf32>
    %broadcast_in_dim3A_1118 = vector.broadcast %broadcast_in_dim3A_1117 : vector<1x128xf32> to vector<128x128xf32>
    %broadcast_in_dim3A_1119 = vector.broadcast %jit3A_1116 : f32 to vector<128x128xf32>
    %select_n3A_1120 = arith.select %eq3A, %broadcast_in_dim3A_1118, %broadcast_in_dim3A_1119 : vector<128x128xi1>, vector<128x128xf32>
    %slice3A_1121 = vector.extract_strided_slice %add3A {offsets = [4096, 0], sizes = [128, 128], strides = [1, 1]} : vector<5120x128xf32> to vector<128x128xf32>
    %dot_general3A_1122 = arith.constant dense<0.000000e+00> : vector<128x128xf32>
    %dot_general3A_1123 = tpu.matmul %select_n3A_1120, %slice3A_1121, %dot_general3A_1122 {dimension_numbers = #tpu.dot_dimension_numbers<[1], [0], [0], [1], [0, 0, 1, 1], [], []>, transpose_lhs_hint = false} : vector<128x128xf32>, vector<128x128xf32>, vector<128x128xf32> -> vector<128x128xf32>
    %mul3A_1124 = arith.constant 40 : i32
    %mul3A_1125 = arith.muli %arg0, %mul3A_1124 : i32
    %add3A_1126 = arith.constant 33 : i32
    %add3A_1127 = arith.addi %mul3A_1125, %add3A_1126 : i32
    %get3A_1128 = arith.constant 0 : index
    %get3A_1129 = arith.index_cast %add3A_1127 : i32 to index
    %get3A_1130 = arith.constant 0 : index
    %get3A_1131 = vector.load %arg2[%get3A_1128, %get3A_1129, %get3A_1130] : memref<2x80x128xf32, #tpu.memory_space<vmem>>, vector<1x1x128xf32>
    %get3A_1132 = vector.shape_cast %get3A_1131 : vector<1x1x128xf32> to vector<128xf32>
    %mul3A_1133 = arith.constant 40 : i32
    %mul3A_1134 = arith.muli %arg0, %mul3A_1133 : i32
    %add3A_1135 = arith.constant 33 : i32
    %add3A_1136 = arith.addi %mul3A_1134, %add3A_1135 : i32
    %get3A_1137 = arith.constant 1 : index
    %get3A_1138 = arith.index_cast %add3A_1136 : i32 to index
    %get3A_1139 = arith.constant 0 : index
    %get3A_1140 = vector.load %arg2[%get3A_1137, %get3A_1138, %get3A_1139] : memref<2x80x128xf32, #tpu.memory_space<vmem>>, vector<1x1x128xf32>
    %get3A_1141 = vector.shape_cast %get3A_1140 : vector<1x1x128xf32> to vector<128xf32>
    %add3A_1142 = arith.addf %get3A_1132, %get3A_1141 : vector<128xf32>
    %max3A_1143 = arith.constant 1.000000e+00 : f32
    %max3A_1144 = vector.broadcast %max3A_1143 : f32 to vector<128xf32>
    %max3A_1145 = arith.maximumf %add3A_1142, %max3A_1144 : vector<128xf32>
    %div3A_1146 = arith.constant 1.000000e+00 : f32
    %div3A_1147 = vector.broadcast %div3A_1146 : f32 to vector<128xf32>
    %div3A_1148 = arith.divf %div3A_1147, %max3A_1145 : vector<128xf32>
    %broadcast_in_dim3A_1149 = vector.shape_cast %div3A_1148 : vector<128xf32> to vector<1x128xf32>
    %jit3A_1150 = arith.constant 0.000000e+00 : f32
    %broadcast_in_dim3A_1151 = vector.shape_cast %broadcast_in_dim3A_1149 : vector<1x128xf32> to vector<1x128xf32>
    %broadcast_in_dim3A_1152 = vector.broadcast %broadcast_in_dim3A_1151 : vector<1x128xf32> to vector<128x128xf32>
    %broadcast_in_dim3A_1153 = vector.broadcast %jit3A_1150 : f32 to vector<128x128xf32>
    %select_n3A_1154 = arith.select %eq3A, %broadcast_in_dim3A_1152, %broadcast_in_dim3A_1153 : vector<128x128xi1>, vector<128x128xf32>
    %slice3A_1155 = vector.extract_strided_slice %add3A {offsets = [4224, 0], sizes = [128, 128], strides = [1, 1]} : vector<5120x128xf32> to vector<128x128xf32>
    %dot_general3A_1156 = arith.constant dense<0.000000e+00> : vector<128x128xf32>
    %dot_general3A_1157 = tpu.matmul %select_n3A_1154, %slice3A_1155, %dot_general3A_1156 {dimension_numbers = #tpu.dot_dimension_numbers<[1], [0], [0], [1], [0, 0, 1, 1], [], []>, transpose_lhs_hint = false} : vector<128x128xf32>, vector<128x128xf32>, vector<128x128xf32> -> vector<128x128xf32>
    %mul3A_1158 = arith.constant 40 : i32
    %mul3A_1159 = arith.muli %arg0, %mul3A_1158 : i32
    %add3A_1160 = arith.constant 34 : i32
    %add3A_1161 = arith.addi %mul3A_1159, %add3A_1160 : i32
    %get3A_1162 = arith.constant 0 : index
    %get3A_1163 = arith.index_cast %add3A_1161 : i32 to index
    %get3A_1164 = arith.constant 0 : index
    %get3A_1165 = vector.load %arg2[%get3A_1162, %get3A_1163, %get3A_1164] : memref<2x80x128xf32, #tpu.memory_space<vmem>>, vector<1x1x128xf32>
    %get3A_1166 = vector.shape_cast %get3A_1165 : vector<1x1x128xf32> to vector<128xf32>
    %mul3A_1167 = arith.constant 40 : i32
    %mul3A_1168 = arith.muli %arg0, %mul3A_1167 : i32
    %add3A_1169 = arith.constant 34 : i32
    %add3A_1170 = arith.addi %mul3A_1168, %add3A_1169 : i32
    %get3A_1171 = arith.constant 1 : index
    %get3A_1172 = arith.index_cast %add3A_1170 : i32 to index
    %get3A_1173 = arith.constant 0 : index
    %get3A_1174 = vector.load %arg2[%get3A_1171, %get3A_1172, %get3A_1173] : memref<2x80x128xf32, #tpu.memory_space<vmem>>, vector<1x1x128xf32>
    %get3A_1175 = vector.shape_cast %get3A_1174 : vector<1x1x128xf32> to vector<128xf32>
    %add3A_1176 = arith.addf %get3A_1166, %get3A_1175 : vector<128xf32>
    %max3A_1177 = arith.constant 1.000000e+00 : f32
    %max3A_1178 = vector.broadcast %max3A_1177 : f32 to vector<128xf32>
    %max3A_1179 = arith.maximumf %add3A_1176, %max3A_1178 : vector<128xf32>
    %div3A_1180 = arith.constant 1.000000e+00 : f32
    %div3A_1181 = vector.broadcast %div3A_1180 : f32 to vector<128xf32>
    %div3A_1182 = arith.divf %div3A_1181, %max3A_1179 : vector<128xf32>
    %broadcast_in_dim3A_1183 = vector.shape_cast %div3A_1182 : vector<128xf32> to vector<1x128xf32>
    %jit3A_1184 = arith.constant 0.000000e+00 : f32
    %broadcast_in_dim3A_1185 = vector.shape_cast %broadcast_in_dim3A_1183 : vector<1x128xf32> to vector<1x128xf32>
    %broadcast_in_dim3A_1186 = vector.broadcast %broadcast_in_dim3A_1185 : vector<1x128xf32> to vector<128x128xf32>
    %broadcast_in_dim3A_1187 = vector.broadcast %jit3A_1184 : f32 to vector<128x128xf32>
    %select_n3A_1188 = arith.select %eq3A, %broadcast_in_dim3A_1186, %broadcast_in_dim3A_1187 : vector<128x128xi1>, vector<128x128xf32>
    %slice3A_1189 = vector.extract_strided_slice %add3A {offsets = [4352, 0], sizes = [128, 128], strides = [1, 1]} : vector<5120x128xf32> to vector<128x128xf32>
    %dot_general3A_1190 = arith.constant dense<0.000000e+00> : vector<128x128xf32>
    %dot_general3A_1191 = tpu.matmul %select_n3A_1188, %slice3A_1189, %dot_general3A_1190 {dimension_numbers = #tpu.dot_dimension_numbers<[1], [0], [0], [1], [0, 0, 1, 1], [], []>, transpose_lhs_hint = false} : vector<128x128xf32>, vector<128x128xf32>, vector<128x128xf32> -> vector<128x128xf32>
    %mul3A_1192 = arith.constant 40 : i32
    %mul3A_1193 = arith.muli %arg0, %mul3A_1192 : i32
    %add3A_1194 = arith.constant 35 : i32
    %add3A_1195 = arith.addi %mul3A_1193, %add3A_1194 : i32
    %get3A_1196 = arith.constant 0 : index
    %get3A_1197 = arith.index_cast %add3A_1195 : i32 to index
    %get3A_1198 = arith.constant 0 : index
    %get3A_1199 = vector.load %arg2[%get3A_1196, %get3A_1197, %get3A_1198] : memref<2x80x128xf32, #tpu.memory_space<vmem>>, vector<1x1x128xf32>
    %get3A_1200 = vector.shape_cast %get3A_1199 : vector<1x1x128xf32> to vector<128xf32>
    %mul3A_1201 = arith.constant 40 : i32
    %mul3A_1202 = arith.muli %arg0, %mul3A_1201 : i32
    %add3A_1203 = arith.constant 35 : i32
    %add3A_1204 = arith.addi %mul3A_1202, %add3A_1203 : i32
    %get3A_1205 = arith.constant 1 : index
    %get3A_1206 = arith.index_cast %add3A_1204 : i32 to index
    %get3A_1207 = arith.constant 0 : index
    %get3A_1208 = vector.load %arg2[%get3A_1205, %get3A_1206, %get3A_1207] : memref<2x80x128xf32, #tpu.memory_space<vmem>>, vector<1x1x128xf32>
    %get3A_1209 = vector.shape_cast %get3A_1208 : vector<1x1x128xf32> to vector<128xf32>
    %add3A_1210 = arith.addf %get3A_1200, %get3A_1209 : vector<128xf32>
    %max3A_1211 = arith.constant 1.000000e+00 : f32
    %max3A_1212 = vector.broadcast %max3A_1211 : f32 to vector<128xf32>
    %max3A_1213 = arith.maximumf %add3A_1210, %max3A_1212 : vector<128xf32>
    %div3A_1214 = arith.constant 1.000000e+00 : f32
    %div3A_1215 = vector.broadcast %div3A_1214 : f32 to vector<128xf32>
    %div3A_1216 = arith.divf %div3A_1215, %max3A_1213 : vector<128xf32>
    %broadcast_in_dim3A_1217 = vector.shape_cast %div3A_1216 : vector<128xf32> to vector<1x128xf32>
    %jit3A_1218 = arith.constant 0.000000e+00 : f32
    %broadcast_in_dim3A_1219 = vector.shape_cast %broadcast_in_dim3A_1217 : vector<1x128xf32> to vector<1x128xf32>
    %broadcast_in_dim3A_1220 = vector.broadcast %broadcast_in_dim3A_1219 : vector<1x128xf32> to vector<128x128xf32>
    %broadcast_in_dim3A_1221 = vector.broadcast %jit3A_1218 : f32 to vector<128x128xf32>
    %select_n3A_1222 = arith.select %eq3A, %broadcast_in_dim3A_1220, %broadcast_in_dim3A_1221 : vector<128x128xi1>, vector<128x128xf32>
    %slice3A_1223 = vector.extract_strided_slice %add3A {offsets = [4480, 0], sizes = [128, 128], strides = [1, 1]} : vector<5120x128xf32> to vector<128x128xf32>
    %dot_general3A_1224 = arith.constant dense<0.000000e+00> : vector<128x128xf32>
    %dot_general3A_1225 = tpu.matmul %select_n3A_1222, %slice3A_1223, %dot_general3A_1224 {dimension_numbers = #tpu.dot_dimension_numbers<[1], [0], [0], [1], [0, 0, 1, 1], [], []>, transpose_lhs_hint = false} : vector<128x128xf32>, vector<128x128xf32>, vector<128x128xf32> -> vector<128x128xf32>
    %mul3A_1226 = arith.constant 40 : i32
    %mul3A_1227 = arith.muli %arg0, %mul3A_1226 : i32
    %add3A_1228 = arith.constant 36 : i32
    %add3A_1229 = arith.addi %mul3A_1227, %add3A_1228 : i32
    %get3A_1230 = arith.constant 0 : index
    %get3A_1231 = arith.index_cast %add3A_1229 : i32 to index
    %get3A_1232 = arith.constant 0 : index
    %get3A_1233 = vector.load %arg2[%get3A_1230, %get3A_1231, %get3A_1232] : memref<2x80x128xf32, #tpu.memory_space<vmem>>, vector<1x1x128xf32>
    %get3A_1234 = vector.shape_cast %get3A_1233 : vector<1x1x128xf32> to vector<128xf32>
    %mul3A_1235 = arith.constant 40 : i32
    %mul3A_1236 = arith.muli %arg0, %mul3A_1235 : i32
    %add3A_1237 = arith.constant 36 : i32
    %add3A_1238 = arith.addi %mul3A_1236, %add3A_1237 : i32
    %get3A_1239 = arith.constant 1 : index
    %get3A_1240 = arith.index_cast %add3A_1238 : i32 to index
    %get3A_1241 = arith.constant 0 : index
    %get3A_1242 = vector.load %arg2[%get3A_1239, %get3A_1240, %get3A_1241] : memref<2x80x128xf32, #tpu.memory_space<vmem>>, vector<1x1x128xf32>
    %get3A_1243 = vector.shape_cast %get3A_1242 : vector<1x1x128xf32> to vector<128xf32>
    %add3A_1244 = arith.addf %get3A_1234, %get3A_1243 : vector<128xf32>
    %max3A_1245 = arith.constant 1.000000e+00 : f32
    %max3A_1246 = vector.broadcast %max3A_1245 : f32 to vector<128xf32>
    %max3A_1247 = arith.maximumf %add3A_1244, %max3A_1246 : vector<128xf32>
    %div3A_1248 = arith.constant 1.000000e+00 : f32
    %div3A_1249 = vector.broadcast %div3A_1248 : f32 to vector<128xf32>
    %div3A_1250 = arith.divf %div3A_1249, %max3A_1247 : vector<128xf32>
    %broadcast_in_dim3A_1251 = vector.shape_cast %div3A_1250 : vector<128xf32> to vector<1x128xf32>
    %jit3A_1252 = arith.constant 0.000000e+00 : f32
    %broadcast_in_dim3A_1253 = vector.shape_cast %broadcast_in_dim3A_1251 : vector<1x128xf32> to vector<1x128xf32>
    %broadcast_in_dim3A_1254 = vector.broadcast %broadcast_in_dim3A_1253 : vector<1x128xf32> to vector<128x128xf32>
    %broadcast_in_dim3A_1255 = vector.broadcast %jit3A_1252 : f32 to vector<128x128xf32>
    %select_n3A_1256 = arith.select %eq3A, %broadcast_in_dim3A_1254, %broadcast_in_dim3A_1255 : vector<128x128xi1>, vector<128x128xf32>
    %slice3A_1257 = vector.extract_strided_slice %add3A {offsets = [4608, 0], sizes = [128, 128], strides = [1, 1]} : vector<5120x128xf32> to vector<128x128xf32>
    %dot_general3A_1258 = arith.constant dense<0.000000e+00> : vector<128x128xf32>
    %dot_general3A_1259 = tpu.matmul %select_n3A_1256, %slice3A_1257, %dot_general3A_1258 {dimension_numbers = #tpu.dot_dimension_numbers<[1], [0], [0], [1], [0, 0, 1, 1], [], []>, transpose_lhs_hint = false} : vector<128x128xf32>, vector<128x128xf32>, vector<128x128xf32> -> vector<128x128xf32>
    %mul3A_1260 = arith.constant 40 : i32
    %mul3A_1261 = arith.muli %arg0, %mul3A_1260 : i32
    %add3A_1262 = arith.constant 37 : i32
    %add3A_1263 = arith.addi %mul3A_1261, %add3A_1262 : i32
    %get3A_1264 = arith.constant 0 : index
    %get3A_1265 = arith.index_cast %add3A_1263 : i32 to index
    %get3A_1266 = arith.constant 0 : index
    %get3A_1267 = vector.load %arg2[%get3A_1264, %get3A_1265, %get3A_1266] : memref<2x80x128xf32, #tpu.memory_space<vmem>>, vector<1x1x128xf32>
    %get3A_1268 = vector.shape_cast %get3A_1267 : vector<1x1x128xf32> to vector<128xf32>
    %mul3A_1269 = arith.constant 40 : i32
    %mul3A_1270 = arith.muli %arg0, %mul3A_1269 : i32
    %add3A_1271 = arith.constant 37 : i32
    %add3A_1272 = arith.addi %mul3A_1270, %add3A_1271 : i32
    %get3A_1273 = arith.constant 1 : index
    %get3A_1274 = arith.index_cast %add3A_1272 : i32 to index
    %get3A_1275 = arith.constant 0 : index
    %get3A_1276 = vector.load %arg2[%get3A_1273, %get3A_1274, %get3A_1275] : memref<2x80x128xf32, #tpu.memory_space<vmem>>, vector<1x1x128xf32>
    %get3A_1277 = vector.shape_cast %get3A_1276 : vector<1x1x128xf32> to vector<128xf32>
    %add3A_1278 = arith.addf %get3A_1268, %get3A_1277 : vector<128xf32>
    %max3A_1279 = arith.constant 1.000000e+00 : f32
    %max3A_1280 = vector.broadcast %max3A_1279 : f32 to vector<128xf32>
    %max3A_1281 = arith.maximumf %add3A_1278, %max3A_1280 : vector<128xf32>
    %div3A_1282 = arith.constant 1.000000e+00 : f32
    %div3A_1283 = vector.broadcast %div3A_1282 : f32 to vector<128xf32>
    %div3A_1284 = arith.divf %div3A_1283, %max3A_1281 : vector<128xf32>
    %broadcast_in_dim3A_1285 = vector.shape_cast %div3A_1284 : vector<128xf32> to vector<1x128xf32>
    %jit3A_1286 = arith.constant 0.000000e+00 : f32
    %broadcast_in_dim3A_1287 = vector.shape_cast %broadcast_in_dim3A_1285 : vector<1x128xf32> to vector<1x128xf32>
    %broadcast_in_dim3A_1288 = vector.broadcast %broadcast_in_dim3A_1287 : vector<1x128xf32> to vector<128x128xf32>
    %broadcast_in_dim3A_1289 = vector.broadcast %jit3A_1286 : f32 to vector<128x128xf32>
    %select_n3A_1290 = arith.select %eq3A, %broadcast_in_dim3A_1288, %broadcast_in_dim3A_1289 : vector<128x128xi1>, vector<128x128xf32>
    %slice3A_1291 = vector.extract_strided_slice %add3A {offsets = [4736, 0], sizes = [128, 128], strides = [1, 1]} : vector<5120x128xf32> to vector<128x128xf32>
    %dot_general3A_1292 = arith.constant dense<0.000000e+00> : vector<128x128xf32>
    %dot_general3A_1293 = tpu.matmul %select_n3A_1290, %slice3A_1291, %dot_general3A_1292 {dimension_numbers = #tpu.dot_dimension_numbers<[1], [0], [0], [1], [0, 0, 1, 1], [], []>, transpose_lhs_hint = false} : vector<128x128xf32>, vector<128x128xf32>, vector<128x128xf32> -> vector<128x128xf32>
    %mul3A_1294 = arith.constant 40 : i32
    %mul3A_1295 = arith.muli %arg0, %mul3A_1294 : i32
    %add3A_1296 = arith.constant 38 : i32
    %add3A_1297 = arith.addi %mul3A_1295, %add3A_1296 : i32
    %get3A_1298 = arith.constant 0 : index
    %get3A_1299 = arith.index_cast %add3A_1297 : i32 to index
    %get3A_1300 = arith.constant 0 : index
    %get3A_1301 = vector.load %arg2[%get3A_1298, %get3A_1299, %get3A_1300] : memref<2x80x128xf32, #tpu.memory_space<vmem>>, vector<1x1x128xf32>
    %get3A_1302 = vector.shape_cast %get3A_1301 : vector<1x1x128xf32> to vector<128xf32>
    %mul3A_1303 = arith.constant 40 : i32
    %mul3A_1304 = arith.muli %arg0, %mul3A_1303 : i32
    %add3A_1305 = arith.constant 38 : i32
    %add3A_1306 = arith.addi %mul3A_1304, %add3A_1305 : i32
    %get3A_1307 = arith.constant 1 : index
    %get3A_1308 = arith.index_cast %add3A_1306 : i32 to index
    %get3A_1309 = arith.constant 0 : index
    %get3A_1310 = vector.load %arg2[%get3A_1307, %get3A_1308, %get3A_1309] : memref<2x80x128xf32, #tpu.memory_space<vmem>>, vector<1x1x128xf32>
    %get3A_1311 = vector.shape_cast %get3A_1310 : vector<1x1x128xf32> to vector<128xf32>
    %add3A_1312 = arith.addf %get3A_1302, %get3A_1311 : vector<128xf32>
    %max3A_1313 = arith.constant 1.000000e+00 : f32
    %max3A_1314 = vector.broadcast %max3A_1313 : f32 to vector<128xf32>
    %max3A_1315 = arith.maximumf %add3A_1312, %max3A_1314 : vector<128xf32>
    %div3A_1316 = arith.constant 1.000000e+00 : f32
    %div3A_1317 = vector.broadcast %div3A_1316 : f32 to vector<128xf32>
    %div3A_1318 = arith.divf %div3A_1317, %max3A_1315 : vector<128xf32>
    %broadcast_in_dim3A_1319 = vector.shape_cast %div3A_1318 : vector<128xf32> to vector<1x128xf32>
    %jit3A_1320 = arith.constant 0.000000e+00 : f32
    %broadcast_in_dim3A_1321 = vector.shape_cast %broadcast_in_dim3A_1319 : vector<1x128xf32> to vector<1x128xf32>
    %broadcast_in_dim3A_1322 = vector.broadcast %broadcast_in_dim3A_1321 : vector<1x128xf32> to vector<128x128xf32>
    %broadcast_in_dim3A_1323 = vector.broadcast %jit3A_1320 : f32 to vector<128x128xf32>
    %select_n3A_1324 = arith.select %eq3A, %broadcast_in_dim3A_1322, %broadcast_in_dim3A_1323 : vector<128x128xi1>, vector<128x128xf32>
    %slice3A_1325 = vector.extract_strided_slice %add3A {offsets = [4864, 0], sizes = [128, 128], strides = [1, 1]} : vector<5120x128xf32> to vector<128x128xf32>
    %dot_general3A_1326 = arith.constant dense<0.000000e+00> : vector<128x128xf32>
    %dot_general3A_1327 = tpu.matmul %select_n3A_1324, %slice3A_1325, %dot_general3A_1326 {dimension_numbers = #tpu.dot_dimension_numbers<[1], [0], [0], [1], [0, 0, 1, 1], [], []>, transpose_lhs_hint = false} : vector<128x128xf32>, vector<128x128xf32>, vector<128x128xf32> -> vector<128x128xf32>
    %mul3A_1328 = arith.constant 40 : i32
    %mul3A_1329 = arith.muli %arg0, %mul3A_1328 : i32
    %add3A_1330 = arith.constant 39 : i32
    %add3A_1331 = arith.addi %mul3A_1329, %add3A_1330 : i32
    %get3A_1332 = arith.constant 0 : index
    %get3A_1333 = arith.index_cast %add3A_1331 : i32 to index
    %get3A_1334 = arith.constant 0 : index
    %get3A_1335 = vector.load %arg2[%get3A_1332, %get3A_1333, %get3A_1334] : memref<2x80x128xf32, #tpu.memory_space<vmem>>, vector<1x1x128xf32>
    %get3A_1336 = vector.shape_cast %get3A_1335 : vector<1x1x128xf32> to vector<128xf32>
    %mul3A_1337 = arith.constant 40 : i32
    %mul3A_1338 = arith.muli %arg0, %mul3A_1337 : i32
    %add3A_1339 = arith.constant 39 : i32
    %add3A_1340 = arith.addi %mul3A_1338, %add3A_1339 : i32
    %get3A_1341 = arith.constant 1 : index
    %get3A_1342 = arith.index_cast %add3A_1340 : i32 to index
    %get3A_1343 = arith.constant 0 : index
    %get3A_1344 = vector.load %arg2[%get3A_1341, %get3A_1342, %get3A_1343] : memref<2x80x128xf32, #tpu.memory_space<vmem>>, vector<1x1x128xf32>
    %get3A_1345 = vector.shape_cast %get3A_1344 : vector<1x1x128xf32> to vector<128xf32>
    %add3A_1346 = arith.addf %get3A_1336, %get3A_1345 : vector<128xf32>
    %max3A_1347 = arith.constant 1.000000e+00 : f32
    %max3A_1348 = vector.broadcast %max3A_1347 : f32 to vector<128xf32>
    %max3A_1349 = arith.maximumf %add3A_1346, %max3A_1348 : vector<128xf32>
    %div3A_1350 = arith.constant 1.000000e+00 : f32
    %div3A_1351 = vector.broadcast %div3A_1350 : f32 to vector<128xf32>
    %div3A_1352 = arith.divf %div3A_1351, %max3A_1349 : vector<128xf32>
    %broadcast_in_dim3A_1353 = vector.shape_cast %div3A_1352 : vector<128xf32> to vector<1x128xf32>
    %jit3A_1354 = arith.constant 0.000000e+00 : f32
    %broadcast_in_dim3A_1355 = vector.shape_cast %broadcast_in_dim3A_1353 : vector<1x128xf32> to vector<1x128xf32>
    %broadcast_in_dim3A_1356 = vector.broadcast %broadcast_in_dim3A_1355 : vector<1x128xf32> to vector<128x128xf32>
    %broadcast_in_dim3A_1357 = vector.broadcast %jit3A_1354 : f32 to vector<128x128xf32>
    %select_n3A_1358 = arith.select %eq3A, %broadcast_in_dim3A_1356, %broadcast_in_dim3A_1357 : vector<128x128xi1>, vector<128x128xf32>
    %slice3A_1359 = vector.extract_strided_slice %add3A {offsets = [4992, 0], sizes = [128, 128], strides = [1, 1]} : vector<5120x128xf32> to vector<128x128xf32>
    %dot_general3A_1360 = arith.constant dense<0.000000e+00> : vector<128x128xf32>
    %dot_general3A_1361 = tpu.matmul %select_n3A_1358, %slice3A_1359, %dot_general3A_1360 {dimension_numbers = #tpu.dot_dimension_numbers<[1], [0], [0], [1], [0, 0, 1, 1], [], []>, transpose_lhs_hint = false} : vector<128x128xf32>, vector<128x128xf32>, vector<128x128xf32> -> vector<128x128xf32>
    %concatenate3A = tpu.concatenate %dot_general3A_35, %dot_general3A_69, %dot_general3A_103, %dot_general3A_137, %dot_general3A_171, %dot_general3A_205, %dot_general3A_239, %dot_general3A_273, %dot_general3A_307, %dot_general3A_341, %dot_general3A_375, %dot_general3A_409, %dot_general3A_443, %dot_general3A_477, %dot_general3A_511, %dot_general3A_545, %dot_general3A_579, %dot_general3A_613, %dot_general3A_647, %dot_general3A_681, %dot_general3A_715, %dot_general3A_749, %dot_general3A_783, %dot_general3A_817, %dot_general3A_851, %dot_general3A_885, %dot_general3A_919, %dot_general3A_953, %dot_general3A_987, %dot_general3A_1021, %dot_general3A_1055, %dot_general3A_1089, %dot_general3A_1123, %dot_general3A_1157, %dot_general3A_1191, %dot_general3A_1225, %dot_general3A_1259, %dot_general3A_1293, %dot_general3A_1327, %dot_general3A_1361 in 0 : vector<128x128xf32>, vector<128x128xf32>, vector<128x128xf32>, vector<128x128xf32>, vector<128x128xf32>, vector<128x128xf32>, vector<128x128xf32>, vector<128x128xf32>, vector<128x128xf32>, vector<128x128xf32>, vector<128x128xf32>, vector<128x128xf32>, vector<128x128xf32>, vector<128x128xf32>, vector<128x128xf32>, vector<128x128xf32>, vector<128x128xf32>, vector<128x128xf32>, vector<128x128xf32>, vector<128x128xf32>, vector<128x128xf32>, vector<128x128xf32>, vector<128x128xf32>, vector<128x128xf32>, vector<128x128xf32>, vector<128x128xf32>, vector<128x128xf32>, vector<128x128xf32>, vector<128x128xf32>, vector<128x128xf32>, vector<128x128xf32>, vector<128x128xf32>, vector<128x128xf32>, vector<128x128xf32>, vector<128x128xf32>, vector<128x128xf32>, vector<128x128xf32>, vector<128x128xf32>, vector<128x128xf32>, vector<128x128xf32> -> vector<5120x128xf32>
    %get3A_1362 = arith.constant 0 : index
    %get3A_1363 = arith.constant 0 : index
    %get3A_1364 = vector.load %arg4[%get3A_1362, %get3A_1363] : memref<128x128xf32, #tpu.memory_space<vmem>>, vector<128x128xf32>
    %dot_general3A_1365 = arith.constant dense<0.000000e+00> : vector<5120x128xf32>
    %dot_general3A_1366 = tpu.matmul %concatenate3A, %get3A_1364, %dot_general3A_1365 {dimension_numbers = #tpu.dot_dimension_numbers<[1], [0], [0], [1], [0, 0, 1, 1], [], []>, transpose_lhs_hint = false} : vector<5120x128xf32>, vector<128x128xf32>, vector<5120x128xf32> -> vector<5120x128xf32>
    %get3A_1367 = arith.constant 0 : index
    %get3A_1368 = arith.constant 0 : index
    %get3A_1369 = vector.load %arg3[%get3A_1367, %get3A_1368] : memref<5120x128xf32, #tpu.memory_space<vmem>>, vector<5120x128xf32>
    %add3A_1370 = arith.addf %dot_general3A_1366, %get3A_1369 : vector<5120x128xf32>
    %swap3A = arith.constant 0 : index
    %swap3A_1371 = arith.constant 0 : index
    %swap3A_1372 = vector.load %arg5[%swap3A, %swap3A_1371] : memref<5120x128xf32, #tpu.memory_space<vmem>>, vector<5120x128xf32>
    tpu.vector_store %arg5[%swap3A, %swap3A_1371], %add3A_1370 {strides = array<i32>} : memref<5120x128xf32, #tpu.memory_space<vmem>>, vector<5120x128xf32>,
    return
  }
  func.func @transform_0(%arg0: i32) -> (i32, i32, i32) {
    %c0_i32 = arith.constant 0 : i32
    %c0_i32_0 = arith.constant 0 : i32
    %c0_i32_1 = arith.constant 0 : i32
    return %c0_i32, %arg0, %c0_i32_0 : i32, i32, i32
  }
  func.func @transform_1(%arg0: i32) -> (i32, i32, i32) {
    %c0_i32 = arith.constant 0 : i32
    %c0_i32_0 = arith.constant 0 : i32
    %c0_i32_1 = arith.constant 0 : i32
    %c0_i32_2 = arith.constant 0 : i32
    return %c0_i32, %c0_i32_0, %c0_i32_1 : i32, i32, i32
  }
  func.func @transform_2(%arg0: i32) -> (i32, i32) {
    %c0_i32 = arith.constant 0 : i32
    %c0_i32_0 = arith.constant 0 : i32
    return %arg0, %c0_i32 : i32, i32
  }
  func.func @transform_3(%arg0: i32) -> (i32, i32) {
    %c0_i32 = arith.constant 0 : i32
    %c0_i32_0 = arith.constant 0 : i32
    %c0_i32_1 = arith.constant 0 : i32
    return %c0_i32, %c0_i32_0 : i32, i32
  }
  func.func @transform_4(%arg0: i32) -> (i32, i32) {
    %c0_i32 = arith.constant 0 : i32
    %c0_i32_0 = arith.constant 0 : i32
    return %arg0, %c0_i32 : i32, i32
  }
}

</mosaic_0001>

<sc_bundles>
// kernel: kernel.11.cloned.1.call-start
scs
__scs_entry_jumppad:
0x0: {  	(pc) =	sbr.rel $0x88, $3  }
0x1: {  	(tag) =	ssettag $0x0;
	lr =	simm.s32 $0x1  }
0x2: {  	[smem:$0x3F99] =	sst lr;
	_ =	strace $0xD0000000  }
0x3: {  	_ = 	snop  }
0x4: {  	_ = 	snop  }
0x5: {  	_ = 	snop  }
0x6: {  	_ = 	snop  }
0x7: {  	_ = 	snop  }
__scs_overlays_trampoline_lowered:
0x8: {  	[smem:$0x3FA8] =	sst s0  }
0x9: {  	[smem:$0x3FA9] =	sst s1  }
0xa: {  	[smem:$0x3FAA] =	sst s2  }
0xb: {  	[smem:$0x3FAB] =	sst s3  }
0xc: {  	[smem:$0x3FAC] =	sst s4  }
0xd: {  	[smem:$0x3FAD] =	sst s5  }
0xe: {  	[smem:$0x3FAE] =	sst s6  }
0xf: {  	[smem:$0x3FAF] =	sst s7  }
0x10: {  	[smem:$0x3FB0] =	sst s8  }
0x11: {  	[smem:$0x3FB1] =	sst s9;
	s0 =	simm.s32 @!p0 $0x0  }
0x12: {  	s1 =	sld [smem:$0x3F97];
	s0 =	simm.s32 @p0 $0x1  }
0x13: {  	[smem:$0x3FB2] =	sst s0;
	s0 =	simm.s32 @!p1 $0x0  }
0x14: {  	s2 =	sld [smem:$0x3F96];
	s0 =	simm.s32 @p1 $0x1  }
0x15: {  	[smem:$0x3FB3] =	sst s0;
	s0 =	simm.s32 @!p2 $0x0  }
0x16: {  	s3 =	sld [smem:$0x3FDB];
	s0 =	simm.s32 @p2 $0x1  }
0x17: {  	s4 =	simm.s32 $0x1BF5;
	[smem:$0x3FB5] =	sst s0  }
0x18: {  	s0 =	sld [smem:$0x3F98];
	_ =	swait.ge [sflag:s4], $0x0  }
0x19: {  	s7 =	sld [smem:$0x3F99]  }
0x1a: {  	s8 =	sadd.s32 $0xFFFFE003, lr  }
0x1b: {  	s9 =	sadd.s32 $0xFFFFFEF7, lr;
	s5 =	simm.s32 $0xFFFFFFFF;
	p2 =	slt.u32 s8, $0xFFFFF086  }
0x1c: {  	p1 =	slt.u32 s9, $0xF7A;
	s5 =	simm.s32 @!p2 $0x0  }
0x1d: {  	s5 =	simm.s32 @p1 $0x1;
	p0 =	seq.s32 s7, s2  }
0x1e: {  	s7 =	smul.u32 @!p0 $0xF7A, s2;
	p2 =	seq.s32 @!p0 s5, $0x0  }
0x1f: {  	s9 =	smul.u32 $0xF7A, s1;
	s8 =	simm.s32 @!p0 $0x1BF5;
	p2 =	por !p2, p0  }
0x20: {  	[sflag:s8] =	ssyncset.s32 @!p0 $0xFFFFF086;
	s6 =	sadd.s32 @!p0 s3, s7;
	s7 =	simm.s32 @!p0 $0x108  }
0x21: {  	s3 =	sadd.s32 s3, s9;
	s6 =	sadd.s32 @!p0 $0x88, s6;
	s7 =	simm.s32 @p2 $0x1082  }
0x22: {  	[simem:s7], [sflag:s8] =	dma.local @!p0 [hbm:s6], $0xF7A  }
0x23: {  	s9 =	sor.u32 $0xD0000000, s2;
	s6 =	simm.s32 $0x108;
	_ =	swait.ge @!p0 [sflag:s8], $0x0  }
0x24: {  	s3 =	sadd.s32 $0x88, s3;
	s6 =	simm.s32 @!p1 $0x1082;
	[sflag:s4] =	ssyncset.s32 $0xFFFFF086  }
0x25: {  	[simem:s6], [sflag:s4] =	dma.local [hbm:s3], $0xF7A  }
0x26: {  	[smem:$0x3F99] =	sst s1;
	(tag) =	ssettag s2;
	_ =	strace s9  }
0x27: {  	s1 =	sld [smem:$0x3FA9]  }
0x28: {  	s2 =	sld [smem:$0x3FAA]  }
0x29: {  	s4 =	sld [smem:$0x3FAC]  }
0x2a: {  	p0 =	seq.s32 s5, $0x0;
	s5 =	sld [smem:$0x3FAD]  }
0x2b: {  	s6 =	sld [smem:$0x3FAE]  }
0x2c: {  	s7 =	sld [smem:$0x3FAF]  }
0x2d: {  	s3 =	simm.s32 $0x108;
	s8 =	sld [smem:$0x3FB0]  }
0x2e: {  	s3 =	simm.s32 @!p0 $0x1082;
	s9 =	sld [smem:$0x3FB1]  }
0x2f: {  	lr =	sadd.s32 s0, s3;
	s0 =	sld [smem:$0x3FA8]  }
0x30: {  	s3 =	sld [smem:$0x3FAB]  }
0x31: {  	[smem:$0x3FB4] =	sst s10  }
0x32: {  	s10 =	sld [smem:$0x3FB2];
	_ =	sdelay $0x3  }
0x33: {  	p0 =	seq.s32 s10, $0x1;
	s10 =	sld [smem:$0x3FB4];
	_ =	sdelay $0x3  }
0x34: {  	[smem:$0x3FB4] =	sst s10  }
0x35: {  	s10 =	sld [smem:$0x3FB3];
	_ =	sdelay $0x3  }
0x36: {  	p1 =	seq.s32 s10, $0x1;
	s10 =	sld [smem:$0x3FB4];
	_ =	sdelay $0x3  }
0x37: {  	[smem:$0x3FB4] =	sst s10  }
0x38: {  	s10 =	sld [smem:$0x3FB5]  }
0x39: {  	_ = 	snop;
	(pc) =	sbr.ind lr, $3  }
0x3a: {  	_ = 	snop  }
0x3b: {  	_ = 	snop  }
0x3c: {  	p2 =	seq.s32 s10, $0x1;
	s10 =	sld [smem:$0x3FB4]  }
0x3d: {  	_ =	shalt  }
0x3e: {  	_ =	shalt  }
0x3f: {  	_ =	shalt  }
0x40: {  	_ =	shalt  }
0x41: {  	_ =	shalt  }
0x42: {  	_ =	shalt  }
0x43: {  	_ =	shalt  }
0x44: {  	_ =	shalt  }
0x45: {  	_ =	shalt  }
0x46: {  	_ =	shalt  }
0x47: {  	_ =	shalt  }
0x48: {  	_ =	shalt  }
0x49: {  	_ =	shalt  }
0x4a: {  	_ =	shalt  }
0x4b: {  	_ =	shalt  }
0x4c: {  	_ =	shalt  }
0x4d: {  	_ =	shalt  }
0x4e: {  	_ =	shalt  }
0x4f: {  	_ =	shalt  }
0x50: {  	_ =	shalt  }
0x51: {  	_ =	shalt  }
0x52: {  	_ =	shalt  }
0x53: {  	_ =	shalt  }
0x54: {  	_ =	shalt  }
0x55: {  	_ =	shalt  }
0x56: {  	_ =	shalt  }
0x57: {  	_ =	shalt  }
0x58: {  	_ =	shalt  }
0x59: {  	_ =	shalt  }
0x5a: {  	_ =	shalt  }
0x5b: {  	_ =	shalt  }
0x5c: {  	_ =	shalt  }
0x5d: {  	_ =	shalt  }
0x5e: {  	_ =	shalt  }
0x5f: {  	_ =	shalt  }
0x60: {  	_ =	shalt  }
0x61: {  	_ =	shalt  }
0x62: {  	_ =	shalt  }
0x63: {  	_ =	shalt  }
0x64: {  	_ =	shalt  }
0x65: {  	_ =	shalt  }
0x66: {  	_ =	shalt  }
0x67: {  	_ =	shalt  }
0x68: {  	_ =	shalt  }
0x69: {  	_ =	shalt  }
0x6a: {  	_ =	shalt  }
0x6b: {  	_ =	shalt  }
0x6c: {  	_ =	shalt  }
0x6d: {  	_ =	shalt  }
0x6e: {  	_ =	shalt  }
0x6f: {  	_ =	shalt  }
0x70: {  	_ =	shalt  }
0x71: {  	_ =	shalt  }
0x72: {  	_ =	shalt  }
0x73: {  	_ =	shalt  }
0x74: {  	_ =	shalt  }
0x75: {  	_ =	shalt  }
0x76: {  	_ =	shalt  }
0x77: {  	_ =	shalt  }
0x78: {  	_ =	shalt  }
0x79: {  	_ =	shalt  }
0x7a: {  	_ =	shalt  }
0x7b: {  	_ =	shalt  }
0x7c: {  	_ =	shalt  }
0x7d: {  	_ =	shalt  }
0x7e: {  	_ =	shalt  }
0x7f: {  	_ =	shalt  }
0x80: {  	_ =	shalt  }
0x81: {  	_ =	shalt  }
0x82: {  	_ =	shalt  }
0x83: {  	_ =	shalt  }
0x84: {  	_ =	shalt  }
0x85: {  	_ =	shalt  }
0x86: {  	_ =	shalt  }
0x87: {  	_ =	shalt  }
.Lfunc_end0:
.L_simem_size_0:
called_computation.1_lowered:
.L_overlay_start_0:
0x88: {  	s2 =	sld [smem:$0x3FD9]  }
0x89: {  	s3 =	sld [smem:$0x3FFE];
	_ =	sdelay $0x1  }
0x8a: {  	s1 =	srdreg.scid  }
0x8b: {  	s0 =	sand.u32 $0x1, s1  }
0x8c: {  	s17 =	sshll.u32 s0, $0xA;
	s2 =	sadd.s32 s3, s2  }
0x8d: {  	s2 =	sadd.s32 s2, s17  }
0x8e: {  	[smem:$0x3FC0] =	sst s2  }
0x8f: {  	_ = 	snop  }
0x90: {  	s2 =	sld [smem:$0x3FD0];
	(tm) =	ssettm $0x1  }
0x91: {  	s18 =	sld [smem:$0x3FFB];
	_ =	sdelay $0x3  }
0x92: {  	_ =	strace s18  }
0x93: {  	s3 =	sld [smem:$0x3FFC];
	_ =	sdelay $0x3  }
0x94: {  	_ =	strace s3  }
0x95: {  	s3 =	sld [smem:$0x3FFD];
	_ =	sdelay $0x3  }
0x96: {  	_ =	strace s3  }
0x97: {  	_ =	strace $0x8FFFFFFF  }
0x98: {  	s19 =	sld [smem:$0x3FDB];
	_ =	sdelay $0x1  }
0x99: {  	s4 =	simm.s32 $_scs_section_size  }
0x9a: {  	s5 =	simm.s32 $_size__tile_overlayer_lowered;
	s6 =	simm.s32 $_tile_overlayer_lowered  }
0x9b: {  	s22 =	simm.s32 $0x1BFF;
	s21 =	sshll.u32 s6, $0x1;
	s3 =	sadd.s32 s4, s19  }
0x9c: {  	s7 =	simm.s32 $0x0;
	s20 =	sshll.u32 s5, $0x1;
	s5 =	sadd.s32 s21, s3  }
0x9d: {  	[timem:s7], [sflag:s22] =	dma.local [hbm:s5], s20  }
0x9e: {  	_ =	swait.ge [sflag:s22], s20  }
0x9f: {  	s4 =	ssub.s32 $0x0, s20;
	[sflag:s22] =	ssyncset.done $0x0  }
0xa0: {  	[sflag:s22] =	ssyncadd.s32 s4;
	_ =	sdelay $0x1  }
0xa1: {  	s23 =	simm.s32 $0x1B8B  }
0xa2: {  	_ =	swait.ge [sflag:s23], $0x1  }
0xa3: {  	[sflag:s23] =	ssyncset.done $0x0  }
0xa4: {  	s25 =	simm.s32 $0x1B8E;
	s24 =	sld [smem:$0x3FFE];
	[sflag:s23] =	ssyncadd.s32 $0xFFFFFFFF  }
0xa5: {  	s26 =	simm.s32 $execute0_lowered;
	[smem:$0x3FD2] =	sst s25  }
0xa6: {  	s5 =	sshll.u32 s26, $0x1;
	_ =	strace $0x80000049;
	[dreg:$0x1] =	wrdreg $0xFFFFFFFF  }
0xa7: {  	s28 =	simm.s32 $_size_execute0_lowered;
	s3 =	sadd.s32 s3, s5;
	[dreg:$0x0] =	wrdreg $0x0  }
0xa8: {  	s5 =	sshll.u32 s28, $0x1;
	[dreg:$0x2] =	wrdreg s3  }
0xa9: {  	[dreg:$0x3] =	wrdreg s5  }
0xaa: {  	[dreg:$0x4] =	wrdreg $0xC0  }
0xab: {  	_ =	task [dreg:s7], $0x5FFFF  }
0xac: {  	[dreg:$0x1] =	wrdreg $0xFFFFFFFF  }
0xad: {  	[dreg:$0x0] =	wrdreg $0x60  }
0xae: {  	[dreg:$0x2] =	wrdreg s2  }
0xaf: {  	[dreg:$0x3] =	wrdreg s24  }
0xb0: {  	[dreg:$0x4] =	wrdreg $0x0  }
0xb1: {  	[dreg:$0x5] =	wrdreg $0x9  }
0xb2: {  	_ =	task.clear_ibuf [dreg:s7], $0x6FFFF;
	_ =	strace $0x90000049  }
0xb3: {  	s29 =	simm.s32 $0x9;
	_ =	strace $0x8000004B  }
0xb4: {  	_ =	swait.ge [sflag:s29], $0x1  }
0xb5: {  	[sflag:s29] =	ssyncadd.s32 $0xFFFFFFFF  }
0xb6: {  	_ =	strace $0x9000004B  }
0xb7: {  	_ =	sfence  }
0xb8: {  	s30 =	sld [smem:$0x0];
	_ =	sdelay $0x2  }
0xb9: {  	s31 =	sshll.u32 s1, $0xD;
	s1 =	sshrl.u32 s1, $0x2  }
0xba: {  	s3 =	sand.u32 $0x4000, s31;
	s1 =	sadd.s32 s1, s30  }
0xbb: {  	s0 =	sor.u32 s3, s0;
	s1 =	sshll.u32 s1, $0x11  }
0xbc: {  	s0 =	sor.u32 s1, s0  }
0xbd: {  	s0 =	sadd.s32 $0x8F2B, s0  }
0xbe: {  	[sflag:s0] =	ssyncadd.remote.s32 $0x1  }
0xbf: {  	_ =	sfence.sel $0xFFFF  }
0xc0: {  	[dreg:$0x0] =	wrdreg $0xFFFFFFFF;
	(pc) =	sbr.abs _section_cstart, $3  }
0xc1: {  	[dreg:$0x1] =	wrdreg $0xFFFFFFFF  }
0xc2: {  	_ =	task.clear_ibuf [dreg:s7], $0x2FFFF;
	_ =	strace $0x9FFFFFFF  }
0xc3: {  	(tm) =	ssettm $0x7FFFFFFF  }
tec
execute0_lowered:
.L_overlay_start_1:
0x0: {  	(tag) =	ssettag $0x1  }
0x1: {  	s0 =	rddreg [dreg:$0x0]  }
0x2: {  	s5 =	rddreg [dreg:$0x1];
	s1 =	srdreg.scid  }
0x3: {  	s3 =	rddreg [dreg:$0x2];
	s2 =	stileid.u32;
	s4 =	simm.s32 $0x0  }
0x4: {  	s17 =	simm.s32 $0x3;
	s18 =	simm.s32 $0x14000;
	s19 =	simm.s32 $0x15400  }
0x5: {  	s20 =	simm.s32 $0x80;
	s21 =	simm.s32 $0x14080;
	s22 =	simm.s32 $0x1A800  }
0x6: {  	s23 =	simm.s32 $0x1;
	s24 =	simm.s32 $0x2;
	s25 =	simm.s32 $0x16700  }
0x7: {  	s26 =	simm.s32 $0x16780;
	s28 =	simm.s32 $0x0;
	s6 =	sand.u32 $0x1, s1  }
0x8: {  	s8 =	smul.u32 $0x14000, s2;
	[smem:$0x7FF] =	sst s4;
	s14 =	sadd.s32 $0x2200, s5  }
0x9: {  	s30 =	smul.u32 $0x50000, s2;
	s15 =	sadd.s32 $0xC200, s5;
	s10 =	sshll.u32 s2, $0x1  }
0xa: {  	s7 =	smul.u32 $0x140000, s6;
	s31 =	ssub.s32 $0x2, s6;
	s10 =	sor.u32 s6, s10  }
0xb: {  	_ =	strace $0x8000004A;
	s9 =	sshrl.u32 s31, $0x1;
	s13 =	smul.u32 $0x500, s10  }
0xc: {  	s7 =	sadd.s32 s8, s7;
	s8 =	sshrl.u32 s30, $0x2;
	s9 =	ssub.s32 s31, s9  }
0xd: {  	s7 =	sshrl.u32 s7, $0x3;
	s12 =	sadd.s32 s14, s13;
	s16 =	sadd.s32 $0x280, s13  }
0xe: {  	s13 =	sadd.s32 s15, s13;
	s7 =	sadd.s32 s7, s5;
	s5 =	sadd.s32 s8, s3  }
0xf: {  	s14 =	sadd.s32 s14, s16;
	s15 =	sadd.s32 s15, s16;
	s16 =	simm.s32 $0x16800  }
0x10: {  	s6 =	sadd.s32 $0x16200, s7;
	s7 =	smax.u32 s9, $0x1;
	s8 =	sadd.s32 $0x4000, s5  }
0x11: {  	v0 =	vimm.f32 $0.0e+00;
	s9 =	sadd.s32 $0x8000, s5;
	s10 =	sadd.s32 $0xC000, s5;
	s11 =	sadd.s32 $0x10000, s5  }
.LBB2_1:
0x12: {  	s29 =	sand.u32 $0xFE00, s4  }
0x13: {  	s30 =	sand.u32 $0x70, s4;
	s31 =	sshrl.u32 s29, $0x2  }
0x14: {  	s29 =	simm.s32 $0x40;
	s31 =	sor.u32 s30, s31;
	s30 =	simm.s32 $0x0  }
.LBB2_2:
0x15: {  	p0 =	sne.s32 s29, $0xFFC0  }
0x16: {  	[tilespmem:s31+$0x16800] =	vst v0;
	s30 =	sadd.s32 $0x10, s30;
	s31 =	smov.u32 s29;
	s29 =	sadd.s32 $0x40, s29  }
.Ltmp0:
0x17: {  	(pc) =	sbr.rel @p0 .LBB2_2-.Ltmp0, $4  }
0x18: {  	_ = 	snop  }
0x19: {  	s31 =	sand.u32 $0xFE00, s31  }
0x1a: {  	s1 =	sand.u32 $0x70, s30;
	s31 =	sshrl.u32 s31, $0x2  }
0x1b: {  	s31 =	sor.u32 s1, s31  }
0x1c: {  	[tilespmem:s31+$0x16800] =	vst v0  }
0x1d: {  	[spmem:s5] =	stream.linear.scatter [tilespmem:s16], [sflag:$0x3], $0x4000, $0x38;
	[tilespmem:$0x1E800] =	vst v63  }
0x1e: {  	_ =	swait.ge [sflag:s17], $0x4000  }
0x1f: {  	[sflag:s17] =	ssyncset.done $0x0  }
0x20: {  	[sflag:s17] =	ssyncadd.s32 $0xFFFFC000  }
0x21: {  	[spmem:s8] =	stream.linear.scatter [tilespmem:s16], [sflag:$0x3], $0x4000, $0x38;
	[tilespmem:$0x1E800] =	vst v63  }
0x22: {  	_ =	swait.ge [sflag:s17], $0x4000  }
0x23: {  	[sflag:s17] =	ssyncset.done $0x0  }
0x24: {  	[sflag:s17] =	ssyncadd.s32 $0xFFFFC000  }
0x25: {  	[spmem:s9] =	stream.linear.scatter [tilespmem:s16], [sflag:$0x3], $0x4000, $0x38;
	[tilespmem:$0x1E800] =	vst v63  }
0x26: {  	_ =	swait.ge [sflag:s17], $0x4000  }
0x27: {  	[sflag:s17] =	ssyncset.done $0x0  }
0x28: {  	[sflag:s17] =	ssyncadd.s32 $0xFFFFC000  }
0x29: {  	[spmem:s10] =	stream.linear.scatter [tilespmem:s16], [sflag:$0x3], $0x4000, $0x38;
	[tilespmem:$0x1E800] =	vst v63  }
0x2a: {  	_ =	swait.ge [sflag:s17], $0x4000  }
0x2b: {  	[sflag:s17] =	ssyncset.done $0x0  }
0x2c: {  	[sflag:s17] =	ssyncadd.s32 $0xFFFFC000  }
0x2d: {  	[spmem:s11] =	stream.linear.scatter [tilespmem:s16], [sflag:$0x3], $0x4000, $0x38;
	[tilespmem:$0x1E800] =	vst v63  }
0x2e: {  	_ =	swait.ge [sflag:s17], $0x4000  }
0x2f: {  	[sflag:s17] =	ssyncset.done $0x0  }
0x30: {  	[sflag:s17] =	ssyncadd.s32 $0xFFFFC000  }
0x31: {  	s1 =	simm.s32 $0x0;
	[bflag:$0x0] =	sbarrier.arrive $0xFFFF  }
0x32: {  	[tilespmem:s18], [sflag:$0x3] =	stream.linear.gather [hbm4b:s12+s1], $0x1400, $0x38;
	[tilespmem:$0x1E800] =	vst v63  }
0x33: {  	_ =	swait.ge [sflag:s17], $0x1400  }
0x34: {  	[sflag:s17] =	ssyncset.done $0x0  }
0x35: {  	[sflag:s17] =	ssyncadd.s32 $0xFFFFEC00  }
0x36: {  	[tilespmem:s19], [sflag:$0x3] =	stream.linear.gather [hbm4b:s13+s1], $0x1400, $0x38;
	[tilespmem:$0x1E800] =	vst v63  }
0x37: {  	_ =	swait.ge [sflag:s17], $0x1400  }
0x38: {  	[sflag:s17] =	ssyncset.done $0x0  }
0x39: {  	[sflag:s17] =	ssyncadd.s32 $0xFFFFEC00  }
0x3a: {  	[tilespmem:s16], [sflag:$0x1] =	stream.indirect.gather [hbm4b:s0+s20], $0x80, s18, s20, $0xb8;
	[tilespmem:$0x1E800] =	vst v63  }
0x3b: {  	_ = 	snop  }
0x3c: {  	[tilespmem:s22], [sflag:$0x2] =	stream.indirect.gather [hbm4b:s0+s20], $0x80, s21, s20, $0xb8;
	[tilespmem:$0x1E800] =	vst v63  }
0x3d: {  	_ =	swait.ge [sflag:s23], $0x4000  }
0x3e: {  	[sflag:s23] =	ssyncset.done $0x0  }
0x3f: {  	s31 =	simm.s32 $0x15400;
	[sflag:s23] =	ssyncadd.s32 $0xFFFFC000  }
0x40: {  	[spmem:s3] =	stream.indirect.scatter.add.f32 [tilespmem:s16], [sflag:$0x3], $0x80, s31, s20, $0xb8;
	[tilespmem:$0x1E800] =	vst v63  }
0x41: {  	_ =	swait.ge [sflag:s17], $0x4000  }
0x42: {  	[sflag:s17] =	ssyncset.done $0x0  }
0x43: {  	s31 =	simm.s32 $0x14100;
	[sflag:s17] =	ssyncadd.s32 $0xFFFFC000  }
0x44: {  	[tilespmem:s16], [sflag:$0x1] =	stream.indirect.gather [hbm4b:s0+s20], $0x80, s31, s20, $0xb8;
	[tilespmem:$0x1E800] =	vst v63  }
0x45: {  	_ =	swait.ge [sflag:s24], $0x4000  }
0x46: {  	[sflag:s24] =	ssyncset.done $0x0  }
0x47: {  	s31 =	simm.s32 $0x15480;
	[sflag:s24] =	ssyncadd.s32 $0xFFFFC000  }
0x48: {  	[spmem:s3] =	stream.indirect.scatter.add.f32 [tilespmem:s22], [sflag:$0x3], $0x80, s31, s20, $0xb8;
	[tilespmem:$0x1E800] =	vst v63  }
0x49: {  	_ =	swait.ge [sflag:s17], $0x4000  }
0x4a: {  	[sflag:s17] =	ssyncset.done $0x0  }
0x4b: {  	s29 =	simm.s32 $0x400;
	s30 =	simm.s32 $0x14180;
	[sflag:s17] =	ssyncadd.s32 $0xFFFFC000  }
.LBB2_4:
0x4c: {  	[tilespmem:s22], [sflag:$0x2] =	stream.indirect.gather [hbm4b:s0+s20], $0x80, s30, s20, $0xb8;
	[tilespmem:$0x1E800] =	vst v63  }
0x4d: {  	s1 =	smov.u32 s29  }
0x4e: {  	p0 =	sne.s32 s29, $0x4800;
	s29 =	sadd.s32 $0x400, s29;
	_ =	swait.ge [sflag:s23], $0x4000  }
0x4f: {  	s1 =	sshra.s32 s1, $0x2;
	[sflag:s23] =	ssyncset.done $0x0  }
0x50: {  	s30 =	sadd.s32 $0x15400, s1;
	[sflag:s23] =	ssyncadd.s32 $0xFFFFC000  }
0x51: {  	[spmem:s3] =	stream.indirect.scatter.add.f32 [tilespmem:s16], [sflag:$0x3], $0x80, s30, s20, $0xb8;
	[tilespmem:$0x1E800] =	vst v63  }
0x52: {  	_ =	swait.ge [sflag:s17], $0x4000  }
0x53: {  	[sflag:s17] =	ssyncset.done $0x0  }
0x54: {  	s30 =	sadd.s32 $0x14100, s1;
	[sflag:s17] =	ssyncadd.s32 $0xFFFFC000  }
0x55: {  	[tilespmem:s16], [sflag:$0x1] =	stream.indirect.gather [hbm4b:s0+s20], $0x80, s30, s20, $0xb8;
	[tilespmem:$0x1E800] =	vst v63  }
0x56: {  	_ =	swait.ge [sflag:s24], $0x4000  }
0x57: {  	[sflag:s24] =	ssyncset.done $0x0  }
.Ltmp1:
0x58: {  	s30 =	sadd.s32 $0x15480, s1;
	[sflag:s24] =	ssyncadd.s32 $0xFFFFC000;
	(pc) =	sbr.rel @p0 .LBB2_4-.Ltmp1, $4  }
0x59: {  	[spmem:s3] =	stream.indirect.scatter.add.f32 [tilespmem:s22], [sflag:$0x3], $0x80, s30, s20, $0xb8;
	[tilespmem:$0x1E800] =	vst v63  }
0x5a: {  	_ =	swait.ge [sflag:s17], $0x4000  }
0x5b: {  	[sflag:s17] =	ssyncset.done $0x0  }
0x5c: {  	s30 =	sadd.s32 $0x14180, s1;
	[sflag:s17] =	ssyncadd.s32 $0xFFFFC000  }
0x5d: {  	[tilespmem:s22], [sflag:$0x2] =	stream.indirect.gather [hbm4b:s0+s20], $0x80, s30, s20, $0xb8;
	[tilespmem:$0x1E800] =	vst v63  }
0x5e: {  	_ =	swait.ge [sflag:s23], $0x4000  }
0x5f: {  	[sflag:s23] =	ssyncset.done $0x0  }
0x60: {  	[sflag:s23] =	ssyncadd.s32 $0xFFFFC000  }
0x61: {  	[spmem:s3] =	stream.indirect.scatter.add.f32 [tilespmem:s16], [sflag:$0x3], $0x80, s25, s20, $0xb8;
	[tilespmem:$0x1E800] =	vst v63  }
0x62: {  	_ =	swait.ge [sflag:s17], $0x4000  }
0x63: {  	[sflag:s17] =	ssyncset.done $0x0  }
0x64: {  	[sflag:s17] =	ssyncadd.s32 $0xFFFFC000  }
0x65: {  	_ =	swait.ge [sflag:s24], $0x4000  }
0x66: {  	[sflag:s24] =	ssyncset.done $0x0  }
0x67: {  	[sflag:s24] =	ssyncadd.s32 $0xFFFFC000  }
0x68: {  	[spmem:s3] =	stream.indirect.scatter.add.f32 [tilespmem:s22], [sflag:$0x3], $0x80, s26, s20, $0xb8;
	[tilespmem:$0x1E800] =	vst v63  }
0x69: {  	_ =	swait.ge [sflag:s17], $0x4000  }
0x6a: {  	[sflag:s17] =	ssyncset.done $0x0  }
0x6b: {  	s1 =	simm.s32 $0x0;
	[sflag:s17] =	ssyncadd.s32 $0xFFFFC000  }
0x6c: {  	[tilespmem:s18], [sflag:$0x3] =	stream.linear.gather [hbm4b:s14+s1], $0x1400, $0x38;
	[tilespmem:$0x1E800] =	vst v63  }
0x6d: {  	_ =	swait.ge [sflag:s17], $0x1400  }
0x6e: {  	[sflag:s17] =	ssyncset.done $0x0  }
0x6f: {  	[sflag:s17] =	ssyncadd.s32 $0xFFFFEC00  }
0x70: {  	[tilespmem:s19], [sflag:$0x3] =	stream.linear.gather [hbm4b:s15+s1], $0x1400, $0x38;
	[tilespmem:$0x1E800] =	vst v63  }
0x71: {  	_ =	swait.ge [sflag:s17], $0x1400  }
0x72: {  	[sflag:s17] =	ssyncset.done $0x0  }
0x73: {  	[sflag:s17] =	ssyncadd.s32 $0xFFFFEC00  }
0x74: {  	[tilespmem:s16], [sflag:$0x1] =	stream.indirect.gather [hbm4b:s0+s20], $0x80, s18, s20, $0xb8;
	[tilespmem:$0x1E800] =	vst v63  }
0x75: {  	_ = 	snop  }
0x76: {  	[tilespmem:s22], [sflag:$0x2] =	stream.indirect.gather [hbm4b:s0+s20], $0x80, s21, s20, $0xb8;
	[tilespmem:$0x1E800] =	vst v63  }
0x77: {  	_ =	swait.ge [sflag:s23], $0x4000  }
0x78: {  	[sflag:s23] =	ssyncset.done $0x0  }
0x79: {  	s31 =	simm.s32 $0x15400;
	[sflag:s23] =	ssyncadd.s32 $0xFFFFC000  }
0x7a: {  	[spmem:s3] =	stream.indirect.scatter.add.f32 [tilespmem:s16], [sflag:$0x3], $0x80, s31, s20, $0xb8;
	[tilespmem:$0x1E800] =	vst v63  }
0x7b: {  	_ =	swait.ge [sflag:s17], $0x4000  }
0x7c: {  	[sflag:s17] =	ssyncset.done $0x0  }
0x7d: {  	s31 =	simm.s32 $0x14100;
	[sflag:s17] =	ssyncadd.s32 $0xFFFFC000  }
0x7e: {  	[tilespmem:s16], [sflag:$0x1] =	stream.indirect.gather [hbm4b:s0+s20], $0x80, s31, s20, $0xb8;
	[tilespmem:$0x1E800] =	vst v63  }
0x7f: {  	_ =	swait.ge [sflag:s24], $0x4000  }
0x80: {  	[sflag:s24] =	ssyncset.done $0x0  }
0x81: {  	s31 =	simm.s32 $0x15480;
	[sflag:s24] =	ssyncadd.s32 $0xFFFFC000  }
0x82: {  	[spmem:s3] =	stream.indirect.scatter.add.f32 [tilespmem:s22], [sflag:$0x3], $0x80, s31, s20, $0xb8;
	[tilespmem:$0x1E800] =	vst v63  }
0x83: {  	_ =	swait.ge [sflag:s17], $0x4000  }
0x84: {  	[sflag:s17] =	ssyncset.done $0x0  }
0x85: {  	s29 =	simm.s32 $0x400;
	s30 =	simm.s32 $0x14180;
	[sflag:s17] =	ssyncadd.s32 $0xFFFFC000  }
.LBB2_6:
0x86: {  	[tilespmem:s22], [sflag:$0x2] =	stream.indirect.gather [hbm4b:s0+s20], $0x80, s30, s20, $0xb8;
	[tilespmem:$0x1E800] =	vst v63  }
0x87: {  	s1 =	smov.u32 s29  }
0x88: {  	p0 =	sne.s32 s29, $0x4800;
	s29 =	sadd.s32 $0x400, s29;
	_ =	swait.ge [sflag:s23], $0x4000  }
0x89: {  	s1 =	sshra.s32 s1, $0x2;
	[sflag:s23] =	ssyncset.done $0x0  }
0x8a: {  	s30 =	sadd.s32 $0x15400, s1;
	[sflag:s23] =	ssyncadd.s32 $0xFFFFC000  }
0x8b: {  	[spmem:s3] =	stream.indirect.scatter.add.f32 [tilespmem:s16], [sflag:$0x3], $0x80, s30, s20, $0xb8;
	[tilespmem:$0x1E800] =	vst v63  }
0x8c: {  	_ =	swait.ge [sflag:s17], $0x4000  }
0x8d: {  	[sflag:s17] =	ssyncset.done $0x0  }
0x8e: {  	s30 =	sadd.s32 $0x14100, s1;
	[sflag:s17] =	ssyncadd.s32 $0xFFFFC000  }
0x8f: {  	[tilespmem:s16], [sflag:$0x1] =	stream.indirect.gather [hbm4b:s0+s20], $0x80, s30, s20, $0xb8;
	[tilespmem:$0x1E800] =	vst v63  }
0x90: {  	_ =	swait.ge [sflag:s24], $0x4000  }
0x91: {  	[sflag:s24] =	ssyncset.done $0x0  }
.Ltmp2:
0x92: {  	s30 =	sadd.s32 $0x15480, s1;
	[sflag:s24] =	ssyncadd.s32 $0xFFFFC000;
	(pc) =	sbr.rel @p0 .LBB2_6-.Ltmp2, $4  }
0x93: {  	[spmem:s3] =	stream.indirect.scatter.add.f32 [tilespmem:s22], [sflag:$0x3], $0x80, s30, s20, $0xb8;
	[tilespmem:$0x1E800] =	vst v63  }
0x94: {  	_ =	swait.ge [sflag:s17], $0x4000  }
0x95: {  	[sflag:s17] =	ssyncset.done $0x0  }
0x96: {  	s30 =	sadd.s32 $0x14180, s1;
	[sflag:s17] =	ssyncadd.s32 $0xFFFFC000  }
0x97: {  	[tilespmem:s22], [sflag:$0x2] =	stream.indirect.gather [hbm4b:s0+s20], $0x80, s30, s20, $0xb8;
	[tilespmem:$0x1E800] =	vst v63  }
0x98: {  	_ =	swait.ge [sflag:s23], $0x4000  }
0x99: {  	[sflag:s23] =	ssyncset.done $0x0  }
0x9a: {  	[sflag:s23] =	ssyncadd.s32 $0xFFFFC000  }
0x9b: {  	[spmem:s3] =	stream.indirect.scatter.add.f32 [tilespmem:s16], [sflag:$0x3], $0x80, s25, s20, $0xb8;
	[tilespmem:$0x1E800] =	vst v63  }
0x9c: {  	_ =	swait.ge [sflag:s17], $0x4000  }
0x9d: {  	[sflag:s17] =	ssyncset.done $0x0  }
0x9e: {  	[sflag:s17] =	ssyncadd.s32 $0xFFFFC000  }
0x9f: {  	_ =	swait.ge [sflag:s24], $0x4000  }
0xa0: {  	[sflag:s24] =	ssyncset.done $0x0  }
0xa1: {  	[sflag:s24] =	ssyncadd.s32 $0xFFFFC000  }
0xa2: {  	[spmem:s3] =	stream.indirect.scatter.add.f32 [tilespmem:s22], [sflag:$0x3], $0x80, s26, s20, $0xb8;
	[tilespmem:$0x1E800] =	vst v63  }
0xa3: {  	_ =	swait.ge [sflag:s17], $0x4000  }
0xa4: {  	s1 =	sshll.u32 s2, $0x6;
	s28 =	sadd.s32 $0x1, s28;
	[sflag:s17] =	ssyncset.done $0x0  }
0xa5: {  	s29 =	sshrl.u32 s5, $0x3;
	p0 =	sne.s32 s28, s7;
	[sflag:s17] =	ssyncadd.s32 $0xFFFFC000  }
.Ltmp3:
0xa6: {  	s1 =	sor.u32 $0x1C03, s1;
	[bflag:$0x0] =	sbarrier.arrive $0xFFFF;
	(pc) =	sbr.rel @p0 .LBB2_1-.Ltmp3, $4  }
0xa7: {  	[hbm:s6], [sflag:s1] =	dma.local [spmem:s29], $0x2800  }
0xa8: {  	_ =	swait.ge [sflag:s17], $0x2800  }
0xa9: {  	[sflag:s17] =	ssyncset.done $0x0  }
0xaa: {  	[sflag:s17] =	ssyncadd.s32 $0xFFFFD800  }
0xab: {  	_ =	sfence.sel $0x180000  }
0xac: {  	[bflag:$0x0] =	sbarrier.arrive $0xFFFF  }
0xad: {  	_ =	strace $0x9000004A  }
0xae: {  	[bflag:$0x2] =	sbarrier.arrive $0xFFFF  }
0xaf: {  	p0 =	sne.s32 s2, $0x0;
	s0 =	rddreg [dreg:$0x3]  }
0xb0: {  	s0 =	sadd.s32 @!p0 $0x100000, s0  }
0xb1: {  	[sflag:s0] =	ssyncadd.tile.s32 @!p0 $0x1;
	_ =	shalt  }
.Lfunc_end2:
_tile_overlayer_lowered:
.L_overlay_start_2:
0xb2: {  	(tag) =	ssettag $0x2  }
0xb3: {  	s0 =	rddreg [dreg:$0x0];
	s2 =	stileid.u32  }
0xb4: {  	s1 =	rddreg [dreg:$0x1];
	p0 =	sne.s32 s2, $0x0  }
0xb5: {  	s3 =	rddreg [dreg:$0x2];
	[bflag:$0x3] =	sbarrier.arrive $0xFFFF;
	s2 =	simm.s32 @!p0 $0x1C03  }
0xb6: {  	[timem:s3], [sflag:s2] =	dma.local @!p0 [hbm:s0], s1  }
0xb7: {  	s0 =	simm.s32 @!p0 $0x3  }
0xb8: {  	_ =	swait.ge @!p0 [sflag:s0], s1  }
0xb9: {  	s1 =	ssub.s32 @!p0 $0x0, s1;
	[sflag:s0] =	ssyncset.done @!p0 $0x0  }
0xba: {  	[sflag:s0] =	ssyncadd.s32 @!p0 s1  }
0xbb: {  	[bflag:$0x3] =	sbarrier.arrive $0xFFFF  }
0xbc: {  	_ =	shalt  }

// kernel: kernel.8.cloned.1.call-start
scs
__scs_entry_jumppad:
0x0: {  	(pc) =	sbr.rel $0x88, $3  }
0x1: {  	(tag) =	ssettag $0x0;
	lr =	simm.s32 $0x1  }
0x2: {  	[smem:$0x3F99] =	sst lr;
	_ =	strace $0xD0000000  }
0x3: {  	_ = 	snop  }
0x4: {  	_ = 	snop  }
0x5: {  	_ = 	snop  }
0x6: {  	_ = 	snop  }
0x7: {  	_ = 	snop  }
__scs_overlays_trampoline_lowered:
0x8: {  	[smem:$0x3FA8] =	sst s0  }
0x9: {  	[smem:$0x3FA9] =	sst s1  }
0xa: {  	[smem:$0x3FAA] =	sst s2  }
0xb: {  	[smem:$0x3FAB] =	sst s3  }
0xc: {  	[smem:$0x3FAC] =	sst s4  }
0xd: {  	[smem:$0x3FAD] =	sst s5  }
0xe: {  	[smem:$0x3FAE] =	sst s6  }
0xf: {  	[smem:$0x3FAF] =	sst s7  }
0x10: {  	[smem:$0x3FB0] =	sst s8  }
0x11: {  	[smem:$0x3FB1] =	sst s9;
	s0 =	simm.s32 @!p0 $0x0  }
0x12: {  	s1 =	sld [smem:$0x3F97];
	s0 =	simm.s32 @p0 $0x1  }
0x13: {  	[smem:$0x3FB2] =	sst s0;
	s0 =	simm.s32 @!p1 $0x0  }
0x14: {  	s2 =	sld [smem:$0x3F96];
	s0 =	simm.s32 @p1 $0x1  }
0x15: {  	[smem:$0x3FB3] =	sst s0;
	s0 =	simm.s32 @!p2 $0x0  }
0x16: {  	s3 =	sld [smem:$0x3FDB];
	s0 =	simm.s32 @p2 $0x1  }
0x17: {  	s4 =	simm.s32 $0x1BF5;
	[smem:$0x3FB5] =	sst s0  }
0x18: {  	s0 =	sld [smem:$0x3F98];
	_ =	swait.ge [sflag:s4], $0x0  }
0x19: {  	s7 =	sld [smem:$0x3F99]  }
0x1a: {  	s8 =	sadd.s32 $0xFFFFE003, lr  }
0x1b: {  	s9 =	sadd.s32 $0xFFFFFEF7, lr;
	s5 =	simm.s32 $0xFFFFFFFF;
	p2 =	slt.u32 s8, $0xFFFFF086  }
0x1c: {  	p1 =	slt.u32 s9, $0xF7A;
	s5 =	simm.s32 @!p2 $0x0  }
0x1d: {  	s5 =	simm.s32 @p1 $0x1;
	p0 =	seq.s32 s7, s2  }
0x1e: {  	s7 =	smul.u32 @!p0 $0xF7A, s2;
	p2 =	seq.s32 @!p0 s5, $0x0  }
0x1f: {  	s9 =	smul.u32 $0xF7A, s1;
	s8 =	simm.s32 @!p0 $0x1BF5;
	p2 =	por !p2, p0  }
0x20: {  	[sflag:s8] =	ssyncset.s32 @!p0 $0xFFFFF086;
	s6 =	sadd.s32 @!p0 s3, s7;
	s7 =	simm.s32 @!p0 $0x108  }
0x21: {  	s3 =	sadd.s32 s3, s9;
	s6 =	sadd.s32 @!p0 $0x88, s6;
	s7 =	simm.s32 @p2 $0x1082  }
0x22: {  	[simem:s7], [sflag:s8] =	dma.local @!p0 [hbm:s6], $0xF7A  }
0x23: {  	s9 =	sor.u32 $0xD0000000, s2;
	s6 =	simm.s32 $0x108;
	_ =	swait.ge @!p0 [sflag:s8], $0x0  }
0x24: {  	s3 =	sadd.s32 $0x88, s3;
	s6 =	simm.s32 @!p1 $0x1082;
	[sflag:s4] =	ssyncset.s32 $0xFFFFF086  }
0x25: {  	[simem:s6], [sflag:s4] =	dma.local [hbm:s3], $0xF7A  }
0x26: {  	[smem:$0x3F99] =	sst s1;
	(tag) =	ssettag s2;
	_ =	strace s9  }
0x27: {  	s1 =	sld [smem:$0x3FA9]  }
0x28: {  	s2 =	sld [smem:$0x3FAA]  }
0x29: {  	s4 =	sld [smem:$0x3FAC]  }
0x2a: {  	p0 =	seq.s32 s5, $0x0;
	s5 =	sld [smem:$0x3FAD]  }
0x2b: {  	s6 =	sld [smem:$0x3FAE]  }
0x2c: {  	s7 =	sld [smem:$0x3FAF]  }
0x2d: {  	s3 =	simm.s32 $0x108;
	s8 =	sld [smem:$0x3FB0]  }
0x2e: {  	s3 =	simm.s32 @!p0 $0x1082;
	s9 =	sld [smem:$0x3FB1]  }
0x2f: {  	lr =	sadd.s32 s0, s3;
	s0 =	sld [smem:$0x3FA8]  }
0x30: {  	s3 =	sld [smem:$0x3FAB]  }
0x31: {  	[smem:$0x3FB4] =	sst s10  }
0x32: {  	s10 =	sld [smem:$0x3FB2];
	_ =	sdelay $0x3  }
0x33: {  	p0 =	seq.s32 s10, $0x1;
	s10 =	sld [smem:$0x3FB4];
	_ =	sdelay $0x3  }
0x34: {  	[smem:$0x3FB4] =	sst s10  }
0x35: {  	s10 =	sld [smem:$0x3FB3];
	_ =	sdelay $0x3  }
0x36: {  	p1 =	seq.s32 s10, $0x1;
	s10 =	sld [smem:$0x3FB4];
	_ =	sdelay $0x3  }
0x37: {  	[smem:$0x3FB4] =	sst s10  }
0x38: {  	s10 =	sld [smem:$0x3FB5]  }
0x39: {  	_ = 	snop;
	(pc) =	sbr.ind lr, $3  }
0x3a: {  	_ = 	snop  }
0x3b: {  	_ = 	snop  }
0x3c: {  	p2 =	seq.s32 s10, $0x1;
	s10 =	sld [smem:$0x3FB4]  }
0x3d: {  	_ =	shalt  }
0x3e: {  	_ =	shalt  }
0x3f: {  	_ =	shalt  }
0x40: {  	_ =	shalt  }
0x41: {  	_ =	shalt  }
0x42: {  	_ =	shalt  }
0x43: {  	_ =	shalt  }
0x44: {  	_ =	shalt  }
0x45: {  	_ =	shalt  }
0x46: {  	_ =	shalt  }
0x47: {  	_ =	shalt  }
0x48: {  	_ =	shalt  }
0x49: {  	_ =	shalt  }
0x4a: {  	_ =	shalt  }
0x4b: {  	_ =	shalt  }
0x4c: {  	_ =	shalt  }
0x4d: {  	_ =	shalt  }
0x4e: {  	_ =	shalt  }
0x4f: {  	_ =	shalt  }
0x50: {  	_ =	shalt  }
0x51: {  	_ =	shalt  }
0x52: {  	_ =	shalt  }
0x53: {  	_ =	shalt  }
0x54: {  	_ =	shalt  }
0x55: {  	_ =	shalt  }
0x56: {  	_ =	shalt  }
0x57: {  	_ =	shalt  }
0x58: {  	_ =	shalt  }
0x59: {  	_ =	shalt  }
0x5a: {  	_ =	shalt  }
0x5b: {  	_ =	shalt  }
0x5c: {  	_ =	shalt  }
0x5d: {  	_ =	shalt  }
0x5e: {  	_ =	shalt  }
0x5f: {  	_ =	shalt  }
0x60: {  	_ =	shalt  }
0x61: {  	_ =	shalt  }
0x62: {  	_ =	shalt  }
0x63: {  	_ =	shalt  }
0x64: {  	_ =	shalt  }
0x65: {  	_ =	shalt  }
0x66: {  	_ =	shalt  }
0x67: {  	_ =	shalt  }
0x68: {  	_ =	shalt  }
0x69: {  	_ =	shalt  }
0x6a: {  	_ =	shalt  }
0x6b: {  	_ =	shalt  }
0x6c: {  	_ =	shalt  }
0x6d: {  	_ =	shalt  }
0x6e: {  	_ =	shalt  }
0x6f: {  	_ =	shalt  }
0x70: {  	_ =	shalt  }
0x71: {  	_ =	shalt  }
0x72: {  	_ =	shalt  }
0x73: {  	_ =	shalt  }
0x74: {  	_ =	shalt  }
0x75: {  	_ =	shalt  }
0x76: {  	_ =	shalt  }
0x77: {  	_ =	shalt  }
0x78: {  	_ =	shalt  }
0x79: {  	_ =	shalt  }
0x7a: {  	_ =	shalt  }
0x7b: {  	_ =	shalt  }
0x7c: {  	_ =	shalt  }
0x7d: {  	_ =	shalt  }
0x7e: {  	_ =	shalt  }
0x7f: {  	_ =	shalt  }
0x80: {  	_ =	shalt  }
0x81: {  	_ =	shalt  }
0x82: {  	_ =	shalt  }
0x83: {  	_ =	shalt  }
0x84: {  	_ =	shalt  }
0x85: {  	_ =	shalt  }
0x86: {  	_ =	shalt  }
0x87: {  	_ =	shalt  }
.Lfunc_end0:
.L_simem_size_0:
called_computation_lowered:
.L_overlay_start_0:
0x88: {  	s2 =	sld [smem:$0x3FD9]  }
0x89: {  	s3 =	sld [smem:$0x3FFE];
	_ =	sdelay $0x1  }
0x8a: {  	s1 =	srdreg.scid  }
0x8b: {  	s0 =	sand.u32 $0x1, s1  }
0x8c: {  	s17 =	sshll.u32 s0, $0xA;
	s2 =	sadd.s32 s3, s2  }
0x8d: {  	s2 =	sadd.s32 s2, s17  }
0x8e: {  	[smem:$0x3FC0] =	sst s2  }
0x8f: {  	_ = 	snop  }
0x90: {  	s2 =	sld [smem:$0x3FC9]  }
0x91: {  	s18 =	sld [smem:$0x3FD0];
	(tm) =	ssettm $0x1  }
0x92: {  	s4 =	sld [smem:$0x3FFB];
	_ =	sdelay $0x3  }
0x93: {  	_ =	strace s4  }
0x94: {  	s4 =	sld [smem:$0x3FFC];
	_ =	sdelay $0x3  }
0x95: {  	_ =	strace s4  }
0x96: {  	s4 =	sld [smem:$0x3FFD];
	_ =	sdelay $0x3  }
0x97: {  	_ =	strace s4  }
0x98: {  	_ =	strace $0x8FFFFFFF  }
0x99: {  	s19 =	sld [smem:$0x3FDB];
	_ =	sdelay $0x1  }
0x9a: {  	s5 =	simm.s32 $_scs_section_size  }
0x9b: {  	s6 =	simm.s32 $_size__tile_overlayer_lowered;
	s7 =	simm.s32 $_tile_overlayer_lowered  }
0x9c: {  	s22 =	simm.s32 $0x1BFF;
	s21 =	sshll.u32 s7, $0x1;
	s4 =	sadd.s32 s5, s19  }
0x9d: {  	s8 =	simm.s32 $0x0;
	s20 =	sshll.u32 s6, $0x1;
	s6 =	sadd.s32 s21, s4  }
0x9e: {  	[timem:s8], [sflag:s22] =	dma.local [hbm:s6], s20  }
0x9f: {  	_ =	swait.ge [sflag:s22], s20  }
0xa0: {  	s5 =	ssub.s32 $0x0, s20;
	[sflag:s22] =	ssyncset.done $0x0  }
0xa1: {  	[sflag:s22] =	ssyncadd.s32 s5;
	_ =	sdelay $0x1  }
0xa2: {  	s23 =	simm.s32 $0x1B8B  }
0xa3: {  	_ =	swait.ge [sflag:s23], $0x1  }
0xa4: {  	[sflag:s23] =	ssyncset.done $0x0  }
0xa5: {  	s25 =	simm.s32 $0x1B8E;
	s24 =	sld [smem:$0x3FFE];
	[sflag:s23] =	ssyncadd.s32 $0xFFFFFFFF  }
0xa6: {  	s26 =	simm.s32 $execute0_lowered;
	[smem:$0x3FD2] =	sst s25  }
0xa7: {  	s6 =	sshll.u32 s26, $0x1;
	_ =	strace $0x80000046;
	[dreg:$0x1] =	wrdreg $0xFFFFFFFF  }
0xa8: {  	s28 =	simm.s32 $_size_execute0_lowered;
	s4 =	sadd.s32 s4, s6;
	[dreg:$0x0] =	wrdreg $0x0  }
0xa9: {  	s6 =	sshll.u32 s28, $0x1;
	[dreg:$0x2] =	wrdreg s4  }
0xaa: {  	[dreg:$0x3] =	wrdreg s6  }
0xab: {  	[dreg:$0x4] =	wrdreg $0xC0  }
0xac: {  	_ =	task [dreg:s8], $0x5FFFF  }
0xad: {  	[dreg:$0x1] =	wrdreg $0xFFFFFFFF  }
0xae: {  	[dreg:$0x0] =	wrdreg $0x60  }
0xaf: {  	[dreg:$0x2] =	wrdreg s2  }
0xb0: {  	[dreg:$0x3] =	wrdreg s24  }
0xb1: {  	[dreg:$0x4] =	wrdreg s18  }
0xb2: {  	[dreg:$0x5] =	wrdreg $0x0  }
0xb3: {  	[dreg:$0x6] =	wrdreg $0x1E8000  }
0xb4: {  	[dreg:$0x7] =	wrdreg $0x9  }
0xb5: {  	_ =	task.clear_ibuf [dreg:s8], $0x8FFFF;
	_ =	strace $0x90000046  }
0xb6: {  	s29 =	simm.s32 $0x9;
	_ =	strace $0x80000048  }
0xb7: {  	_ =	swait.ge [sflag:s29], $0x1  }
0xb8: {  	[sflag:s29] =	ssyncadd.s32 $0xFFFFFFFF  }
0xb9: {  	_ =	strace $0x90000048  }
0xba: {  	_ =	sfence  }
0xbb: {  	s30 =	sld [smem:$0x0];
	_ =	sdelay $0x2  }
0xbc: {  	s31 =	sshll.u32 s1, $0xD;
	s1 =	sshrl.u32 s1, $0x2  }
0xbd: {  	s3 =	sand.u32 $0x4000, s31;
	s1 =	sadd.s32 s1, s30  }
0xbe: {  	s0 =	sor.u32 s3, s0;
	s1 =	sshll.u32 s1, $0x11  }
0xbf: {  	s0 =	sor.u32 s1, s0  }
0xc0: {  	s0 =	sadd.s32 $0x8F2B, s0  }
0xc1: {  	[sflag:s0] =	ssyncadd.remote.s32 $0x1  }
0xc2: {  	_ =	sfence.sel $0xFFFF  }
0xc3: {  	[dreg:$0x0] =	wrdreg $0xFFFFFFFF;
	(pc) =	sbr.abs _section_cstart, $3  }
0xc4: {  	[dreg:$0x1] =	wrdreg $0xFFFFFFFF  }
0xc5: {  	_ =	task.clear_ibuf [dreg:s8], $0x2FFFF;
	_ =	strace $0x9FFFFFFF  }
0xc6: {  	(tm) =	ssettm $0x7FFFFFFF  }
0xc7: {  	_ =	shalt  }
tec
execute0_lowered:
.L_overlay_start_1:
0x0: {  	(tag) =	ssettag $0x1  }
0x1: {  	s0 =	rddreg [dreg:$0x0]  }
0x2: {  	s1 =	rddreg [dreg:$0x1]  }
0x3: {  	s2 =	rddreg [dreg:$0x2]  }
0x4: {  	s3 =	rddreg [dreg:$0x3];
	s5 =	srdreg.scid  }
0x5: {  	s4 =	rddreg [dreg:$0x4];
	s13 =	stileid.u32  }
0x6: {  	s8 =	simm.s32 $0x0;
	s28 =	simm.s32 $0x15400;
	s29 =	simm.s32 $0x80  }
0x7: {  	s30 =	simm.s32 $0x14080;
	s31 =	simm.s32 $0x1A800;
	s7 =	smul.u32 $0x14000, s13  }
0x8: {  	s5 =	sand.u32 $0x1, s5;
	[smem:$0x7FF] =	sst s8;
	s15 =	smul.u32 $0x50000, s13  }
0x9: {  	s14 =	sadd.s32 $0x2200, s1;
	s9 =	sadd.s32 $0xC200, s1;
	s10 =	smul.u32 $0xA00, s13  }
0xa: {  	s12 =	sshll.u32 s13, $0x1;
	s13 =	smul.u32 $0x500, s13;
	s8 =	simm.s32 $0x16700  }
0xb: {  	s6 =	smul.u32 $0x140000, s5;
	_ =	strace $0x80000047;
	s16 =	ssub.s32 $0x2, s5  }
0xc: {  	s12 =	sor.u32 s5, s12;
	s5 =	sshll.u32 s5, $0x7;
	s11 =	sshrl.u32 s16, $0x1  }
0xd: {  	s17 =	sshrl.u32 s15, $0x2;
	s18 =	sshrl.u32 s10, $0x2;
	s5 =	sor.u32 s5, s13  }
0xe: {  	s26 =	smul.u32 $0x500, s12;
	s10 =	simm.s32 $0x0;
	s15 =	simm.s32 $0x10  }
0xf: {  	s6 =	sadd.s32 s7, s6;
	s11 =	ssub.s32 s16, s11;
	s5 =	sshrl.u32 s5, $0x3  }
0x10: {  	s7 =	sadd.s32 s18, s4;
	s6 =	sshrl.u32 s6, $0x3;
	s19 =	sadd.s32 s2, s5  }
0x11: {  	s20 =	smax.u32 s11, $0x1;
	s25 =	sadd.s32 $0x80, s7;
	s16 =	sadd.s32 $0x100, s7  }
0x12: {  	s18 =	sadd.s32 $0x200, s7;
	s2 =	simm.s32 $0x1EA80;
	[dreg:$0x7] =	wrdreg s19  }
0x13: {  	s5 =	simm.s32 $0x2;
	s1 =	sadd.s32 s6, s1;
	[dreg:$0x8] =	wrdreg s20  }
0x14: {  	s6 =	sadd.s32 s17, s3;
	[dreg:$0xd] =	wrdreg s25;
	s1 =	sadd.s32 $0x16200, s1  }
0x15: {  	s17 =	sadd.s32 $0x180, s7;
	s21 =	sadd.s32 $0x4000, s6;
	[dreg:$0x6] =	wrdreg s1  }
0x16: {  	s19 =	sadd.s32 s14, s26;
	s22 =	sadd.s32 $0x8000, s6;
	[dreg:$0x9] =	wrdreg s21  }
0x17: {  	s20 =	sadd.s32 s9, s26;
	s23 =	sadd.s32 $0xC000, s6;
	[dreg:$0xa] =	wrdreg s22  }
0x18: {  	s25 =	simm.s32 $0x1EB00;
	s24 =	sadd.s32 $0x10000, s6;
	[dreg:$0xb] =	wrdreg s23  }
0x19: {  	[dreg:$0xc] =	wrdreg s24;
	s1 =	sadd.s32 $0x280, s26;
	s23 =	simm.s32 $0x16800  }
0x1a: {  	s24 =	simm.s32 $0x3;
	s26 =	simm.s32 $0x14000;
	s21 =	sadd.s32 s14, s1  }
0x1b: {  	v0 =	vimm.f32 $0.0e+00;
	v1 =	vimm.f32 $1.000000000e+00;
	s22 =	sadd.s32 s9, s1;
	s1 =	simm.s32 $0x1;
	s9 =	simm.s32 $0x16780  }
.LBB2_1:
0x1c: {  	s12 =	simm.s32 $0x0  }
0x1d: {  	s11 =	sand.u32 $0xFE00, s12  }
0x1e: {  	s12 =	sand.u32 $0x70, s12;
	s13 =	sshrl.u32 s11, $0x2  }
0x1f: {  	s11 =	simm.s32 $0x40;
	s13 =	sor.u32 s12, s13;
	s12 =	simm.s32 $0x0  }
.LBB2_2:
0x20: {  	p0 =	sne.s32 s11, $0xFFC0  }
0x21: {  	[tilespmem:s13+$0x16800] =	vst v0;
	s12 =	sadd.s32 $0x10, s12;
	s13 =	smov.u32 s11;
	s11 =	sadd.s32 $0x40, s11  }
.Ltmp0:
0x22: {  	(pc) =	sbr.rel @p0 .LBB2_2-.Ltmp0, $4  }
0x23: {  	_ = 	snop  }
0x24: {  	s13 =	sand.u32 $0xFE00, s13  }
0x25: {  	s14 =	sand.u32 $0x70, s12;
	s13 =	sshrl.u32 s13, $0x2  }
0x26: {  	s13 =	sor.u32 s14, s13  }
0x27: {  	[tilespmem:s13+$0x16800] =	vst v0  }
0x28: {  	[tilespmem:$0x1EA80] =	vst v1  }
0x29: {  	[tilespmem:$0x1EB00] =	vst v0  }
0x2a: {  	[tilespmem:$0x1EA90] =	vst v1  }
0x2b: {  	[tilespmem:$0x1EB10] =	vst v0  }
0x2c: {  	[tilespmem:$0x1EAA0] =	vst v1  }
0x2d: {  	[tilespmem:$0x1EB20] =	vst v0  }
0x2e: {  	[tilespmem:$0x1EAB0] =	vst v1  }
0x2f: {  	[tilespmem:$0x1EB30] =	vst v0  }
0x30: {  	[tilespmem:$0x1EAC0] =	vst v1  }
0x31: {  	[tilespmem:$0x1EB40] =	vst v0  }
0x32: {  	[tilespmem:$0x1EAD0] =	vst v1  }
0x33: {  	[tilespmem:$0x1EB50] =	vst v0  }
0x34: {  	[tilespmem:$0x1EAE0] =	vst v1  }
0x35: {  	[tilespmem:$0x1EB60] =	vst v0  }
0x36: {  	[tilespmem:$0x1EAF0] =	vst v1  }
0x37: {  	[tilespmem:$0x1EB70] =	vst v0  }
0x38: {  	[spmem:s6] =	stream.linear.scatter [tilespmem:s23], [sflag:$0x3], $0x4000, $0x38;
	[tilespmem:$0x1EB80] =	vst v63  }
0x39: {  	_ =	swait.ge [sflag:s24], $0x4000  }
0x3a: {  	[sflag:s24] =	ssyncset.done $0x0  }
0x3b: {  	s11 =	rddreg [dreg:$0x9];
	[sflag:s24] =	ssyncadd.s32 $0xFFFFC000  }
0x3c: {  	[spmem:s11] =	stream.linear.scatter [tilespmem:s23], [sflag:$0x3], $0x4000, $0x38;
	[tilespmem:$0x1EB80] =	vst v63  }
0x3d: {  	_ =	swait.ge [sflag:s24], $0x4000  }
0x3e: {  	[sflag:s24] =	ssyncset.done $0x0  }
0x3f: {  	s13 =	rddreg [dreg:$0xa];
	[sflag:s24] =	ssyncadd.s32 $0xFFFFC000  }
0x40: {  	[spmem:s13] =	stream.linear.scatter [tilespmem:s23], [sflag:$0x3], $0x4000, $0x38;
	[tilespmem:$0x1EB80] =	vst v63  }
0x41: {  	_ =	swait.ge [sflag:s24], $0x4000  }
0x42: {  	[sflag:s24] =	ssyncset.done $0x0  }
0x43: {  	s14 =	rddreg [dreg:$0xb];
	[sflag:s24] =	ssyncadd.s32 $0xFFFFC000  }
0x44: {  	[spmem:s14] =	stream.linear.scatter [tilespmem:s23], [sflag:$0x3], $0x4000, $0x38;
	[tilespmem:$0x1EB80] =	vst v63  }
0x45: {  	_ =	swait.ge [sflag:s24], $0x4000  }
0x46: {  	[sflag:s24] =	ssyncset.done $0x0  }
0x47: {  	s12 =	rddreg [dreg:$0xc];
	[sflag:s24] =	ssyncadd.s32 $0xFFFFC000  }
0x48: {  	[spmem:s12] =	stream.linear.scatter [tilespmem:s23], [sflag:$0x3], $0x4000, $0x38;
	[tilespmem:$0x1EB80] =	vst v63  }
0x49: {  	_ =	swait.ge [sflag:s24], $0x4000  }
0x4a: {  	[sflag:s24] =	ssyncset.done $0x0  }
0x4b: {  	[sflag:s24] =	ssyncadd.s32 $0xFFFFC000  }
0x4c: {  	[spmem:s7] =	stream.linear.scatter [tilespmem:s25], [sflag:$0x3], $0x80, $0x38;
	[tilespmem:$0x1EB80] =	vst v63  }
0x4d: {  	_ =	swait.ge [sflag:s24], $0x80  }
0x4e: {  	[sflag:s24] =	ssyncset.done $0x0  }
0x4f: {  	s13 =	rddreg [dreg:$0xd];
	[sflag:s24] =	ssyncadd.s32 $0xFFFFFF80  }
0x50: {  	[spmem:s13] =	stream.linear.scatter [tilespmem:s25], [sflag:$0x3], $0x80, $0x38;
	[tilespmem:$0x1EB80] =	vst v63  }
0x51: {  	_ =	swait.ge [sflag:s24], $0x80  }
0x52: {  	[sflag:s24] =	ssyncset.done $0x0  }
0x53: {  	[sflag:s24] =	ssyncadd.s32 $0xFFFFFF80  }
0x54: {  	[spmem:s16] =	stream.linear.scatter [tilespmem:s25], [sflag:$0x3], $0x80, $0x38;
	[tilespmem:$0x1EB80] =	vst v63  }
0x55: {  	_ =	swait.ge [sflag:s24], $0x80  }
0x56: {  	[sflag:s24] =	ssyncset.done $0x0  }
0x57: {  	[sflag:s24] =	ssyncadd.s32 $0xFFFFFF80  }
0x58: {  	[spmem:s17] =	stream.linear.scatter [tilespmem:s25], [sflag:$0x3], $0x80, $0x38;
	[tilespmem:$0x1EB80] =	vst v63  }
0x59: {  	_ =	swait.ge [sflag:s24], $0x80  }
0x5a: {  	[sflag:s24] =	ssyncset.done $0x0  }
0x5b: {  	[sflag:s24] =	ssyncadd.s32 $0xFFFFFF80  }
0x5c: {  	[spmem:s18] =	stream.linear.scatter [tilespmem:s25], [sflag:$0x3], $0x80, $0x38;
	[tilespmem:$0x1EB80] =	vst v63  }
0x5d: {  	_ =	swait.ge [sflag:s24], $0x80  }
0x5e: {  	[sflag:s24] =	ssyncset.done $0x0  }
0x5f: {  	[sflag:s24] =	ssyncadd.s32 $0xFFFFFF80  }
0x60: {  	s14 =	simm.s32 $0x0;
	[bflag:$0x0] =	sbarrier.arrive $0xFFFF  }
0x61: {  	[tilespmem:s26], [sflag:$0x3] =	stream.linear.gather [hbm4b:s19+s14], $0x1400, $0x38;
	[tilespmem:$0x1EB80] =	vst v63  }
0x62: {  	_ =	swait.ge [sflag:s24], $0x1400  }
0x63: {  	[sflag:s24] =	ssyncset.done $0x0  }
0x64: {  	[sflag:s24] =	ssyncadd.s32 $0xFFFFEC00  }
0x65: {  	[tilespmem:s28], [sflag:$0x3] =	stream.linear.gather [hbm4b:s20+s14], $0x1400, $0x38;
	[tilespmem:$0x1EB80] =	vst v63  }
0x66: {  	_ =	swait.ge [sflag:s24], $0x1400  }
0x67: {  	[sflag:s24] =	ssyncset.done $0x0  }
0x68: {  	[sflag:s24] =	ssyncadd.s32 $0xFFFFEC00  }
0x69: {  	[tilespmem:s23], [sflag:$0x1] =	stream.indirect.gather [hbm4b:s0+s29], $0x80, s26, s29, $0xb8;
	[tilespmem:$0x1EB80] =	vst v63  }
0x6a: {  	_ = 	snop  }
0x6b: {  	[tilespmem:s31], [sflag:$0x2] =	stream.indirect.gather [hbm4b:s0+s29], $0x80, s30, s29, $0xb8;
	[tilespmem:$0x1EB80] =	vst v63  }
0x6c: {  	_ =	swait.ge [sflag:s1], $0x4000  }
0x6d: {  	[sflag:s1] =	ssyncset.done $0x0  }
0x6e: {  	s12 =	simm.s32 $0x15400;
	[sflag:s1] =	ssyncadd.s32 $0xFFFFC000  }
0x6f: {  	[spmem:s3] =	stream.indirect.scatter.add.f32 [tilespmem:s23], [sflag:$0x3], $0x80, s12, s29, $0xb8;
	[tilespmem:$0x1EB80] =	vst v63  }
0x70: {  	_ =	swait.ge [sflag:s24], $0x4000  }
0x71: {  	[sflag:s24] =	ssyncset.done $0x0  }
0x72: {  	[sflag:s24] =	ssyncadd.s32 $0xFFFFC000  }
0x73: {  	[spmem:s4] =	stream.indirect.scatter.add.f32 [tilespmem:s2], [sflag:$0x3], $0x1, s12, s29, $0xb8;
	[tilespmem:$0x1EB80] =	vst v63  }
0x74: {  	_ =	swait.ge [sflag:s24], $0x80  }
0x75: {  	[sflag:s24] =	ssyncset.done $0x0  }
0x76: {  	s13 =	simm.s32 $0x14100;
	[sflag:s24] =	ssyncadd.s32 $0xFFFFFF80  }
0x77: {  	[tilespmem:s23], [sflag:$0x1] =	stream.indirect.gather [hbm4b:s0+s29], $0x80, s13, s29, $0xb8;
	[tilespmem:$0x1EB80] =	vst v63  }
0x78: {  	_ =	swait.ge [sflag:s5], $0x4000  }
0x79: {  	[sflag:s5] =	ssyncset.done $0x0  }
0x7a: {  	s14 =	simm.s32 $0x15480;
	[sflag:s5] =	ssyncadd.s32 $0xFFFFC000  }
0x7b: {  	[spmem:s3] =	stream.indirect.scatter.add.f32 [tilespmem:s31], [sflag:$0x3], $0x80, s14, s29, $0xb8;
	[tilespmem:$0x1EB80] =	vst v63  }
0x7c: {  	_ =	swait.ge [sflag:s24], $0x4000  }
0x7d: {  	[sflag:s24] =	ssyncset.done $0x0  }
0x7e: {  	[sflag:s24] =	ssyncadd.s32 $0xFFFFC000  }
0x7f: {  	[spmem:s4] =	stream.indirect.scatter.add.f32 [tilespmem:s2], [sflag:$0x3], $0x1, s14, s29, $0xb8;
	[tilespmem:$0x1EB80] =	vst v63  }
0x80: {  	_ =	swait.ge [sflag:s24], $0x80  }
0x81: {  	[sflag:s24] =	ssyncset.done $0x0  }
0x82: {  	s11 =	simm.s32 $0x400;
	s12 =	simm.s32 $0x14180;
	[sflag:s24] =	ssyncadd.s32 $0xFFFFFF80  }
.LBB2_4:
0x83: {  	[tilespmem:s31], [sflag:$0x2] =	stream.indirect.gather [hbm4b:s0+s29], $0x80, s12, s29, $0xb8;
	[tilespmem:$0x1EB80] =	vst v63  }
0x84: {  	s12 =	smov.u32 s11  }
0x85: {  	p0 =	sne.s32 s11, $0x4800;
	s11 =	sadd.s32 $0x400, s11;
	_ =	swait.ge [sflag:s1], $0x4000  }
0x86: {  	s12 =	sshra.s32 s12, $0x2;
	[sflag:s1] =	ssyncset.done $0x0  }
0x87: {  	s13 =	sadd.s32 $0x15400, s12;
	[sflag:s1] =	ssyncadd.s32 $0xFFFFC000  }
0x88: {  	[spmem:s3] =	stream.indirect.scatter.add.f32 [tilespmem:s23], [sflag:$0x3], $0x80, s13, s29, $0xb8;
	[tilespmem:$0x1EB80] =	vst v63  }
0x89: {  	_ =	swait.ge [sflag:s24], $0x4000  }
0x8a: {  	[sflag:s24] =	ssyncset.done $0x0  }
0x8b: {  	[sflag:s24] =	ssyncadd.s32 $0xFFFFC000  }
0x8c: {  	[spmem:s4] =	stream.indirect.scatter.add.f32 [tilespmem:s2], [sflag:$0x3], $0x1, s13, s29, $0xb8;
	[tilespmem:$0x1EB80] =	vst v63  }
0x8d: {  	_ =	swait.ge [sflag:s24], $0x80  }
0x8e: {  	[sflag:s24] =	ssyncset.done $0x0  }
0x8f: {  	s13 =	sadd.s32 $0x14100, s12;
	[sflag:s24] =	ssyncadd.s32 $0xFFFFFF80  }
0x90: {  	[tilespmem:s23], [sflag:$0x1] =	stream.indirect.gather [hbm4b:s0+s29], $0x80, s13, s29, $0xb8;
	[tilespmem:$0x1EB80] =	vst v63  }
0x91: {  	_ =	swait.ge [sflag:s5], $0x4000  }
0x92: {  	[sflag:s5] =	ssyncset.done $0x0  }
0x93: {  	s13 =	sadd.s32 $0x15480, s12;
	[sflag:s5] =	ssyncadd.s32 $0xFFFFC000  }
0x94: {  	[spmem:s3] =	stream.indirect.scatter.add.f32 [tilespmem:s31], [sflag:$0x3], $0x80, s13, s29, $0xb8;
	[tilespmem:$0x1EB80] =	vst v63  }
0x95: {  	_ =	swait.ge [sflag:s24], $0x4000  }
0x96: {  	[sflag:s24] =	ssyncset.done $0x0  }
.Ltmp1:
0x97: {  	[sflag:s24] =	ssyncadd.s32 $0xFFFFC000;
	(pc) =	sbr.rel @p0 .LBB2_4-.Ltmp1, $4  }
0x98: {  	[spmem:s4] =	stream.indirect.scatter.add.f32 [tilespmem:s2], [sflag:$0x3], $0x1, s13, s29, $0xb8;
	[tilespmem:$0x1EB80] =	vst v63  }
0x99: {  	_ =	swait.ge [sflag:s24], $0x80  }
0x9a: {  	[sflag:s24] =	ssyncset.done $0x0  }
0x9b: {  	s12 =	sadd.s32 $0x14180, s12;
	[sflag:s24] =	ssyncadd.s32 $0xFFFFFF80  }
0x9c: {  	[tilespmem:s31], [sflag:$0x2] =	stream.indirect.gather [hbm4b:s0+s29], $0x80, s12, s29, $0xb8;
	[tilespmem:$0x1EB80] =	vst v63  }
0x9d: {  	_ =	swait.ge [sflag:s1], $0x4000  }
0x9e: {  	[sflag:s1] =	ssyncset.done $0x0  }
0x9f: {  	[sflag:s1] =	ssyncadd.s32 $0xFFFFC000  }
0xa0: {  	[spmem:s3] =	stream.indirect.scatter.add.f32 [tilespmem:s23], [sflag:$0x3], $0x80, s8, s29, $0xb8;
	[tilespmem:$0x1EB80] =	vst v63  }
0xa1: {  	_ =	swait.ge [sflag:s24], $0x4000  }
0xa2: {  	[sflag:s24] =	ssyncset.done $0x0  }
0xa3: {  	[sflag:s24] =	ssyncadd.s32 $0xFFFFC000  }
0xa4: {  	[spmem:s4] =	stream.indirect.scatter.add.f32 [tilespmem:s2], [sflag:$0x3], $0x1, s8, s29, $0xb8;
	[tilespmem:$0x1EB80] =	vst v63  }
0xa5: {  	_ =	swait.ge [sflag:s24], $0x80  }
0xa6: {  	[sflag:s24] =	ssyncset.done $0x0  }
0xa7: {  	[sflag:s24] =	ssyncadd.s32 $0xFFFFFF80  }
0xa8: {  	_ =	swait.ge [sflag:s5], $0x4000  }
0xa9: {  	[sflag:s5] =	ssyncset.done $0x0  }
0xaa: {  	[sflag:s5] =	ssyncadd.s32 $0xFFFFC000  }
0xab: {  	[spmem:s3] =	stream.indirect.scatter.add.f32 [tilespmem:s31], [sflag:$0x3], $0x80, s9, s29, $0xb8;
	[tilespmem:$0x1EB80] =	vst v63  }
0xac: {  	_ =	swait.ge [sflag:s24], $0x4000  }
0xad: {  	[sflag:s24] =	ssyncset.done $0x0  }
0xae: {  	[sflag:s24] =	ssyncadd.s32 $0xFFFFC000  }
0xaf: {  	[spmem:s4] =	stream.indirect.scatter.add.f32 [tilespmem:s2], [sflag:$0x3], $0x1, s9, s29, $0xb8;
	[tilespmem:$0x1EB80] =	vst v63  }
0xb0: {  	_ =	swait.ge [sflag:s24], $0x80  }
0xb1: {  	[sflag:s24] =	ssyncset.done $0x0  }
0xb2: {  	s11 =	simm.s32 $0x0;
	[sflag:s24] =	ssyncadd.s32 $0xFFFFFF80  }
0xb3: {  	[tilespmem:s26], [sflag:$0x3] =	stream.linear.gather [hbm4b:s21+s11], $0x1400, $0x38;
	[tilespmem:$0x1EB80] =	vst v63  }
0xb4: {  	_ =	swait.ge [sflag:s24], $0x1400  }
0xb5: {  	[sflag:s24] =	ssyncset.done $0x0  }
0xb6: {  	[sflag:s24] =	ssyncadd.s32 $0xFFFFEC00  }
0xb7: {  	[tilespmem:s28], [sflag:$0x3] =	stream.linear.gather [hbm4b:s22+s11], $0x1400, $0x38;
	[tilespmem:$0x1EB80] =	vst v63  }
0xb8: {  	_ =	swait.ge [sflag:s24], $0x1400  }
0xb9: {  	[sflag:s24] =	ssyncset.done $0x0  }
0xba: {  	[sflag:s24] =	ssyncadd.s32 $0xFFFFEC00  }
0xbb: {  	[tilespmem:s23], [sflag:$0x1] =	stream.indirect.gather [hbm4b:s0+s29], $0x80, s26, s29, $0xb8;
	[tilespmem:$0x1EB80] =	vst v63  }
0xbc: {  	_ = 	snop  }
0xbd: {  	[tilespmem:s31], [sflag:$0x2] =	stream.indirect.gather [hbm4b:s0+s29], $0x80, s30, s29, $0xb8;
	[tilespmem:$0x1EB80] =	vst v63  }
0xbe: {  	_ =	swait.ge [sflag:s1], $0x4000  }
0xbf: {  	[sflag:s1] =	ssyncset.done $0x0  }
0xc0: {  	s12 =	simm.s32 $0x15400;
	[sflag:s1] =	ssyncadd.s32 $0xFFFFC000  }
0xc1: {  	[spmem:s3] =	stream.indirect.scatter.add.f32 [tilespmem:s23], [sflag:$0x3], $0x80, s12, s29, $0xb8;
	[tilespmem:$0x1EB80] =	vst v63  }
0xc2: {  	_ =	swait.ge [sflag:s24], $0x4000  }
0xc3: {  	[sflag:s24] =	ssyncset.done $0x0  }
0xc4: {  	[sflag:s24] =	ssyncadd.s32 $0xFFFFC000  }
0xc5: {  	[spmem:s4] =	stream.indirect.scatter.add.f32 [tilespmem:s2], [sflag:$0x3], $0x1, s12, s29, $0xb8;
	[tilespmem:$0x1EB80] =	vst v63  }
0xc6: {  	_ =	swait.ge [sflag:s24], $0x80  }
0xc7: {  	[sflag:s24] =	ssyncset.done $0x0  }
0xc8: {  	s13 =	simm.s32 $0x14100;
	[sflag:s24] =	ssyncadd.s32 $0xFFFFFF80  }
0xc9: {  	[tilespmem:s23], [sflag:$0x1] =	stream.indirect.gather [hbm4b:s0+s29], $0x80, s13, s29, $0xb8;
	[tilespmem:$0x1EB80] =	vst v63  }
0xca: {  	_ =	swait.ge [sflag:s5], $0x4000  }
0xcb: {  	[sflag:s5] =	ssyncset.done $0x0  }
0xcc: {  	s14 =	simm.s32 $0x15480;
	[sflag:s5] =	ssyncadd.s32 $0xFFFFC000  }
0xcd: {  	[spmem:s3] =	stream.indirect.scatter.add.f32 [tilespmem:s31], [sflag:$0x3], $0x80, s14, s29, $0xb8;
	[tilespmem:$0x1EB80] =	vst v63  }
0xce: {  	_ =	swait.ge [sflag:s24], $0x4000  }
0xcf: {  	[sflag:s24] =	ssyncset.done $0x0  }
0xd0: {  	[sflag:s24] =	ssyncadd.s32 $0xFFFFC000  }
0xd1: {  	[spmem:s4] =	stream.indirect.scatter.add.f32 [tilespmem:s2], [sflag:$0x3], $0x1, s14, s29, $0xb8;
	[tilespmem:$0x1EB80] =	vst v63  }
0xd2: {  	_ =	swait.ge [sflag:s24], $0x80  }
0xd3: {  	[sflag:s24] =	ssyncset.done $0x0  }
0xd4: {  	s11 =	simm.s32 $0x400;
	s12 =	simm.s32 $0x14180;
	[sflag:s24] =	ssyncadd.s32 $0xFFFFFF80  }
.LBB2_6:
0xd5: {  	[tilespmem:s31], [sflag:$0x2] =	stream.indirect.gather [hbm4b:s0+s29], $0x80, s12, s29, $0xb8;
	[tilespmem:$0x1EB80] =	vst v63  }
0xd6: {  	s12 =	smov.u32 s11  }
0xd7: {  	p0 =	sne.s32 s11, $0x4800;
	s11 =	sadd.s32 $0x400, s11;
	_ =	swait.ge [sflag:s1], $0x4000  }
0xd8: {  	s12 =	sshra.s32 s12, $0x2;
	[sflag:s1] =	ssyncset.done $0x0  }
0xd9: {  	s13 =	sadd.s32 $0x15400, s12;
	[sflag:s1] =	ssyncadd.s32 $0xFFFFC000  }
0xda: {  	[spmem:s3] =	stream.indirect.scatter.add.f32 [tilespmem:s23], [sflag:$0x3], $0x80, s13, s29, $0xb8;
	[tilespmem:$0x1EB80] =	vst v63  }
0xdb: {  	_ =	swait.ge [sflag:s24], $0x4000  }
0xdc: {  	[sflag:s24] =	ssyncset.done $0x0  }
0xdd: {  	[sflag:s24] =	ssyncadd.s32 $0xFFFFC000  }
0xde: {  	[spmem:s4] =	stream.indirect.scatter.add.f32 [tilespmem:s2], [sflag:$0x3], $0x1, s13, s29, $0xb8;
	[tilespmem:$0x1EB80] =	vst v63  }
0xdf: {  	_ =	swait.ge [sflag:s24], $0x80  }
0xe0: {  	[sflag:s24] =	ssyncset.done $0x0  }
0xe1: {  	s13 =	sadd.s32 $0x14100, s12;
	[sflag:s24] =	ssyncadd.s32 $0xFFFFFF80  }
0xe2: {  	[tilespmem:s23], [sflag:$0x1] =	stream.indirect.gather [hbm4b:s0+s29], $0x80, s13, s29, $0xb8;
	[tilespmem:$0x1EB80] =	vst v63  }
0xe3: {  	_ =	swait.ge [sflag:s5], $0x4000  }
0xe4: {  	[sflag:s5] =	ssyncset.done $0x0  }
0xe5: {  	s13 =	sadd.s32 $0x15480, s12;
	[sflag:s5] =	ssyncadd.s32 $0xFFFFC000  }
0xe6: {  	[spmem:s3] =	stream.indirect.scatter.add.f32 [tilespmem:s31], [sflag:$0x3], $0x80, s13, s29, $0xb8;
	[tilespmem:$0x1EB80] =	vst v63  }
0xe7: {  	_ =	swait.ge [sflag:s24], $0x4000  }
0xe8: {  	[sflag:s24] =	ssyncset.done $0x0  }
.Ltmp2:
0xe9: {  	[sflag:s24] =	ssyncadd.s32 $0xFFFFC000;
	(pc) =	sbr.rel @p0 .LBB2_6-.Ltmp2, $4  }
0xea: {  	[spmem:s4] =	stream.indirect.scatter.add.f32 [tilespmem:s2], [sflag:$0x3], $0x1, s13, s29, $0xb8;
	[tilespmem:$0x1EB80] =	vst v63  }
0xeb: {  	_ =	swait.ge [sflag:s24], $0x80  }
0xec: {  	[sflag:s24] =	ssyncset.done $0x0  }
0xed: {  	s12 =	sadd.s32 $0x14180, s12;
	[sflag:s24] =	ssyncadd.s32 $0xFFFFFF80  }
0xee: {  	[tilespmem:s31], [sflag:$0x2] =	stream.indirect.gather [hbm4b:s0+s29], $0x80, s12, s29, $0xb8;
	[tilespmem:$0x1EB80] =	vst v63  }
0xef: {  	_ =	swait.ge [sflag:s1], $0x4000  }
0xf0: {  	[sflag:s1] =	ssyncset.done $0x0  }
0xf1: {  	[sflag:s1] =	ssyncadd.s32 $0xFFFFC000  }
0xf2: {  	[spmem:s3] =	stream.indirect.scatter.add.f32 [tilespmem:s23], [sflag:$0x3], $0x80, s8, s29, $0xb8;
	[tilespmem:$0x1EB80] =	vst v63  }
0xf3: {  	_ =	swait.ge [sflag:s24], $0x4000  }
0xf4: {  	[sflag:s24] =	ssyncset.done $0x0  }
0xf5: {  	[sflag:s24] =	ssyncadd.s32 $0xFFFFC000  }
0xf6: {  	[spmem:s4] =	stream.indirect.scatter.add.f32 [tilespmem:s2], [sflag:$0x3], $0x1, s8, s29, $0xb8;
	[tilespmem:$0x1EB80] =	vst v63  }
0xf7: {  	_ =	swait.ge [sflag:s24], $0x80  }
0xf8: {  	[sflag:s24] =	ssyncset.done $0x0  }
0xf9: {  	[sflag:s24] =	ssyncadd.s32 $0xFFFFFF80  }
0xfa: {  	_ =	swait.ge [sflag:s5], $0x4000  }
0xfb: {  	[sflag:s5] =	ssyncset.done $0x0  }
0xfc: {  	[sflag:s5] =	ssyncadd.s32 $0xFFFFC000  }
0xfd: {  	[spmem:s3] =	stream.indirect.scatter.add.f32 [tilespmem:s31], [sflag:$0x3], $0x80, s9, s29, $0xb8;
	[tilespmem:$0x1EB80] =	vst v63  }
0xfe: {  	_ =	swait.ge [sflag:s24], $0x4000  }
0xff: {  	[sflag:s24] =	ssyncset.done $0x0  }
0x100: {  	[sflag:s24] =	ssyncadd.s32 $0xFFFFC000  }
0x101: {  	[spmem:s4] =	stream.indirect.scatter.add.f32 [tilespmem:s2], [sflag:$0x3], $0x1, s9, s29, $0xb8;
	[tilespmem:$0x1EB80] =	vst v63  }
0x102: {  	_ =	swait.ge [sflag:s24], $0x80  }
0x103: {  	[sflag:s24] =	ssyncset.done $0x0  }
0x104: {  	s11 =	stileid.u32;
	[sflag:s24] =	ssyncadd.s32 $0xFFFFFF80  }
0x105: {  	s11 =	sshll.u32 s11, $0x6;
	[bflag:$0x0] =	sbarrier.arrive $0xFFFF  }
0x106: {  	s14 =	sshrl.u32 s6, $0x3;
	s11 =	sor.u32 $0x1C03, s11;
	s13 =	rddreg [dreg:$0x6]  }
0x107: {  	[hbm:s13], [sflag:s11] =	dma.local [spmem:s14], $0x2800  }
0x108: {  	_ =	swait.ge [sflag:s24], $0x2800  }
0x109: {  	s12 =	sshrl.u32 s7, $0x3;
	[sflag:s24] =	ssyncset.done $0x0  }
0x10a: {  	s14 =	simm.s32 $0x20;
	s13 =	rddreg [dreg:$0x7];
	[sflag:s24] =	ssyncadd.s32 $0xFFFFD800  }
0x10b: {  	[hbm:s13@s14], [sflag:s11] =	dma.strided [spmem:s12@s15], $0x50, s1, $0x10   }
0x10c: {  	_ =	swait.ge [sflag:s24], $0x50  }
0x10d: {  	s10 =	sadd.s32 $0x1, s10;
	s14 =	rddreg [dreg:$0x8]  }
0x10e: {  	p0 =	sne.s32 s10, s14  }
.Ltmp3:
0x10f: {  	_ = 	snop;
	(pc) =	sbr.rel @p0 .LBB2_1-.Ltmp3, $3  }
0x110: {  	_ =	sdelay $0x1  }
0x111: {  	[sflag:s24] =	ssyncset.done $0x0  }
0x112: {  	[sflag:s24] =	ssyncadd.s32 $0xFFFFFFB0  }
0x113: {  	_ =	sfence.sel $0x180000  }
0x114: {  	[bflag:$0x0] =	sbarrier.arrive $0xFFFF  }
0x115: {  	_ =	strace $0x90000047  }
0x116: {  	s0 =	stileid.u32;
	[bflag:$0x2] =	sbarrier.arrive $0xFFFF  }
0x117: {  	p0 =	sne.s32 s0, $0x0;
	s0 =	rddreg [dreg:$0x5]  }
0x118: {  	s0 =	sadd.s32 @!p0 $0x100000, s0  }
0x119: {  	[sflag:s0] =	ssyncadd.tile.s32 @!p0 $0x1;
	_ =	shalt  }
.Lfunc_end2:
_tile_overlayer_lowered:
.L_overlay_start_2:
0x11a: {  	(tag) =	ssettag $0x2  }
0x11b: {  	s0 =	rddreg [dreg:$0x0];
	s2 =	stileid.u32  }
0x11c: {  	s1 =	rddreg [dreg:$0x1];
	p0 =	sne.s32 s2, $0x0  }
0x11d: {  	s3 =	rddreg [dreg:$0x2];
	[bflag:$0x3] =	sbarrier.arrive $0xFFFF;
	s2 =	simm.s32 @!p0 $0x1C03  }
0x11e: {  	[timem:s3], [sflag:s2] =	dma.local @!p0 [hbm:s0], s1  }
0x11f: {  	s0 =	simm.s32 @!p0 $0x3  }
0x120: {  	_ =	swait.ge @!p0 [sflag:s0], s1  }
0x121: {  	s1 =	ssub.s32 @!p0 $0x0, s1;
	[sflag:s0] =	ssyncset.done @!p0 $0x0  }
0x122: {  	[sflag:s0] =	ssyncadd.s32 @!p0 s1  }
0x123: {  	[bflag:$0x3] =	sbarrier.arrive $0xFFFF  }
0x124: {  	_ =	shalt  }

</sc_bundles>
